<compile_context>
chip_gen: v7x
topology: tpu7x:2x2x1
jax: 0.10.2.dev20260603
libtpu: 0.0.44.dev20260713+nightly
codegen_flags: <defaults>
</compile_context>

<pallas_src>
import jax
import jax.numpy as jnp
from jax import lax
from jax.experimental import pallas as pl
from jax.experimental.pallas import tpu as pltpu
from jax.experimental.pallas import tpu_sc as plsc

NUM_EDGES = 5000
EDGE_DIM = 64
PAD_DIM = 128
DIRECTION = 8
BATCH = 4096
LANES = 16

NC = 2
NS = 16
NW = NC * NS
BPW = BATCH // NW


TILE_R = 8
ROUND = 32


def _sc_gather(last_obs, goal, mat2d, link_pad):
    mesh = plsc.VectorSubcoreMesh(core_axis_name="c", subcore_axis_name="s")

    def body(lo_hbm, gl_hbm, mat_hbm, link_hbm,
             out_gd, out_link,
             lo_v, gl_v, pk_v, lane_r, lane_c, buf_a, buf_b, gd_v,
             linkr_v, sem_a, sem_b, sem_l):
        wid = lax.axis_index("s") * NC + lax.axis_index("c")
        base = wid * BPW
        pltpu.sync_copy(lo_hbm.at[pl.ds(base, BPW)], lo_v)
        pltpu.sync_copy(gl_hbm.at[pl.ds(base, BPW)], gl_v)
        link_cp = pltpu.async_copy(link_hbm.at[lo_v], linkr_v, sem_l)
        for j in range(BPW // LANES):
            sl = pl.ds(j * LANES, LANES)
            lo = lo_v[sl]
            gl = gl_v[sl]
            row = jnp.where(lo == 0, NUM_EDGES - 1, lo - 1)
            lane_r[sl] = row & (TILE_R - 1)
            lane_c[sl] = gl & (PAD_DIM - 1)
            pk_v[sl] = ((row >> 3) << 13) | ((gl >> 7) << 7)
        mat3 = mat_hbm.reshape(NUM_EDGES // TILE_R, TILE_R, NUM_EDGES)
        lane_iota = lax.iota(jnp.int32, LANES)
        bufs = [buf_a, buf_b]
        sems = [sem_a, sem_b]

        def fire(r):
            buf, sem = bufs[r % 2], sems[r % 2]
            for g in range(ROUND // LANES):
                vec = pk_v[pl.ds(r * ROUND + g * LANES, LANES)]
                for i in range(LANES):
                    p = vec[i]
                    tr = p >> 13
                    c128 = pl.multiple_of(p & 8191, PAD_DIM)
                    pltpu.async_copy(
                        mat3.at[pl.ds(tr, 1), slice(None),
                                pl.ds(c128, PAD_DIM)],
                        buf.at[pl.ds(g * LANES + i, 1)], sem)

        def drain_extract(r):
            buf, sem = bufs[r % 2], sems[r % 2]
            pltpu.make_async_copy(
                mat3.at[pl.ds(0, ROUND), slice(None), pl.ds(0, PAD_DIM)],
                buf, sem).wait()
            for j in range(ROUND // LANES):
                sl = pl.ds(r * ROUND + j * LANES, LANES)
                elem = lane_iota + j * LANES
                gd_v[sl] = plsc.load_gather(
                    buf, [elem, lane_r[sl], lane_c[sl]])

        fire(0)
        for r in range(1, BPW // ROUND):
            fire(r)
            drain_extract(r - 1)
        drain_extract(BPW // ROUND - 1)
        pltpu.sync_copy(gd_v, out_gd.at[pl.ds(base, BPW)])
        link_cp.wait()
        pltpu.sync_copy(linkr_v, out_link.at[pl.ds(base, BPW)])

    out_type = (
        jax.ShapeDtypeStruct((BATCH,), jnp.int32),
        jax.ShapeDtypeStruct((BATCH, PAD_DIM), jnp.float32),
    )
    scratch = [
        pltpu.VMEM((BPW,), jnp.int32),
        pltpu.VMEM((BPW,), jnp.int32),
        pltpu.VMEM((BPW + LANES,), jnp.int32),
        pltpu.VMEM((BPW,), jnp.int32),
        pltpu.VMEM((BPW,), jnp.int32),
        pltpu.VMEM((ROUND, TILE_R, PAD_DIM), jnp.int32),
        pltpu.VMEM((ROUND, TILE_R, PAD_DIM), jnp.int32),
        pltpu.VMEM((BPW,), jnp.int32),
        pltpu.VMEM((BPW, PAD_DIM), jnp.float32),
        pltpu.SemaphoreType.DMA,
        pltpu.SemaphoreType.DMA,
        pltpu.SemaphoreType.DMA,
    ]
    return pl.kernel(
        body, out_type=out_type, mesh=mesh, scratch_types=scratch,
        compiler_params=pltpu.CompilerParams(needs_layout_passes=False),
    )(last_obs, goal, mat2d, link_pad)


def _tail_body(a_ref, h_ref, out_ref):
    a_t = jnp.transpose(a_ref[...])
    for i in range(DIRECTION):
        h_col = jnp.transpose(h_ref[i:i + 1, :])
        dot = jnp.sum(a_t * h_col, axis=0, keepdims=True)
        out_ref[i, :, :] = a_t - h_col * dot


def _proj_body(gd_ref, lr_ref, de8t_ref, dh8t_ref, out_link_ref, out_de_ref):
    gd = gd_ref[...]
    onehot_t = (lax.broadcasted_iota(jnp.int32, (DIRECTION, BATCH), 0) == gd)
    onehot_t = onehot_t.astype(jnp.float32)
    dh_t = jax.lax.dot_general(dh8t_ref[...], onehot_t,
                               (((1,), (0,)), ((), ())),
                               preferred_element_type=jnp.float32)
    de_t = jax.lax.dot_general(de8t_ref[...], onehot_t,
                               (((1,), (0,)), ((), ())),
                               preferred_element_type=jnp.float32)
    lr_t = jnp.transpose(lr_ref[:, :EDGE_DIM])
    s_t = jnp.sum(lr_t * dh_t, axis=0, keepdims=True)
    out_link_ref[...] = lr_t - dh_t * s_t
    out_de_ref[...] = de_t


def kernel(inputs, directions, mask, goal, loc_dlabels_matrix, link_table,
           dir_emb_table, dir_hyper_table):
    last_obs = inputs[:, -1].astype(jnp.int32)
    goal = goal.astype(jnp.int32)

    link_pad = jnp.pad(link_table, ((0, 0), (0, PAD_DIM - EDGE_DIM)))

    all_tail = link_table[1:, :]
    hyper = dir_hyper_table[1:, :]
    tails_t = pl.pallas_call(
        _tail_body,
        out_shape=jax.ShapeDtypeStruct((DIRECTION, EDGE_DIM, NUM_EDGES),
                                       jnp.float32),
    )(all_tail, hyper)
    tails = jnp.transpose(tails_t, (0, 2, 1))

    gd_raw, link_rows = _sc_gather(last_obs, goal, loc_dlabels_matrix,
                                   link_pad)

    link_t, de_t = pl.pallas_call(
        _proj_body,
        out_shape=(jax.ShapeDtypeStruct((EDGE_DIM, BATCH), jnp.float32),
                   jax.ShapeDtypeStruct((EDGE_DIM, BATCH), jnp.float32)),
    )(gd_raw.reshape(1, BATCH), link_rows, dir_emb_table[1:, :].T, hyper.T)
    link_embs = jnp.transpose(link_t)
    direction_embs = jnp.transpose(de_t)

    return (link_embs, direction_embs, tails)

# --- scband reference (transcript-rebuilt; emitter-appended) ---
"""Pipeline reference for scband-rnn-73710228734681 (READ-ONLY COPY).

The authoritative reference and input builder live on the scoring server;
editing this copy changes nothing except your own understanding.
"""

import jax, jax.numpy as jnp
import numpy as np

NUM_EDGES = 5000
EDGE_DIM = 64
DIRECTION = 8
BATCH = 4096
SEQ_LEN = 50

def setup_inputs(seed: int = 0):
    key = jax.random.key(seed)
    k = jax.random.split(key, 8)
    inputs = jax.random.randint(k[0], (BATCH, SEQ_LEN), 0, NUM_EDGES)
    directions = jax.random.randint(k[1], (BATCH, SEQ_LEN), 0, DIRECTION + 1)
    mask = jax.random.randint(k[2], (BATCH,), 0, SEQ_LEN)
    goal = jax.random.randint(k[3], (BATCH,), 0, NUM_EDGES)
    loc_dlabels_matrix = jax.random.randint(k[4], (NUM_EDGES, NUM_EDGES), 0, DIRECTION)
    link_table = jax.random.normal(k[5], (NUM_EDGES + 1, EDGE_DIM), dtype=jnp.float32) * 0.02
    link_table = link_table.at[0].set(0.0)
    dir_emb_table = jax.random.normal(k[6], (DIRECTION + 1, EDGE_DIM), dtype=jnp.float32) * 0.02
    dir_emb_table = dir_emb_table.at[0].set(0.0)
    dir_hyper_table = jax.random.normal(k[7], (DIRECTION + 1, EDGE_DIM), dtype=jnp.float32) * 0.02
    dir_hyper_table = dir_hyper_table.at[0].set(0.0)
    return {"inputs": inputs, "directions": directions, "mask": mask, "goal": goal,
            "loc_dlabels_matrix": loc_dlabels_matrix, "link_table": link_table,
            "dir_emb_table": dir_emb_table, "dir_hyper_table": dir_hyper_table}

def reference(inputs, directions, mask, goal, loc_dlabels_matrix, link_table, dir_emb_table, dir_hyper_table):
    # inference path (type=None): hyperplane-projected embedding lookups
    last_obs = inputs[:, -1]
    goal_directions = loc_dlabels_matrix[last_obs - 1, goal] + 1
    link_embs = jnp.take(link_table, last_obs, axis=0)
    direction_embs = jnp.take(dir_emb_table, goal_directions, axis=0)
    dh = jnp.take(dir_hyper_table, goal_directions, axis=0)
    link_embs = link_embs - dh * jnp.sum(link_embs * dh, axis=1, keepdims=True)
    all_tail_embs = link_table[1:, :]
    parts = []
    for i in range(1, DIRECTION + 1):
        h = dir_hyper_table[i]
        proj = all_tail_embs - h[None, :] * jnp.sum(all_tail_embs * h[None, :], axis=1, keepdims=True)
        parts.append(proj[None])
    direction_tail_embs = jnp.concatenate(parts, axis=0)
    return (link_embs, direction_embs, direction_tail_embs)

if __name__ == "__main__":
    import jax
    _d = setup_inputs()
    print(jax.jit(kernel)(*tuple(_d.values())))

</pallas_src>

<mosaic_0001>
#map = affine_map<(d0, d1) -> (0)>
#map1 = affine_map<(d0, d1) -> (0, 0)>
module attributes {stable_mosaic.version = 14 : i64} {
  func.func @body(%arg0: i32, %arg1: i32, %arg2: memref<4096xi32, #tpu.memory_space<hbm>>, %arg3: memref<4096xi32, #tpu.memory_space<hbm>>, %arg4: memref<5000x5000xi32, #tpu.memory_space<hbm>>, %arg5: memref<5001x128xf32, #tpu.memory_space<hbm>>, %arg6: memref<4096xi32, #tpu.memory_space<hbm>>, %arg7: memref<4096x128xf32, #tpu.memory_space<hbm>>, %arg8: memref<128xi32, #tpu.memory_space<vmem>>, %arg9: memref<128xi32, #tpu.memory_space<vmem>>, %arg10: memref<144xi32, #tpu.memory_space<vmem>>, %arg11: memref<128xi32, #tpu.memory_space<vmem>>, %arg12: memref<128xi32, #tpu.memory_space<vmem>>, %arg13: memref<32x8x128xi32, #tpu.memory_space<vmem>>, %arg14: memref<32x8x128xi32, #tpu.memory_space<vmem>>, %arg15: memref<128xi32, #tpu.memory_space<vmem>>, %arg16: memref<128x128xf32, #tpu.memory_space<vmem>>, %arg17: memref<!tpu.dma_semaphore, #tpu.memory_space<semaphore_mem>>, %arg18: memref<!tpu.dma_semaphore, #tpu.memory_space<semaphore_mem>>, %arg19: memref<!tpu.dma_semaphore, #tpu.memory_space<semaphore_mem>>) attributes {dimension_semantics = [#tpu.dimension_semantics<core_parallel>, #tpu.dimension_semantics<subcore_parallel>], iteration_bounds = array<i64: 2, 16>, scalar_prefetch = 0 : i64, scratch_operands = 12 : i64, tpu.core_type = #tpu.core_type<sc_vector_subcore>, window_params = [{transform_indices = #map}, {transform_indices = #map}, {transform_indices = #map1}, {transform_indices = #map1}, {transform_indices = #map}, {transform_indices = #map1}]} {
    %mul3A = arith.constant 2 : i32
    %mul3A_0 = arith.muli %arg1, %mul3A : i32
    %add3A = arith.addi %mul3A_0, %arg0 : i32
    %mul3A_1 = arith.constant 128 : i32
    %mul3A_2 = arith.muli %add3A, %mul3A_1 : i32
    "tpu.region"() ({
      %run_scoped3A = tpu.sem_alloc : memref<!tpu.dma_semaphore, #tpu.memory_space<semaphore_mem>>
      %dma_start3A_3120 = tpu.memref_slice %arg2[%mul3A_2] : memref<4096xi32, #tpu.memory_space<hbm>> -> memref<128xi32, #tpu.memory_space<hbm>>
      %dma_start3A_3121 = tpu.memref_slice %arg2[%mul3A_2] : memref<4096xi32, #tpu.memory_space<hbm>> -> memref<128xi32, #tpu.memory_space<hbm>>
      tpu.enqueue_dma source(%dma_start3A_3121 : memref<128xi32, #tpu.memory_space<hbm>>) target(%arg8 : memref<128xi32, #tpu.memory_space<vmem>>) target_semaphore(%run_scoped3A : memref<!tpu.dma_semaphore, #tpu.memory_space<semaphore_mem>>)
      %dma_wait3A_3122 = tpu.memref_slice %arg2[%mul3A_2] : memref<4096xi32, #tpu.memory_space<hbm>> -> memref<128xi32, #tpu.memory_space<hbm>>
      %dma_wait3A_3123 = tpu.memref_slice %arg2[%mul3A_2] : memref<4096xi32, #tpu.memory_space<hbm>> -> memref<128xi32, #tpu.memory_space<hbm>>
      tpu.wait_dma2 semaphore(%run_scoped3A : memref<!tpu.dma_semaphore, #tpu.memory_space<semaphore_mem>>) src(%dma_wait3A_3123 : memref<128xi32, #tpu.memory_space<hbm>>) dst(%arg8 : memref<128xi32, #tpu.memory_space<vmem>>)
      tpu.yield
    }) : () -> ()
    "tpu.region"() ({
      %run_scoped3A = tpu.sem_alloc : memref<!tpu.dma_semaphore, #tpu.memory_space<semaphore_mem>>
      %dma_start3A_3120 = tpu.memref_slice %arg3[%mul3A_2] : memref<4096xi32, #tpu.memory_space<hbm>> -> memref<128xi32, #tpu.memory_space<hbm>>
      %dma_start3A_3121 = tpu.memref_slice %arg3[%mul3A_2] : memref<4096xi32, #tpu.memory_space<hbm>> -> memref<128xi32, #tpu.memory_space<hbm>>
      tpu.enqueue_dma source(%dma_start3A_3121 : memref<128xi32, #tpu.memory_space<hbm>>) target(%arg9 : memref<128xi32, #tpu.memory_space<vmem>>) target_semaphore(%run_scoped3A : memref<!tpu.dma_semaphore, #tpu.memory_space<semaphore_mem>>)
      %dma_wait3A_3122 = tpu.memref_slice %arg3[%mul3A_2] : memref<4096xi32, #tpu.memory_space<hbm>> -> memref<128xi32, #tpu.memory_space<hbm>>
      %dma_wait3A_3123 = tpu.memref_slice %arg3[%mul3A_2] : memref<4096xi32, #tpu.memory_space<hbm>> -> memref<128xi32, #tpu.memory_space<hbm>>
      tpu.wait_dma2 semaphore(%run_scoped3A : memref<!tpu.dma_semaphore, #tpu.memory_space<semaphore_mem>>) src(%dma_wait3A_3123 : memref<128xi32, #tpu.memory_space<hbm>>) dst(%arg9 : memref<128xi32, #tpu.memory_space<vmem>>)
      tpu.yield
    }) : () -> ()
    %dma_start3A = arith.constant 0 : i32
    %dma_start3A_3 = arith.constant 0 : i32
    %dma_start3A_4 = tpu.memref_slice %arg5[%dma_start3A, %dma_start3A_3] : memref<5001x128xf32, #tpu.memory_space<hbm>> -> memref<5001x128xf32, #tpu.memory_space<hbm>>
    tpu.enqueue_indirect_dma source(%dma_start3A_4 : memref<5001x128xf32, #tpu.memory_space<hbm>>) target(%arg16 : memref<128x128xf32, #tpu.memory_space<vmem>>) offsets(%arg8 : memref<128xi32, #tpu.memory_space<vmem>>) semaphore(%arg19 : memref<!tpu.dma_semaphore, #tpu.memory_space<semaphore_mem>>)
    %get3A = arith.constant 0 : index
    %get3A_5 = tpu.vector_load %arg8[%get3A] {strides = array<i32>} : memref<128xi32, #tpu.memory_space<vmem>>, vector<16xi32>,
    %get3A_6 = arith.constant 0 : index
    %get3A_7 = tpu.vector_load %arg9[%get3A_6] {strides = array<i32>} : memref<128xi32, #tpu.memory_space<vmem>>, vector<16xi32>,
    %eq3A = arith.constant 0 : i32
    %eq3A_8 = vector.broadcast %eq3A : i32 to vector<16xi32>
    %eq3A_9 = arith.cmpi eq, %get3A_5, %eq3A_8 : vector<16xi32>
    %sub3A = arith.constant 1 : i32
    %sub3A_10 = vector.broadcast %sub3A : i32 to vector<16xi32>
    %sub3A_11 = arith.subi %get3A_5, %sub3A_10 : vector<16xi32>
    %jit3A = arith.constant 4999 : i32
    %broadcast_in_dim3A = vector.broadcast %jit3A : i32 to vector<16xi32>
    %select_n3A = arith.select %eq3A_9, %broadcast_in_dim3A, %sub3A_11 : vector<16xi1>, vector<16xi32>
    %and3A = arith.constant 7 : i32
    %and3A_12 = vector.broadcast %and3A : i32 to vector<16xi32>
    %and3A_13 = arith.andi %select_n3A, %and3A_12 : vector<16xi32>
    %swap3A = arith.constant 0 : index
    %swap3A_14 = tpu.vector_load %arg11[%swap3A] {strides = array<i32>} : memref<128xi32, #tpu.memory_space<vmem>>, vector<16xi32>,
    tpu.vector_store %arg11[%swap3A], %and3A_13 {strides = array<i32>} : memref<128xi32, #tpu.memory_space<vmem>>, vector<16xi32>,
    %and3A_15 = arith.constant 127 : i32
    %and3A_16 = vector.broadcast %and3A_15 : i32 to vector<16xi32>
    %and3A_17 = arith.andi %get3A_7, %and3A_16 : vector<16xi32>
    %swap3A_18 = arith.constant 0 : index
    %swap3A_19 = tpu.vector_load %arg12[%swap3A_18] {strides = array<i32>} : memref<128xi32, #tpu.memory_space<vmem>>, vector<16xi32>,
    tpu.vector_store %arg12[%swap3A_18], %and3A_17 {strides = array<i32>} : memref<128xi32, #tpu.memory_space<vmem>>, vector<16xi32>,
    %shift_right_arithmetic3A = arith.constant 3 : i32
    %shift_right_arithmetic3A_20 = vector.broadcast %shift_right_arithmetic3A : i32 to vector<16xi32>
    %shift_right_arithmetic3A_21 = arith.shrsi %select_n3A, %shift_right_arithmetic3A_20 : vector<16xi32>
    %shift_left3A = arith.constant 13 : i32
    %shift_left3A_22 = vector.broadcast %shift_left3A : i32 to vector<16xi32>
    %shift_left3A_23 = arith.shli %shift_right_arithmetic3A_21, %shift_left3A_22 : vector<16xi32>
    %shift_right_arithmetic3A_24 = arith.constant 7 : i32
    %shift_right_arithmetic3A_25 = vector.broadcast %shift_right_arithmetic3A_24 : i32 to vector<16xi32>
    %shift_right_arithmetic3A_26 = arith.shrsi %get3A_7, %shift_right_arithmetic3A_25 : vector<16xi32>
    %shift_left3A_27 = arith.constant 7 : i32
    %shift_left3A_28 = vector.broadcast %shift_left3A_27 : i32 to vector<16xi32>
    %shift_left3A_29 = arith.shli %shift_right_arithmetic3A_26, %shift_left3A_28 : vector<16xi32>
    %or3A = arith.ori %shift_left3A_23, %shift_left3A_29 : vector<16xi32>
    %swap3A_30 = arith.constant 0 : index
    %swap3A_31 = tpu.vector_load %arg10[%swap3A_30] {strides = array<i32>} : memref<144xi32, #tpu.memory_space<vmem>>, vector<16xi32>,
    tpu.vector_store %arg10[%swap3A_30], %or3A {strides = array<i32>} : memref<144xi32, #tpu.memory_space<vmem>>, vector<16xi32>,
    %get3A_32 = arith.constant 16 : index
    %get3A_33 = tpu.vector_load %arg8[%get3A_32] {strides = array<i32>} : memref<128xi32, #tpu.memory_space<vmem>>, vector<16xi32>,
    %get3A_34 = arith.constant 16 : index
    %get3A_35 = tpu.vector_load %arg9[%get3A_34] {strides = array<i32>} : memref<128xi32, #tpu.memory_space<vmem>>, vector<16xi32>,
    %eq3A_36 = arith.constant 0 : i32
    %eq3A_37 = vector.broadcast %eq3A_36 : i32 to vector<16xi32>
    %eq3A_38 = arith.cmpi eq, %get3A_33, %eq3A_37 : vector<16xi32>
    %sub3A_39 = arith.constant 1 : i32
    %sub3A_40 = vector.broadcast %sub3A_39 : i32 to vector<16xi32>
    %sub3A_41 = arith.subi %get3A_33, %sub3A_40 : vector<16xi32>
    %jit3A_42 = arith.constant 4999 : i32
    %broadcast_in_dim3A_43 = vector.broadcast %jit3A_42 : i32 to vector<16xi32>
    %select_n3A_44 = arith.select %eq3A_38, %broadcast_in_dim3A_43, %sub3A_41 : vector<16xi1>, vector<16xi32>
    %and3A_45 = arith.constant 7 : i32
    %and3A_46 = vector.broadcast %and3A_45 : i32 to vector<16xi32>
    %and3A_47 = arith.andi %select_n3A_44, %and3A_46 : vector<16xi32>
    %swap3A_48 = arith.constant 16 : index
    %swap3A_49 = tpu.vector_load %arg11[%swap3A_48] {strides = array<i32>} : memref<128xi32, #tpu.memory_space<vmem>>, vector<16xi32>,
    tpu.vector_store %arg11[%swap3A_48], %and3A_47 {strides = array<i32>} : memref<128xi32, #tpu.memory_space<vmem>>, vector<16xi32>,
    %and3A_50 = arith.constant 127 : i32
    %and3A_51 = vector.broadcast %and3A_50 : i32 to vector<16xi32>
    %and3A_52 = arith.andi %get3A_35, %and3A_51 : vector<16xi32>
    %swap3A_53 = arith.constant 16 : index
    %swap3A_54 = tpu.vector_load %arg12[%swap3A_53] {strides = array<i32>} : memref<128xi32, #tpu.memory_space<vmem>>, vector<16xi32>,
    tpu.vector_store %arg12[%swap3A_53], %and3A_52 {strides = array<i32>} : memref<128xi32, #tpu.memory_space<vmem>>, vector<16xi32>,
    %shift_right_arithmetic3A_55 = arith.constant 3 : i32
    %shift_right_arithmetic3A_56 = vector.broadcast %shift_right_arithmetic3A_55 : i32 to vector<16xi32>
    %shift_right_arithmetic3A_57 = arith.shrsi %select_n3A_44, %shift_right_arithmetic3A_56 : vector<16xi32>
    %shift_left3A_58 = arith.constant 13 : i32
    %shift_left3A_59 = vector.broadcast %shift_left3A_58 : i32 to vector<16xi32>
    %shift_left3A_60 = arith.shli %shift_right_arithmetic3A_57, %shift_left3A_59 : vector<16xi32>
    %shift_right_arithmetic3A_61 = arith.constant 7 : i32
    %shift_right_arithmetic3A_62 = vector.broadcast %shift_right_arithmetic3A_61 : i32 to vector<16xi32>
    %shift_right_arithmetic3A_63 = arith.shrsi %get3A_35, %shift_right_arithmetic3A_62 : vector<16xi32>
    %shift_left3A_64 = arith.constant 7 : i32
    %shift_left3A_65 = vector.broadcast %shift_left3A_64 : i32 to vector<16xi32>
    %shift_left3A_66 = arith.shli %shift_right_arithmetic3A_63, %shift_left3A_65 : vector<16xi32>
    %or3A_67 = arith.ori %shift_left3A_60, %shift_left3A_66 : vector<16xi32>
    %swap3A_68 = arith.constant 16 : index
    %swap3A_69 = tpu.vector_load %arg10[%swap3A_68] {strides = array<i32>} : memref<144xi32, #tpu.memory_space<vmem>>, vector<16xi32>,
    tpu.vector_store %arg10[%swap3A_68], %or3A_67 {strides = array<i32>} : memref<144xi32, #tpu.memory_space<vmem>>, vector<16xi32>,
    %get3A_70 = arith.constant 32 : index
    %get3A_71 = tpu.vector_load %arg8[%get3A_70] {strides = array<i32>} : memref<128xi32, #tpu.memory_space<vmem>>, vector<16xi32>,
    %get3A_72 = arith.constant 32 : index
    %get3A_73 = tpu.vector_load %arg9[%get3A_72] {strides = array<i32>} : memref<128xi32, #tpu.memory_space<vmem>>, vector<16xi32>,
    %eq3A_74 = arith.constant 0 : i32
    %eq3A_75 = vector.broadcast %eq3A_74 : i32 to vector<16xi32>
    %eq3A_76 = arith.cmpi eq, %get3A_71, %eq3A_75 : vector<16xi32>
    %sub3A_77 = arith.constant 1 : i32
    %sub3A_78 = vector.broadcast %sub3A_77 : i32 to vector<16xi32>
    %sub3A_79 = arith.subi %get3A_71, %sub3A_78 : vector<16xi32>
    %jit3A_80 = arith.constant 4999 : i32
    %broadcast_in_dim3A_81 = vector.broadcast %jit3A_80 : i32 to vector<16xi32>
    %select_n3A_82 = arith.select %eq3A_76, %broadcast_in_dim3A_81, %sub3A_79 : vector<16xi1>, vector<16xi32>
    %and3A_83 = arith.constant 7 : i32
    %and3A_84 = vector.broadcast %and3A_83 : i32 to vector<16xi32>
    %and3A_85 = arith.andi %select_n3A_82, %and3A_84 : vector<16xi32>
    %swap3A_86 = arith.constant 32 : index
    %swap3A_87 = tpu.vector_load %arg11[%swap3A_86] {strides = array<i32>} : memref<128xi32, #tpu.memory_space<vmem>>, vector<16xi32>,
    tpu.vector_store %arg11[%swap3A_86], %and3A_85 {strides = array<i32>} : memref<128xi32, #tpu.memory_space<vmem>>, vector<16xi32>,
    %and3A_88 = arith.constant 127 : i32
    %and3A_89 = vector.broadcast %and3A_88 : i32 to vector<16xi32>
    %and3A_90 = arith.andi %get3A_73, %and3A_89 : vector<16xi32>
    %swap3A_91 = arith.constant 32 : index
    %swap3A_92 = tpu.vector_load %arg12[%swap3A_91] {strides = array<i32>} : memref<128xi32, #tpu.memory_space<vmem>>, vector<16xi32>,
    tpu.vector_store %arg12[%swap3A_91], %and3A_90 {strides = array<i32>} : memref<128xi32, #tpu.memory_space<vmem>>, vector<16xi32>,
    %shift_right_arithmetic3A_93 = arith.constant 3 : i32
    %shift_right_arithmetic3A_94 = vector.broadcast %shift_right_arithmetic3A_93 : i32 to vector<16xi32>
    %shift_right_arithmetic3A_95 = arith.shrsi %select_n3A_82, %shift_right_arithmetic3A_94 : vector<16xi32>
    %shift_left3A_96 = arith.constant 13 : i32
    %shift_left3A_97 = vector.broadcast %shift_left3A_96 : i32 to vector<16xi32>
    %shift_left3A_98 = arith.shli %shift_right_arithmetic3A_95, %shift_left3A_97 : vector<16xi32>
    %shift_right_arithmetic3A_99 = arith.constant 7 : i32
    %shift_right_arithmetic3A_100 = vector.broadcast %shift_right_arithmetic3A_99 : i32 to vector<16xi32>
    %shift_right_arithmetic3A_101 = arith.shrsi %get3A_73, %shift_right_arithmetic3A_100 : vector<16xi32>
    %shift_left3A_102 = arith.constant 7 : i32
    %shift_left3A_103 = vector.broadcast %shift_left3A_102 : i32 to vector<16xi32>
    %shift_left3A_104 = arith.shli %shift_right_arithmetic3A_101, %shift_left3A_103 : vector<16xi32>
    %or3A_105 = arith.ori %shift_left3A_98, %shift_left3A_104 : vector<16xi32>
    %swap3A_106 = arith.constant 32 : index
    %swap3A_107 = tpu.vector_load %arg10[%swap3A_106] {strides = array<i32>} : memref<144xi32, #tpu.memory_space<vmem>>, vector<16xi32>,
    tpu.vector_store %arg10[%swap3A_106], %or3A_105 {strides = array<i32>} : memref<144xi32, #tpu.memory_space<vmem>>, vector<16xi32>,
    %get3A_108 = arith.constant 48 : index
    %get3A_109 = tpu.vector_load %arg8[%get3A_108] {strides = array<i32>} : memref<128xi32, #tpu.memory_space<vmem>>, vector<16xi32>,
    %get3A_110 = arith.constant 48 : index
    %get3A_111 = tpu.vector_load %arg9[%get3A_110] {strides = array<i32>} : memref<128xi32, #tpu.memory_space<vmem>>, vector<16xi32>,
    %eq3A_112 = arith.constant 0 : i32
    %eq3A_113 = vector.broadcast %eq3A_112 : i32 to vector<16xi32>
    %eq3A_114 = arith.cmpi eq, %get3A_109, %eq3A_113 : vector<16xi32>
    %sub3A_115 = arith.constant 1 : i32
    %sub3A_116 = vector.broadcast %sub3A_115 : i32 to vector<16xi32>
    %sub3A_117 = arith.subi %get3A_109, %sub3A_116 : vector<16xi32>
    %jit3A_118 = arith.constant 4999 : i32
    %broadcast_in_dim3A_119 = vector.broadcast %jit3A_118 : i32 to vector<16xi32>
    %select_n3A_120 = arith.select %eq3A_114, %broadcast_in_dim3A_119, %sub3A_117 : vector<16xi1>, vector<16xi32>
    %and3A_121 = arith.constant 7 : i32
    %and3A_122 = vector.broadcast %and3A_121 : i32 to vector<16xi32>
    %and3A_123 = arith.andi %select_n3A_120, %and3A_122 : vector<16xi32>
    %swap3A_124 = arith.constant 48 : index
    %swap3A_125 = tpu.vector_load %arg11[%swap3A_124] {strides = array<i32>} : memref<128xi32, #tpu.memory_space<vmem>>, vector<16xi32>,
    tpu.vector_store %arg11[%swap3A_124], %and3A_123 {strides = array<i32>} : memref<128xi32, #tpu.memory_space<vmem>>, vector<16xi32>,
    %and3A_126 = arith.constant 127 : i32
    %and3A_127 = vector.broadcast %and3A_126 : i32 to vector<16xi32>
    %and3A_128 = arith.andi %get3A_111, %and3A_127 : vector<16xi32>
    %swap3A_129 = arith.constant 48 : index
    %swap3A_130 = tpu.vector_load %arg12[%swap3A_129] {strides = array<i32>} : memref<128xi32, #tpu.memory_space<vmem>>, vector<16xi32>,
    tpu.vector_store %arg12[%swap3A_129], %and3A_128 {strides = array<i32>} : memref<128xi32, #tpu.memory_space<vmem>>, vector<16xi32>,
    %shift_right_arithmetic3A_131 = arith.constant 3 : i32
    %shift_right_arithmetic3A_132 = vector.broadcast %shift_right_arithmetic3A_131 : i32 to vector<16xi32>
    %shift_right_arithmetic3A_133 = arith.shrsi %select_n3A_120, %shift_right_arithmetic3A_132 : vector<16xi32>
    %shift_left3A_134 = arith.constant 13 : i32
    %shift_left3A_135 = vector.broadcast %shift_left3A_134 : i32 to vector<16xi32>
    %shift_left3A_136 = arith.shli %shift_right_arithmetic3A_133, %shift_left3A_135 : vector<16xi32>
    %shift_right_arithmetic3A_137 = arith.constant 7 : i32
    %shift_right_arithmetic3A_138 = vector.broadcast %shift_right_arithmetic3A_137 : i32 to vector<16xi32>
    %shift_right_arithmetic3A_139 = arith.shrsi %get3A_111, %shift_right_arithmetic3A_138 : vector<16xi32>
    %shift_left3A_140 = arith.constant 7 : i32
    %shift_left3A_141 = vector.broadcast %shift_left3A_140 : i32 to vector<16xi32>
    %shift_left3A_142 = arith.shli %shift_right_arithmetic3A_139, %shift_left3A_141 : vector<16xi32>
    %or3A_143 = arith.ori %shift_left3A_136, %shift_left3A_142 : vector<16xi32>
    %swap3A_144 = arith.constant 48 : index
    %swap3A_145 = tpu.vector_load %arg10[%swap3A_144] {strides = array<i32>} : memref<144xi32, #tpu.memory_space<vmem>>, vector<16xi32>,
    tpu.vector_store %arg10[%swap3A_144], %or3A_143 {strides = array<i32>} : memref<144xi32, #tpu.memory_space<vmem>>, vector<16xi32>,
    %get3A_146 = arith.constant 64 : index
    %get3A_147 = tpu.vector_load %arg8[%get3A_146] {strides = array<i32>} : memref<128xi32, #tpu.memory_space<vmem>>, vector<16xi32>,
    %get3A_148 = arith.constant 64 : index
    %get3A_149 = tpu.vector_load %arg9[%get3A_148] {strides = array<i32>} : memref<128xi32, #tpu.memory_space<vmem>>, vector<16xi32>,
    %eq3A_150 = arith.constant 0 : i32
    %eq3A_151 = vector.broadcast %eq3A_150 : i32 to vector<16xi32>
    %eq3A_152 = arith.cmpi eq, %get3A_147, %eq3A_151 : vector<16xi32>
    %sub3A_153 = arith.constant 1 : i32
    %sub3A_154 = vector.broadcast %sub3A_153 : i32 to vector<16xi32>
    %sub3A_155 = arith.subi %get3A_147, %sub3A_154 : vector<16xi32>
    %jit3A_156 = arith.constant 4999 : i32
    %broadcast_in_dim3A_157 = vector.broadcast %jit3A_156 : i32 to vector<16xi32>
    %select_n3A_158 = arith.select %eq3A_152, %broadcast_in_dim3A_157, %sub3A_155 : vector<16xi1>, vector<16xi32>
    %and3A_159 = arith.constant 7 : i32
    %and3A_160 = vector.broadcast %and3A_159 : i32 to vector<16xi32>
    %and3A_161 = arith.andi %select_n3A_158, %and3A_160 : vector<16xi32>
    %swap3A_162 = arith.constant 64 : index
    %swap3A_163 = tpu.vector_load %arg11[%swap3A_162] {strides = array<i32>} : memref<128xi32, #tpu.memory_space<vmem>>, vector<16xi32>,
    tpu.vector_store %arg11[%swap3A_162], %and3A_161 {strides = array<i32>} : memref<128xi32, #tpu.memory_space<vmem>>, vector<16xi32>,
    %and3A_164 = arith.constant 127 : i32
    %and3A_165 = vector.broadcast %and3A_164 : i32 to vector<16xi32>
    %and3A_166 = arith.andi %get3A_149, %and3A_165 : vector<16xi32>
    %swap3A_167 = arith.constant 64 : index
    %swap3A_168 = tpu.vector_load %arg12[%swap3A_167] {strides = array<i32>} : memref<128xi32, #tpu.memory_space<vmem>>, vector<16xi32>,
    tpu.vector_store %arg12[%swap3A_167], %and3A_166 {strides = array<i32>} : memref<128xi32, #tpu.memory_space<vmem>>, vector<16xi32>,
    %shift_right_arithmetic3A_169 = arith.constant 3 : i32
    %shift_right_arithmetic3A_170 = vector.broadcast %shift_right_arithmetic3A_169 : i32 to vector<16xi32>
    %shift_right_arithmetic3A_171 = arith.shrsi %select_n3A_158, %shift_right_arithmetic3A_170 : vector<16xi32>
    %shift_left3A_172 = arith.constant 13 : i32
    %shift_left3A_173 = vector.broadcast %shift_left3A_172 : i32 to vector<16xi32>
    %shift_left3A_174 = arith.shli %shift_right_arithmetic3A_171, %shift_left3A_173 : vector<16xi32>
    %shift_right_arithmetic3A_175 = arith.constant 7 : i32
    %shift_right_arithmetic3A_176 = vector.broadcast %shift_right_arithmetic3A_175 : i32 to vector<16xi32>
    %shift_right_arithmetic3A_177 = arith.shrsi %get3A_149, %shift_right_arithmetic3A_176 : vector<16xi32>
    %shift_left3A_178 = arith.constant 7 : i32
    %shift_left3A_179 = vector.broadcast %shift_left3A_178 : i32 to vector<16xi32>
    %shift_left3A_180 = arith.shli %shift_right_arithmetic3A_177, %shift_left3A_179 : vector<16xi32>
    %or3A_181 = arith.ori %shift_left3A_174, %shift_left3A_180 : vector<16xi32>
    %swap3A_182 = arith.constant 64 : index
    %swap3A_183 = tpu.vector_load %arg10[%swap3A_182] {strides = array<i32>} : memref<144xi32, #tpu.memory_space<vmem>>, vector<16xi32>,
    tpu.vector_store %arg10[%swap3A_182], %or3A_181 {strides = array<i32>} : memref<144xi32, #tpu.memory_space<vmem>>, vector<16xi32>,
    %get3A_184 = arith.constant 80 : index
    %get3A_185 = tpu.vector_load %arg8[%get3A_184] {strides = array<i32>} : memref<128xi32, #tpu.memory_space<vmem>>, vector<16xi32>,
    %get3A_186 = arith.constant 80 : index
    %get3A_187 = tpu.vector_load %arg9[%get3A_186] {strides = array<i32>} : memref<128xi32, #tpu.memory_space<vmem>>, vector<16xi32>,
    %eq3A_188 = arith.constant 0 : i32
    %eq3A_189 = vector.broadcast %eq3A_188 : i32 to vector<16xi32>
    %eq3A_190 = arith.cmpi eq, %get3A_185, %eq3A_189 : vector<16xi32>
    %sub3A_191 = arith.constant 1 : i32
    %sub3A_192 = vector.broadcast %sub3A_191 : i32 to vector<16xi32>
    %sub3A_193 = arith.subi %get3A_185, %sub3A_192 : vector<16xi32>
    %jit3A_194 = arith.constant 4999 : i32
    %broadcast_in_dim3A_195 = vector.broadcast %jit3A_194 : i32 to vector<16xi32>
    %select_n3A_196 = arith.select %eq3A_190, %broadcast_in_dim3A_195, %sub3A_193 : vector<16xi1>, vector<16xi32>
    %and3A_197 = arith.constant 7 : i32
    %and3A_198 = vector.broadcast %and3A_197 : i32 to vector<16xi32>
    %and3A_199 = arith.andi %select_n3A_196, %and3A_198 : vector<16xi32>
    %swap3A_200 = arith.constant 80 : index
    %swap3A_201 = tpu.vector_load %arg11[%swap3A_200] {strides = array<i32>} : memref<128xi32, #tpu.memory_space<vmem>>, vector<16xi32>,
    tpu.vector_store %arg11[%swap3A_200], %and3A_199 {strides = array<i32>} : memref<128xi32, #tpu.memory_space<vmem>>, vector<16xi32>,
    %and3A_202 = arith.constant 127 : i32
    %and3A_203 = vector.broadcast %and3A_202 : i32 to vector<16xi32>
    %and3A_204 = arith.andi %get3A_187, %and3A_203 : vector<16xi32>
    %swap3A_205 = arith.constant 80 : index
    %swap3A_206 = tpu.vector_load %arg12[%swap3A_205] {strides = array<i32>} : memref<128xi32, #tpu.memory_space<vmem>>, vector<16xi32>,
    tpu.vector_store %arg12[%swap3A_205], %and3A_204 {strides = array<i32>} : memref<128xi32, #tpu.memory_space<vmem>>, vector<16xi32>,
    %shift_right_arithmetic3A_207 = arith.constant 3 : i32
    %shift_right_arithmetic3A_208 = vector.broadcast %shift_right_arithmetic3A_207 : i32 to vector<16xi32>
    %shift_right_arithmetic3A_209 = arith.shrsi %select_n3A_196, %shift_right_arithmetic3A_208 : vector<16xi32>
    %shift_left3A_210 = arith.constant 13 : i32
    %shift_left3A_211 = vector.broadcast %shift_left3A_210 : i32 to vector<16xi32>
    %shift_left3A_212 = arith.shli %shift_right_arithmetic3A_209, %shift_left3A_211 : vector<16xi32>
    %shift_right_arithmetic3A_213 = arith.constant 7 : i32
    %shift_right_arithmetic3A_214 = vector.broadcast %shift_right_arithmetic3A_213 : i32 to vector<16xi32>
    %shift_right_arithmetic3A_215 = arith.shrsi %get3A_187, %shift_right_arithmetic3A_214 : vector<16xi32>
    %shift_left3A_216 = arith.constant 7 : i32
    %shift_left3A_217 = vector.broadcast %shift_left3A_216 : i32 to vector<16xi32>
    %shift_left3A_218 = arith.shli %shift_right_arithmetic3A_215, %shift_left3A_217 : vector<16xi32>
    %or3A_219 = arith.ori %shift_left3A_212, %shift_left3A_218 : vector<16xi32>
    %swap3A_220 = arith.constant 80 : index
    %swap3A_221 = tpu.vector_load %arg10[%swap3A_220] {strides = array<i32>} : memref<144xi32, #tpu.memory_space<vmem>>, vector<16xi32>,
    tpu.vector_store %arg10[%swap3A_220], %or3A_219 {strides = array<i32>} : memref<144xi32, #tpu.memory_space<vmem>>, vector<16xi32>,
    %get3A_222 = arith.constant 96 : index
    %get3A_223 = tpu.vector_load %arg8[%get3A_222] {strides = array<i32>} : memref<128xi32, #tpu.memory_space<vmem>>, vector<16xi32>,
    %get3A_224 = arith.constant 96 : index
    %get3A_225 = tpu.vector_load %arg9[%get3A_224] {strides = array<i32>} : memref<128xi32, #tpu.memory_space<vmem>>, vector<16xi32>,
    %eq3A_226 = arith.constant 0 : i32
    %eq3A_227 = vector.broadcast %eq3A_226 : i32 to vector<16xi32>
    %eq3A_228 = arith.cmpi eq, %get3A_223, %eq3A_227 : vector<16xi32>
    %sub3A_229 = arith.constant 1 : i32
    %sub3A_230 = vector.broadcast %sub3A_229 : i32 to vector<16xi32>
    %sub3A_231 = arith.subi %get3A_223, %sub3A_230 : vector<16xi32>
    %jit3A_232 = arith.constant 4999 : i32
    %broadcast_in_dim3A_233 = vector.broadcast %jit3A_232 : i32 to vector<16xi32>
    %select_n3A_234 = arith.select %eq3A_228, %broadcast_in_dim3A_233, %sub3A_231 : vector<16xi1>, vector<16xi32>
    %and3A_235 = arith.constant 7 : i32
    %and3A_236 = vector.broadcast %and3A_235 : i32 to vector<16xi32>
    %and3A_237 = arith.andi %select_n3A_234, %and3A_236 : vector<16xi32>
    %swap3A_238 = arith.constant 96 : index
    %swap3A_239 = tpu.vector_load %arg11[%swap3A_238] {strides = array<i32>} : memref<128xi32, #tpu.memory_space<vmem>>, vector<16xi32>,
    tpu.vector_store %arg11[%swap3A_238], %and3A_237 {strides = array<i32>} : memref<128xi32, #tpu.memory_space<vmem>>, vector<16xi32>,
    %and3A_240 = arith.constant 127 : i32
    %and3A_241 = vector.broadcast %and3A_240 : i32 to vector<16xi32>
    %and3A_242 = arith.andi %get3A_225, %and3A_241 : vector<16xi32>
    %swap3A_243 = arith.constant 96 : index
    %swap3A_244 = tpu.vector_load %arg12[%swap3A_243] {strides = array<i32>} : memref<128xi32, #tpu.memory_space<vmem>>, vector<16xi32>,
    tpu.vector_store %arg12[%swap3A_243], %and3A_242 {strides = array<i32>} : memref<128xi32, #tpu.memory_space<vmem>>, vector<16xi32>,
    %shift_right_arithmetic3A_245 = arith.constant 3 : i32
    %shift_right_arithmetic3A_246 = vector.broadcast %shift_right_arithmetic3A_245 : i32 to vector<16xi32>
    %shift_right_arithmetic3A_247 = arith.shrsi %select_n3A_234, %shift_right_arithmetic3A_246 : vector<16xi32>
    %shift_left3A_248 = arith.constant 13 : i32
    %shift_left3A_249 = vector.broadcast %shift_left3A_248 : i32 to vector<16xi32>
    %shift_left3A_250 = arith.shli %shift_right_arithmetic3A_247, %shift_left3A_249 : vector<16xi32>
    %shift_right_arithmetic3A_251 = arith.constant 7 : i32
    %shift_right_arithmetic3A_252 = vector.broadcast %shift_right_arithmetic3A_251 : i32 to vector<16xi32>
    %shift_right_arithmetic3A_253 = arith.shrsi %get3A_225, %shift_right_arithmetic3A_252 : vector<16xi32>
    %shift_left3A_254 = arith.constant 7 : i32
    %shift_left3A_255 = vector.broadcast %shift_left3A_254 : i32 to vector<16xi32>
    %shift_left3A_256 = arith.shli %shift_right_arithmetic3A_253, %shift_left3A_255 : vector<16xi32>
    %or3A_257 = arith.ori %shift_left3A_250, %shift_left3A_256 : vector<16xi32>
    %swap3A_258 = arith.constant 96 : index
    %swap3A_259 = tpu.vector_load %arg10[%swap3A_258] {strides = array<i32>} : memref<144xi32, #tpu.memory_space<vmem>>, vector<16xi32>,
    tpu.vector_store %arg10[%swap3A_258], %or3A_257 {strides = array<i32>} : memref<144xi32, #tpu.memory_space<vmem>>, vector<16xi32>,
    %get3A_260 = arith.constant 112 : index
    %get3A_261 = tpu.vector_load %arg8[%get3A_260] {strides = array<i32>} : memref<128xi32, #tpu.memory_space<vmem>>, vector<16xi32>,
    %get3A_262 = arith.constant 112 : index
    %get3A_263 = tpu.vector_load %arg9[%get3A_262] {strides = array<i32>} : memref<128xi32, #tpu.memory_space<vmem>>, vector<16xi32>,
    %eq3A_264 = arith.constant 0 : i32
    %eq3A_265 = vector.broadcast %eq3A_264 : i32 to vector<16xi32>
    %eq3A_266 = arith.cmpi eq, %get3A_261, %eq3A_265 : vector<16xi32>
    %sub3A_267 = arith.constant 1 : i32
    %sub3A_268 = vector.broadcast %sub3A_267 : i32 to vector<16xi32>
    %sub3A_269 = arith.subi %get3A_261, %sub3A_268 : vector<16xi32>
    %jit3A_270 = arith.constant 4999 : i32
    %broadcast_in_dim3A_271 = vector.broadcast %jit3A_270 : i32 to vector<16xi32>
    %select_n3A_272 = arith.select %eq3A_266, %broadcast_in_dim3A_271, %sub3A_269 : vector<16xi1>, vector<16xi32>
    %and3A_273 = arith.constant 7 : i32
    %and3A_274 = vector.broadcast %and3A_273 : i32 to vector<16xi32>
    %and3A_275 = arith.andi %select_n3A_272, %and3A_274 : vector<16xi32>
    %swap3A_276 = arith.constant 112 : index
    %swap3A_277 = tpu.vector_load %arg11[%swap3A_276] {strides = array<i32>} : memref<128xi32, #tpu.memory_space<vmem>>, vector<16xi32>,
    tpu.vector_store %arg11[%swap3A_276], %and3A_275 {strides = array<i32>} : memref<128xi32, #tpu.memory_space<vmem>>, vector<16xi32>,
    %and3A_278 = arith.constant 127 : i32
    %and3A_279 = vector.broadcast %and3A_278 : i32 to vector<16xi32>
    %and3A_280 = arith.andi %get3A_263, %and3A_279 : vector<16xi32>
    %swap3A_281 = arith.constant 112 : index
    %swap3A_282 = tpu.vector_load %arg12[%swap3A_281] {strides = array<i32>} : memref<128xi32, #tpu.memory_space<vmem>>, vector<16xi32>,
    tpu.vector_store %arg12[%swap3A_281], %and3A_280 {strides = array<i32>} : memref<128xi32, #tpu.memory_space<vmem>>, vector<16xi32>,
    %shift_right_arithmetic3A_283 = arith.constant 3 : i32
    %shift_right_arithmetic3A_284 = vector.broadcast %shift_right_arithmetic3A_283 : i32 to vector<16xi32>
    %shift_right_arithmetic3A_285 = arith.shrsi %select_n3A_272, %shift_right_arithmetic3A_284 : vector<16xi32>
    %shift_left3A_286 = arith.constant 13 : i32
    %shift_left3A_287 = vector.broadcast %shift_left3A_286 : i32 to vector<16xi32>
    %shift_left3A_288 = arith.shli %shift_right_arithmetic3A_285, %shift_left3A_287 : vector<16xi32>
    %shift_right_arithmetic3A_289 = arith.constant 7 : i32
    %shift_right_arithmetic3A_290 = vector.broadcast %shift_right_arithmetic3A_289 : i32 to vector<16xi32>
    %shift_right_arithmetic3A_291 = arith.shrsi %get3A_263, %shift_right_arithmetic3A_290 : vector<16xi32>
    %shift_left3A_292 = arith.constant 7 : i32
    %shift_left3A_293 = vector.broadcast %shift_left3A_292 : i32 to vector<16xi32>
    %shift_left3A_294 = arith.shli %shift_right_arithmetic3A_291, %shift_left3A_293 : vector<16xi32>
    %or3A_295 = arith.ori %shift_left3A_288, %shift_left3A_294 : vector<16xi32>
    %swap3A_296 = arith.constant 112 : index
    %swap3A_297 = tpu.vector_load %arg10[%swap3A_296] {strides = array<i32>} : memref<144xi32, #tpu.memory_space<vmem>>, vector<16xi32>,
    tpu.vector_store %arg10[%swap3A_296], %or3A_295 {strides = array<i32>} : memref<144xi32, #tpu.memory_space<vmem>>, vector<16xi32>,
    %iota3A = tpu.iota {dimensions = array<i32: 0>} : vector<16xi32>
    %get3A_298 = arith.constant 0 : index
    %get3A_299 = tpu.vector_load %arg10[%get3A_298] {strides = array<i32>} : memref<144xi32, #tpu.memory_space<vmem>>, vector<16xi32>,
    %slice3A = vector.extract_strided_slice %get3A_299 {offsets = [0], sizes = [1], strides = [1]} : vector<16xi32> to vector<1xi32>
    %squeeze3A = vector.extract %slice3A[0] : i32 from vector<1xi32>
    %shift_right_arithmetic3A_300 = arith.constant 13 : i32
    %shift_right_arithmetic3A_301 = arith.shrsi %squeeze3A, %shift_right_arithmetic3A_300 : i32
    %and3A_302 = arith.constant 8191 : i32
    %and3A_303 = arith.andi %squeeze3A, %and3A_302 : i32
    %multiple_of3A = tpu.assume_multiple %and3A_303, 128 : i32
    %dma_start3A_304 = arith.constant 0 : i32
    %dma_start3A_305 = arith.constant 0 : i32
    %dma_start3A_306 = arith.constant 0 : i32
    %dma_start3A_307 = tpu.memref_slice %arg13[%dma_start3A_304, %dma_start3A_305, %dma_start3A_306] : memref<32x8x128xi32, #tpu.memory_space<vmem>> -> memref<1x8x128xi32, #tpu.memory_space<vmem>>
    %dma_start3A_308 = tpu.memref_reshape %arg4 : memref<5000x5000xi32, #tpu.memory_space<hbm>> -> memref<625x8x5000xi32, #tpu.memory_space<hbm>>
    %dma_start3A_309 = arith.constant 0 : i32
    %dma_start3A_310 = tpu.memref_slice %dma_start3A_308[%shift_right_arithmetic3A_301, %dma_start3A_309, %multiple_of3A] : memref<625x8x5000xi32, #tpu.memory_space<hbm>> -> memref<1x8x128xi32, #tpu.memory_space<hbm>>
    %dma_start3A_311 = arith.constant 0 : i32
    %dma_start3A_312 = arith.constant 0 : i32
    %dma_start3A_313 = arith.constant 0 : i32
    %dma_start3A_314 = tpu.memref_slice %arg13[%dma_start3A_311, %dma_start3A_312, %dma_start3A_313] : memref<32x8x128xi32, #tpu.memory_space<vmem>> -> memref<1x8x128xi32, #tpu.memory_space<vmem>>
    %dma_start3A_315 = tpu.memref_reshape %arg4 : memref<5000x5000xi32, #tpu.memory_space<hbm>> -> memref<625x8x5000xi32, #tpu.memory_space<hbm>>
    %dma_start3A_316 = arith.constant 0 : i32
    %dma_start3A_317 = tpu.memref_slice %dma_start3A_315[%shift_right_arithmetic3A_301, %dma_start3A_316, %multiple_of3A] : memref<625x8x5000xi32, #tpu.memory_space<hbm>> -> memref<1x8x128xi32, #tpu.memory_space<hbm>>
    tpu.enqueue_dma source(%dma_start3A_317 : memref<1x8x128xi32, #tpu.memory_space<hbm>>) target(%dma_start3A_314 : memref<1x8x128xi32, #tpu.memory_space<vmem>>) target_semaphore(%arg17 : memref<!tpu.dma_semaphore, #tpu.memory_space<semaphore_mem>>)
    %slice3A_318 = vector.extract_strided_slice %get3A_299 {offsets = [1], sizes = [1], strides = [1]} : vector<16xi32> to vector<1xi32>
    %squeeze3A_319 = vector.extract %slice3A_318[0] : i32 from vector<1xi32>
    %shift_right_arithmetic3A_320 = arith.constant 13 : i32
    %shift_right_arithmetic3A_321 = arith.shrsi %squeeze3A_319, %shift_right_arithmetic3A_320 : i32
    %and3A_322 = arith.constant 8191 : i32
    %and3A_323 = arith.andi %squeeze3A_319, %and3A_322 : i32
    %multiple_of3A_324 = tpu.assume_multiple %and3A_323, 128 : i32
    %dma_start3A_325 = arith.constant 1 : i32
    %dma_start3A_326 = arith.constant 0 : i32
    %dma_start3A_327 = arith.constant 0 : i32
    %dma_start3A_328 = tpu.memref_slice %arg13[%dma_start3A_325, %dma_start3A_326, %dma_start3A_327] : memref<32x8x128xi32, #tpu.memory_space<vmem>> -> memref<1x8x128xi32, #tpu.memory_space<vmem>>
    %dma_start3A_329 = tpu.memref_reshape %arg4 : memref<5000x5000xi32, #tpu.memory_space<hbm>> -> memref<625x8x5000xi32, #tpu.memory_space<hbm>>
    %dma_start3A_330 = arith.constant 0 : i32
    %dma_start3A_331 = tpu.memref_slice %dma_start3A_329[%shift_right_arithmetic3A_321, %dma_start3A_330, %multiple_of3A_324] : memref<625x8x5000xi32, #tpu.memory_space<hbm>> -> memref<1x8x128xi32, #tpu.memory_space<hbm>>
    %dma_start3A_332 = arith.constant 1 : i32
    %dma_start3A_333 = arith.constant 0 : i32
    %dma_start3A_334 = arith.constant 0 : i32
    %dma_start3A_335 = tpu.memref_slice %arg13[%dma_start3A_332, %dma_start3A_333, %dma_start3A_334] : memref<32x8x128xi32, #tpu.memory_space<vmem>> -> memref<1x8x128xi32, #tpu.memory_space<vmem>>
    %dma_start3A_336 = tpu.memref_reshape %arg4 : memref<5000x5000xi32, #tpu.memory_space<hbm>> -> memref<625x8x5000xi32, #tpu.memory_space<hbm>>
    %dma_start3A_337 = arith.constant 0 : i32
    %dma_start3A_338 = tpu.memref_slice %dma_start3A_336[%shift_right_arithmetic3A_321, %dma_start3A_337, %multiple_of3A_324] : memref<625x8x5000xi32, #tpu.memory_space<hbm>> -> memref<1x8x128xi32, #tpu.memory_space<hbm>>
    tpu.enqueue_dma source(%dma_start3A_338 : memref<1x8x128xi32, #tpu.memory_space<hbm>>) target(%dma_start3A_335 : memref<1x8x128xi32, #tpu.memory_space<vmem>>) target_semaphore(%arg17 : memref<!tpu.dma_semaphore, #tpu.memory_space<semaphore_mem>>)
    %slice3A_339 = vector.extract_strided_slice %get3A_299 {offsets = [2], sizes = [1], strides = [1]} : vector<16xi32> to vector<1xi32>
    %squeeze3A_340 = vector.extract %slice3A_339[0] : i32 from vector<1xi32>
    %shift_right_arithmetic3A_341 = arith.constant 13 : i32
    %shift_right_arithmetic3A_342 = arith.shrsi %squeeze3A_340, %shift_right_arithmetic3A_341 : i32
    %and3A_343 = arith.constant 8191 : i32
    %and3A_344 = arith.andi %squeeze3A_340, %and3A_343 : i32
    %multiple_of3A_345 = tpu.assume_multiple %and3A_344, 128 : i32
    %dma_start3A_346 = arith.constant 2 : i32
    %dma_start3A_347 = arith.constant 0 : i32
    %dma_start3A_348 = arith.constant 0 : i32
    %dma_start3A_349 = tpu.memref_slice %arg13[%dma_start3A_346, %dma_start3A_347, %dma_start3A_348] : memref<32x8x128xi32, #tpu.memory_space<vmem>> -> memref<1x8x128xi32, #tpu.memory_space<vmem>>
    %dma_start3A_350 = tpu.memref_reshape %arg4 : memref<5000x5000xi32, #tpu.memory_space<hbm>> -> memref<625x8x5000xi32, #tpu.memory_space<hbm>>
    %dma_start3A_351 = arith.constant 0 : i32
    %dma_start3A_352 = tpu.memref_slice %dma_start3A_350[%shift_right_arithmetic3A_342, %dma_start3A_351, %multiple_of3A_345] : memref<625x8x5000xi32, #tpu.memory_space<hbm>> -> memref<1x8x128xi32, #tpu.memory_space<hbm>>
    %dma_start3A_353 = arith.constant 2 : i32
    %dma_start3A_354 = arith.constant 0 : i32
    %dma_start3A_355 = arith.constant 0 : i32
    %dma_start3A_356 = tpu.memref_slice %arg13[%dma_start3A_353, %dma_start3A_354, %dma_start3A_355] : memref<32x8x128xi32, #tpu.memory_space<vmem>> -> memref<1x8x128xi32, #tpu.memory_space<vmem>>
    %dma_start3A_357 = tpu.memref_reshape %arg4 : memref<5000x5000xi32, #tpu.memory_space<hbm>> -> memref<625x8x5000xi32, #tpu.memory_space<hbm>>
    %dma_start3A_358 = arith.constant 0 : i32
    %dma_start3A_359 = tpu.memref_slice %dma_start3A_357[%shift_right_arithmetic3A_342, %dma_start3A_358, %multiple_of3A_345] : memref<625x8x5000xi32, #tpu.memory_space<hbm>> -> memref<1x8x128xi32, #tpu.memory_space<hbm>>
    tpu.enqueue_dma source(%dma_start3A_359 : memref<1x8x128xi32, #tpu.memory_space<hbm>>) target(%dma_start3A_356 : memref<1x8x128xi32, #tpu.memory_space<vmem>>) target_semaphore(%arg17 : memref<!tpu.dma_semaphore, #tpu.memory_space<semaphore_mem>>)
    %slice3A_360 = vector.extract_strided_slice %get3A_299 {offsets = [3], sizes = [1], strides = [1]} : vector<16xi32> to vector<1xi32>
    %squeeze3A_361 = vector.extract %slice3A_360[0] : i32 from vector<1xi32>
    %shift_right_arithmetic3A_362 = arith.constant 13 : i32
    %shift_right_arithmetic3A_363 = arith.shrsi %squeeze3A_361, %shift_right_arithmetic3A_362 : i32
    %and3A_364 = arith.constant 8191 : i32
    %and3A_365 = arith.andi %squeeze3A_361, %and3A_364 : i32
    %multiple_of3A_366 = tpu.assume_multiple %and3A_365, 128 : i32
    %dma_start3A_367 = arith.constant 3 : i32
    %dma_start3A_368 = arith.constant 0 : i32
    %dma_start3A_369 = arith.constant 0 : i32
    %dma_start3A_370 = tpu.memref_slice %arg13[%dma_start3A_367, %dma_start3A_368, %dma_start3A_369] : memref<32x8x128xi32, #tpu.memory_space<vmem>> -> memref<1x8x128xi32, #tpu.memory_space<vmem>>
    %dma_start3A_371 = tpu.memref_reshape %arg4 : memref<5000x5000xi32, #tpu.memory_space<hbm>> -> memref<625x8x5000xi32, #tpu.memory_space<hbm>>
    %dma_start3A_372 = arith.constant 0 : i32
    %dma_start3A_373 = tpu.memref_slice %dma_start3A_371[%shift_right_arithmetic3A_363, %dma_start3A_372, %multiple_of3A_366] : memref<625x8x5000xi32, #tpu.memory_space<hbm>> -> memref<1x8x128xi32, #tpu.memory_space<hbm>>
    %dma_start3A_374 = arith.constant 3 : i32
    %dma_start3A_375 = arith.constant 0 : i32
    %dma_start3A_376 = arith.constant 0 : i32
    %dma_start3A_377 = tpu.memref_slice %arg13[%dma_start3A_374, %dma_start3A_375, %dma_start3A_376] : memref<32x8x128xi32, #tpu.memory_space<vmem>> -> memref<1x8x128xi32, #tpu.memory_space<vmem>>
    %dma_start3A_378 = tpu.memref_reshape %arg4 : memref<5000x5000xi32, #tpu.memory_space<hbm>> -> memref<625x8x5000xi32, #tpu.memory_space<hbm>>
    %dma_start3A_379 = arith.constant 0 : i32
    %dma_start3A_380 = tpu.memref_slice %dma_start3A_378[%shift_right_arithmetic3A_363, %dma_start3A_379, %multiple_of3A_366] : memref<625x8x5000xi32, #tpu.memory_space<hbm>> -> memref<1x8x128xi32, #tpu.memory_space<hbm>>
    tpu.enqueue_dma source(%dma_start3A_380 : memref<1x8x128xi32, #tpu.memory_space<hbm>>) target(%dma_start3A_377 : memref<1x8x128xi32, #tpu.memory_space<vmem>>) target_semaphore(%arg17 : memref<!tpu.dma_semaphore, #tpu.memory_space<semaphore_mem>>)
    %slice3A_381 = vector.extract_strided_slice %get3A_299 {offsets = [4], sizes = [1], strides = [1]} : vector<16xi32> to vector<1xi32>
    %squeeze3A_382 = vector.extract %slice3A_381[0] : i32 from vector<1xi32>
    %shift_right_arithmetic3A_383 = arith.constant 13 : i32
    %shift_right_arithmetic3A_384 = arith.shrsi %squeeze3A_382, %shift_right_arithmetic3A_383 : i32
    %and3A_385 = arith.constant 8191 : i32
    %and3A_386 = arith.andi %squeeze3A_382, %and3A_385 : i32
    %multiple_of3A_387 = tpu.assume_multiple %and3A_386, 128 : i32
    %dma_start3A_388 = arith.constant 4 : i32
    %dma_start3A_389 = arith.constant 0 : i32
    %dma_start3A_390 = arith.constant 0 : i32
    %dma_start3A_391 = tpu.memref_slice %arg13[%dma_start3A_388, %dma_start3A_389, %dma_start3A_390] : memref<32x8x128xi32, #tpu.memory_space<vmem>> -> memref<1x8x128xi32, #tpu.memory_space<vmem>>
    %dma_start3A_392 = tpu.memref_reshape %arg4 : memref<5000x5000xi32, #tpu.memory_space<hbm>> -> memref<625x8x5000xi32, #tpu.memory_space<hbm>>
    %dma_start3A_393 = arith.constant 0 : i32
    %dma_start3A_394 = tpu.memref_slice %dma_start3A_392[%shift_right_arithmetic3A_384, %dma_start3A_393, %multiple_of3A_387] : memref<625x8x5000xi32, #tpu.memory_space<hbm>> -> memref<1x8x128xi32, #tpu.memory_space<hbm>>
    %dma_start3A_395 = arith.constant 4 : i32
    %dma_start3A_396 = arith.constant 0 : i32
    %dma_start3A_397 = arith.constant 0 : i32
    %dma_start3A_398 = tpu.memref_slice %arg13[%dma_start3A_395, %dma_start3A_396, %dma_start3A_397] : memref<32x8x128xi32, #tpu.memory_space<vmem>> -> memref<1x8x128xi32, #tpu.memory_space<vmem>>
    %dma_start3A_399 = tpu.memref_reshape %arg4 : memref<5000x5000xi32, #tpu.memory_space<hbm>> -> memref<625x8x5000xi32, #tpu.memory_space<hbm>>
    %dma_start3A_400 = arith.constant 0 : i32
    %dma_start3A_401 = tpu.memref_slice %dma_start3A_399[%shift_right_arithmetic3A_384, %dma_start3A_400, %multiple_of3A_387] : memref<625x8x5000xi32, #tpu.memory_space<hbm>> -> memref<1x8x128xi32, #tpu.memory_space<hbm>>
    tpu.enqueue_dma source(%dma_start3A_401 : memref<1x8x128xi32, #tpu.memory_space<hbm>>) target(%dma_start3A_398 : memref<1x8x128xi32, #tpu.memory_space<vmem>>) target_semaphore(%arg17 : memref<!tpu.dma_semaphore, #tpu.memory_space<semaphore_mem>>)
    %slice3A_402 = vector.extract_strided_slice %get3A_299 {offsets = [5], sizes = [1], strides = [1]} : vector<16xi32> to vector<1xi32>
    %squeeze3A_403 = vector.extract %slice3A_402[0] : i32 from vector<1xi32>
    %shift_right_arithmetic3A_404 = arith.constant 13 : i32
    %shift_right_arithmetic3A_405 = arith.shrsi %squeeze3A_403, %shift_right_arithmetic3A_404 : i32
    %and3A_406 = arith.constant 8191 : i32
    %and3A_407 = arith.andi %squeeze3A_403, %and3A_406 : i32
    %multiple_of3A_408 = tpu.assume_multiple %and3A_407, 128 : i32
    %dma_start3A_409 = arith.constant 5 : i32
    %dma_start3A_410 = arith.constant 0 : i32
    %dma_start3A_411 = arith.constant 0 : i32
    %dma_start3A_412 = tpu.memref_slice %arg13[%dma_start3A_409, %dma_start3A_410, %dma_start3A_411] : memref<32x8x128xi32, #tpu.memory_space<vmem>> -> memref<1x8x128xi32, #tpu.memory_space<vmem>>
    %dma_start3A_413 = tpu.memref_reshape %arg4 : memref<5000x5000xi32, #tpu.memory_space<hbm>> -> memref<625x8x5000xi32, #tpu.memory_space<hbm>>
    %dma_start3A_414 = arith.constant 0 : i32
    %dma_start3A_415 = tpu.memref_slice %dma_start3A_413[%shift_right_arithmetic3A_405, %dma_start3A_414, %multiple_of3A_408] : memref<625x8x5000xi32, #tpu.memory_space<hbm>> -> memref<1x8x128xi32, #tpu.memory_space<hbm>>
    %dma_start3A_416 = arith.constant 5 : i32
    %dma_start3A_417 = arith.constant 0 : i32
    %dma_start3A_418 = arith.constant 0 : i32
    %dma_start3A_419 = tpu.memref_slice %arg13[%dma_start3A_416, %dma_start3A_417, %dma_start3A_418] : memref<32x8x128xi32, #tpu.memory_space<vmem>> -> memref<1x8x128xi32, #tpu.memory_space<vmem>>
    %dma_start3A_420 = tpu.memref_reshape %arg4 : memref<5000x5000xi32, #tpu.memory_space<hbm>> -> memref<625x8x5000xi32, #tpu.memory_space<hbm>>
    %dma_start3A_421 = arith.constant 0 : i32
    %dma_start3A_422 = tpu.memref_slice %dma_start3A_420[%shift_right_arithmetic3A_405, %dma_start3A_421, %multiple_of3A_408] : memref<625x8x5000xi32, #tpu.memory_space<hbm>> -> memref<1x8x128xi32, #tpu.memory_space<hbm>>
    tpu.enqueue_dma source(%dma_start3A_422 : memref<1x8x128xi32, #tpu.memory_space<hbm>>) target(%dma_start3A_419 : memref<1x8x128xi32, #tpu.memory_space<vmem>>) target_semaphore(%arg17 : memref<!tpu.dma_semaphore, #tpu.memory_space<semaphore_mem>>)
    %slice3A_423 = vector.extract_strided_slice %get3A_299 {offsets = [6], sizes = [1], strides = [1]} : vector<16xi32> to vector<1xi32>
    %squeeze3A_424 = vector.extract %slice3A_423[0] : i32 from vector<1xi32>
    %shift_right_arithmetic3A_425 = arith.constant 13 : i32
    %shift_right_arithmetic3A_426 = arith.shrsi %squeeze3A_424, %shift_right_arithmetic3A_425 : i32
    %and3A_427 = arith.constant 8191 : i32
    %and3A_428 = arith.andi %squeeze3A_424, %and3A_427 : i32
    %multiple_of3A_429 = tpu.assume_multiple %and3A_428, 128 : i32
    %dma_start3A_430 = arith.constant 6 : i32
    %dma_start3A_431 = arith.constant 0 : i32
    %dma_start3A_432 = arith.constant 0 : i32
    %dma_start3A_433 = tpu.memref_slice %arg13[%dma_start3A_430, %dma_start3A_431, %dma_start3A_432] : memref<32x8x128xi32, #tpu.memory_space<vmem>> -> memref<1x8x128xi32, #tpu.memory_space<vmem>>
    %dma_start3A_434 = tpu.memref_reshape %arg4 : memref<5000x5000xi32, #tpu.memory_space<hbm>> -> memref<625x8x5000xi32, #tpu.memory_space<hbm>>
    %dma_start3A_435 = arith.constant 0 : i32
    %dma_start3A_436 = tpu.memref_slice %dma_start3A_434[%shift_right_arithmetic3A_426, %dma_start3A_435, %multiple_of3A_429] : memref<625x8x5000xi32, #tpu.memory_space<hbm>> -> memref<1x8x128xi32, #tpu.memory_space<hbm>>
    %dma_start3A_437 = arith.constant 6 : i32
    %dma_start3A_438 = arith.constant 0 : i32
    %dma_start3A_439 = arith.constant 0 : i32
    %dma_start3A_440 = tpu.memref_slice %arg13[%dma_start3A_437, %dma_start3A_438, %dma_start3A_439] : memref<32x8x128xi32, #tpu.memory_space<vmem>> -> memref<1x8x128xi32, #tpu.memory_space<vmem>>
    %dma_start3A_441 = tpu.memref_reshape %arg4 : memref<5000x5000xi32, #tpu.memory_space<hbm>> -> memref<625x8x5000xi32, #tpu.memory_space<hbm>>
    %dma_start3A_442 = arith.constant 0 : i32
    %dma_start3A_443 = tpu.memref_slice %dma_start3A_441[%shift_right_arithmetic3A_426, %dma_start3A_442, %multiple_of3A_429] : memref<625x8x5000xi32, #tpu.memory_space<hbm>> -> memref<1x8x128xi32, #tpu.memory_space<hbm>>
    tpu.enqueue_dma source(%dma_start3A_443 : memref<1x8x128xi32, #tpu.memory_space<hbm>>) target(%dma_start3A_440 : memref<1x8x128xi32, #tpu.memory_space<vmem>>) target_semaphore(%arg17 : memref<!tpu.dma_semaphore, #tpu.memory_space<semaphore_mem>>)
    %slice3A_444 = vector.extract_strided_slice %get3A_299 {offsets = [7], sizes = [1], strides = [1]} : vector<16xi32> to vector<1xi32>
    %squeeze3A_445 = vector.extract %slice3A_444[0] : i32 from vector<1xi32>
    %shift_right_arithmetic3A_446 = arith.constant 13 : i32
    %shift_right_arithmetic3A_447 = arith.shrsi %squeeze3A_445, %shift_right_arithmetic3A_446 : i32
    %and3A_448 = arith.constant 8191 : i32
    %and3A_449 = arith.andi %squeeze3A_445, %and3A_448 : i32
    %multiple_of3A_450 = tpu.assume_multiple %and3A_449, 128 : i32
    %dma_start3A_451 = arith.constant 7 : i32
    %dma_start3A_452 = arith.constant 0 : i32
    %dma_start3A_453 = arith.constant 0 : i32
    %dma_start3A_454 = tpu.memref_slice %arg13[%dma_start3A_451, %dma_start3A_452, %dma_start3A_453] : memref<32x8x128xi32, #tpu.memory_space<vmem>> -> memref<1x8x128xi32, #tpu.memory_space<vmem>>
    %dma_start3A_455 = tpu.memref_reshape %arg4 : memref<5000x5000xi32, #tpu.memory_space<hbm>> -> memref<625x8x5000xi32, #tpu.memory_space<hbm>>
    %dma_start3A_456 = arith.constant 0 : i32
    %dma_start3A_457 = tpu.memref_slice %dma_start3A_455[%shift_right_arithmetic3A_447, %dma_start3A_456, %multiple_of3A_450] : memref<625x8x5000xi32, #tpu.memory_space<hbm>> -> memref<1x8x128xi32, #tpu.memory_space<hbm>>
    %dma_start3A_458 = arith.constant 7 : i32
    %dma_start3A_459 = arith.constant 0 : i32
    %dma_start3A_460 = arith.constant 0 : i32
    %dma_start3A_461 = tpu.memref_slice %arg13[%dma_start3A_458, %dma_start3A_459, %dma_start3A_460] : memref<32x8x128xi32, #tpu.memory_space<vmem>> -> memref<1x8x128xi32, #tpu.memory_space<vmem>>
    %dma_start3A_462 = tpu.memref_reshape %arg4 : memref<5000x5000xi32, #tpu.memory_space<hbm>> -> memref<625x8x5000xi32, #tpu.memory_space<hbm>>
    %dma_start3A_463 = arith.constant 0 : i32
    %dma_start3A_464 = tpu.memref_slice %dma_start3A_462[%shift_right_arithmetic3A_447, %dma_start3A_463, %multiple_of3A_450] : memref<625x8x5000xi32, #tpu.memory_space<hbm>> -> memref<1x8x128xi32, #tpu.memory_space<hbm>>
    tpu.enqueue_dma source(%dma_start3A_464 : memref<1x8x128xi32, #tpu.memory_space<hbm>>) target(%dma_start3A_461 : memref<1x8x128xi32, #tpu.memory_space<vmem>>) target_semaphore(%arg17 : memref<!tpu.dma_semaphore, #tpu.memory_space<semaphore_mem>>)
    %slice3A_465 = vector.extract_strided_slice %get3A_299 {offsets = [8], sizes = [1], strides = [1]} : vector<16xi32> to vector<1xi32>
    %squeeze3A_466 = vector.extract %slice3A_465[0] : i32 from vector<1xi32>
    %shift_right_arithmetic3A_467 = arith.constant 13 : i32
    %shift_right_arithmetic3A_468 = arith.shrsi %squeeze3A_466, %shift_right_arithmetic3A_467 : i32
    %and3A_469 = arith.constant 8191 : i32
    %and3A_470 = arith.andi %squeeze3A_466, %and3A_469 : i32
    %multiple_of3A_471 = tpu.assume_multiple %and3A_470, 128 : i32
    %dma_start3A_472 = arith.constant 8 : i32
    %dma_start3A_473 = arith.constant 0 : i32
    %dma_start3A_474 = arith.constant 0 : i32
    %dma_start3A_475 = tpu.memref_slice %arg13[%dma_start3A_472, %dma_start3A_473, %dma_start3A_474] : memref<32x8x128xi32, #tpu.memory_space<vmem>> -> memref<1x8x128xi32, #tpu.memory_space<vmem>>
    %dma_start3A_476 = tpu.memref_reshape %arg4 : memref<5000x5000xi32, #tpu.memory_space<hbm>> -> memref<625x8x5000xi32, #tpu.memory_space<hbm>>
    %dma_start3A_477 = arith.constant 0 : i32
    %dma_start3A_478 = tpu.memref_slice %dma_start3A_476[%shift_right_arithmetic3A_468, %dma_start3A_477, %multiple_of3A_471] : memref<625x8x5000xi32, #tpu.memory_space<hbm>> -> memref<1x8x128xi32, #tpu.memory_space<hbm>>
    %dma_start3A_479 = arith.constant 8 : i32
    %dma_start3A_480 = arith.constant 0 : i32
    %dma_start3A_481 = arith.constant 0 : i32
    %dma_start3A_482 = tpu.memref_slice %arg13[%dma_start3A_479, %dma_start3A_480, %dma_start3A_481] : memref<32x8x128xi32, #tpu.memory_space<vmem>> -> memref<1x8x128xi32, #tpu.memory_space<vmem>>
    %dma_start3A_483 = tpu.memref_reshape %arg4 : memref<5000x5000xi32, #tpu.memory_space<hbm>> -> memref<625x8x5000xi32, #tpu.memory_space<hbm>>
    %dma_start3A_484 = arith.constant 0 : i32
    %dma_start3A_485 = tpu.memref_slice %dma_start3A_483[%shift_right_arithmetic3A_468, %dma_start3A_484, %multiple_of3A_471] : memref<625x8x5000xi32, #tpu.memory_space<hbm>> -> memref<1x8x128xi32, #tpu.memory_space<hbm>>
    tpu.enqueue_dma source(%dma_start3A_485 : memref<1x8x128xi32, #tpu.memory_space<hbm>>) target(%dma_start3A_482 : memref<1x8x128xi32, #tpu.memory_space<vmem>>) target_semaphore(%arg17 : memref<!tpu.dma_semaphore, #tpu.memory_space<semaphore_mem>>)
    %slice3A_486 = vector.extract_strided_slice %get3A_299 {offsets = [9], sizes = [1], strides = [1]} : vector<16xi32> to vector<1xi32>
    %squeeze3A_487 = vector.extract %slice3A_486[0] : i32 from vector<1xi32>
    %shift_right_arithmetic3A_488 = arith.constant 13 : i32
    %shift_right_arithmetic3A_489 = arith.shrsi %squeeze3A_487, %shift_right_arithmetic3A_488 : i32
    %and3A_490 = arith.constant 8191 : i32
    %and3A_491 = arith.andi %squeeze3A_487, %and3A_490 : i32
    %multiple_of3A_492 = tpu.assume_multiple %and3A_491, 128 : i32
    %dma_start3A_493 = arith.constant 9 : i32
    %dma_start3A_494 = arith.constant 0 : i32
    %dma_start3A_495 = arith.constant 0 : i32
    %dma_start3A_496 = tpu.memref_slice %arg13[%dma_start3A_493, %dma_start3A_494, %dma_start3A_495] : memref<32x8x128xi32, #tpu.memory_space<vmem>> -> memref<1x8x128xi32, #tpu.memory_space<vmem>>
    %dma_start3A_497 = tpu.memref_reshape %arg4 : memref<5000x5000xi32, #tpu.memory_space<hbm>> -> memref<625x8x5000xi32, #tpu.memory_space<hbm>>
    %dma_start3A_498 = arith.constant 0 : i32
    %dma_start3A_499 = tpu.memref_slice %dma_start3A_497[%shift_right_arithmetic3A_489, %dma_start3A_498, %multiple_of3A_492] : memref<625x8x5000xi32, #tpu.memory_space<hbm>> -> memref<1x8x128xi32, #tpu.memory_space<hbm>>
    %dma_start3A_500 = arith.constant 9 : i32
    %dma_start3A_501 = arith.constant 0 : i32
    %dma_start3A_502 = arith.constant 0 : i32
    %dma_start3A_503 = tpu.memref_slice %arg13[%dma_start3A_500, %dma_start3A_501, %dma_start3A_502] : memref<32x8x128xi32, #tpu.memory_space<vmem>> -> memref<1x8x128xi32, #tpu.memory_space<vmem>>
    %dma_start3A_504 = tpu.memref_reshape %arg4 : memref<5000x5000xi32, #tpu.memory_space<hbm>> -> memref<625x8x5000xi32, #tpu.memory_space<hbm>>
    %dma_start3A_505 = arith.constant 0 : i32
    %dma_start3A_506 = tpu.memref_slice %dma_start3A_504[%shift_right_arithmetic3A_489, %dma_start3A_505, %multiple_of3A_492] : memref<625x8x5000xi32, #tpu.memory_space<hbm>> -> memref<1x8x128xi32, #tpu.memory_space<hbm>>
    tpu.enqueue_dma source(%dma_start3A_506 : memref<1x8x128xi32, #tpu.memory_space<hbm>>) target(%dma_start3A_503 : memref<1x8x128xi32, #tpu.memory_space<vmem>>) target_semaphore(%arg17 : memref<!tpu.dma_semaphore, #tpu.memory_space<semaphore_mem>>)
    %slice3A_507 = vector.extract_strided_slice %get3A_299 {offsets = [10], sizes = [1], strides = [1]} : vector<16xi32> to vector<1xi32>
    %squeeze3A_508 = vector.extract %slice3A_507[0] : i32 from vector<1xi32>
    %shift_right_arithmetic3A_509 = arith.constant 13 : i32
    %shift_right_arithmetic3A_510 = arith.shrsi %squeeze3A_508, %shift_right_arithmetic3A_509 : i32
    %and3A_511 = arith.constant 8191 : i32
    %and3A_512 = arith.andi %squeeze3A_508, %and3A_511 : i32
    %multiple_of3A_513 = tpu.assume_multiple %and3A_512, 128 : i32
    %dma_start3A_514 = arith.constant 10 : i32
    %dma_start3A_515 = arith.constant 0 : i32
    %dma_start3A_516 = arith.constant 0 : i32
    %dma_start3A_517 = tpu.memref_slice %arg13[%dma_start3A_514, %dma_start3A_515, %dma_start3A_516] : memref<32x8x128xi32, #tpu.memory_space<vmem>> -> memref<1x8x128xi32, #tpu.memory_space<vmem>>
    %dma_start3A_518 = tpu.memref_reshape %arg4 : memref<5000x5000xi32, #tpu.memory_space<hbm>> -> memref<625x8x5000xi32, #tpu.memory_space<hbm>>
    %dma_start3A_519 = arith.constant 0 : i32
    %dma_start3A_520 = tpu.memref_slice %dma_start3A_518[%shift_right_arithmetic3A_510, %dma_start3A_519, %multiple_of3A_513] : memref<625x8x5000xi32, #tpu.memory_space<hbm>> -> memref<1x8x128xi32, #tpu.memory_space<hbm>>
    %dma_start3A_521 = arith.constant 10 : i32
    %dma_start3A_522 = arith.constant 0 : i32
    %dma_start3A_523 = arith.constant 0 : i32
    %dma_start3A_524 = tpu.memref_slice %arg13[%dma_start3A_521, %dma_start3A_522, %dma_start3A_523] : memref<32x8x128xi32, #tpu.memory_space<vmem>> -> memref<1x8x128xi32, #tpu.memory_space<vmem>>
    %dma_start3A_525 = tpu.memref_reshape %arg4 : memref<5000x5000xi32, #tpu.memory_space<hbm>> -> memref<625x8x5000xi32, #tpu.memory_space<hbm>>
    %dma_start3A_526 = arith.constant 0 : i32
    %dma_start3A_527 = tpu.memref_slice %dma_start3A_525[%shift_right_arithmetic3A_510, %dma_start3A_526, %multiple_of3A_513] : memref<625x8x5000xi32, #tpu.memory_space<hbm>> -> memref<1x8x128xi32, #tpu.memory_space<hbm>>
    tpu.enqueue_dma source(%dma_start3A_527 : memref<1x8x128xi32, #tpu.memory_space<hbm>>) target(%dma_start3A_524 : memref<1x8x128xi32, #tpu.memory_space<vmem>>) target_semaphore(%arg17 : memref<!tpu.dma_semaphore, #tpu.memory_space<semaphore_mem>>)
    %slice3A_528 = vector.extract_strided_slice %get3A_299 {offsets = [11], sizes = [1], strides = [1]} : vector<16xi32> to vector<1xi32>
    %squeeze3A_529 = vector.extract %slice3A_528[0] : i32 from vector<1xi32>
    %shift_right_arithmetic3A_530 = arith.constant 13 : i32
    %shift_right_arithmetic3A_531 = arith.shrsi %squeeze3A_529, %shift_right_arithmetic3A_530 : i32
    %and3A_532 = arith.constant 8191 : i32
    %and3A_533 = arith.andi %squeeze3A_529, %and3A_532 : i32
    %multiple_of3A_534 = tpu.assume_multiple %and3A_533, 128 : i32
    %dma_start3A_535 = arith.constant 11 : i32
    %dma_start3A_536 = arith.constant 0 : i32
    %dma_start3A_537 = arith.constant 0 : i32
    %dma_start3A_538 = tpu.memref_slice %arg13[%dma_start3A_535, %dma_start3A_536, %dma_start3A_537] : memref<32x8x128xi32, #tpu.memory_space<vmem>> -> memref<1x8x128xi32, #tpu.memory_space<vmem>>
    %dma_start3A_539 = tpu.memref_reshape %arg4 : memref<5000x5000xi32, #tpu.memory_space<hbm>> -> memref<625x8x5000xi32, #tpu.memory_space<hbm>>
    %dma_start3A_540 = arith.constant 0 : i32
    %dma_start3A_541 = tpu.memref_slice %dma_start3A_539[%shift_right_arithmetic3A_531, %dma_start3A_540, %multiple_of3A_534] : memref<625x8x5000xi32, #tpu.memory_space<hbm>> -> memref<1x8x128xi32, #tpu.memory_space<hbm>>
    %dma_start3A_542 = arith.constant 11 : i32
    %dma_start3A_543 = arith.constant 0 : i32
    %dma_start3A_544 = arith.constant 0 : i32
    %dma_start3A_545 = tpu.memref_slice %arg13[%dma_start3A_542, %dma_start3A_543, %dma_start3A_544] : memref<32x8x128xi32, #tpu.memory_space<vmem>> -> memref<1x8x128xi32, #tpu.memory_space<vmem>>
    %dma_start3A_546 = tpu.memref_reshape %arg4 : memref<5000x5000xi32, #tpu.memory_space<hbm>> -> memref<625x8x5000xi32, #tpu.memory_space<hbm>>
    %dma_start3A_547 = arith.constant 0 : i32
    %dma_start3A_548 = tpu.memref_slice %dma_start3A_546[%shift_right_arithmetic3A_531, %dma_start3A_547, %multiple_of3A_534] : memref<625x8x5000xi32, #tpu.memory_space<hbm>> -> memref<1x8x128xi32, #tpu.memory_space<hbm>>
    tpu.enqueue_dma source(%dma_start3A_548 : memref<1x8x128xi32, #tpu.memory_space<hbm>>) target(%dma_start3A_545 : memref<1x8x128xi32, #tpu.memory_space<vmem>>) target_semaphore(%arg17 : memref<!tpu.dma_semaphore, #tpu.memory_space<semaphore_mem>>)
    %slice3A_549 = vector.extract_strided_slice %get3A_299 {offsets = [12], sizes = [1], strides = [1]} : vector<16xi32> to vector<1xi32>
    %squeeze3A_550 = vector.extract %slice3A_549[0] : i32 from vector<1xi32>
    %shift_right_arithmetic3A_551 = arith.constant 13 : i32
    %shift_right_arithmetic3A_552 = arith.shrsi %squeeze3A_550, %shift_right_arithmetic3A_551 : i32
    %and3A_553 = arith.constant 8191 : i32
    %and3A_554 = arith.andi %squeeze3A_550, %and3A_553 : i32
    %multiple_of3A_555 = tpu.assume_multiple %and3A_554, 128 : i32
    %dma_start3A_556 = arith.constant 12 : i32
    %dma_start3A_557 = arith.constant 0 : i32
    %dma_start3A_558 = arith.constant 0 : i32
    %dma_start3A_559 = tpu.memref_slice %arg13[%dma_start3A_556, %dma_start3A_557, %dma_start3A_558] : memref<32x8x128xi32, #tpu.memory_space<vmem>> -> memref<1x8x128xi32, #tpu.memory_space<vmem>>
    %dma_start3A_560 = tpu.memref_reshape %arg4 : memref<5000x5000xi32, #tpu.memory_space<hbm>> -> memref<625x8x5000xi32, #tpu.memory_space<hbm>>
    %dma_start3A_561 = arith.constant 0 : i32
    %dma_start3A_562 = tpu.memref_slice %dma_start3A_560[%shift_right_arithmetic3A_552, %dma_start3A_561, %multiple_of3A_555] : memref<625x8x5000xi32, #tpu.memory_space<hbm>> -> memref<1x8x128xi32, #tpu.memory_space<hbm>>
    %dma_start3A_563 = arith.constant 12 : i32
    %dma_start3A_564 = arith.constant 0 : i32
    %dma_start3A_565 = arith.constant 0 : i32
    %dma_start3A_566 = tpu.memref_slice %arg13[%dma_start3A_563, %dma_start3A_564, %dma_start3A_565] : memref<32x8x128xi32, #tpu.memory_space<vmem>> -> memref<1x8x128xi32, #tpu.memory_space<vmem>>
    %dma_start3A_567 = tpu.memref_reshape %arg4 : memref<5000x5000xi32, #tpu.memory_space<hbm>> -> memref<625x8x5000xi32, #tpu.memory_space<hbm>>
    %dma_start3A_568 = arith.constant 0 : i32
    %dma_start3A_569 = tpu.memref_slice %dma_start3A_567[%shift_right_arithmetic3A_552, %dma_start3A_568, %multiple_of3A_555] : memref<625x8x5000xi32, #tpu.memory_space<hbm>> -> memref<1x8x128xi32, #tpu.memory_space<hbm>>
    tpu.enqueue_dma source(%dma_start3A_569 : memref<1x8x128xi32, #tpu.memory_space<hbm>>) target(%dma_start3A_566 : memref<1x8x128xi32, #tpu.memory_space<vmem>>) target_semaphore(%arg17 : memref<!tpu.dma_semaphore, #tpu.memory_space<semaphore_mem>>)
    %slice3A_570 = vector.extract_strided_slice %get3A_299 {offsets = [13], sizes = [1], strides = [1]} : vector<16xi32> to vector<1xi32>
    %squeeze3A_571 = vector.extract %slice3A_570[0] : i32 from vector<1xi32>
    %shift_right_arithmetic3A_572 = arith.constant 13 : i32
    %shift_right_arithmetic3A_573 = arith.shrsi %squeeze3A_571, %shift_right_arithmetic3A_572 : i32
    %and3A_574 = arith.constant 8191 : i32
    %and3A_575 = arith.andi %squeeze3A_571, %and3A_574 : i32
    %multiple_of3A_576 = tpu.assume_multiple %and3A_575, 128 : i32
    %dma_start3A_577 = arith.constant 13 : i32
    %dma_start3A_578 = arith.constant 0 : i32
    %dma_start3A_579 = arith.constant 0 : i32
    %dma_start3A_580 = tpu.memref_slice %arg13[%dma_start3A_577, %dma_start3A_578, %dma_start3A_579] : memref<32x8x128xi32, #tpu.memory_space<vmem>> -> memref<1x8x128xi32, #tpu.memory_space<vmem>>
    %dma_start3A_581 = tpu.memref_reshape %arg4 : memref<5000x5000xi32, #tpu.memory_space<hbm>> -> memref<625x8x5000xi32, #tpu.memory_space<hbm>>
    %dma_start3A_582 = arith.constant 0 : i32
    %dma_start3A_583 = tpu.memref_slice %dma_start3A_581[%shift_right_arithmetic3A_573, %dma_start3A_582, %multiple_of3A_576] : memref<625x8x5000xi32, #tpu.memory_space<hbm>> -> memref<1x8x128xi32, #tpu.memory_space<hbm>>
    %dma_start3A_584 = arith.constant 13 : i32
    %dma_start3A_585 = arith.constant 0 : i32
    %dma_start3A_586 = arith.constant 0 : i32
    %dma_start3A_587 = tpu.memref_slice %arg13[%dma_start3A_584, %dma_start3A_585, %dma_start3A_586] : memref<32x8x128xi32, #tpu.memory_space<vmem>> -> memref<1x8x128xi32, #tpu.memory_space<vmem>>
    %dma_start3A_588 = tpu.memref_reshape %arg4 : memref<5000x5000xi32, #tpu.memory_space<hbm>> -> memref<625x8x5000xi32, #tpu.memory_space<hbm>>
    %dma_start3A_589 = arith.constant 0 : i32
    %dma_start3A_590 = tpu.memref_slice %dma_start3A_588[%shift_right_arithmetic3A_573, %dma_start3A_589, %multiple_of3A_576] : memref<625x8x5000xi32, #tpu.memory_space<hbm>> -> memref<1x8x128xi32, #tpu.memory_space<hbm>>
    tpu.enqueue_dma source(%dma_start3A_590 : memref<1x8x128xi32, #tpu.memory_space<hbm>>) target(%dma_start3A_587 : memref<1x8x128xi32, #tpu.memory_space<vmem>>) target_semaphore(%arg17 : memref<!tpu.dma_semaphore, #tpu.memory_space<semaphore_mem>>)
    %slice3A_591 = vector.extract_strided_slice %get3A_299 {offsets = [14], sizes = [1], strides = [1]} : vector<16xi32> to vector<1xi32>
    %squeeze3A_592 = vector.extract %slice3A_591[0] : i32 from vector<1xi32>
    %shift_right_arithmetic3A_593 = arith.constant 13 : i32
    %shift_right_arithmetic3A_594 = arith.shrsi %squeeze3A_592, %shift_right_arithmetic3A_593 : i32
    %and3A_595 = arith.constant 8191 : i32
    %and3A_596 = arith.andi %squeeze3A_592, %and3A_595 : i32
    %multiple_of3A_597 = tpu.assume_multiple %and3A_596, 128 : i32
    %dma_start3A_598 = arith.constant 14 : i32
    %dma_start3A_599 = arith.constant 0 : i32
    %dma_start3A_600 = arith.constant 0 : i32
    %dma_start3A_601 = tpu.memref_slice %arg13[%dma_start3A_598, %dma_start3A_599, %dma_start3A_600] : memref<32x8x128xi32, #tpu.memory_space<vmem>> -> memref<1x8x128xi32, #tpu.memory_space<vmem>>
    %dma_start3A_602 = tpu.memref_reshape %arg4 : memref<5000x5000xi32, #tpu.memory_space<hbm>> -> memref<625x8x5000xi32, #tpu.memory_space<hbm>>
    %dma_start3A_603 = arith.constant 0 : i32
    %dma_start3A_604 = tpu.memref_slice %dma_start3A_602[%shift_right_arithmetic3A_594, %dma_start3A_603, %multiple_of3A_597] : memref<625x8x5000xi32, #tpu.memory_space<hbm>> -> memref<1x8x128xi32, #tpu.memory_space<hbm>>
    %dma_start3A_605 = arith.constant 14 : i32
    %dma_start3A_606 = arith.constant 0 : i32
    %dma_start3A_607 = arith.constant 0 : i32
    %dma_start3A_608 = tpu.memref_slice %arg13[%dma_start3A_605, %dma_start3A_606, %dma_start3A_607] : memref<32x8x128xi32, #tpu.memory_space<vmem>> -> memref<1x8x128xi32, #tpu.memory_space<vmem>>
    %dma_start3A_609 = tpu.memref_reshape %arg4 : memref<5000x5000xi32, #tpu.memory_space<hbm>> -> memref<625x8x5000xi32, #tpu.memory_space<hbm>>
    %dma_start3A_610 = arith.constant 0 : i32
    %dma_start3A_611 = tpu.memref_slice %dma_start3A_609[%shift_right_arithmetic3A_594, %dma_start3A_610, %multiple_of3A_597] : memref<625x8x5000xi32, #tpu.memory_space<hbm>> -> memref<1x8x128xi32, #tpu.memory_space<hbm>>
    tpu.enqueue_dma source(%dma_start3A_611 : memref<1x8x128xi32, #tpu.memory_space<hbm>>) target(%dma_start3A_608 : memref<1x8x128xi32, #tpu.memory_space<vmem>>) target_semaphore(%arg17 : memref<!tpu.dma_semaphore, #tpu.memory_space<semaphore_mem>>)
    %slice3A_612 = vector.extract_strided_slice %get3A_299 {offsets = [15], sizes = [1], strides = [1]} : vector<16xi32> to vector<1xi32>
    %squeeze3A_613 = vector.extract %slice3A_612[0] : i32 from vector<1xi32>
    %shift_right_arithmetic3A_614 = arith.constant 13 : i32
    %shift_right_arithmetic3A_615 = arith.shrsi %squeeze3A_613, %shift_right_arithmetic3A_614 : i32
    %and3A_616 = arith.constant 8191 : i32
    %and3A_617 = arith.andi %squeeze3A_613, %and3A_616 : i32
    %multiple_of3A_618 = tpu.assume_multiple %and3A_617, 128 : i32
    %dma_start3A_619 = arith.constant 15 : i32
    %dma_start3A_620 = arith.constant 0 : i32
    %dma_start3A_621 = arith.constant 0 : i32
    %dma_start3A_622 = tpu.memref_slice %arg13[%dma_start3A_619, %dma_start3A_620, %dma_start3A_621] : memref<32x8x128xi32, #tpu.memory_space<vmem>> -> memref<1x8x128xi32, #tpu.memory_space<vmem>>
    %dma_start3A_623 = tpu.memref_reshape %arg4 : memref<5000x5000xi32, #tpu.memory_space<hbm>> -> memref<625x8x5000xi32, #tpu.memory_space<hbm>>
    %dma_start3A_624 = arith.constant 0 : i32
    %dma_start3A_625 = tpu.memref_slice %dma_start3A_623[%shift_right_arithmetic3A_615, %dma_start3A_624, %multiple_of3A_618] : memref<625x8x5000xi32, #tpu.memory_space<hbm>> -> memref<1x8x128xi32, #tpu.memory_space<hbm>>
    %dma_start3A_626 = arith.constant 15 : i32
    %dma_start3A_627 = arith.constant 0 : i32
    %dma_start3A_628 = arith.constant 0 : i32
    %dma_start3A_629 = tpu.memref_slice %arg13[%dma_start3A_626, %dma_start3A_627, %dma_start3A_628] : memref<32x8x128xi32, #tpu.memory_space<vmem>> -> memref<1x8x128xi32, #tpu.memory_space<vmem>>
    %dma_start3A_630 = tpu.memref_reshape %arg4 : memref<5000x5000xi32, #tpu.memory_space<hbm>> -> memref<625x8x5000xi32, #tpu.memory_space<hbm>>
    %dma_start3A_631 = arith.constant 0 : i32
    %dma_start3A_632 = tpu.memref_slice %dma_start3A_630[%shift_right_arithmetic3A_615, %dma_start3A_631, %multiple_of3A_618] : memref<625x8x5000xi32, #tpu.memory_space<hbm>> -> memref<1x8x128xi32, #tpu.memory_space<hbm>>
    tpu.enqueue_dma source(%dma_start3A_632 : memref<1x8x128xi32, #tpu.memory_space<hbm>>) target(%dma_start3A_629 : memref<1x8x128xi32, #tpu.memory_space<vmem>>) target_semaphore(%arg17 : memref<!tpu.dma_semaphore, #tpu.memory_space<semaphore_mem>>)
    %get3A_633 = arith.constant 16 : index
    %get3A_634 = tpu.vector_load %arg10[%get3A_633] {strides = array<i32>} : memref<144xi32, #tpu.memory_space<vmem>>, vector<16xi32>,
    %slice3A_635 = vector.extract_strided_slice %get3A_634 {offsets = [0], sizes = [1], strides = [1]} : vector<16xi32> to vector<1xi32>
    %squeeze3A_636 = vector.extract %slice3A_635[0] : i32 from vector<1xi32>
    %shift_right_arithmetic3A_637 = arith.constant 13 : i32
    %shift_right_arithmetic3A_638 = arith.shrsi %squeeze3A_636, %shift_right_arithmetic3A_637 : i32
    %and3A_639 = arith.constant 8191 : i32
    %and3A_640 = arith.andi %squeeze3A_636, %and3A_639 : i32
    %multiple_of3A_641 = tpu.assume_multiple %and3A_640, 128 : i32
    %dma_start3A_642 = arith.constant 16 : i32
    %dma_start3A_643 = arith.constant 0 : i32
    %dma_start3A_644 = arith.constant 0 : i32
    %dma_start3A_645 = tpu.memref_slice %arg13[%dma_start3A_642, %dma_start3A_643, %dma_start3A_644] : memref<32x8x128xi32, #tpu.memory_space<vmem>> -> memref<1x8x128xi32, #tpu.memory_space<vmem>>
    %dma_start3A_646 = tpu.memref_reshape %arg4 : memref<5000x5000xi32, #tpu.memory_space<hbm>> -> memref<625x8x5000xi32, #tpu.memory_space<hbm>>
    %dma_start3A_647 = arith.constant 0 : i32
    %dma_start3A_648 = tpu.memref_slice %dma_start3A_646[%shift_right_arithmetic3A_638, %dma_start3A_647, %multiple_of3A_641] : memref<625x8x5000xi32, #tpu.memory_space<hbm>> -> memref<1x8x128xi32, #tpu.memory_space<hbm>>
    %dma_start3A_649 = arith.constant 16 : i32
    %dma_start3A_650 = arith.constant 0 : i32
    %dma_start3A_651 = arith.constant 0 : i32
    %dma_start3A_652 = tpu.memref_slice %arg13[%dma_start3A_649, %dma_start3A_650, %dma_start3A_651] : memref<32x8x128xi32, #tpu.memory_space<vmem>> -> memref<1x8x128xi32, #tpu.memory_space<vmem>>
    %dma_start3A_653 = tpu.memref_reshape %arg4 : memref<5000x5000xi32, #tpu.memory_space<hbm>> -> memref<625x8x5000xi32, #tpu.memory_space<hbm>>
    %dma_start3A_654 = arith.constant 0 : i32
    %dma_start3A_655 = tpu.memref_slice %dma_start3A_653[%shift_right_arithmetic3A_638, %dma_start3A_654, %multiple_of3A_641] : memref<625x8x5000xi32, #tpu.memory_space<hbm>> -> memref<1x8x128xi32, #tpu.memory_space<hbm>>
    tpu.enqueue_dma source(%dma_start3A_655 : memref<1x8x128xi32, #tpu.memory_space<hbm>>) target(%dma_start3A_652 : memref<1x8x128xi32, #tpu.memory_space<vmem>>) target_semaphore(%arg17 : memref<!tpu.dma_semaphore, #tpu.memory_space<semaphore_mem>>)
    %slice3A_656 = vector.extract_strided_slice %get3A_634 {offsets = [1], sizes = [1], strides = [1]} : vector<16xi32> to vector<1xi32>
    %squeeze3A_657 = vector.extract %slice3A_656[0] : i32 from vector<1xi32>
    %shift_right_arithmetic3A_658 = arith.constant 13 : i32
    %shift_right_arithmetic3A_659 = arith.shrsi %squeeze3A_657, %shift_right_arithmetic3A_658 : i32
    %and3A_660 = arith.constant 8191 : i32
    %and3A_661 = arith.andi %squeeze3A_657, %and3A_660 : i32
    %multiple_of3A_662 = tpu.assume_multiple %and3A_661, 128 : i32
    %dma_start3A_663 = arith.constant 17 : i32
    %dma_start3A_664 = arith.constant 0 : i32
    %dma_start3A_665 = arith.constant 0 : i32
    %dma_start3A_666 = tpu.memref_slice %arg13[%dma_start3A_663, %dma_start3A_664, %dma_start3A_665] : memref<32x8x128xi32, #tpu.memory_space<vmem>> -> memref<1x8x128xi32, #tpu.memory_space<vmem>>
    %dma_start3A_667 = tpu.memref_reshape %arg4 : memref<5000x5000xi32, #tpu.memory_space<hbm>> -> memref<625x8x5000xi32, #tpu.memory_space<hbm>>
    %dma_start3A_668 = arith.constant 0 : i32
    %dma_start3A_669 = tpu.memref_slice %dma_start3A_667[%shift_right_arithmetic3A_659, %dma_start3A_668, %multiple_of3A_662] : memref<625x8x5000xi32, #tpu.memory_space<hbm>> -> memref<1x8x128xi32, #tpu.memory_space<hbm>>
    %dma_start3A_670 = arith.constant 17 : i32
    %dma_start3A_671 = arith.constant 0 : i32
    %dma_start3A_672 = arith.constant 0 : i32
    %dma_start3A_673 = tpu.memref_slice %arg13[%dma_start3A_670, %dma_start3A_671, %dma_start3A_672] : memref<32x8x128xi32, #tpu.memory_space<vmem>> -> memref<1x8x128xi32, #tpu.memory_space<vmem>>
    %dma_start3A_674 = tpu.memref_reshape %arg4 : memref<5000x5000xi32, #tpu.memory_space<hbm>> -> memref<625x8x5000xi32, #tpu.memory_space<hbm>>
    %dma_start3A_675 = arith.constant 0 : i32
    %dma_start3A_676 = tpu.memref_slice %dma_start3A_674[%shift_right_arithmetic3A_659, %dma_start3A_675, %multiple_of3A_662] : memref<625x8x5000xi32, #tpu.memory_space<hbm>> -> memref<1x8x128xi32, #tpu.memory_space<hbm>>
    tpu.enqueue_dma source(%dma_start3A_676 : memref<1x8x128xi32, #tpu.memory_space<hbm>>) target(%dma_start3A_673 : memref<1x8x128xi32, #tpu.memory_space<vmem>>) target_semaphore(%arg17 : memref<!tpu.dma_semaphore, #tpu.memory_space<semaphore_mem>>)
    %slice3A_677 = vector.extract_strided_slice %get3A_634 {offsets = [2], sizes = [1], strides = [1]} : vector<16xi32> to vector<1xi32>
    %squeeze3A_678 = vector.extract %slice3A_677[0] : i32 from vector<1xi32>
    %shift_right_arithmetic3A_679 = arith.constant 13 : i32
    %shift_right_arithmetic3A_680 = arith.shrsi %squeeze3A_678, %shift_right_arithmetic3A_679 : i32
    %and3A_681 = arith.constant 8191 : i32
    %and3A_682 = arith.andi %squeeze3A_678, %and3A_681 : i32
    %multiple_of3A_683 = tpu.assume_multiple %and3A_682, 128 : i32
    %dma_start3A_684 = arith.constant 18 : i32
    %dma_start3A_685 = arith.constant 0 : i32
    %dma_start3A_686 = arith.constant 0 : i32
    %dma_start3A_687 = tpu.memref_slice %arg13[%dma_start3A_684, %dma_start3A_685, %dma_start3A_686] : memref<32x8x128xi32, #tpu.memory_space<vmem>> -> memref<1x8x128xi32, #tpu.memory_space<vmem>>
    %dma_start3A_688 = tpu.memref_reshape %arg4 : memref<5000x5000xi32, #tpu.memory_space<hbm>> -> memref<625x8x5000xi32, #tpu.memory_space<hbm>>
    %dma_start3A_689 = arith.constant 0 : i32
    %dma_start3A_690 = tpu.memref_slice %dma_start3A_688[%shift_right_arithmetic3A_680, %dma_start3A_689, %multiple_of3A_683] : memref<625x8x5000xi32, #tpu.memory_space<hbm>> -> memref<1x8x128xi32, #tpu.memory_space<hbm>>
    %dma_start3A_691 = arith.constant 18 : i32
    %dma_start3A_692 = arith.constant 0 : i32
    %dma_start3A_693 = arith.constant 0 : i32
    %dma_start3A_694 = tpu.memref_slice %arg13[%dma_start3A_691, %dma_start3A_692, %dma_start3A_693] : memref<32x8x128xi32, #tpu.memory_space<vmem>> -> memref<1x8x128xi32, #tpu.memory_space<vmem>>
    %dma_start3A_695 = tpu.memref_reshape %arg4 : memref<5000x5000xi32, #tpu.memory_space<hbm>> -> memref<625x8x5000xi32, #tpu.memory_space<hbm>>
    %dma_start3A_696 = arith.constant 0 : i32
    %dma_start3A_697 = tpu.memref_slice %dma_start3A_695[%shift_right_arithmetic3A_680, %dma_start3A_696, %multiple_of3A_683] : memref<625x8x5000xi32, #tpu.memory_space<hbm>> -> memref<1x8x128xi32, #tpu.memory_space<hbm>>
    tpu.enqueue_dma source(%dma_start3A_697 : memref<1x8x128xi32, #tpu.memory_space<hbm>>) target(%dma_start3A_694 : memref<1x8x128xi32, #tpu.memory_space<vmem>>) target_semaphore(%arg17 : memref<!tpu.dma_semaphore, #tpu.memory_space<semaphore_mem>>)
    %slice3A_698 = vector.extract_strided_slice %get3A_634 {offsets = [3], sizes = [1], strides = [1]} : vector<16xi32> to vector<1xi32>
    %squeeze3A_699 = vector.extract %slice3A_698[0] : i32 from vector<1xi32>
    %shift_right_arithmetic3A_700 = arith.constant 13 : i32
    %shift_right_arithmetic3A_701 = arith.shrsi %squeeze3A_699, %shift_right_arithmetic3A_700 : i32
    %and3A_702 = arith.constant 8191 : i32
    %and3A_703 = arith.andi %squeeze3A_699, %and3A_702 : i32
    %multiple_of3A_704 = tpu.assume_multiple %and3A_703, 128 : i32
    %dma_start3A_705 = arith.constant 19 : i32
    %dma_start3A_706 = arith.constant 0 : i32
    %dma_start3A_707 = arith.constant 0 : i32
    %dma_start3A_708 = tpu.memref_slice %arg13[%dma_start3A_705, %dma_start3A_706, %dma_start3A_707] : memref<32x8x128xi32, #tpu.memory_space<vmem>> -> memref<1x8x128xi32, #tpu.memory_space<vmem>>
    %dma_start3A_709 = tpu.memref_reshape %arg4 : memref<5000x5000xi32, #tpu.memory_space<hbm>> -> memref<625x8x5000xi32, #tpu.memory_space<hbm>>
    %dma_start3A_710 = arith.constant 0 : i32
    %dma_start3A_711 = tpu.memref_slice %dma_start3A_709[%shift_right_arithmetic3A_701, %dma_start3A_710, %multiple_of3A_704] : memref<625x8x5000xi32, #tpu.memory_space<hbm>> -> memref<1x8x128xi32, #tpu.memory_space<hbm>>
    %dma_start3A_712 = arith.constant 19 : i32
    %dma_start3A_713 = arith.constant 0 : i32
    %dma_start3A_714 = arith.constant 0 : i32
    %dma_start3A_715 = tpu.memref_slice %arg13[%dma_start3A_712, %dma_start3A_713, %dma_start3A_714] : memref<32x8x128xi32, #tpu.memory_space<vmem>> -> memref<1x8x128xi32, #tpu.memory_space<vmem>>
    %dma_start3A_716 = tpu.memref_reshape %arg4 : memref<5000x5000xi32, #tpu.memory_space<hbm>> -> memref<625x8x5000xi32, #tpu.memory_space<hbm>>
    %dma_start3A_717 = arith.constant 0 : i32
    %dma_start3A_718 = tpu.memref_slice %dma_start3A_716[%shift_right_arithmetic3A_701, %dma_start3A_717, %multiple_of3A_704] : memref<625x8x5000xi32, #tpu.memory_space<hbm>> -> memref<1x8x128xi32, #tpu.memory_space<hbm>>
    tpu.enqueue_dma source(%dma_start3A_718 : memref<1x8x128xi32, #tpu.memory_space<hbm>>) target(%dma_start3A_715 : memref<1x8x128xi32, #tpu.memory_space<vmem>>) target_semaphore(%arg17 : memref<!tpu.dma_semaphore, #tpu.memory_space<semaphore_mem>>)
    %slice3A_719 = vector.extract_strided_slice %get3A_634 {offsets = [4], sizes = [1], strides = [1]} : vector<16xi32> to vector<1xi32>
    %squeeze3A_720 = vector.extract %slice3A_719[0] : i32 from vector<1xi32>
    %shift_right_arithmetic3A_721 = arith.constant 13 : i32
    %shift_right_arithmetic3A_722 = arith.shrsi %squeeze3A_720, %shift_right_arithmetic3A_721 : i32
    %and3A_723 = arith.constant 8191 : i32
    %and3A_724 = arith.andi %squeeze3A_720, %and3A_723 : i32
    %multiple_of3A_725 = tpu.assume_multiple %and3A_724, 128 : i32
    %dma_start3A_726 = arith.constant 20 : i32
    %dma_start3A_727 = arith.constant 0 : i32
    %dma_start3A_728 = arith.constant 0 : i32
    %dma_start3A_729 = tpu.memref_slice %arg13[%dma_start3A_726, %dma_start3A_727, %dma_start3A_728] : memref<32x8x128xi32, #tpu.memory_space<vmem>> -> memref<1x8x128xi32, #tpu.memory_space<vmem>>
    %dma_start3A_730 = tpu.memref_reshape %arg4 : memref<5000x5000xi32, #tpu.memory_space<hbm>> -> memref<625x8x5000xi32, #tpu.memory_space<hbm>>
    %dma_start3A_731 = arith.constant 0 : i32
    %dma_start3A_732 = tpu.memref_slice %dma_start3A_730[%shift_right_arithmetic3A_722, %dma_start3A_731, %multiple_of3A_725] : memref<625x8x5000xi32, #tpu.memory_space<hbm>> -> memref<1x8x128xi32, #tpu.memory_space<hbm>>
    %dma_start3A_733 = arith.constant 20 : i32
    %dma_start3A_734 = arith.constant 0 : i32
    %dma_start3A_735 = arith.constant 0 : i32
    %dma_start3A_736 = tpu.memref_slice %arg13[%dma_start3A_733, %dma_start3A_734, %dma_start3A_735] : memref<32x8x128xi32, #tpu.memory_space<vmem>> -> memref<1x8x128xi32, #tpu.memory_space<vmem>>
    %dma_start3A_737 = tpu.memref_reshape %arg4 : memref<5000x5000xi32, #tpu.memory_space<hbm>> -> memref<625x8x5000xi32, #tpu.memory_space<hbm>>
    %dma_start3A_738 = arith.constant 0 : i32
    %dma_start3A_739 = tpu.memref_slice %dma_start3A_737[%shift_right_arithmetic3A_722, %dma_start3A_738, %multiple_of3A_725] : memref<625x8x5000xi32, #tpu.memory_space<hbm>> -> memref<1x8x128xi32, #tpu.memory_space<hbm>>
    tpu.enqueue_dma source(%dma_start3A_739 : memref<1x8x128xi32, #tpu.memory_space<hbm>>) target(%dma_start3A_736 : memref<1x8x128xi32, #tpu.memory_space<vmem>>) target_semaphore(%arg17 : memref<!tpu.dma_semaphore, #tpu.memory_space<semaphore_mem>>)
    %slice3A_740 = vector.extract_strided_slice %get3A_634 {offsets = [5], sizes = [1], strides = [1]} : vector<16xi32> to vector<1xi32>
    %squeeze3A_741 = vector.extract %slice3A_740[0] : i32 from vector<1xi32>
    %shift_right_arithmetic3A_742 = arith.constant 13 : i32
    %shift_right_arithmetic3A_743 = arith.shrsi %squeeze3A_741, %shift_right_arithmetic3A_742 : i32
    %and3A_744 = arith.constant 8191 : i32
    %and3A_745 = arith.andi %squeeze3A_741, %and3A_744 : i32
    %multiple_of3A_746 = tpu.assume_multiple %and3A_745, 128 : i32
    %dma_start3A_747 = arith.constant 21 : i32
    %dma_start3A_748 = arith.constant 0 : i32
    %dma_start3A_749 = arith.constant 0 : i32
    %dma_start3A_750 = tpu.memref_slice %arg13[%dma_start3A_747, %dma_start3A_748, %dma_start3A_749] : memref<32x8x128xi32, #tpu.memory_space<vmem>> -> memref<1x8x128xi32, #tpu.memory_space<vmem>>
    %dma_start3A_751 = tpu.memref_reshape %arg4 : memref<5000x5000xi32, #tpu.memory_space<hbm>> -> memref<625x8x5000xi32, #tpu.memory_space<hbm>>
    %dma_start3A_752 = arith.constant 0 : i32
    %dma_start3A_753 = tpu.memref_slice %dma_start3A_751[%shift_right_arithmetic3A_743, %dma_start3A_752, %multiple_of3A_746] : memref<625x8x5000xi32, #tpu.memory_space<hbm>> -> memref<1x8x128xi32, #tpu.memory_space<hbm>>
    %dma_start3A_754 = arith.constant 21 : i32
    %dma_start3A_755 = arith.constant 0 : i32
    %dma_start3A_756 = arith.constant 0 : i32
    %dma_start3A_757 = tpu.memref_slice %arg13[%dma_start3A_754, %dma_start3A_755, %dma_start3A_756] : memref<32x8x128xi32, #tpu.memory_space<vmem>> -> memref<1x8x128xi32, #tpu.memory_space<vmem>>
    %dma_start3A_758 = tpu.memref_reshape %arg4 : memref<5000x5000xi32, #tpu.memory_space<hbm>> -> memref<625x8x5000xi32, #tpu.memory_space<hbm>>
    %dma_start3A_759 = arith.constant 0 : i32
    %dma_start3A_760 = tpu.memref_slice %dma_start3A_758[%shift_right_arithmetic3A_743, %dma_start3A_759, %multiple_of3A_746] : memref<625x8x5000xi32, #tpu.memory_space<hbm>> -> memref<1x8x128xi32, #tpu.memory_space<hbm>>
    tpu.enqueue_dma source(%dma_start3A_760 : memref<1x8x128xi32, #tpu.memory_space<hbm>>) target(%dma_start3A_757 : memref<1x8x128xi32, #tpu.memory_space<vmem>>) target_semaphore(%arg17 : memref<!tpu.dma_semaphore, #tpu.memory_space<semaphore_mem>>)
    %slice3A_761 = vector.extract_strided_slice %get3A_634 {offsets = [6], sizes = [1], strides = [1]} : vector<16xi32> to vector<1xi32>
    %squeeze3A_762 = vector.extract %slice3A_761[0] : i32 from vector<1xi32>
    %shift_right_arithmetic3A_763 = arith.constant 13 : i32
    %shift_right_arithmetic3A_764 = arith.shrsi %squeeze3A_762, %shift_right_arithmetic3A_763 : i32
    %and3A_765 = arith.constant 8191 : i32
    %and3A_766 = arith.andi %squeeze3A_762, %and3A_765 : i32
    %multiple_of3A_767 = tpu.assume_multiple %and3A_766, 128 : i32
    %dma_start3A_768 = arith.constant 22 : i32
    %dma_start3A_769 = arith.constant 0 : i32
    %dma_start3A_770 = arith.constant 0 : i32
    %dma_start3A_771 = tpu.memref_slice %arg13[%dma_start3A_768, %dma_start3A_769, %dma_start3A_770] : memref<32x8x128xi32, #tpu.memory_space<vmem>> -> memref<1x8x128xi32, #tpu.memory_space<vmem>>
    %dma_start3A_772 = tpu.memref_reshape %arg4 : memref<5000x5000xi32, #tpu.memory_space<hbm>> -> memref<625x8x5000xi32, #tpu.memory_space<hbm>>
    %dma_start3A_773 = arith.constant 0 : i32
    %dma_start3A_774 = tpu.memref_slice %dma_start3A_772[%shift_right_arithmetic3A_764, %dma_start3A_773, %multiple_of3A_767] : memref<625x8x5000xi32, #tpu.memory_space<hbm>> -> memref<1x8x128xi32, #tpu.memory_space<hbm>>
    %dma_start3A_775 = arith.constant 22 : i32
    %dma_start3A_776 = arith.constant 0 : i32
    %dma_start3A_777 = arith.constant 0 : i32
    %dma_start3A_778 = tpu.memref_slice %arg13[%dma_start3A_775, %dma_start3A_776, %dma_start3A_777] : memref<32x8x128xi32, #tpu.memory_space<vmem>> -> memref<1x8x128xi32, #tpu.memory_space<vmem>>
    %dma_start3A_779 = tpu.memref_reshape %arg4 : memref<5000x5000xi32, #tpu.memory_space<hbm>> -> memref<625x8x5000xi32, #tpu.memory_space<hbm>>
    %dma_start3A_780 = arith.constant 0 : i32
    %dma_start3A_781 = tpu.memref_slice %dma_start3A_779[%shift_right_arithmetic3A_764, %dma_start3A_780, %multiple_of3A_767] : memref<625x8x5000xi32, #tpu.memory_space<hbm>> -> memref<1x8x128xi32, #tpu.memory_space<hbm>>
    tpu.enqueue_dma source(%dma_start3A_781 : memref<1x8x128xi32, #tpu.memory_space<hbm>>) target(%dma_start3A_778 : memref<1x8x128xi32, #tpu.memory_space<vmem>>) target_semaphore(%arg17 : memref<!tpu.dma_semaphore, #tpu.memory_space<semaphore_mem>>)
    %slice3A_782 = vector.extract_strided_slice %get3A_634 {offsets = [7], sizes = [1], strides = [1]} : vector<16xi32> to vector<1xi32>
    %squeeze3A_783 = vector.extract %slice3A_782[0] : i32 from vector<1xi32>
    %shift_right_arithmetic3A_784 = arith.constant 13 : i32
    %shift_right_arithmetic3A_785 = arith.shrsi %squeeze3A_783, %shift_right_arithmetic3A_784 : i32
    %and3A_786 = arith.constant 8191 : i32
    %and3A_787 = arith.andi %squeeze3A_783, %and3A_786 : i32
    %multiple_of3A_788 = tpu.assume_multiple %and3A_787, 128 : i32
    %dma_start3A_789 = arith.constant 23 : i32
    %dma_start3A_790 = arith.constant 0 : i32
    %dma_start3A_791 = arith.constant 0 : i32
    %dma_start3A_792 = tpu.memref_slice %arg13[%dma_start3A_789, %dma_start3A_790, %dma_start3A_791] : memref<32x8x128xi32, #tpu.memory_space<vmem>> -> memref<1x8x128xi32, #tpu.memory_space<vmem>>
    %dma_start3A_793 = tpu.memref_reshape %arg4 : memref<5000x5000xi32, #tpu.memory_space<hbm>> -> memref<625x8x5000xi32, #tpu.memory_space<hbm>>
    %dma_start3A_794 = arith.constant 0 : i32
    %dma_start3A_795 = tpu.memref_slice %dma_start3A_793[%shift_right_arithmetic3A_785, %dma_start3A_794, %multiple_of3A_788] : memref<625x8x5000xi32, #tpu.memory_space<hbm>> -> memref<1x8x128xi32, #tpu.memory_space<hbm>>
    %dma_start3A_796 = arith.constant 23 : i32
    %dma_start3A_797 = arith.constant 0 : i32
    %dma_start3A_798 = arith.constant 0 : i32
    %dma_start3A_799 = tpu.memref_slice %arg13[%dma_start3A_796, %dma_start3A_797, %dma_start3A_798] : memref<32x8x128xi32, #tpu.memory_space<vmem>> -> memref<1x8x128xi32, #tpu.memory_space<vmem>>
    %dma_start3A_800 = tpu.memref_reshape %arg4 : memref<5000x5000xi32, #tpu.memory_space<hbm>> -> memref<625x8x5000xi32, #tpu.memory_space<hbm>>
    %dma_start3A_801 = arith.constant 0 : i32
    %dma_start3A_802 = tpu.memref_slice %dma_start3A_800[%shift_right_arithmetic3A_785, %dma_start3A_801, %multiple_of3A_788] : memref<625x8x5000xi32, #tpu.memory_space<hbm>> -> memref<1x8x128xi32, #tpu.memory_space<hbm>>
    tpu.enqueue_dma source(%dma_start3A_802 : memref<1x8x128xi32, #tpu.memory_space<hbm>>) target(%dma_start3A_799 : memref<1x8x128xi32, #tpu.memory_space<vmem>>) target_semaphore(%arg17 : memref<!tpu.dma_semaphore, #tpu.memory_space<semaphore_mem>>)
    %slice3A_803 = vector.extract_strided_slice %get3A_634 {offsets = [8], sizes = [1], strides = [1]} : vector<16xi32> to vector<1xi32>
    %squeeze3A_804 = vector.extract %slice3A_803[0] : i32 from vector<1xi32>
    %shift_right_arithmetic3A_805 = arith.constant 13 : i32
    %shift_right_arithmetic3A_806 = arith.shrsi %squeeze3A_804, %shift_right_arithmetic3A_805 : i32
    %and3A_807 = arith.constant 8191 : i32
    %and3A_808 = arith.andi %squeeze3A_804, %and3A_807 : i32
    %multiple_of3A_809 = tpu.assume_multiple %and3A_808, 128 : i32
    %dma_start3A_810 = arith.constant 24 : i32
    %dma_start3A_811 = arith.constant 0 : i32
    %dma_start3A_812 = arith.constant 0 : i32
    %dma_start3A_813 = tpu.memref_slice %arg13[%dma_start3A_810, %dma_start3A_811, %dma_start3A_812] : memref<32x8x128xi32, #tpu.memory_space<vmem>> -> memref<1x8x128xi32, #tpu.memory_space<vmem>>
    %dma_start3A_814 = tpu.memref_reshape %arg4 : memref<5000x5000xi32, #tpu.memory_space<hbm>> -> memref<625x8x5000xi32, #tpu.memory_space<hbm>>
    %dma_start3A_815 = arith.constant 0 : i32
    %dma_start3A_816 = tpu.memref_slice %dma_start3A_814[%shift_right_arithmetic3A_806, %dma_start3A_815, %multiple_of3A_809] : memref<625x8x5000xi32, #tpu.memory_space<hbm>> -> memref<1x8x128xi32, #tpu.memory_space<hbm>>
    %dma_start3A_817 = arith.constant 24 : i32
    %dma_start3A_818 = arith.constant 0 : i32
    %dma_start3A_819 = arith.constant 0 : i32
    %dma_start3A_820 = tpu.memref_slice %arg13[%dma_start3A_817, %dma_start3A_818, %dma_start3A_819] : memref<32x8x128xi32, #tpu.memory_space<vmem>> -> memref<1x8x128xi32, #tpu.memory_space<vmem>>
    %dma_start3A_821 = tpu.memref_reshape %arg4 : memref<5000x5000xi32, #tpu.memory_space<hbm>> -> memref<625x8x5000xi32, #tpu.memory_space<hbm>>
    %dma_start3A_822 = arith.constant 0 : i32
    %dma_start3A_823 = tpu.memref_slice %dma_start3A_821[%shift_right_arithmetic3A_806, %dma_start3A_822, %multiple_of3A_809] : memref<625x8x5000xi32, #tpu.memory_space<hbm>> -> memref<1x8x128xi32, #tpu.memory_space<hbm>>
    tpu.enqueue_dma source(%dma_start3A_823 : memref<1x8x128xi32, #tpu.memory_space<hbm>>) target(%dma_start3A_820 : memref<1x8x128xi32, #tpu.memory_space<vmem>>) target_semaphore(%arg17 : memref<!tpu.dma_semaphore, #tpu.memory_space<semaphore_mem>>)
    %slice3A_824 = vector.extract_strided_slice %get3A_634 {offsets = [9], sizes = [1], strides = [1]} : vector<16xi32> to vector<1xi32>
    %squeeze3A_825 = vector.extract %slice3A_824[0] : i32 from vector<1xi32>
    %shift_right_arithmetic3A_826 = arith.constant 13 : i32
    %shift_right_arithmetic3A_827 = arith.shrsi %squeeze3A_825, %shift_right_arithmetic3A_826 : i32
    %and3A_828 = arith.constant 8191 : i32
    %and3A_829 = arith.andi %squeeze3A_825, %and3A_828 : i32
    %multiple_of3A_830 = tpu.assume_multiple %and3A_829, 128 : i32
    %dma_start3A_831 = arith.constant 25 : i32
    %dma_start3A_832 = arith.constant 0 : i32
    %dma_start3A_833 = arith.constant 0 : i32
    %dma_start3A_834 = tpu.memref_slice %arg13[%dma_start3A_831, %dma_start3A_832, %dma_start3A_833] : memref<32x8x128xi32, #tpu.memory_space<vmem>> -> memref<1x8x128xi32, #tpu.memory_space<vmem>>
    %dma_start3A_835 = tpu.memref_reshape %arg4 : memref<5000x5000xi32, #tpu.memory_space<hbm>> -> memref<625x8x5000xi32, #tpu.memory_space<hbm>>
    %dma_start3A_836 = arith.constant 0 : i32
    %dma_start3A_837 = tpu.memref_slice %dma_start3A_835[%shift_right_arithmetic3A_827, %dma_start3A_836, %multiple_of3A_830] : memref<625x8x5000xi32, #tpu.memory_space<hbm>> -> memref<1x8x128xi32, #tpu.memory_space<hbm>>
    %dma_start3A_838 = arith.constant 25 : i32
    %dma_start3A_839 = arith.constant 0 : i32
    %dma_start3A_840 = arith.constant 0 : i32
    %dma_start3A_841 = tpu.memref_slice %arg13[%dma_start3A_838, %dma_start3A_839, %dma_start3A_840] : memref<32x8x128xi32, #tpu.memory_space<vmem>> -> memref<1x8x128xi32, #tpu.memory_space<vmem>>
    %dma_start3A_842 = tpu.memref_reshape %arg4 : memref<5000x5000xi32, #tpu.memory_space<hbm>> -> memref<625x8x5000xi32, #tpu.memory_space<hbm>>
    %dma_start3A_843 = arith.constant 0 : i32
    %dma_start3A_844 = tpu.memref_slice %dma_start3A_842[%shift_right_arithmetic3A_827, %dma_start3A_843, %multiple_of3A_830] : memref<625x8x5000xi32, #tpu.memory_space<hbm>> -> memref<1x8x128xi32, #tpu.memory_space<hbm>>
    tpu.enqueue_dma source(%dma_start3A_844 : memref<1x8x128xi32, #tpu.memory_space<hbm>>) target(%dma_start3A_841 : memref<1x8x128xi32, #tpu.memory_space<vmem>>) target_semaphore(%arg17 : memref<!tpu.dma_semaphore, #tpu.memory_space<semaphore_mem>>)
    %slice3A_845 = vector.extract_strided_slice %get3A_634 {offsets = [10], sizes = [1], strides = [1]} : vector<16xi32> to vector<1xi32>
    %squeeze3A_846 = vector.extract %slice3A_845[0] : i32 from vector<1xi32>
    %shift_right_arithmetic3A_847 = arith.constant 13 : i32
    %shift_right_arithmetic3A_848 = arith.shrsi %squeeze3A_846, %shift_right_arithmetic3A_847 : i32
    %and3A_849 = arith.constant 8191 : i32
    %and3A_850 = arith.andi %squeeze3A_846, %and3A_849 : i32
    %multiple_of3A_851 = tpu.assume_multiple %and3A_850, 128 : i32
    %dma_start3A_852 = arith.constant 26 : i32
    %dma_start3A_853 = arith.constant 0 : i32
    %dma_start3A_854 = arith.constant 0 : i32
    %dma_start3A_855 = tpu.memref_slice %arg13[%dma_start3A_852, %dma_start3A_853, %dma_start3A_854] : memref<32x8x128xi32, #tpu.memory_space<vmem>> -> memref<1x8x128xi32, #tpu.memory_space<vmem>>
    %dma_start3A_856 = tpu.memref_reshape %arg4 : memref<5000x5000xi32, #tpu.memory_space<hbm>> -> memref<625x8x5000xi32, #tpu.memory_space<hbm>>
    %dma_start3A_857 = arith.constant 0 : i32
    %dma_start3A_858 = tpu.memref_slice %dma_start3A_856[%shift_right_arithmetic3A_848, %dma_start3A_857, %multiple_of3A_851] : memref<625x8x5000xi32, #tpu.memory_space<hbm>> -> memref<1x8x128xi32, #tpu.memory_space<hbm>>
    %dma_start3A_859 = arith.constant 26 : i32
    %dma_start3A_860 = arith.constant 0 : i32
    %dma_start3A_861 = arith.constant 0 : i32
    %dma_start3A_862 = tpu.memref_slice %arg13[%dma_start3A_859, %dma_start3A_860, %dma_start3A_861] : memref<32x8x128xi32, #tpu.memory_space<vmem>> -> memref<1x8x128xi32, #tpu.memory_space<vmem>>
    %dma_start3A_863 = tpu.memref_reshape %arg4 : memref<5000x5000xi32, #tpu.memory_space<hbm>> -> memref<625x8x5000xi32, #tpu.memory_space<hbm>>
    %dma_start3A_864 = arith.constant 0 : i32
    %dma_start3A_865 = tpu.memref_slice %dma_start3A_863[%shift_right_arithmetic3A_848, %dma_start3A_864, %multiple_of3A_851] : memref<625x8x5000xi32, #tpu.memory_space<hbm>> -> memref<1x8x128xi32, #tpu.memory_space<hbm>>
    tpu.enqueue_dma source(%dma_start3A_865 : memref<1x8x128xi32, #tpu.memory_space<hbm>>) target(%dma_start3A_862 : memref<1x8x128xi32, #tpu.memory_space<vmem>>) target_semaphore(%arg17 : memref<!tpu.dma_semaphore, #tpu.memory_space<semaphore_mem>>)
    %slice3A_866 = vector.extract_strided_slice %get3A_634 {offsets = [11], sizes = [1], strides = [1]} : vector<16xi32> to vector<1xi32>
    %squeeze3A_867 = vector.extract %slice3A_866[0] : i32 from vector<1xi32>
    %shift_right_arithmetic3A_868 = arith.constant 13 : i32
    %shift_right_arithmetic3A_869 = arith.shrsi %squeeze3A_867, %shift_right_arithmetic3A_868 : i32
    %and3A_870 = arith.constant 8191 : i32
    %and3A_871 = arith.andi %squeeze3A_867, %and3A_870 : i32
    %multiple_of3A_872 = tpu.assume_multiple %and3A_871, 128 : i32
    %dma_start3A_873 = arith.constant 27 : i32
    %dma_start3A_874 = arith.constant 0 : i32
    %dma_start3A_875 = arith.constant 0 : i32
    %dma_start3A_876 = tpu.memref_slice %arg13[%dma_start3A_873, %dma_start3A_874, %dma_start3A_875] : memref<32x8x128xi32, #tpu.memory_space<vmem>> -> memref<1x8x128xi32, #tpu.memory_space<vmem>>
    %dma_start3A_877 = tpu.memref_reshape %arg4 : memref<5000x5000xi32, #tpu.memory_space<hbm>> -> memref<625x8x5000xi32, #tpu.memory_space<hbm>>
    %dma_start3A_878 = arith.constant 0 : i32
    %dma_start3A_879 = tpu.memref_slice %dma_start3A_877[%shift_right_arithmetic3A_869, %dma_start3A_878, %multiple_of3A_872] : memref<625x8x5000xi32, #tpu.memory_space<hbm>> -> memref<1x8x128xi32, #tpu.memory_space<hbm>>
    %dma_start3A_880 = arith.constant 27 : i32
    %dma_start3A_881 = arith.constant 0 : i32
    %dma_start3A_882 = arith.constant 0 : i32
    %dma_start3A_883 = tpu.memref_slice %arg13[%dma_start3A_880, %dma_start3A_881, %dma_start3A_882] : memref<32x8x128xi32, #tpu.memory_space<vmem>> -> memref<1x8x128xi32, #tpu.memory_space<vmem>>
    %dma_start3A_884 = tpu.memref_reshape %arg4 : memref<5000x5000xi32, #tpu.memory_space<hbm>> -> memref<625x8x5000xi32, #tpu.memory_space<hbm>>
    %dma_start3A_885 = arith.constant 0 : i32
    %dma_start3A_886 = tpu.memref_slice %dma_start3A_884[%shift_right_arithmetic3A_869, %dma_start3A_885, %multiple_of3A_872] : memref<625x8x5000xi32, #tpu.memory_space<hbm>> -> memref<1x8x128xi32, #tpu.memory_space<hbm>>
    tpu.enqueue_dma source(%dma_start3A_886 : memref<1x8x128xi32, #tpu.memory_space<hbm>>) target(%dma_start3A_883 : memref<1x8x128xi32, #tpu.memory_space<vmem>>) target_semaphore(%arg17 : memref<!tpu.dma_semaphore, #tpu.memory_space<semaphore_mem>>)
    %slice3A_887 = vector.extract_strided_slice %get3A_634 {offsets = [12], sizes = [1], strides = [1]} : vector<16xi32> to vector<1xi32>
    %squeeze3A_888 = vector.extract %slice3A_887[0] : i32 from vector<1xi32>
    %shift_right_arithmetic3A_889 = arith.constant 13 : i32
    %shift_right_arithmetic3A_890 = arith.shrsi %squeeze3A_888, %shift_right_arithmetic3A_889 : i32
    %and3A_891 = arith.constant 8191 : i32
    %and3A_892 = arith.andi %squeeze3A_888, %and3A_891 : i32
    %multiple_of3A_893 = tpu.assume_multiple %and3A_892, 128 : i32
    %dma_start3A_894 = arith.constant 28 : i32
    %dma_start3A_895 = arith.constant 0 : i32
    %dma_start3A_896 = arith.constant 0 : i32
    %dma_start3A_897 = tpu.memref_slice %arg13[%dma_start3A_894, %dma_start3A_895, %dma_start3A_896] : memref<32x8x128xi32, #tpu.memory_space<vmem>> -> memref<1x8x128xi32, #tpu.memory_space<vmem>>
    %dma_start3A_898 = tpu.memref_reshape %arg4 : memref<5000x5000xi32, #tpu.memory_space<hbm>> -> memref<625x8x5000xi32, #tpu.memory_space<hbm>>
    %dma_start3A_899 = arith.constant 0 : i32
    %dma_start3A_900 = tpu.memref_slice %dma_start3A_898[%shift_right_arithmetic3A_890, %dma_start3A_899, %multiple_of3A_893] : memref<625x8x5000xi32, #tpu.memory_space<hbm>> -> memref<1x8x128xi32, #tpu.memory_space<hbm>>
    %dma_start3A_901 = arith.constant 28 : i32
    %dma_start3A_902 = arith.constant 0 : i32
    %dma_start3A_903 = arith.constant 0 : i32
    %dma_start3A_904 = tpu.memref_slice %arg13[%dma_start3A_901, %dma_start3A_902, %dma_start3A_903] : memref<32x8x128xi32, #tpu.memory_space<vmem>> -> memref<1x8x128xi32, #tpu.memory_space<vmem>>
    %dma_start3A_905 = tpu.memref_reshape %arg4 : memref<5000x5000xi32, #tpu.memory_space<hbm>> -> memref<625x8x5000xi32, #tpu.memory_space<hbm>>
    %dma_start3A_906 = arith.constant 0 : i32
    %dma_start3A_907 = tpu.memref_slice %dma_start3A_905[%shift_right_arithmetic3A_890, %dma_start3A_906, %multiple_of3A_893] : memref<625x8x5000xi32, #tpu.memory_space<hbm>> -> memref<1x8x128xi32, #tpu.memory_space<hbm>>
    tpu.enqueue_dma source(%dma_start3A_907 : memref<1x8x128xi32, #tpu.memory_space<hbm>>) target(%dma_start3A_904 : memref<1x8x128xi32, #tpu.memory_space<vmem>>) target_semaphore(%arg17 : memref<!tpu.dma_semaphore, #tpu.memory_space<semaphore_mem>>)
    %slice3A_908 = vector.extract_strided_slice %get3A_634 {offsets = [13], sizes = [1], strides = [1]} : vector<16xi32> to vector<1xi32>
    %squeeze3A_909 = vector.extract %slice3A_908[0] : i32 from vector<1xi32>
    %shift_right_arithmetic3A_910 = arith.constant 13 : i32
    %shift_right_arithmetic3A_911 = arith.shrsi %squeeze3A_909, %shift_right_arithmetic3A_910 : i32
    %and3A_912 = arith.constant 8191 : i32
    %and3A_913 = arith.andi %squeeze3A_909, %and3A_912 : i32
    %multiple_of3A_914 = tpu.assume_multiple %and3A_913, 128 : i32
    %dma_start3A_915 = arith.constant 29 : i32
    %dma_start3A_916 = arith.constant 0 : i32
    %dma_start3A_917 = arith.constant 0 : i32
    %dma_start3A_918 = tpu.memref_slice %arg13[%dma_start3A_915, %dma_start3A_916, %dma_start3A_917] : memref<32x8x128xi32, #tpu.memory_space<vmem>> -> memref<1x8x128xi32, #tpu.memory_space<vmem>>
    %dma_start3A_919 = tpu.memref_reshape %arg4 : memref<5000x5000xi32, #tpu.memory_space<hbm>> -> memref<625x8x5000xi32, #tpu.memory_space<hbm>>
    %dma_start3A_920 = arith.constant 0 : i32
    %dma_start3A_921 = tpu.memref_slice %dma_start3A_919[%shift_right_arithmetic3A_911, %dma_start3A_920, %multiple_of3A_914] : memref<625x8x5000xi32, #tpu.memory_space<hbm>> -> memref<1x8x128xi32, #tpu.memory_space<hbm>>
    %dma_start3A_922 = arith.constant 29 : i32
    %dma_start3A_923 = arith.constant 0 : i32
    %dma_start3A_924 = arith.constant 0 : i32
    %dma_start3A_925 = tpu.memref_slice %arg13[%dma_start3A_922, %dma_start3A_923, %dma_start3A_924] : memref<32x8x128xi32, #tpu.memory_space<vmem>> -> memref<1x8x128xi32, #tpu.memory_space<vmem>>
    %dma_start3A_926 = tpu.memref_reshape %arg4 : memref<5000x5000xi32, #tpu.memory_space<hbm>> -> memref<625x8x5000xi32, #tpu.memory_space<hbm>>
    %dma_start3A_927 = arith.constant 0 : i32
    %dma_start3A_928 = tpu.memref_slice %dma_start3A_926[%shift_right_arithmetic3A_911, %dma_start3A_927, %multiple_of3A_914] : memref<625x8x5000xi32, #tpu.memory_space<hbm>> -> memref<1x8x128xi32, #tpu.memory_space<hbm>>
    tpu.enqueue_dma source(%dma_start3A_928 : memref<1x8x128xi32, #tpu.memory_space<hbm>>) target(%dma_start3A_925 : memref<1x8x128xi32, #tpu.memory_space<vmem>>) target_semaphore(%arg17 : memref<!tpu.dma_semaphore, #tpu.memory_space<semaphore_mem>>)
    %slice3A_929 = vector.extract_strided_slice %get3A_634 {offsets = [14], sizes = [1], strides = [1]} : vector<16xi32> to vector<1xi32>
    %squeeze3A_930 = vector.extract %slice3A_929[0] : i32 from vector<1xi32>
    %shift_right_arithmetic3A_931 = arith.constant 13 : i32
    %shift_right_arithmetic3A_932 = arith.shrsi %squeeze3A_930, %shift_right_arithmetic3A_931 : i32
    %and3A_933 = arith.constant 8191 : i32
    %and3A_934 = arith.andi %squeeze3A_930, %and3A_933 : i32
    %multiple_of3A_935 = tpu.assume_multiple %and3A_934, 128 : i32
    %dma_start3A_936 = arith.constant 30 : i32
    %dma_start3A_937 = arith.constant 0 : i32
    %dma_start3A_938 = arith.constant 0 : i32
    %dma_start3A_939 = tpu.memref_slice %arg13[%dma_start3A_936, %dma_start3A_937, %dma_start3A_938] : memref<32x8x128xi32, #tpu.memory_space<vmem>> -> memref<1x8x128xi32, #tpu.memory_space<vmem>>
    %dma_start3A_940 = tpu.memref_reshape %arg4 : memref<5000x5000xi32, #tpu.memory_space<hbm>> -> memref<625x8x5000xi32, #tpu.memory_space<hbm>>
    %dma_start3A_941 = arith.constant 0 : i32
    %dma_start3A_942 = tpu.memref_slice %dma_start3A_940[%shift_right_arithmetic3A_932, %dma_start3A_941, %multiple_of3A_935] : memref<625x8x5000xi32, #tpu.memory_space<hbm>> -> memref<1x8x128xi32, #tpu.memory_space<hbm>>
    %dma_start3A_943 = arith.constant 30 : i32
    %dma_start3A_944 = arith.constant 0 : i32
    %dma_start3A_945 = arith.constant 0 : i32
    %dma_start3A_946 = tpu.memref_slice %arg13[%dma_start3A_943, %dma_start3A_944, %dma_start3A_945] : memref<32x8x128xi32, #tpu.memory_space<vmem>> -> memref<1x8x128xi32, #tpu.memory_space<vmem>>
    %dma_start3A_947 = tpu.memref_reshape %arg4 : memref<5000x5000xi32, #tpu.memory_space<hbm>> -> memref<625x8x5000xi32, #tpu.memory_space<hbm>>
    %dma_start3A_948 = arith.constant 0 : i32
    %dma_start3A_949 = tpu.memref_slice %dma_start3A_947[%shift_right_arithmetic3A_932, %dma_start3A_948, %multiple_of3A_935] : memref<625x8x5000xi32, #tpu.memory_space<hbm>> -> memref<1x8x128xi32, #tpu.memory_space<hbm>>
    tpu.enqueue_dma source(%dma_start3A_949 : memref<1x8x128xi32, #tpu.memory_space<hbm>>) target(%dma_start3A_946 : memref<1x8x128xi32, #tpu.memory_space<vmem>>) target_semaphore(%arg17 : memref<!tpu.dma_semaphore, #tpu.memory_space<semaphore_mem>>)
    %slice3A_950 = vector.extract_strided_slice %get3A_634 {offsets = [15], sizes = [1], strides = [1]} : vector<16xi32> to vector<1xi32>
    %squeeze3A_951 = vector.extract %slice3A_950[0] : i32 from vector<1xi32>
    %shift_right_arithmetic3A_952 = arith.constant 13 : i32
    %shift_right_arithmetic3A_953 = arith.shrsi %squeeze3A_951, %shift_right_arithmetic3A_952 : i32
    %and3A_954 = arith.constant 8191 : i32
    %and3A_955 = arith.andi %squeeze3A_951, %and3A_954 : i32
    %multiple_of3A_956 = tpu.assume_multiple %and3A_955, 128 : i32
    %dma_start3A_957 = arith.constant 31 : i32
    %dma_start3A_958 = arith.constant 0 : i32
    %dma_start3A_959 = arith.constant 0 : i32
    %dma_start3A_960 = tpu.memref_slice %arg13[%dma_start3A_957, %dma_start3A_958, %dma_start3A_959] : memref<32x8x128xi32, #tpu.memory_space<vmem>> -> memref<1x8x128xi32, #tpu.memory_space<vmem>>
    %dma_start3A_961 = tpu.memref_reshape %arg4 : memref<5000x5000xi32, #tpu.memory_space<hbm>> -> memref<625x8x5000xi32, #tpu.memory_space<hbm>>
    %dma_start3A_962 = arith.constant 0 : i32
    %dma_start3A_963 = tpu.memref_slice %dma_start3A_961[%shift_right_arithmetic3A_953, %dma_start3A_962, %multiple_of3A_956] : memref<625x8x5000xi32, #tpu.memory_space<hbm>> -> memref<1x8x128xi32, #tpu.memory_space<hbm>>
    %dma_start3A_964 = arith.constant 31 : i32
    %dma_start3A_965 = arith.constant 0 : i32
    %dma_start3A_966 = arith.constant 0 : i32
    %dma_start3A_967 = tpu.memref_slice %arg13[%dma_start3A_964, %dma_start3A_965, %dma_start3A_966] : memref<32x8x128xi32, #tpu.memory_space<vmem>> -> memref<1x8x128xi32, #tpu.memory_space<vmem>>
    %dma_start3A_968 = tpu.memref_reshape %arg4 : memref<5000x5000xi32, #tpu.memory_space<hbm>> -> memref<625x8x5000xi32, #tpu.memory_space<hbm>>
    %dma_start3A_969 = arith.constant 0 : i32
    %dma_start3A_970 = tpu.memref_slice %dma_start3A_968[%shift_right_arithmetic3A_953, %dma_start3A_969, %multiple_of3A_956] : memref<625x8x5000xi32, #tpu.memory_space<hbm>> -> memref<1x8x128xi32, #tpu.memory_space<hbm>>
    tpu.enqueue_dma source(%dma_start3A_970 : memref<1x8x128xi32, #tpu.memory_space<hbm>>) target(%dma_start3A_967 : memref<1x8x128xi32, #tpu.memory_space<vmem>>) target_semaphore(%arg17 : memref<!tpu.dma_semaphore, #tpu.memory_space<semaphore_mem>>)
    %get3A_971 = arith.constant 32 : index
    %get3A_972 = tpu.vector_load %arg10[%get3A_971] {strides = array<i32>} : memref<144xi32, #tpu.memory_space<vmem>>, vector<16xi32>,
    %slice3A_973 = vector.extract_strided_slice %get3A_972 {offsets = [0], sizes = [1], strides = [1]} : vector<16xi32> to vector<1xi32>
    %squeeze3A_974 = vector.extract %slice3A_973[0] : i32 from vector<1xi32>
    %shift_right_arithmetic3A_975 = arith.constant 13 : i32
    %shift_right_arithmetic3A_976 = arith.shrsi %squeeze3A_974, %shift_right_arithmetic3A_975 : i32
    %and3A_977 = arith.constant 8191 : i32
    %and3A_978 = arith.andi %squeeze3A_974, %and3A_977 : i32
    %multiple_of3A_979 = tpu.assume_multiple %and3A_978, 128 : i32
    %dma_start3A_980 = arith.constant 0 : i32
    %dma_start3A_981 = arith.constant 0 : i32
    %dma_start3A_982 = arith.constant 0 : i32
    %dma_start3A_983 = tpu.memref_slice %arg14[%dma_start3A_980, %dma_start3A_981, %dma_start3A_982] : memref<32x8x128xi32, #tpu.memory_space<vmem>> -> memref<1x8x128xi32, #tpu.memory_space<vmem>>
    %dma_start3A_984 = tpu.memref_reshape %arg4 : memref<5000x5000xi32, #tpu.memory_space<hbm>> -> memref<625x8x5000xi32, #tpu.memory_space<hbm>>
    %dma_start3A_985 = arith.constant 0 : i32
    %dma_start3A_986 = tpu.memref_slice %dma_start3A_984[%shift_right_arithmetic3A_976, %dma_start3A_985, %multiple_of3A_979] : memref<625x8x5000xi32, #tpu.memory_space<hbm>> -> memref<1x8x128xi32, #tpu.memory_space<hbm>>
    %dma_start3A_987 = arith.constant 0 : i32
    %dma_start3A_988 = arith.constant 0 : i32
    %dma_start3A_989 = arith.constant 0 : i32
    %dma_start3A_990 = tpu.memref_slice %arg14[%dma_start3A_987, %dma_start3A_988, %dma_start3A_989] : memref<32x8x128xi32, #tpu.memory_space<vmem>> -> memref<1x8x128xi32, #tpu.memory_space<vmem>>
    %dma_start3A_991 = tpu.memref_reshape %arg4 : memref<5000x5000xi32, #tpu.memory_space<hbm>> -> memref<625x8x5000xi32, #tpu.memory_space<hbm>>
    %dma_start3A_992 = arith.constant 0 : i32
    %dma_start3A_993 = tpu.memref_slice %dma_start3A_991[%shift_right_arithmetic3A_976, %dma_start3A_992, %multiple_of3A_979] : memref<625x8x5000xi32, #tpu.memory_space<hbm>> -> memref<1x8x128xi32, #tpu.memory_space<hbm>>
    tpu.enqueue_dma source(%dma_start3A_993 : memref<1x8x128xi32, #tpu.memory_space<hbm>>) target(%dma_start3A_990 : memref<1x8x128xi32, #tpu.memory_space<vmem>>) target_semaphore(%arg18 : memref<!tpu.dma_semaphore, #tpu.memory_space<semaphore_mem>>)
    %slice3A_994 = vector.extract_strided_slice %get3A_972 {offsets = [1], sizes = [1], strides = [1]} : vector<16xi32> to vector<1xi32>
    %squeeze3A_995 = vector.extract %slice3A_994[0] : i32 from vector<1xi32>
    %shift_right_arithmetic3A_996 = arith.constant 13 : i32
    %shift_right_arithmetic3A_997 = arith.shrsi %squeeze3A_995, %shift_right_arithmetic3A_996 : i32
    %and3A_998 = arith.constant 8191 : i32
    %and3A_999 = arith.andi %squeeze3A_995, %and3A_998 : i32
    %multiple_of3A_1000 = tpu.assume_multiple %and3A_999, 128 : i32
    %dma_start3A_1001 = arith.constant 1 : i32
    %dma_start3A_1002 = arith.constant 0 : i32
    %dma_start3A_1003 = arith.constant 0 : i32
    %dma_start3A_1004 = tpu.memref_slice %arg14[%dma_start3A_1001, %dma_start3A_1002, %dma_start3A_1003] : memref<32x8x128xi32, #tpu.memory_space<vmem>> -> memref<1x8x128xi32, #tpu.memory_space<vmem>>
    %dma_start3A_1005 = tpu.memref_reshape %arg4 : memref<5000x5000xi32, #tpu.memory_space<hbm>> -> memref<625x8x5000xi32, #tpu.memory_space<hbm>>
    %dma_start3A_1006 = arith.constant 0 : i32
    %dma_start3A_1007 = tpu.memref_slice %dma_start3A_1005[%shift_right_arithmetic3A_997, %dma_start3A_1006, %multiple_of3A_1000] : memref<625x8x5000xi32, #tpu.memory_space<hbm>> -> memref<1x8x128xi32, #tpu.memory_space<hbm>>
    %dma_start3A_1008 = arith.constant 1 : i32
    %dma_start3A_1009 = arith.constant 0 : i32
    %dma_start3A_1010 = arith.constant 0 : i32
    %dma_start3A_1011 = tpu.memref_slice %arg14[%dma_start3A_1008, %dma_start3A_1009, %dma_start3A_1010] : memref<32x8x128xi32, #tpu.memory_space<vmem>> -> memref<1x8x128xi32, #tpu.memory_space<vmem>>
    %dma_start3A_1012 = tpu.memref_reshape %arg4 : memref<5000x5000xi32, #tpu.memory_space<hbm>> -> memref<625x8x5000xi32, #tpu.memory_space<hbm>>
    %dma_start3A_1013 = arith.constant 0 : i32
    %dma_start3A_1014 = tpu.memref_slice %dma_start3A_1012[%shift_right_arithmetic3A_997, %dma_start3A_1013, %multiple_of3A_1000] : memref<625x8x5000xi32, #tpu.memory_space<hbm>> -> memref<1x8x128xi32, #tpu.memory_space<hbm>>
    tpu.enqueue_dma source(%dma_start3A_1014 : memref<1x8x128xi32, #tpu.memory_space<hbm>>) target(%dma_start3A_1011 : memref<1x8x128xi32, #tpu.memory_space<vmem>>) target_semaphore(%arg18 : memref<!tpu.dma_semaphore, #tpu.memory_space<semaphore_mem>>)
    %slice3A_1015 = vector.extract_strided_slice %get3A_972 {offsets = [2], sizes = [1], strides = [1]} : vector<16xi32> to vector<1xi32>
    %squeeze3A_1016 = vector.extract %slice3A_1015[0] : i32 from vector<1xi32>
    %shift_right_arithmetic3A_1017 = arith.constant 13 : i32
    %shift_right_arithmetic3A_1018 = arith.shrsi %squeeze3A_1016, %shift_right_arithmetic3A_1017 : i32
    %and3A_1019 = arith.constant 8191 : i32
    %and3A_1020 = arith.andi %squeeze3A_1016, %and3A_1019 : i32
    %multiple_of3A_1021 = tpu.assume_multiple %and3A_1020, 128 : i32
    %dma_start3A_1022 = arith.constant 2 : i32
    %dma_start3A_1023 = arith.constant 0 : i32
    %dma_start3A_1024 = arith.constant 0 : i32
    %dma_start3A_1025 = tpu.memref_slice %arg14[%dma_start3A_1022, %dma_start3A_1023, %dma_start3A_1024] : memref<32x8x128xi32, #tpu.memory_space<vmem>> -> memref<1x8x128xi32, #tpu.memory_space<vmem>>
    %dma_start3A_1026 = tpu.memref_reshape %arg4 : memref<5000x5000xi32, #tpu.memory_space<hbm>> -> memref<625x8x5000xi32, #tpu.memory_space<hbm>>
    %dma_start3A_1027 = arith.constant 0 : i32
    %dma_start3A_1028 = tpu.memref_slice %dma_start3A_1026[%shift_right_arithmetic3A_1018, %dma_start3A_1027, %multiple_of3A_1021] : memref<625x8x5000xi32, #tpu.memory_space<hbm>> -> memref<1x8x128xi32, #tpu.memory_space<hbm>>
    %dma_start3A_1029 = arith.constant 2 : i32
    %dma_start3A_1030 = arith.constant 0 : i32
    %dma_start3A_1031 = arith.constant 0 : i32
    %dma_start3A_1032 = tpu.memref_slice %arg14[%dma_start3A_1029, %dma_start3A_1030, %dma_start3A_1031] : memref<32x8x128xi32, #tpu.memory_space<vmem>> -> memref<1x8x128xi32, #tpu.memory_space<vmem>>
    %dma_start3A_1033 = tpu.memref_reshape %arg4 : memref<5000x5000xi32, #tpu.memory_space<hbm>> -> memref<625x8x5000xi32, #tpu.memory_space<hbm>>
    %dma_start3A_1034 = arith.constant 0 : i32
    %dma_start3A_1035 = tpu.memref_slice %dma_start3A_1033[%shift_right_arithmetic3A_1018, %dma_start3A_1034, %multiple_of3A_1021] : memref<625x8x5000xi32, #tpu.memory_space<hbm>> -> memref<1x8x128xi32, #tpu.memory_space<hbm>>
    tpu.enqueue_dma source(%dma_start3A_1035 : memref<1x8x128xi32, #tpu.memory_space<hbm>>) target(%dma_start3A_1032 : memref<1x8x128xi32, #tpu.memory_space<vmem>>) target_semaphore(%arg18 : memref<!tpu.dma_semaphore, #tpu.memory_space<semaphore_mem>>)
    %slice3A_1036 = vector.extract_strided_slice %get3A_972 {offsets = [3], sizes = [1], strides = [1]} : vector<16xi32> to vector<1xi32>
    %squeeze3A_1037 = vector.extract %slice3A_1036[0] : i32 from vector<1xi32>
    %shift_right_arithmetic3A_1038 = arith.constant 13 : i32
    %shift_right_arithmetic3A_1039 = arith.shrsi %squeeze3A_1037, %shift_right_arithmetic3A_1038 : i32
    %and3A_1040 = arith.constant 8191 : i32
    %and3A_1041 = arith.andi %squeeze3A_1037, %and3A_1040 : i32
    %multiple_of3A_1042 = tpu.assume_multiple %and3A_1041, 128 : i32
    %dma_start3A_1043 = arith.constant 3 : i32
    %dma_start3A_1044 = arith.constant 0 : i32
    %dma_start3A_1045 = arith.constant 0 : i32
    %dma_start3A_1046 = tpu.memref_slice %arg14[%dma_start3A_1043, %dma_start3A_1044, %dma_start3A_1045] : memref<32x8x128xi32, #tpu.memory_space<vmem>> -> memref<1x8x128xi32, #tpu.memory_space<vmem>>
    %dma_start3A_1047 = tpu.memref_reshape %arg4 : memref<5000x5000xi32, #tpu.memory_space<hbm>> -> memref<625x8x5000xi32, #tpu.memory_space<hbm>>
    %dma_start3A_1048 = arith.constant 0 : i32
    %dma_start3A_1049 = tpu.memref_slice %dma_start3A_1047[%shift_right_arithmetic3A_1039, %dma_start3A_1048, %multiple_of3A_1042] : memref<625x8x5000xi32, #tpu.memory_space<hbm>> -> memref<1x8x128xi32, #tpu.memory_space<hbm>>
    %dma_start3A_1050 = arith.constant 3 : i32
    %dma_start3A_1051 = arith.constant 0 : i32
    %dma_start3A_1052 = arith.constant 0 : i32
    %dma_start3A_1053 = tpu.memref_slice %arg14[%dma_start3A_1050, %dma_start3A_1051, %dma_start3A_1052] : memref<32x8x128xi32, #tpu.memory_space<vmem>> -> memref<1x8x128xi32, #tpu.memory_space<vmem>>
    %dma_start3A_1054 = tpu.memref_reshape %arg4 : memref<5000x5000xi32, #tpu.memory_space<hbm>> -> memref<625x8x5000xi32, #tpu.memory_space<hbm>>
    %dma_start3A_1055 = arith.constant 0 : i32
    %dma_start3A_1056 = tpu.memref_slice %dma_start3A_1054[%shift_right_arithmetic3A_1039, %dma_start3A_1055, %multiple_of3A_1042] : memref<625x8x5000xi32, #tpu.memory_space<hbm>> -> memref<1x8x128xi32, #tpu.memory_space<hbm>>
    tpu.enqueue_dma source(%dma_start3A_1056 : memref<1x8x128xi32, #tpu.memory_space<hbm>>) target(%dma_start3A_1053 : memref<1x8x128xi32, #tpu.memory_space<vmem>>) target_semaphore(%arg18 : memref<!tpu.dma_semaphore, #tpu.memory_space<semaphore_mem>>)
    %slice3A_1057 = vector.extract_strided_slice %get3A_972 {offsets = [4], sizes = [1], strides = [1]} : vector<16xi32> to vector<1xi32>
    %squeeze3A_1058 = vector.extract %slice3A_1057[0] : i32 from vector<1xi32>
    %shift_right_arithmetic3A_1059 = arith.constant 13 : i32
    %shift_right_arithmetic3A_1060 = arith.shrsi %squeeze3A_1058, %shift_right_arithmetic3A_1059 : i32
    %and3A_1061 = arith.constant 8191 : i32
    %and3A_1062 = arith.andi %squeeze3A_1058, %and3A_1061 : i32
    %multiple_of3A_1063 = tpu.assume_multiple %and3A_1062, 128 : i32
    %dma_start3A_1064 = arith.constant 4 : i32
    %dma_start3A_1065 = arith.constant 0 : i32
    %dma_start3A_1066 = arith.constant 0 : i32
    %dma_start3A_1067 = tpu.memref_slice %arg14[%dma_start3A_1064, %dma_start3A_1065, %dma_start3A_1066] : memref<32x8x128xi32, #tpu.memory_space<vmem>> -> memref<1x8x128xi32, #tpu.memory_space<vmem>>
    %dma_start3A_1068 = tpu.memref_reshape %arg4 : memref<5000x5000xi32, #tpu.memory_space<hbm>> -> memref<625x8x5000xi32, #tpu.memory_space<hbm>>
    %dma_start3A_1069 = arith.constant 0 : i32
    %dma_start3A_1070 = tpu.memref_slice %dma_start3A_1068[%shift_right_arithmetic3A_1060, %dma_start3A_1069, %multiple_of3A_1063] : memref<625x8x5000xi32, #tpu.memory_space<hbm>> -> memref<1x8x128xi32, #tpu.memory_space<hbm>>
    %dma_start3A_1071 = arith.constant 4 : i32
    %dma_start3A_1072 = arith.constant 0 : i32
    %dma_start3A_1073 = arith.constant 0 : i32
    %dma_start3A_1074 = tpu.memref_slice %arg14[%dma_start3A_1071, %dma_start3A_1072, %dma_start3A_1073] : memref<32x8x128xi32, #tpu.memory_space<vmem>> -> memref<1x8x128xi32, #tpu.memory_space<vmem>>
    %dma_start3A_1075 = tpu.memref_reshape %arg4 : memref<5000x5000xi32, #tpu.memory_space<hbm>> -> memref<625x8x5000xi32, #tpu.memory_space<hbm>>
    %dma_start3A_1076 = arith.constant 0 : i32
    %dma_start3A_1077 = tpu.memref_slice %dma_start3A_1075[%shift_right_arithmetic3A_1060, %dma_start3A_1076, %multiple_of3A_1063] : memref<625x8x5000xi32, #tpu.memory_space<hbm>> -> memref<1x8x128xi32, #tpu.memory_space<hbm>>
    tpu.enqueue_dma source(%dma_start3A_1077 : memref<1x8x128xi32, #tpu.memory_space<hbm>>) target(%dma_start3A_1074 : memref<1x8x128xi32, #tpu.memory_space<vmem>>) target_semaphore(%arg18 : memref<!tpu.dma_semaphore, #tpu.memory_space<semaphore_mem>>)
    %slice3A_1078 = vector.extract_strided_slice %get3A_972 {offsets = [5], sizes = [1], strides = [1]} : vector<16xi32> to vector<1xi32>
    %squeeze3A_1079 = vector.extract %slice3A_1078[0] : i32 from vector<1xi32>
    %shift_right_arithmetic3A_1080 = arith.constant 13 : i32
    %shift_right_arithmetic3A_1081 = arith.shrsi %squeeze3A_1079, %shift_right_arithmetic3A_1080 : i32
    %and3A_1082 = arith.constant 8191 : i32
    %and3A_1083 = arith.andi %squeeze3A_1079, %and3A_1082 : i32
    %multiple_of3A_1084 = tpu.assume_multiple %and3A_1083, 128 : i32
    %dma_start3A_1085 = arith.constant 5 : i32
    %dma_start3A_1086 = arith.constant 0 : i32
    %dma_start3A_1087 = arith.constant 0 : i32
    %dma_start3A_1088 = tpu.memref_slice %arg14[%dma_start3A_1085, %dma_start3A_1086, %dma_start3A_1087] : memref<32x8x128xi32, #tpu.memory_space<vmem>> -> memref<1x8x128xi32, #tpu.memory_space<vmem>>
    %dma_start3A_1089 = tpu.memref_reshape %arg4 : memref<5000x5000xi32, #tpu.memory_space<hbm>> -> memref<625x8x5000xi32, #tpu.memory_space<hbm>>
    %dma_start3A_1090 = arith.constant 0 : i32
    %dma_start3A_1091 = tpu.memref_slice %dma_start3A_1089[%shift_right_arithmetic3A_1081, %dma_start3A_1090, %multiple_of3A_1084] : memref<625x8x5000xi32, #tpu.memory_space<hbm>> -> memref<1x8x128xi32, #tpu.memory_space<hbm>>
    %dma_start3A_1092 = arith.constant 5 : i32
    %dma_start3A_1093 = arith.constant 0 : i32
    %dma_start3A_1094 = arith.constant 0 : i32
    %dma_start3A_1095 = tpu.memref_slice %arg14[%dma_start3A_1092, %dma_start3A_1093, %dma_start3A_1094] : memref<32x8x128xi32, #tpu.memory_space<vmem>> -> memref<1x8x128xi32, #tpu.memory_space<vmem>>
    %dma_start3A_1096 = tpu.memref_reshape %arg4 : memref<5000x5000xi32, #tpu.memory_space<hbm>> -> memref<625x8x5000xi32, #tpu.memory_space<hbm>>
    %dma_start3A_1097 = arith.constant 0 : i32
    %dma_start3A_1098 = tpu.memref_slice %dma_start3A_1096[%shift_right_arithmetic3A_1081, %dma_start3A_1097, %multiple_of3A_1084] : memref<625x8x5000xi32, #tpu.memory_space<hbm>> -> memref<1x8x128xi32, #tpu.memory_space<hbm>>
    tpu.enqueue_dma source(%dma_start3A_1098 : memref<1x8x128xi32, #tpu.memory_space<hbm>>) target(%dma_start3A_1095 : memref<1x8x128xi32, #tpu.memory_space<vmem>>) target_semaphore(%arg18 : memref<!tpu.dma_semaphore, #tpu.memory_space<semaphore_mem>>)
    %slice3A_1099 = vector.extract_strided_slice %get3A_972 {offsets = [6], sizes = [1], strides = [1]} : vector<16xi32> to vector<1xi32>
    %squeeze3A_1100 = vector.extract %slice3A_1099[0] : i32 from vector<1xi32>
    %shift_right_arithmetic3A_1101 = arith.constant 13 : i32
    %shift_right_arithmetic3A_1102 = arith.shrsi %squeeze3A_1100, %shift_right_arithmetic3A_1101 : i32
    %and3A_1103 = arith.constant 8191 : i32
    %and3A_1104 = arith.andi %squeeze3A_1100, %and3A_1103 : i32
    %multiple_of3A_1105 = tpu.assume_multiple %and3A_1104, 128 : i32
    %dma_start3A_1106 = arith.constant 6 : i32
    %dma_start3A_1107 = arith.constant 0 : i32
    %dma_start3A_1108 = arith.constant 0 : i32
    %dma_start3A_1109 = tpu.memref_slice %arg14[%dma_start3A_1106, %dma_start3A_1107, %dma_start3A_1108] : memref<32x8x128xi32, #tpu.memory_space<vmem>> -> memref<1x8x128xi32, #tpu.memory_space<vmem>>
    %dma_start3A_1110 = tpu.memref_reshape %arg4 : memref<5000x5000xi32, #tpu.memory_space<hbm>> -> memref<625x8x5000xi32, #tpu.memory_space<hbm>>
    %dma_start3A_1111 = arith.constant 0 : i32
    %dma_start3A_1112 = tpu.memref_slice %dma_start3A_1110[%shift_right_arithmetic3A_1102, %dma_start3A_1111, %multiple_of3A_1105] : memref<625x8x5000xi32, #tpu.memory_space<hbm>> -> memref<1x8x128xi32, #tpu.memory_space<hbm>>
    %dma_start3A_1113 = arith.constant 6 : i32
    %dma_start3A_1114 = arith.constant 0 : i32
    %dma_start3A_1115 = arith.constant 0 : i32
    %dma_start3A_1116 = tpu.memref_slice %arg14[%dma_start3A_1113, %dma_start3A_1114, %dma_start3A_1115] : memref<32x8x128xi32, #tpu.memory_space<vmem>> -> memref<1x8x128xi32, #tpu.memory_space<vmem>>
    %dma_start3A_1117 = tpu.memref_reshape %arg4 : memref<5000x5000xi32, #tpu.memory_space<hbm>> -> memref<625x8x5000xi32, #tpu.memory_space<hbm>>
    %dma_start3A_1118 = arith.constant 0 : i32
    %dma_start3A_1119 = tpu.memref_slice %dma_start3A_1117[%shift_right_arithmetic3A_1102, %dma_start3A_1118, %multiple_of3A_1105] : memref<625x8x5000xi32, #tpu.memory_space<hbm>> -> memref<1x8x128xi32, #tpu.memory_space<hbm>>
    tpu.enqueue_dma source(%dma_start3A_1119 : memref<1x8x128xi32, #tpu.memory_space<hbm>>) target(%dma_start3A_1116 : memref<1x8x128xi32, #tpu.memory_space<vmem>>) target_semaphore(%arg18 : memref<!tpu.dma_semaphore, #tpu.memory_space<semaphore_mem>>)
    %slice3A_1120 = vector.extract_strided_slice %get3A_972 {offsets = [7], sizes = [1], strides = [1]} : vector<16xi32> to vector<1xi32>
    %squeeze3A_1121 = vector.extract %slice3A_1120[0] : i32 from vector<1xi32>
    %shift_right_arithmetic3A_1122 = arith.constant 13 : i32
    %shift_right_arithmetic3A_1123 = arith.shrsi %squeeze3A_1121, %shift_right_arithmetic3A_1122 : i32
    %and3A_1124 = arith.constant 8191 : i32
    %and3A_1125 = arith.andi %squeeze3A_1121, %and3A_1124 : i32
    %multiple_of3A_1126 = tpu.assume_multiple %and3A_1125, 128 : i32
    %dma_start3A_1127 = arith.constant 7 : i32
    %dma_start3A_1128 = arith.constant 0 : i32
    %dma_start3A_1129 = arith.constant 0 : i32
    %dma_start3A_1130 = tpu.memref_slice %arg14[%dma_start3A_1127, %dma_start3A_1128, %dma_start3A_1129] : memref<32x8x128xi32, #tpu.memory_space<vmem>> -> memref<1x8x128xi32, #tpu.memory_space<vmem>>
    %dma_start3A_1131 = tpu.memref_reshape %arg4 : memref<5000x5000xi32, #tpu.memory_space<hbm>> -> memref<625x8x5000xi32, #tpu.memory_space<hbm>>
    %dma_start3A_1132 = arith.constant 0 : i32
    %dma_start3A_1133 = tpu.memref_slice %dma_start3A_1131[%shift_right_arithmetic3A_1123, %dma_start3A_1132, %multiple_of3A_1126] : memref<625x8x5000xi32, #tpu.memory_space<hbm>> -> memref<1x8x128xi32, #tpu.memory_space<hbm>>
    %dma_start3A_1134 = arith.constant 7 : i32
    %dma_start3A_1135 = arith.constant 0 : i32
    %dma_start3A_1136 = arith.constant 0 : i32
    %dma_start3A_1137 = tpu.memref_slice %arg14[%dma_start3A_1134, %dma_start3A_1135, %dma_start3A_1136] : memref<32x8x128xi32, #tpu.memory_space<vmem>> -> memref<1x8x128xi32, #tpu.memory_space<vmem>>
    %dma_start3A_1138 = tpu.memref_reshape %arg4 : memref<5000x5000xi32, #tpu.memory_space<hbm>> -> memref<625x8x5000xi32, #tpu.memory_space<hbm>>
    %dma_start3A_1139 = arith.constant 0 : i32
    %dma_start3A_1140 = tpu.memref_slice %dma_start3A_1138[%shift_right_arithmetic3A_1123, %dma_start3A_1139, %multiple_of3A_1126] : memref<625x8x5000xi32, #tpu.memory_space<hbm>> -> memref<1x8x128xi32, #tpu.memory_space<hbm>>
    tpu.enqueue_dma source(%dma_start3A_1140 : memref<1x8x128xi32, #tpu.memory_space<hbm>>) target(%dma_start3A_1137 : memref<1x8x128xi32, #tpu.memory_space<vmem>>) target_semaphore(%arg18 : memref<!tpu.dma_semaphore, #tpu.memory_space<semaphore_mem>>)
    %slice3A_1141 = vector.extract_strided_slice %get3A_972 {offsets = [8], sizes = [1], strides = [1]} : vector<16xi32> to vector<1xi32>
    %squeeze3A_1142 = vector.extract %slice3A_1141[0] : i32 from vector<1xi32>
    %shift_right_arithmetic3A_1143 = arith.constant 13 : i32
    %shift_right_arithmetic3A_1144 = arith.shrsi %squeeze3A_1142, %shift_right_arithmetic3A_1143 : i32
    %and3A_1145 = arith.constant 8191 : i32
    %and3A_1146 = arith.andi %squeeze3A_1142, %and3A_1145 : i32
    %multiple_of3A_1147 = tpu.assume_multiple %and3A_1146, 128 : i32
    %dma_start3A_1148 = arith.constant 8 : i32
    %dma_start3A_1149 = arith.constant 0 : i32
    %dma_start3A_1150 = arith.constant 0 : i32
    %dma_start3A_1151 = tpu.memref_slice %arg14[%dma_start3A_1148, %dma_start3A_1149, %dma_start3A_1150] : memref<32x8x128xi32, #tpu.memory_space<vmem>> -> memref<1x8x128xi32, #tpu.memory_space<vmem>>
    %dma_start3A_1152 = tpu.memref_reshape %arg4 : memref<5000x5000xi32, #tpu.memory_space<hbm>> -> memref<625x8x5000xi32, #tpu.memory_space<hbm>>
    %dma_start3A_1153 = arith.constant 0 : i32
    %dma_start3A_1154 = tpu.memref_slice %dma_start3A_1152[%shift_right_arithmetic3A_1144, %dma_start3A_1153, %multiple_of3A_1147] : memref<625x8x5000xi32, #tpu.memory_space<hbm>> -> memref<1x8x128xi32, #tpu.memory_space<hbm>>
    %dma_start3A_1155 = arith.constant 8 : i32
    %dma_start3A_1156 = arith.constant 0 : i32
    %dma_start3A_1157 = arith.constant 0 : i32
    %dma_start3A_1158 = tpu.memref_slice %arg14[%dma_start3A_1155, %dma_start3A_1156, %dma_start3A_1157] : memref<32x8x128xi32, #tpu.memory_space<vmem>> -> memref<1x8x128xi32, #tpu.memory_space<vmem>>
    %dma_start3A_1159 = tpu.memref_reshape %arg4 : memref<5000x5000xi32, #tpu.memory_space<hbm>> -> memref<625x8x5000xi32, #tpu.memory_space<hbm>>
    %dma_start3A_1160 = arith.constant 0 : i32
    %dma_start3A_1161 = tpu.memref_slice %dma_start3A_1159[%shift_right_arithmetic3A_1144, %dma_start3A_1160, %multiple_of3A_1147] : memref<625x8x5000xi32, #tpu.memory_space<hbm>> -> memref<1x8x128xi32, #tpu.memory_space<hbm>>
    tpu.enqueue_dma source(%dma_start3A_1161 : memref<1x8x128xi32, #tpu.memory_space<hbm>>) target(%dma_start3A_1158 : memref<1x8x128xi32, #tpu.memory_space<vmem>>) target_semaphore(%arg18 : memref<!tpu.dma_semaphore, #tpu.memory_space<semaphore_mem>>)
    %slice3A_1162 = vector.extract_strided_slice %get3A_972 {offsets = [9], sizes = [1], strides = [1]} : vector<16xi32> to vector<1xi32>
    %squeeze3A_1163 = vector.extract %slice3A_1162[0] : i32 from vector<1xi32>
    %shift_right_arithmetic3A_1164 = arith.constant 13 : i32
    %shift_right_arithmetic3A_1165 = arith.shrsi %squeeze3A_1163, %shift_right_arithmetic3A_1164 : i32
    %and3A_1166 = arith.constant 8191 : i32
    %and3A_1167 = arith.andi %squeeze3A_1163, %and3A_1166 : i32
    %multiple_of3A_1168 = tpu.assume_multiple %and3A_1167, 128 : i32
    %dma_start3A_1169 = arith.constant 9 : i32
    %dma_start3A_1170 = arith.constant 0 : i32
    %dma_start3A_1171 = arith.constant 0 : i32
    %dma_start3A_1172 = tpu.memref_slice %arg14[%dma_start3A_1169, %dma_start3A_1170, %dma_start3A_1171] : memref<32x8x128xi32, #tpu.memory_space<vmem>> -> memref<1x8x128xi32, #tpu.memory_space<vmem>>
    %dma_start3A_1173 = tpu.memref_reshape %arg4 : memref<5000x5000xi32, #tpu.memory_space<hbm>> -> memref<625x8x5000xi32, #tpu.memory_space<hbm>>
    %dma_start3A_1174 = arith.constant 0 : i32
    %dma_start3A_1175 = tpu.memref_slice %dma_start3A_1173[%shift_right_arithmetic3A_1165, %dma_start3A_1174, %multiple_of3A_1168] : memref<625x8x5000xi32, #tpu.memory_space<hbm>> -> memref<1x8x128xi32, #tpu.memory_space<hbm>>
    %dma_start3A_1176 = arith.constant 9 : i32
    %dma_start3A_1177 = arith.constant 0 : i32
    %dma_start3A_1178 = arith.constant 0 : i32
    %dma_start3A_1179 = tpu.memref_slice %arg14[%dma_start3A_1176, %dma_start3A_1177, %dma_start3A_1178] : memref<32x8x128xi32, #tpu.memory_space<vmem>> -> memref<1x8x128xi32, #tpu.memory_space<vmem>>
    %dma_start3A_1180 = tpu.memref_reshape %arg4 : memref<5000x5000xi32, #tpu.memory_space<hbm>> -> memref<625x8x5000xi32, #tpu.memory_space<hbm>>
    %dma_start3A_1181 = arith.constant 0 : i32
    %dma_start3A_1182 = tpu.memref_slice %dma_start3A_1180[%shift_right_arithmetic3A_1165, %dma_start3A_1181, %multiple_of3A_1168] : memref<625x8x5000xi32, #tpu.memory_space<hbm>> -> memref<1x8x128xi32, #tpu.memory_space<hbm>>
    tpu.enqueue_dma source(%dma_start3A_1182 : memref<1x8x128xi32, #tpu.memory_space<hbm>>) target(%dma_start3A_1179 : memref<1x8x128xi32, #tpu.memory_space<vmem>>) target_semaphore(%arg18 : memref<!tpu.dma_semaphore, #tpu.memory_space<semaphore_mem>>)
    %slice3A_1183 = vector.extract_strided_slice %get3A_972 {offsets = [10], sizes = [1], strides = [1]} : vector<16xi32> to vector<1xi32>
    %squeeze3A_1184 = vector.extract %slice3A_1183[0] : i32 from vector<1xi32>
    %shift_right_arithmetic3A_1185 = arith.constant 13 : i32
    %shift_right_arithmetic3A_1186 = arith.shrsi %squeeze3A_1184, %shift_right_arithmetic3A_1185 : i32
    %and3A_1187 = arith.constant 8191 : i32
    %and3A_1188 = arith.andi %squeeze3A_1184, %and3A_1187 : i32
    %multiple_of3A_1189 = tpu.assume_multiple %and3A_1188, 128 : i32
    %dma_start3A_1190 = arith.constant 10 : i32
    %dma_start3A_1191 = arith.constant 0 : i32
    %dma_start3A_1192 = arith.constant 0 : i32
    %dma_start3A_1193 = tpu.memref_slice %arg14[%dma_start3A_1190, %dma_start3A_1191, %dma_start3A_1192] : memref<32x8x128xi32, #tpu.memory_space<vmem>> -> memref<1x8x128xi32, #tpu.memory_space<vmem>>
    %dma_start3A_1194 = tpu.memref_reshape %arg4 : memref<5000x5000xi32, #tpu.memory_space<hbm>> -> memref<625x8x5000xi32, #tpu.memory_space<hbm>>
    %dma_start3A_1195 = arith.constant 0 : i32
    %dma_start3A_1196 = tpu.memref_slice %dma_start3A_1194[%shift_right_arithmetic3A_1186, %dma_start3A_1195, %multiple_of3A_1189] : memref<625x8x5000xi32, #tpu.memory_space<hbm>> -> memref<1x8x128xi32, #tpu.memory_space<hbm>>
    %dma_start3A_1197 = arith.constant 10 : i32
    %dma_start3A_1198 = arith.constant 0 : i32
    %dma_start3A_1199 = arith.constant 0 : i32
    %dma_start3A_1200 = tpu.memref_slice %arg14[%dma_start3A_1197, %dma_start3A_1198, %dma_start3A_1199] : memref<32x8x128xi32, #tpu.memory_space<vmem>> -> memref<1x8x128xi32, #tpu.memory_space<vmem>>
    %dma_start3A_1201 = tpu.memref_reshape %arg4 : memref<5000x5000xi32, #tpu.memory_space<hbm>> -> memref<625x8x5000xi32, #tpu.memory_space<hbm>>
    %dma_start3A_1202 = arith.constant 0 : i32
    %dma_start3A_1203 = tpu.memref_slice %dma_start3A_1201[%shift_right_arithmetic3A_1186, %dma_start3A_1202, %multiple_of3A_1189] : memref<625x8x5000xi32, #tpu.memory_space<hbm>> -> memref<1x8x128xi32, #tpu.memory_space<hbm>>
    tpu.enqueue_dma source(%dma_start3A_1203 : memref<1x8x128xi32, #tpu.memory_space<hbm>>) target(%dma_start3A_1200 : memref<1x8x128xi32, #tpu.memory_space<vmem>>) target_semaphore(%arg18 : memref<!tpu.dma_semaphore, #tpu.memory_space<semaphore_mem>>)
    %slice3A_1204 = vector.extract_strided_slice %get3A_972 {offsets = [11], sizes = [1], strides = [1]} : vector<16xi32> to vector<1xi32>
    %squeeze3A_1205 = vector.extract %slice3A_1204[0] : i32 from vector<1xi32>
    %shift_right_arithmetic3A_1206 = arith.constant 13 : i32
    %shift_right_arithmetic3A_1207 = arith.shrsi %squeeze3A_1205, %shift_right_arithmetic3A_1206 : i32
    %and3A_1208 = arith.constant 8191 : i32
    %and3A_1209 = arith.andi %squeeze3A_1205, %and3A_1208 : i32
    %multiple_of3A_1210 = tpu.assume_multiple %and3A_1209, 128 : i32
    %dma_start3A_1211 = arith.constant 11 : i32
    %dma_start3A_1212 = arith.constant 0 : i32
    %dma_start3A_1213 = arith.constant 0 : i32
    %dma_start3A_1214 = tpu.memref_slice %arg14[%dma_start3A_1211, %dma_start3A_1212, %dma_start3A_1213] : memref<32x8x128xi32, #tpu.memory_space<vmem>> -> memref<1x8x128xi32, #tpu.memory_space<vmem>>
    %dma_start3A_1215 = tpu.memref_reshape %arg4 : memref<5000x5000xi32, #tpu.memory_space<hbm>> -> memref<625x8x5000xi32, #tpu.memory_space<hbm>>
    %dma_start3A_1216 = arith.constant 0 : i32
    %dma_start3A_1217 = tpu.memref_slice %dma_start3A_1215[%shift_right_arithmetic3A_1207, %dma_start3A_1216, %multiple_of3A_1210] : memref<625x8x5000xi32, #tpu.memory_space<hbm>> -> memref<1x8x128xi32, #tpu.memory_space<hbm>>
    %dma_start3A_1218 = arith.constant 11 : i32
    %dma_start3A_1219 = arith.constant 0 : i32
    %dma_start3A_1220 = arith.constant 0 : i32
    %dma_start3A_1221 = tpu.memref_slice %arg14[%dma_start3A_1218, %dma_start3A_1219, %dma_start3A_1220] : memref<32x8x128xi32, #tpu.memory_space<vmem>> -> memref<1x8x128xi32, #tpu.memory_space<vmem>>
    %dma_start3A_1222 = tpu.memref_reshape %arg4 : memref<5000x5000xi32, #tpu.memory_space<hbm>> -> memref<625x8x5000xi32, #tpu.memory_space<hbm>>
    %dma_start3A_1223 = arith.constant 0 : i32
    %dma_start3A_1224 = tpu.memref_slice %dma_start3A_1222[%shift_right_arithmetic3A_1207, %dma_start3A_1223, %multiple_of3A_1210] : memref<625x8x5000xi32, #tpu.memory_space<hbm>> -> memref<1x8x128xi32, #tpu.memory_space<hbm>>
    tpu.enqueue_dma source(%dma_start3A_1224 : memref<1x8x128xi32, #tpu.memory_space<hbm>>) target(%dma_start3A_1221 : memref<1x8x128xi32, #tpu.memory_space<vmem>>) target_semaphore(%arg18 : memref<!tpu.dma_semaphore, #tpu.memory_space<semaphore_mem>>)
    %slice3A_1225 = vector.extract_strided_slice %get3A_972 {offsets = [12], sizes = [1], strides = [1]} : vector<16xi32> to vector<1xi32>
    %squeeze3A_1226 = vector.extract %slice3A_1225[0] : i32 from vector<1xi32>
    %shift_right_arithmetic3A_1227 = arith.constant 13 : i32
    %shift_right_arithmetic3A_1228 = arith.shrsi %squeeze3A_1226, %shift_right_arithmetic3A_1227 : i32
    %and3A_1229 = arith.constant 8191 : i32
    %and3A_1230 = arith.andi %squeeze3A_1226, %and3A_1229 : i32
    %multiple_of3A_1231 = tpu.assume_multiple %and3A_1230, 128 : i32
    %dma_start3A_1232 = arith.constant 12 : i32
    %dma_start3A_1233 = arith.constant 0 : i32
    %dma_start3A_1234 = arith.constant 0 : i32
    %dma_start3A_1235 = tpu.memref_slice %arg14[%dma_start3A_1232, %dma_start3A_1233, %dma_start3A_1234] : memref<32x8x128xi32, #tpu.memory_space<vmem>> -> memref<1x8x128xi32, #tpu.memory_space<vmem>>
    %dma_start3A_1236 = tpu.memref_reshape %arg4 : memref<5000x5000xi32, #tpu.memory_space<hbm>> -> memref<625x8x5000xi32, #tpu.memory_space<hbm>>
    %dma_start3A_1237 = arith.constant 0 : i32
    %dma_start3A_1238 = tpu.memref_slice %dma_start3A_1236[%shift_right_arithmetic3A_1228, %dma_start3A_1237, %multiple_of3A_1231] : memref<625x8x5000xi32, #tpu.memory_space<hbm>> -> memref<1x8x128xi32, #tpu.memory_space<hbm>>
    %dma_start3A_1239 = arith.constant 12 : i32
    %dma_start3A_1240 = arith.constant 0 : i32
    %dma_start3A_1241 = arith.constant 0 : i32
    %dma_start3A_1242 = tpu.memref_slice %arg14[%dma_start3A_1239, %dma_start3A_1240, %dma_start3A_1241] : memref<32x8x128xi32, #tpu.memory_space<vmem>> -> memref<1x8x128xi32, #tpu.memory_space<vmem>>
    %dma_start3A_1243 = tpu.memref_reshape %arg4 : memref<5000x5000xi32, #tpu.memory_space<hbm>> -> memref<625x8x5000xi32, #tpu.memory_space<hbm>>
    %dma_start3A_1244 = arith.constant 0 : i32
    %dma_start3A_1245 = tpu.memref_slice %dma_start3A_1243[%shift_right_arithmetic3A_1228, %dma_start3A_1244, %multiple_of3A_1231] : memref<625x8x5000xi32, #tpu.memory_space<hbm>> -> memref<1x8x128xi32, #tpu.memory_space<hbm>>
    tpu.enqueue_dma source(%dma_start3A_1245 : memref<1x8x128xi32, #tpu.memory_space<hbm>>) target(%dma_start3A_1242 : memref<1x8x128xi32, #tpu.memory_space<vmem>>) target_semaphore(%arg18 : memref<!tpu.dma_semaphore, #tpu.memory_space<semaphore_mem>>)
    %slice3A_1246 = vector.extract_strided_slice %get3A_972 {offsets = [13], sizes = [1], strides = [1]} : vector<16xi32> to vector<1xi32>
    %squeeze3A_1247 = vector.extract %slice3A_1246[0] : i32 from vector<1xi32>
    %shift_right_arithmetic3A_1248 = arith.constant 13 : i32
    %shift_right_arithmetic3A_1249 = arith.shrsi %squeeze3A_1247, %shift_right_arithmetic3A_1248 : i32
    %and3A_1250 = arith.constant 8191 : i32
    %and3A_1251 = arith.andi %squeeze3A_1247, %and3A_1250 : i32
    %multiple_of3A_1252 = tpu.assume_multiple %and3A_1251, 128 : i32
    %dma_start3A_1253 = arith.constant 13 : i32
    %dma_start3A_1254 = arith.constant 0 : i32
    %dma_start3A_1255 = arith.constant 0 : i32
    %dma_start3A_1256 = tpu.memref_slice %arg14[%dma_start3A_1253, %dma_start3A_1254, %dma_start3A_1255] : memref<32x8x128xi32, #tpu.memory_space<vmem>> -> memref<1x8x128xi32, #tpu.memory_space<vmem>>
    %dma_start3A_1257 = tpu.memref_reshape %arg4 : memref<5000x5000xi32, #tpu.memory_space<hbm>> -> memref<625x8x5000xi32, #tpu.memory_space<hbm>>
    %dma_start3A_1258 = arith.constant 0 : i32
    %dma_start3A_1259 = tpu.memref_slice %dma_start3A_1257[%shift_right_arithmetic3A_1249, %dma_start3A_1258, %multiple_of3A_1252] : memref<625x8x5000xi32, #tpu.memory_space<hbm>> -> memref<1x8x128xi32, #tpu.memory_space<hbm>>
    %dma_start3A_1260 = arith.constant 13 : i32
    %dma_start3A_1261 = arith.constant 0 : i32
    %dma_start3A_1262 = arith.constant 0 : i32
    %dma_start3A_1263 = tpu.memref_slice %arg14[%dma_start3A_1260, %dma_start3A_1261, %dma_start3A_1262] : memref<32x8x128xi32, #tpu.memory_space<vmem>> -> memref<1x8x128xi32, #tpu.memory_space<vmem>>
    %dma_start3A_1264 = tpu.memref_reshape %arg4 : memref<5000x5000xi32, #tpu.memory_space<hbm>> -> memref<625x8x5000xi32, #tpu.memory_space<hbm>>
    %dma_start3A_1265 = arith.constant 0 : i32
    %dma_start3A_1266 = tpu.memref_slice %dma_start3A_1264[%shift_right_arithmetic3A_1249, %dma_start3A_1265, %multiple_of3A_1252] : memref<625x8x5000xi32, #tpu.memory_space<hbm>> -> memref<1x8x128xi32, #tpu.memory_space<hbm>>
    tpu.enqueue_dma source(%dma_start3A_1266 : memref<1x8x128xi32, #tpu.memory_space<hbm>>) target(%dma_start3A_1263 : memref<1x8x128xi32, #tpu.memory_space<vmem>>) target_semaphore(%arg18 : memref<!tpu.dma_semaphore, #tpu.memory_space<semaphore_mem>>)
    %slice3A_1267 = vector.extract_strided_slice %get3A_972 {offsets = [14], sizes = [1], strides = [1]} : vector<16xi32> to vector<1xi32>
    %squeeze3A_1268 = vector.extract %slice3A_1267[0] : i32 from vector<1xi32>
    %shift_right_arithmetic3A_1269 = arith.constant 13 : i32
    %shift_right_arithmetic3A_1270 = arith.shrsi %squeeze3A_1268, %shift_right_arithmetic3A_1269 : i32
    %and3A_1271 = arith.constant 8191 : i32
    %and3A_1272 = arith.andi %squeeze3A_1268, %and3A_1271 : i32
    %multiple_of3A_1273 = tpu.assume_multiple %and3A_1272, 128 : i32
    %dma_start3A_1274 = arith.constant 14 : i32
    %dma_start3A_1275 = arith.constant 0 : i32
    %dma_start3A_1276 = arith.constant 0 : i32
    %dma_start3A_1277 = tpu.memref_slice %arg14[%dma_start3A_1274, %dma_start3A_1275, %dma_start3A_1276] : memref<32x8x128xi32, #tpu.memory_space<vmem>> -> memref<1x8x128xi32, #tpu.memory_space<vmem>>
    %dma_start3A_1278 = tpu.memref_reshape %arg4 : memref<5000x5000xi32, #tpu.memory_space<hbm>> -> memref<625x8x5000xi32, #tpu.memory_space<hbm>>
    %dma_start3A_1279 = arith.constant 0 : i32
    %dma_start3A_1280 = tpu.memref_slice %dma_start3A_1278[%shift_right_arithmetic3A_1270, %dma_start3A_1279, %multiple_of3A_1273] : memref<625x8x5000xi32, #tpu.memory_space<hbm>> -> memref<1x8x128xi32, #tpu.memory_space<hbm>>
    %dma_start3A_1281 = arith.constant 14 : i32
    %dma_start3A_1282 = arith.constant 0 : i32
    %dma_start3A_1283 = arith.constant 0 : i32
    %dma_start3A_1284 = tpu.memref_slice %arg14[%dma_start3A_1281, %dma_start3A_1282, %dma_start3A_1283] : memref<32x8x128xi32, #tpu.memory_space<vmem>> -> memref<1x8x128xi32, #tpu.memory_space<vmem>>
    %dma_start3A_1285 = tpu.memref_reshape %arg4 : memref<5000x5000xi32, #tpu.memory_space<hbm>> -> memref<625x8x5000xi32, #tpu.memory_space<hbm>>
    %dma_start3A_1286 = arith.constant 0 : i32
    %dma_start3A_1287 = tpu.memref_slice %dma_start3A_1285[%shift_right_arithmetic3A_1270, %dma_start3A_1286, %multiple_of3A_1273] : memref<625x8x5000xi32, #tpu.memory_space<hbm>> -> memref<1x8x128xi32, #tpu.memory_space<hbm>>
    tpu.enqueue_dma source(%dma_start3A_1287 : memref<1x8x128xi32, #tpu.memory_space<hbm>>) target(%dma_start3A_1284 : memref<1x8x128xi32, #tpu.memory_space<vmem>>) target_semaphore(%arg18 : memref<!tpu.dma_semaphore, #tpu.memory_space<semaphore_mem>>)
    %slice3A_1288 = vector.extract_strided_slice %get3A_972 {offsets = [15], sizes = [1], strides = [1]} : vector<16xi32> to vector<1xi32>
    %squeeze3A_1289 = vector.extract %slice3A_1288[0] : i32 from vector<1xi32>
    %shift_right_arithmetic3A_1290 = arith.constant 13 : i32
    %shift_right_arithmetic3A_1291 = arith.shrsi %squeeze3A_1289, %shift_right_arithmetic3A_1290 : i32
    %and3A_1292 = arith.constant 8191 : i32
    %and3A_1293 = arith.andi %squeeze3A_1289, %and3A_1292 : i32
    %multiple_of3A_1294 = tpu.assume_multiple %and3A_1293, 128 : i32
    %dma_start3A_1295 = arith.constant 15 : i32
    %dma_start3A_1296 = arith.constant 0 : i32
    %dma_start3A_1297 = arith.constant 0 : i32
    %dma_start3A_1298 = tpu.memref_slice %arg14[%dma_start3A_1295, %dma_start3A_1296, %dma_start3A_1297] : memref<32x8x128xi32, #tpu.memory_space<vmem>> -> memref<1x8x128xi32, #tpu.memory_space<vmem>>
    %dma_start3A_1299 = tpu.memref_reshape %arg4 : memref<5000x5000xi32, #tpu.memory_space<hbm>> -> memref<625x8x5000xi32, #tpu.memory_space<hbm>>
    %dma_start3A_1300 = arith.constant 0 : i32
    %dma_start3A_1301 = tpu.memref_slice %dma_start3A_1299[%shift_right_arithmetic3A_1291, %dma_start3A_1300, %multiple_of3A_1294] : memref<625x8x5000xi32, #tpu.memory_space<hbm>> -> memref<1x8x128xi32, #tpu.memory_space<hbm>>
    %dma_start3A_1302 = arith.constant 15 : i32
    %dma_start3A_1303 = arith.constant 0 : i32
    %dma_start3A_1304 = arith.constant 0 : i32
    %dma_start3A_1305 = tpu.memref_slice %arg14[%dma_start3A_1302, %dma_start3A_1303, %dma_start3A_1304] : memref<32x8x128xi32, #tpu.memory_space<vmem>> -> memref<1x8x128xi32, #tpu.memory_space<vmem>>
    %dma_start3A_1306 = tpu.memref_reshape %arg4 : memref<5000x5000xi32, #tpu.memory_space<hbm>> -> memref<625x8x5000xi32, #tpu.memory_space<hbm>>
    %dma_start3A_1307 = arith.constant 0 : i32
    %dma_start3A_1308 = tpu.memref_slice %dma_start3A_1306[%shift_right_arithmetic3A_1291, %dma_start3A_1307, %multiple_of3A_1294] : memref<625x8x5000xi32, #tpu.memory_space<hbm>> -> memref<1x8x128xi32, #tpu.memory_space<hbm>>
    tpu.enqueue_dma source(%dma_start3A_1308 : memref<1x8x128xi32, #tpu.memory_space<hbm>>) target(%dma_start3A_1305 : memref<1x8x128xi32, #tpu.memory_space<vmem>>) target_semaphore(%arg18 : memref<!tpu.dma_semaphore, #tpu.memory_space<semaphore_mem>>)
    %get3A_1309 = arith.constant 48 : index
    %get3A_1310 = tpu.vector_load %arg10[%get3A_1309] {strides = array<i32>} : memref<144xi32, #tpu.memory_space<vmem>>, vector<16xi32>,
    %slice3A_1311 = vector.extract_strided_slice %get3A_1310 {offsets = [0], sizes = [1], strides = [1]} : vector<16xi32> to vector<1xi32>
    %squeeze3A_1312 = vector.extract %slice3A_1311[0] : i32 from vector<1xi32>
    %shift_right_arithmetic3A_1313 = arith.constant 13 : i32
    %shift_right_arithmetic3A_1314 = arith.shrsi %squeeze3A_1312, %shift_right_arithmetic3A_1313 : i32
    %and3A_1315 = arith.constant 8191 : i32
    %and3A_1316 = arith.andi %squeeze3A_1312, %and3A_1315 : i32
    %multiple_of3A_1317 = tpu.assume_multiple %and3A_1316, 128 : i32
    %dma_start3A_1318 = arith.constant 16 : i32
    %dma_start3A_1319 = arith.constant 0 : i32
    %dma_start3A_1320 = arith.constant 0 : i32
    %dma_start3A_1321 = tpu.memref_slice %arg14[%dma_start3A_1318, %dma_start3A_1319, %dma_start3A_1320] : memref<32x8x128xi32, #tpu.memory_space<vmem>> -> memref<1x8x128xi32, #tpu.memory_space<vmem>>
    %dma_start3A_1322 = tpu.memref_reshape %arg4 : memref<5000x5000xi32, #tpu.memory_space<hbm>> -> memref<625x8x5000xi32, #tpu.memory_space<hbm>>
    %dma_start3A_1323 = arith.constant 0 : i32
    %dma_start3A_1324 = tpu.memref_slice %dma_start3A_1322[%shift_right_arithmetic3A_1314, %dma_start3A_1323, %multiple_of3A_1317] : memref<625x8x5000xi32, #tpu.memory_space<hbm>> -> memref<1x8x128xi32, #tpu.memory_space<hbm>>
    %dma_start3A_1325 = arith.constant 16 : i32
    %dma_start3A_1326 = arith.constant 0 : i32
    %dma_start3A_1327 = arith.constant 0 : i32
    %dma_start3A_1328 = tpu.memref_slice %arg14[%dma_start3A_1325, %dma_start3A_1326, %dma_start3A_1327] : memref<32x8x128xi32, #tpu.memory_space<vmem>> -> memref<1x8x128xi32, #tpu.memory_space<vmem>>
    %dma_start3A_1329 = tpu.memref_reshape %arg4 : memref<5000x5000xi32, #tpu.memory_space<hbm>> -> memref<625x8x5000xi32, #tpu.memory_space<hbm>>
    %dma_start3A_1330 = arith.constant 0 : i32
    %dma_start3A_1331 = tpu.memref_slice %dma_start3A_1329[%shift_right_arithmetic3A_1314, %dma_start3A_1330, %multiple_of3A_1317] : memref<625x8x5000xi32, #tpu.memory_space<hbm>> -> memref<1x8x128xi32, #tpu.memory_space<hbm>>
    tpu.enqueue_dma source(%dma_start3A_1331 : memref<1x8x128xi32, #tpu.memory_space<hbm>>) target(%dma_start3A_1328 : memref<1x8x128xi32, #tpu.memory_space<vmem>>) target_semaphore(%arg18 : memref<!tpu.dma_semaphore, #tpu.memory_space<semaphore_mem>>)
    %slice3A_1332 = vector.extract_strided_slice %get3A_1310 {offsets = [1], sizes = [1], strides = [1]} : vector<16xi32> to vector<1xi32>
    %squeeze3A_1333 = vector.extract %slice3A_1332[0] : i32 from vector<1xi32>
    %shift_right_arithmetic3A_1334 = arith.constant 13 : i32
    %shift_right_arithmetic3A_1335 = arith.shrsi %squeeze3A_1333, %shift_right_arithmetic3A_1334 : i32
    %and3A_1336 = arith.constant 8191 : i32
    %and3A_1337 = arith.andi %squeeze3A_1333, %and3A_1336 : i32
    %multiple_of3A_1338 = tpu.assume_multiple %and3A_1337, 128 : i32
    %dma_start3A_1339 = arith.constant 17 : i32
    %dma_start3A_1340 = arith.constant 0 : i32
    %dma_start3A_1341 = arith.constant 0 : i32
    %dma_start3A_1342 = tpu.memref_slice %arg14[%dma_start3A_1339, %dma_start3A_1340, %dma_start3A_1341] : memref<32x8x128xi32, #tpu.memory_space<vmem>> -> memref<1x8x128xi32, #tpu.memory_space<vmem>>
    %dma_start3A_1343 = tpu.memref_reshape %arg4 : memref<5000x5000xi32, #tpu.memory_space<hbm>> -> memref<625x8x5000xi32, #tpu.memory_space<hbm>>
    %dma_start3A_1344 = arith.constant 0 : i32
    %dma_start3A_1345 = tpu.memref_slice %dma_start3A_1343[%shift_right_arithmetic3A_1335, %dma_start3A_1344, %multiple_of3A_1338] : memref<625x8x5000xi32, #tpu.memory_space<hbm>> -> memref<1x8x128xi32, #tpu.memory_space<hbm>>
    %dma_start3A_1346 = arith.constant 17 : i32
    %dma_start3A_1347 = arith.constant 0 : i32
    %dma_start3A_1348 = arith.constant 0 : i32
    %dma_start3A_1349 = tpu.memref_slice %arg14[%dma_start3A_1346, %dma_start3A_1347, %dma_start3A_1348] : memref<32x8x128xi32, #tpu.memory_space<vmem>> -> memref<1x8x128xi32, #tpu.memory_space<vmem>>
    %dma_start3A_1350 = tpu.memref_reshape %arg4 : memref<5000x5000xi32, #tpu.memory_space<hbm>> -> memref<625x8x5000xi32, #tpu.memory_space<hbm>>
    %dma_start3A_1351 = arith.constant 0 : i32
    %dma_start3A_1352 = tpu.memref_slice %dma_start3A_1350[%shift_right_arithmetic3A_1335, %dma_start3A_1351, %multiple_of3A_1338] : memref<625x8x5000xi32, #tpu.memory_space<hbm>> -> memref<1x8x128xi32, #tpu.memory_space<hbm>>
    tpu.enqueue_dma source(%dma_start3A_1352 : memref<1x8x128xi32, #tpu.memory_space<hbm>>) target(%dma_start3A_1349 : memref<1x8x128xi32, #tpu.memory_space<vmem>>) target_semaphore(%arg18 : memref<!tpu.dma_semaphore, #tpu.memory_space<semaphore_mem>>)
    %slice3A_1353 = vector.extract_strided_slice %get3A_1310 {offsets = [2], sizes = [1], strides = [1]} : vector<16xi32> to vector<1xi32>
    %squeeze3A_1354 = vector.extract %slice3A_1353[0] : i32 from vector<1xi32>
    %shift_right_arithmetic3A_1355 = arith.constant 13 : i32
    %shift_right_arithmetic3A_1356 = arith.shrsi %squeeze3A_1354, %shift_right_arithmetic3A_1355 : i32
    %and3A_1357 = arith.constant 8191 : i32
    %and3A_1358 = arith.andi %squeeze3A_1354, %and3A_1357 : i32
    %multiple_of3A_1359 = tpu.assume_multiple %and3A_1358, 128 : i32
    %dma_start3A_1360 = arith.constant 18 : i32
    %dma_start3A_1361 = arith.constant 0 : i32
    %dma_start3A_1362 = arith.constant 0 : i32
    %dma_start3A_1363 = tpu.memref_slice %arg14[%dma_start3A_1360, %dma_start3A_1361, %dma_start3A_1362] : memref<32x8x128xi32, #tpu.memory_space<vmem>> -> memref<1x8x128xi32, #tpu.memory_space<vmem>>
    %dma_start3A_1364 = tpu.memref_reshape %arg4 : memref<5000x5000xi32, #tpu.memory_space<hbm>> -> memref<625x8x5000xi32, #tpu.memory_space<hbm>>
    %dma_start3A_1365 = arith.constant 0 : i32
    %dma_start3A_1366 = tpu.memref_slice %dma_start3A_1364[%shift_right_arithmetic3A_1356, %dma_start3A_1365, %multiple_of3A_1359] : memref<625x8x5000xi32, #tpu.memory_space<hbm>> -> memref<1x8x128xi32, #tpu.memory_space<hbm>>
    %dma_start3A_1367 = arith.constant 18 : i32
    %dma_start3A_1368 = arith.constant 0 : i32
    %dma_start3A_1369 = arith.constant 0 : i32
    %dma_start3A_1370 = tpu.memref_slice %arg14[%dma_start3A_1367, %dma_start3A_1368, %dma_start3A_1369] : memref<32x8x128xi32, #tpu.memory_space<vmem>> -> memref<1x8x128xi32, #tpu.memory_space<vmem>>
    %dma_start3A_1371 = tpu.memref_reshape %arg4 : memref<5000x5000xi32, #tpu.memory_space<hbm>> -> memref<625x8x5000xi32, #tpu.memory_space<hbm>>
    %dma_start3A_1372 = arith.constant 0 : i32
    %dma_start3A_1373 = tpu.memref_slice %dma_start3A_1371[%shift_right_arithmetic3A_1356, %dma_start3A_1372, %multiple_of3A_1359] : memref<625x8x5000xi32, #tpu.memory_space<hbm>> -> memref<1x8x128xi32, #tpu.memory_space<hbm>>
    tpu.enqueue_dma source(%dma_start3A_1373 : memref<1x8x128xi32, #tpu.memory_space<hbm>>) target(%dma_start3A_1370 : memref<1x8x128xi32, #tpu.memory_space<vmem>>) target_semaphore(%arg18 : memref<!tpu.dma_semaphore, #tpu.memory_space<semaphore_mem>>)
    %slice3A_1374 = vector.extract_strided_slice %get3A_1310 {offsets = [3], sizes = [1], strides = [1]} : vector<16xi32> to vector<1xi32>
    %squeeze3A_1375 = vector.extract %slice3A_1374[0] : i32 from vector<1xi32>
    %shift_right_arithmetic3A_1376 = arith.constant 13 : i32
    %shift_right_arithmetic3A_1377 = arith.shrsi %squeeze3A_1375, %shift_right_arithmetic3A_1376 : i32
    %and3A_1378 = arith.constant 8191 : i32
    %and3A_1379 = arith.andi %squeeze3A_1375, %and3A_1378 : i32
    %multiple_of3A_1380 = tpu.assume_multiple %and3A_1379, 128 : i32
    %dma_start3A_1381 = arith.constant 19 : i32
    %dma_start3A_1382 = arith.constant 0 : i32
    %dma_start3A_1383 = arith.constant 0 : i32
    %dma_start3A_1384 = tpu.memref_slice %arg14[%dma_start3A_1381, %dma_start3A_1382, %dma_start3A_1383] : memref<32x8x128xi32, #tpu.memory_space<vmem>> -> memref<1x8x128xi32, #tpu.memory_space<vmem>>
    %dma_start3A_1385 = tpu.memref_reshape %arg4 : memref<5000x5000xi32, #tpu.memory_space<hbm>> -> memref<625x8x5000xi32, #tpu.memory_space<hbm>>
    %dma_start3A_1386 = arith.constant 0 : i32
    %dma_start3A_1387 = tpu.memref_slice %dma_start3A_1385[%shift_right_arithmetic3A_1377, %dma_start3A_1386, %multiple_of3A_1380] : memref<625x8x5000xi32, #tpu.memory_space<hbm>> -> memref<1x8x128xi32, #tpu.memory_space<hbm>>
    %dma_start3A_1388 = arith.constant 19 : i32
    %dma_start3A_1389 = arith.constant 0 : i32
    %dma_start3A_1390 = arith.constant 0 : i32
    %dma_start3A_1391 = tpu.memref_slice %arg14[%dma_start3A_1388, %dma_start3A_1389, %dma_start3A_1390] : memref<32x8x128xi32, #tpu.memory_space<vmem>> -> memref<1x8x128xi32, #tpu.memory_space<vmem>>
    %dma_start3A_1392 = tpu.memref_reshape %arg4 : memref<5000x5000xi32, #tpu.memory_space<hbm>> -> memref<625x8x5000xi32, #tpu.memory_space<hbm>>
    %dma_start3A_1393 = arith.constant 0 : i32
    %dma_start3A_1394 = tpu.memref_slice %dma_start3A_1392[%shift_right_arithmetic3A_1377, %dma_start3A_1393, %multiple_of3A_1380] : memref<625x8x5000xi32, #tpu.memory_space<hbm>> -> memref<1x8x128xi32, #tpu.memory_space<hbm>>
    tpu.enqueue_dma source(%dma_start3A_1394 : memref<1x8x128xi32, #tpu.memory_space<hbm>>) target(%dma_start3A_1391 : memref<1x8x128xi32, #tpu.memory_space<vmem>>) target_semaphore(%arg18 : memref<!tpu.dma_semaphore, #tpu.memory_space<semaphore_mem>>)
    %slice3A_1395 = vector.extract_strided_slice %get3A_1310 {offsets = [4], sizes = [1], strides = [1]} : vector<16xi32> to vector<1xi32>
    %squeeze3A_1396 = vector.extract %slice3A_1395[0] : i32 from vector<1xi32>
    %shift_right_arithmetic3A_1397 = arith.constant 13 : i32
    %shift_right_arithmetic3A_1398 = arith.shrsi %squeeze3A_1396, %shift_right_arithmetic3A_1397 : i32
    %and3A_1399 = arith.constant 8191 : i32
    %and3A_1400 = arith.andi %squeeze3A_1396, %and3A_1399 : i32
    %multiple_of3A_1401 = tpu.assume_multiple %and3A_1400, 128 : i32
    %dma_start3A_1402 = arith.constant 20 : i32
    %dma_start3A_1403 = arith.constant 0 : i32
    %dma_start3A_1404 = arith.constant 0 : i32
    %dma_start3A_1405 = tpu.memref_slice %arg14[%dma_start3A_1402, %dma_start3A_1403, %dma_start3A_1404] : memref<32x8x128xi32, #tpu.memory_space<vmem>> -> memref<1x8x128xi32, #tpu.memory_space<vmem>>
    %dma_start3A_1406 = tpu.memref_reshape %arg4 : memref<5000x5000xi32, #tpu.memory_space<hbm>> -> memref<625x8x5000xi32, #tpu.memory_space<hbm>>
    %dma_start3A_1407 = arith.constant 0 : i32
    %dma_start3A_1408 = tpu.memref_slice %dma_start3A_1406[%shift_right_arithmetic3A_1398, %dma_start3A_1407, %multiple_of3A_1401] : memref<625x8x5000xi32, #tpu.memory_space<hbm>> -> memref<1x8x128xi32, #tpu.memory_space<hbm>>
    %dma_start3A_1409 = arith.constant 20 : i32
    %dma_start3A_1410 = arith.constant 0 : i32
    %dma_start3A_1411 = arith.constant 0 : i32
    %dma_start3A_1412 = tpu.memref_slice %arg14[%dma_start3A_1409, %dma_start3A_1410, %dma_start3A_1411] : memref<32x8x128xi32, #tpu.memory_space<vmem>> -> memref<1x8x128xi32, #tpu.memory_space<vmem>>
    %dma_start3A_1413 = tpu.memref_reshape %arg4 : memref<5000x5000xi32, #tpu.memory_space<hbm>> -> memref<625x8x5000xi32, #tpu.memory_space<hbm>>
    %dma_start3A_1414 = arith.constant 0 : i32
    %dma_start3A_1415 = tpu.memref_slice %dma_start3A_1413[%shift_right_arithmetic3A_1398, %dma_start3A_1414, %multiple_of3A_1401] : memref<625x8x5000xi32, #tpu.memory_space<hbm>> -> memref<1x8x128xi32, #tpu.memory_space<hbm>>
    tpu.enqueue_dma source(%dma_start3A_1415 : memref<1x8x128xi32, #tpu.memory_space<hbm>>) target(%dma_start3A_1412 : memref<1x8x128xi32, #tpu.memory_space<vmem>>) target_semaphore(%arg18 : memref<!tpu.dma_semaphore, #tpu.memory_space<semaphore_mem>>)
    %slice3A_1416 = vector.extract_strided_slice %get3A_1310 {offsets = [5], sizes = [1], strides = [1]} : vector<16xi32> to vector<1xi32>
    %squeeze3A_1417 = vector.extract %slice3A_1416[0] : i32 from vector<1xi32>
    %shift_right_arithmetic3A_1418 = arith.constant 13 : i32
    %shift_right_arithmetic3A_1419 = arith.shrsi %squeeze3A_1417, %shift_right_arithmetic3A_1418 : i32
    %and3A_1420 = arith.constant 8191 : i32
    %and3A_1421 = arith.andi %squeeze3A_1417, %and3A_1420 : i32
    %multiple_of3A_1422 = tpu.assume_multiple %and3A_1421, 128 : i32
    %dma_start3A_1423 = arith.constant 21 : i32
    %dma_start3A_1424 = arith.constant 0 : i32
    %dma_start3A_1425 = arith.constant 0 : i32
    %dma_start3A_1426 = tpu.memref_slice %arg14[%dma_start3A_1423, %dma_start3A_1424, %dma_start3A_1425] : memref<32x8x128xi32, #tpu.memory_space<vmem>> -> memref<1x8x128xi32, #tpu.memory_space<vmem>>
    %dma_start3A_1427 = tpu.memref_reshape %arg4 : memref<5000x5000xi32, #tpu.memory_space<hbm>> -> memref<625x8x5000xi32, #tpu.memory_space<hbm>>
    %dma_start3A_1428 = arith.constant 0 : i32
    %dma_start3A_1429 = tpu.memref_slice %dma_start3A_1427[%shift_right_arithmetic3A_1419, %dma_start3A_1428, %multiple_of3A_1422] : memref<625x8x5000xi32, #tpu.memory_space<hbm>> -> memref<1x8x128xi32, #tpu.memory_space<hbm>>
    %dma_start3A_1430 = arith.constant 21 : i32
    %dma_start3A_1431 = arith.constant 0 : i32
    %dma_start3A_1432 = arith.constant 0 : i32
    %dma_start3A_1433 = tpu.memref_slice %arg14[%dma_start3A_1430, %dma_start3A_1431, %dma_start3A_1432] : memref<32x8x128xi32, #tpu.memory_space<vmem>> -> memref<1x8x128xi32, #tpu.memory_space<vmem>>
    %dma_start3A_1434 = tpu.memref_reshape %arg4 : memref<5000x5000xi32, #tpu.memory_space<hbm>> -> memref<625x8x5000xi32, #tpu.memory_space<hbm>>
    %dma_start3A_1435 = arith.constant 0 : i32
    %dma_start3A_1436 = tpu.memref_slice %dma_start3A_1434[%shift_right_arithmetic3A_1419, %dma_start3A_1435, %multiple_of3A_1422] : memref<625x8x5000xi32, #tpu.memory_space<hbm>> -> memref<1x8x128xi32, #tpu.memory_space<hbm>>
    tpu.enqueue_dma source(%dma_start3A_1436 : memref<1x8x128xi32, #tpu.memory_space<hbm>>) target(%dma_start3A_1433 : memref<1x8x128xi32, #tpu.memory_space<vmem>>) target_semaphore(%arg18 : memref<!tpu.dma_semaphore, #tpu.memory_space<semaphore_mem>>)
    %slice3A_1437 = vector.extract_strided_slice %get3A_1310 {offsets = [6], sizes = [1], strides = [1]} : vector<16xi32> to vector<1xi32>
    %squeeze3A_1438 = vector.extract %slice3A_1437[0] : i32 from vector<1xi32>
    %shift_right_arithmetic3A_1439 = arith.constant 13 : i32
    %shift_right_arithmetic3A_1440 = arith.shrsi %squeeze3A_1438, %shift_right_arithmetic3A_1439 : i32
    %and3A_1441 = arith.constant 8191 : i32
    %and3A_1442 = arith.andi %squeeze3A_1438, %and3A_1441 : i32
    %multiple_of3A_1443 = tpu.assume_multiple %and3A_1442, 128 : i32
    %dma_start3A_1444 = arith.constant 22 : i32
    %dma_start3A_1445 = arith.constant 0 : i32
    %dma_start3A_1446 = arith.constant 0 : i32
    %dma_start3A_1447 = tpu.memref_slice %arg14[%dma_start3A_1444, %dma_start3A_1445, %dma_start3A_1446] : memref<32x8x128xi32, #tpu.memory_space<vmem>> -> memref<1x8x128xi32, #tpu.memory_space<vmem>>
    %dma_start3A_1448 = tpu.memref_reshape %arg4 : memref<5000x5000xi32, #tpu.memory_space<hbm>> -> memref<625x8x5000xi32, #tpu.memory_space<hbm>>
    %dma_start3A_1449 = arith.constant 0 : i32
    %dma_start3A_1450 = tpu.memref_slice %dma_start3A_1448[%shift_right_arithmetic3A_1440, %dma_start3A_1449, %multiple_of3A_1443] : memref<625x8x5000xi32, #tpu.memory_space<hbm>> -> memref<1x8x128xi32, #tpu.memory_space<hbm>>
    %dma_start3A_1451 = arith.constant 22 : i32
    %dma_start3A_1452 = arith.constant 0 : i32
    %dma_start3A_1453 = arith.constant 0 : i32
    %dma_start3A_1454 = tpu.memref_slice %arg14[%dma_start3A_1451, %dma_start3A_1452, %dma_start3A_1453] : memref<32x8x128xi32, #tpu.memory_space<vmem>> -> memref<1x8x128xi32, #tpu.memory_space<vmem>>
    %dma_start3A_1455 = tpu.memref_reshape %arg4 : memref<5000x5000xi32, #tpu.memory_space<hbm>> -> memref<625x8x5000xi32, #tpu.memory_space<hbm>>
    %dma_start3A_1456 = arith.constant 0 : i32
    %dma_start3A_1457 = tpu.memref_slice %dma_start3A_1455[%shift_right_arithmetic3A_1440, %dma_start3A_1456, %multiple_of3A_1443] : memref<625x8x5000xi32, #tpu.memory_space<hbm>> -> memref<1x8x128xi32, #tpu.memory_space<hbm>>
    tpu.enqueue_dma source(%dma_start3A_1457 : memref<1x8x128xi32, #tpu.memory_space<hbm>>) target(%dma_start3A_1454 : memref<1x8x128xi32, #tpu.memory_space<vmem>>) target_semaphore(%arg18 : memref<!tpu.dma_semaphore, #tpu.memory_space<semaphore_mem>>)
    %slice3A_1458 = vector.extract_strided_slice %get3A_1310 {offsets = [7], sizes = [1], strides = [1]} : vector<16xi32> to vector<1xi32>
    %squeeze3A_1459 = vector.extract %slice3A_1458[0] : i32 from vector<1xi32>
    %shift_right_arithmetic3A_1460 = arith.constant 13 : i32
    %shift_right_arithmetic3A_1461 = arith.shrsi %squeeze3A_1459, %shift_right_arithmetic3A_1460 : i32
    %and3A_1462 = arith.constant 8191 : i32
    %and3A_1463 = arith.andi %squeeze3A_1459, %and3A_1462 : i32
    %multiple_of3A_1464 = tpu.assume_multiple %and3A_1463, 128 : i32
    %dma_start3A_1465 = arith.constant 23 : i32
    %dma_start3A_1466 = arith.constant 0 : i32
    %dma_start3A_1467 = arith.constant 0 : i32
    %dma_start3A_1468 = tpu.memref_slice %arg14[%dma_start3A_1465, %dma_start3A_1466, %dma_start3A_1467] : memref<32x8x128xi32, #tpu.memory_space<vmem>> -> memref<1x8x128xi32, #tpu.memory_space<vmem>>
    %dma_start3A_1469 = tpu.memref_reshape %arg4 : memref<5000x5000xi32, #tpu.memory_space<hbm>> -> memref<625x8x5000xi32, #tpu.memory_space<hbm>>
    %dma_start3A_1470 = arith.constant 0 : i32
    %dma_start3A_1471 = tpu.memref_slice %dma_start3A_1469[%shift_right_arithmetic3A_1461, %dma_start3A_1470, %multiple_of3A_1464] : memref<625x8x5000xi32, #tpu.memory_space<hbm>> -> memref<1x8x128xi32, #tpu.memory_space<hbm>>
    %dma_start3A_1472 = arith.constant 23 : i32
    %dma_start3A_1473 = arith.constant 0 : i32
    %dma_start3A_1474 = arith.constant 0 : i32
    %dma_start3A_1475 = tpu.memref_slice %arg14[%dma_start3A_1472, %dma_start3A_1473, %dma_start3A_1474] : memref<32x8x128xi32, #tpu.memory_space<vmem>> -> memref<1x8x128xi32, #tpu.memory_space<vmem>>
    %dma_start3A_1476 = tpu.memref_reshape %arg4 : memref<5000x5000xi32, #tpu.memory_space<hbm>> -> memref<625x8x5000xi32, #tpu.memory_space<hbm>>
    %dma_start3A_1477 = arith.constant 0 : i32
    %dma_start3A_1478 = tpu.memref_slice %dma_start3A_1476[%shift_right_arithmetic3A_1461, %dma_start3A_1477, %multiple_of3A_1464] : memref<625x8x5000xi32, #tpu.memory_space<hbm>> -> memref<1x8x128xi32, #tpu.memory_space<hbm>>
    tpu.enqueue_dma source(%dma_start3A_1478 : memref<1x8x128xi32, #tpu.memory_space<hbm>>) target(%dma_start3A_1475 : memref<1x8x128xi32, #tpu.memory_space<vmem>>) target_semaphore(%arg18 : memref<!tpu.dma_semaphore, #tpu.memory_space<semaphore_mem>>)
    %slice3A_1479 = vector.extract_strided_slice %get3A_1310 {offsets = [8], sizes = [1], strides = [1]} : vector<16xi32> to vector<1xi32>
    %squeeze3A_1480 = vector.extract %slice3A_1479[0] : i32 from vector<1xi32>
    %shift_right_arithmetic3A_1481 = arith.constant 13 : i32
    %shift_right_arithmetic3A_1482 = arith.shrsi %squeeze3A_1480, %shift_right_arithmetic3A_1481 : i32
    %and3A_1483 = arith.constant 8191 : i32
    %and3A_1484 = arith.andi %squeeze3A_1480, %and3A_1483 : i32
    %multiple_of3A_1485 = tpu.assume_multiple %and3A_1484, 128 : i32
    %dma_start3A_1486 = arith.constant 24 : i32
    %dma_start3A_1487 = arith.constant 0 : i32
    %dma_start3A_1488 = arith.constant 0 : i32
    %dma_start3A_1489 = tpu.memref_slice %arg14[%dma_start3A_1486, %dma_start3A_1487, %dma_start3A_1488] : memref<32x8x128xi32, #tpu.memory_space<vmem>> -> memref<1x8x128xi32, #tpu.memory_space<vmem>>
    %dma_start3A_1490 = tpu.memref_reshape %arg4 : memref<5000x5000xi32, #tpu.memory_space<hbm>> -> memref<625x8x5000xi32, #tpu.memory_space<hbm>>
    %dma_start3A_1491 = arith.constant 0 : i32
    %dma_start3A_1492 = tpu.memref_slice %dma_start3A_1490[%shift_right_arithmetic3A_1482, %dma_start3A_1491, %multiple_of3A_1485] : memref<625x8x5000xi32, #tpu.memory_space<hbm>> -> memref<1x8x128xi32, #tpu.memory_space<hbm>>
    %dma_start3A_1493 = arith.constant 24 : i32
    %dma_start3A_1494 = arith.constant 0 : i32
    %dma_start3A_1495 = arith.constant 0 : i32
    %dma_start3A_1496 = tpu.memref_slice %arg14[%dma_start3A_1493, %dma_start3A_1494, %dma_start3A_1495] : memref<32x8x128xi32, #tpu.memory_space<vmem>> -> memref<1x8x128xi32, #tpu.memory_space<vmem>>
    %dma_start3A_1497 = tpu.memref_reshape %arg4 : memref<5000x5000xi32, #tpu.memory_space<hbm>> -> memref<625x8x5000xi32, #tpu.memory_space<hbm>>
    %dma_start3A_1498 = arith.constant 0 : i32
    %dma_start3A_1499 = tpu.memref_slice %dma_start3A_1497[%shift_right_arithmetic3A_1482, %dma_start3A_1498, %multiple_of3A_1485] : memref<625x8x5000xi32, #tpu.memory_space<hbm>> -> memref<1x8x128xi32, #tpu.memory_space<hbm>>
    tpu.enqueue_dma source(%dma_start3A_1499 : memref<1x8x128xi32, #tpu.memory_space<hbm>>) target(%dma_start3A_1496 : memref<1x8x128xi32, #tpu.memory_space<vmem>>) target_semaphore(%arg18 : memref<!tpu.dma_semaphore, #tpu.memory_space<semaphore_mem>>)
    %slice3A_1500 = vector.extract_strided_slice %get3A_1310 {offsets = [9], sizes = [1], strides = [1]} : vector<16xi32> to vector<1xi32>
    %squeeze3A_1501 = vector.extract %slice3A_1500[0] : i32 from vector<1xi32>
    %shift_right_arithmetic3A_1502 = arith.constant 13 : i32
    %shift_right_arithmetic3A_1503 = arith.shrsi %squeeze3A_1501, %shift_right_arithmetic3A_1502 : i32
    %and3A_1504 = arith.constant 8191 : i32
    %and3A_1505 = arith.andi %squeeze3A_1501, %and3A_1504 : i32
    %multiple_of3A_1506 = tpu.assume_multiple %and3A_1505, 128 : i32
    %dma_start3A_1507 = arith.constant 25 : i32
    %dma_start3A_1508 = arith.constant 0 : i32
    %dma_start3A_1509 = arith.constant 0 : i32
    %dma_start3A_1510 = tpu.memref_slice %arg14[%dma_start3A_1507, %dma_start3A_1508, %dma_start3A_1509] : memref<32x8x128xi32, #tpu.memory_space<vmem>> -> memref<1x8x128xi32, #tpu.memory_space<vmem>>
    %dma_start3A_1511 = tpu.memref_reshape %arg4 : memref<5000x5000xi32, #tpu.memory_space<hbm>> -> memref<625x8x5000xi32, #tpu.memory_space<hbm>>
    %dma_start3A_1512 = arith.constant 0 : i32
    %dma_start3A_1513 = tpu.memref_slice %dma_start3A_1511[%shift_right_arithmetic3A_1503, %dma_start3A_1512, %multiple_of3A_1506] : memref<625x8x5000xi32, #tpu.memory_space<hbm>> -> memref<1x8x128xi32, #tpu.memory_space<hbm>>
    %dma_start3A_1514 = arith.constant 25 : i32
    %dma_start3A_1515 = arith.constant 0 : i32
    %dma_start3A_1516 = arith.constant 0 : i32
    %dma_start3A_1517 = tpu.memref_slice %arg14[%dma_start3A_1514, %dma_start3A_1515, %dma_start3A_1516] : memref<32x8x128xi32, #tpu.memory_space<vmem>> -> memref<1x8x128xi32, #tpu.memory_space<vmem>>
    %dma_start3A_1518 = tpu.memref_reshape %arg4 : memref<5000x5000xi32, #tpu.memory_space<hbm>> -> memref<625x8x5000xi32, #tpu.memory_space<hbm>>
    %dma_start3A_1519 = arith.constant 0 : i32
    %dma_start3A_1520 = tpu.memref_slice %dma_start3A_1518[%shift_right_arithmetic3A_1503, %dma_start3A_1519, %multiple_of3A_1506] : memref<625x8x5000xi32, #tpu.memory_space<hbm>> -> memref<1x8x128xi32, #tpu.memory_space<hbm>>
    tpu.enqueue_dma source(%dma_start3A_1520 : memref<1x8x128xi32, #tpu.memory_space<hbm>>) target(%dma_start3A_1517 : memref<1x8x128xi32, #tpu.memory_space<vmem>>) target_semaphore(%arg18 : memref<!tpu.dma_semaphore, #tpu.memory_space<semaphore_mem>>)
    %slice3A_1521 = vector.extract_strided_slice %get3A_1310 {offsets = [10], sizes = [1], strides = [1]} : vector<16xi32> to vector<1xi32>
    %squeeze3A_1522 = vector.extract %slice3A_1521[0] : i32 from vector<1xi32>
    %shift_right_arithmetic3A_1523 = arith.constant 13 : i32
    %shift_right_arithmetic3A_1524 = arith.shrsi %squeeze3A_1522, %shift_right_arithmetic3A_1523 : i32
    %and3A_1525 = arith.constant 8191 : i32
    %and3A_1526 = arith.andi %squeeze3A_1522, %and3A_1525 : i32
    %multiple_of3A_1527 = tpu.assume_multiple %and3A_1526, 128 : i32
    %dma_start3A_1528 = arith.constant 26 : i32
    %dma_start3A_1529 = arith.constant 0 : i32
    %dma_start3A_1530 = arith.constant 0 : i32
    %dma_start3A_1531 = tpu.memref_slice %arg14[%dma_start3A_1528, %dma_start3A_1529, %dma_start3A_1530] : memref<32x8x128xi32, #tpu.memory_space<vmem>> -> memref<1x8x128xi32, #tpu.memory_space<vmem>>
    %dma_start3A_1532 = tpu.memref_reshape %arg4 : memref<5000x5000xi32, #tpu.memory_space<hbm>> -> memref<625x8x5000xi32, #tpu.memory_space<hbm>>
    %dma_start3A_1533 = arith.constant 0 : i32
    %dma_start3A_1534 = tpu.memref_slice %dma_start3A_1532[%shift_right_arithmetic3A_1524, %dma_start3A_1533, %multiple_of3A_1527] : memref<625x8x5000xi32, #tpu.memory_space<hbm>> -> memref<1x8x128xi32, #tpu.memory_space<hbm>>
    %dma_start3A_1535 = arith.constant 26 : i32
    %dma_start3A_1536 = arith.constant 0 : i32
    %dma_start3A_1537 = arith.constant 0 : i32
    %dma_start3A_1538 = tpu.memref_slice %arg14[%dma_start3A_1535, %dma_start3A_1536, %dma_start3A_1537] : memref<32x8x128xi32, #tpu.memory_space<vmem>> -> memref<1x8x128xi32, #tpu.memory_space<vmem>>
    %dma_start3A_1539 = tpu.memref_reshape %arg4 : memref<5000x5000xi32, #tpu.memory_space<hbm>> -> memref<625x8x5000xi32, #tpu.memory_space<hbm>>
    %dma_start3A_1540 = arith.constant 0 : i32
    %dma_start3A_1541 = tpu.memref_slice %dma_start3A_1539[%shift_right_arithmetic3A_1524, %dma_start3A_1540, %multiple_of3A_1527] : memref<625x8x5000xi32, #tpu.memory_space<hbm>> -> memref<1x8x128xi32, #tpu.memory_space<hbm>>
    tpu.enqueue_dma source(%dma_start3A_1541 : memref<1x8x128xi32, #tpu.memory_space<hbm>>) target(%dma_start3A_1538 : memref<1x8x128xi32, #tpu.memory_space<vmem>>) target_semaphore(%arg18 : memref<!tpu.dma_semaphore, #tpu.memory_space<semaphore_mem>>)
    %slice3A_1542 = vector.extract_strided_slice %get3A_1310 {offsets = [11], sizes = [1], strides = [1]} : vector<16xi32> to vector<1xi32>
    %squeeze3A_1543 = vector.extract %slice3A_1542[0] : i32 from vector<1xi32>
    %shift_right_arithmetic3A_1544 = arith.constant 13 : i32
    %shift_right_arithmetic3A_1545 = arith.shrsi %squeeze3A_1543, %shift_right_arithmetic3A_1544 : i32
    %and3A_1546 = arith.constant 8191 : i32
    %and3A_1547 = arith.andi %squeeze3A_1543, %and3A_1546 : i32
    %multiple_of3A_1548 = tpu.assume_multiple %and3A_1547, 128 : i32
    %dma_start3A_1549 = arith.constant 27 : i32
    %dma_start3A_1550 = arith.constant 0 : i32
    %dma_start3A_1551 = arith.constant 0 : i32
    %dma_start3A_1552 = tpu.memref_slice %arg14[%dma_start3A_1549, %dma_start3A_1550, %dma_start3A_1551] : memref<32x8x128xi32, #tpu.memory_space<vmem>> -> memref<1x8x128xi32, #tpu.memory_space<vmem>>
    %dma_start3A_1553 = tpu.memref_reshape %arg4 : memref<5000x5000xi32, #tpu.memory_space<hbm>> -> memref<625x8x5000xi32, #tpu.memory_space<hbm>>
    %dma_start3A_1554 = arith.constant 0 : i32
    %dma_start3A_1555 = tpu.memref_slice %dma_start3A_1553[%shift_right_arithmetic3A_1545, %dma_start3A_1554, %multiple_of3A_1548] : memref<625x8x5000xi32, #tpu.memory_space<hbm>> -> memref<1x8x128xi32, #tpu.memory_space<hbm>>
    %dma_start3A_1556 = arith.constant 27 : i32
    %dma_start3A_1557 = arith.constant 0 : i32
    %dma_start3A_1558 = arith.constant 0 : i32
    %dma_start3A_1559 = tpu.memref_slice %arg14[%dma_start3A_1556, %dma_start3A_1557, %dma_start3A_1558] : memref<32x8x128xi32, #tpu.memory_space<vmem>> -> memref<1x8x128xi32, #tpu.memory_space<vmem>>
    %dma_start3A_1560 = tpu.memref_reshape %arg4 : memref<5000x5000xi32, #tpu.memory_space<hbm>> -> memref<625x8x5000xi32, #tpu.memory_space<hbm>>
    %dma_start3A_1561 = arith.constant 0 : i32
    %dma_start3A_1562 = tpu.memref_slice %dma_start3A_1560[%shift_right_arithmetic3A_1545, %dma_start3A_1561, %multiple_of3A_1548] : memref<625x8x5000xi32, #tpu.memory_space<hbm>> -> memref<1x8x128xi32, #tpu.memory_space<hbm>>
    tpu.enqueue_dma source(%dma_start3A_1562 : memref<1x8x128xi32, #tpu.memory_space<hbm>>) target(%dma_start3A_1559 : memref<1x8x128xi32, #tpu.memory_space<vmem>>) target_semaphore(%arg18 : memref<!tpu.dma_semaphore, #tpu.memory_space<semaphore_mem>>)
    %slice3A_1563 = vector.extract_strided_slice %get3A_1310 {offsets = [12], sizes = [1], strides = [1]} : vector<16xi32> to vector<1xi32>
    %squeeze3A_1564 = vector.extract %slice3A_1563[0] : i32 from vector<1xi32>
    %shift_right_arithmetic3A_1565 = arith.constant 13 : i32
    %shift_right_arithmetic3A_1566 = arith.shrsi %squeeze3A_1564, %shift_right_arithmetic3A_1565 : i32
    %and3A_1567 = arith.constant 8191 : i32
    %and3A_1568 = arith.andi %squeeze3A_1564, %and3A_1567 : i32
    %multiple_of3A_1569 = tpu.assume_multiple %and3A_1568, 128 : i32
    %dma_start3A_1570 = arith.constant 28 : i32
    %dma_start3A_1571 = arith.constant 0 : i32
    %dma_start3A_1572 = arith.constant 0 : i32
    %dma_start3A_1573 = tpu.memref_slice %arg14[%dma_start3A_1570, %dma_start3A_1571, %dma_start3A_1572] : memref<32x8x128xi32, #tpu.memory_space<vmem>> -> memref<1x8x128xi32, #tpu.memory_space<vmem>>
    %dma_start3A_1574 = tpu.memref_reshape %arg4 : memref<5000x5000xi32, #tpu.memory_space<hbm>> -> memref<625x8x5000xi32, #tpu.memory_space<hbm>>
    %dma_start3A_1575 = arith.constant 0 : i32
    %dma_start3A_1576 = tpu.memref_slice %dma_start3A_1574[%shift_right_arithmetic3A_1566, %dma_start3A_1575, %multiple_of3A_1569] : memref<625x8x5000xi32, #tpu.memory_space<hbm>> -> memref<1x8x128xi32, #tpu.memory_space<hbm>>
    %dma_start3A_1577 = arith.constant 28 : i32
    %dma_start3A_1578 = arith.constant 0 : i32
    %dma_start3A_1579 = arith.constant 0 : i32
    %dma_start3A_1580 = tpu.memref_slice %arg14[%dma_start3A_1577, %dma_start3A_1578, %dma_start3A_1579] : memref<32x8x128xi32, #tpu.memory_space<vmem>> -> memref<1x8x128xi32, #tpu.memory_space<vmem>>
    %dma_start3A_1581 = tpu.memref_reshape %arg4 : memref<5000x5000xi32, #tpu.memory_space<hbm>> -> memref<625x8x5000xi32, #tpu.memory_space<hbm>>
    %dma_start3A_1582 = arith.constant 0 : i32
    %dma_start3A_1583 = tpu.memref_slice %dma_start3A_1581[%shift_right_arithmetic3A_1566, %dma_start3A_1582, %multiple_of3A_1569] : memref<625x8x5000xi32, #tpu.memory_space<hbm>> -> memref<1x8x128xi32, #tpu.memory_space<hbm>>
    tpu.enqueue_dma source(%dma_start3A_1583 : memref<1x8x128xi32, #tpu.memory_space<hbm>>) target(%dma_start3A_1580 : memref<1x8x128xi32, #tpu.memory_space<vmem>>) target_semaphore(%arg18 : memref<!tpu.dma_semaphore, #tpu.memory_space<semaphore_mem>>)
    %slice3A_1584 = vector.extract_strided_slice %get3A_1310 {offsets = [13], sizes = [1], strides = [1]} : vector<16xi32> to vector<1xi32>
    %squeeze3A_1585 = vector.extract %slice3A_1584[0] : i32 from vector<1xi32>
    %shift_right_arithmetic3A_1586 = arith.constant 13 : i32
    %shift_right_arithmetic3A_1587 = arith.shrsi %squeeze3A_1585, %shift_right_arithmetic3A_1586 : i32
    %and3A_1588 = arith.constant 8191 : i32
    %and3A_1589 = arith.andi %squeeze3A_1585, %and3A_1588 : i32
    %multiple_of3A_1590 = tpu.assume_multiple %and3A_1589, 128 : i32
    %dma_start3A_1591 = arith.constant 29 : i32
    %dma_start3A_1592 = arith.constant 0 : i32
    %dma_start3A_1593 = arith.constant 0 : i32
    %dma_start3A_1594 = tpu.memref_slice %arg14[%dma_start3A_1591, %dma_start3A_1592, %dma_start3A_1593] : memref<32x8x128xi32, #tpu.memory_space<vmem>> -> memref<1x8x128xi32, #tpu.memory_space<vmem>>
    %dma_start3A_1595 = tpu.memref_reshape %arg4 : memref<5000x5000xi32, #tpu.memory_space<hbm>> -> memref<625x8x5000xi32, #tpu.memory_space<hbm>>
    %dma_start3A_1596 = arith.constant 0 : i32
    %dma_start3A_1597 = tpu.memref_slice %dma_start3A_1595[%shift_right_arithmetic3A_1587, %dma_start3A_1596, %multiple_of3A_1590] : memref<625x8x5000xi32, #tpu.memory_space<hbm>> -> memref<1x8x128xi32, #tpu.memory_space<hbm>>
    %dma_start3A_1598 = arith.constant 29 : i32
    %dma_start3A_1599 = arith.constant 0 : i32
    %dma_start3A_1600 = arith.constant 0 : i32
    %dma_start3A_1601 = tpu.memref_slice %arg14[%dma_start3A_1598, %dma_start3A_1599, %dma_start3A_1600] : memref<32x8x128xi32, #tpu.memory_space<vmem>> -> memref<1x8x128xi32, #tpu.memory_space<vmem>>
    %dma_start3A_1602 = tpu.memref_reshape %arg4 : memref<5000x5000xi32, #tpu.memory_space<hbm>> -> memref<625x8x5000xi32, #tpu.memory_space<hbm>>
    %dma_start3A_1603 = arith.constant 0 : i32
    %dma_start3A_1604 = tpu.memref_slice %dma_start3A_1602[%shift_right_arithmetic3A_1587, %dma_start3A_1603, %multiple_of3A_1590] : memref<625x8x5000xi32, #tpu.memory_space<hbm>> -> memref<1x8x128xi32, #tpu.memory_space<hbm>>
    tpu.enqueue_dma source(%dma_start3A_1604 : memref<1x8x128xi32, #tpu.memory_space<hbm>>) target(%dma_start3A_1601 : memref<1x8x128xi32, #tpu.memory_space<vmem>>) target_semaphore(%arg18 : memref<!tpu.dma_semaphore, #tpu.memory_space<semaphore_mem>>)
    %slice3A_1605 = vector.extract_strided_slice %get3A_1310 {offsets = [14], sizes = [1], strides = [1]} : vector<16xi32> to vector<1xi32>
    %squeeze3A_1606 = vector.extract %slice3A_1605[0] : i32 from vector<1xi32>
    %shift_right_arithmetic3A_1607 = arith.constant 13 : i32
    %shift_right_arithmetic3A_1608 = arith.shrsi %squeeze3A_1606, %shift_right_arithmetic3A_1607 : i32
    %and3A_1609 = arith.constant 8191 : i32
    %and3A_1610 = arith.andi %squeeze3A_1606, %and3A_1609 : i32
    %multiple_of3A_1611 = tpu.assume_multiple %and3A_1610, 128 : i32
    %dma_start3A_1612 = arith.constant 30 : i32
    %dma_start3A_1613 = arith.constant 0 : i32
    %dma_start3A_1614 = arith.constant 0 : i32
    %dma_start3A_1615 = tpu.memref_slice %arg14[%dma_start3A_1612, %dma_start3A_1613, %dma_start3A_1614] : memref<32x8x128xi32, #tpu.memory_space<vmem>> -> memref<1x8x128xi32, #tpu.memory_space<vmem>>
    %dma_start3A_1616 = tpu.memref_reshape %arg4 : memref<5000x5000xi32, #tpu.memory_space<hbm>> -> memref<625x8x5000xi32, #tpu.memory_space<hbm>>
    %dma_start3A_1617 = arith.constant 0 : i32
    %dma_start3A_1618 = tpu.memref_slice %dma_start3A_1616[%shift_right_arithmetic3A_1608, %dma_start3A_1617, %multiple_of3A_1611] : memref<625x8x5000xi32, #tpu.memory_space<hbm>> -> memref<1x8x128xi32, #tpu.memory_space<hbm>>
    %dma_start3A_1619 = arith.constant 30 : i32
    %dma_start3A_1620 = arith.constant 0 : i32
    %dma_start3A_1621 = arith.constant 0 : i32
    %dma_start3A_1622 = tpu.memref_slice %arg14[%dma_start3A_1619, %dma_start3A_1620, %dma_start3A_1621] : memref<32x8x128xi32, #tpu.memory_space<vmem>> -> memref<1x8x128xi32, #tpu.memory_space<vmem>>
    %dma_start3A_1623 = tpu.memref_reshape %arg4 : memref<5000x5000xi32, #tpu.memory_space<hbm>> -> memref<625x8x5000xi32, #tpu.memory_space<hbm>>
    %dma_start3A_1624 = arith.constant 0 : i32
    %dma_start3A_1625 = tpu.memref_slice %dma_start3A_1623[%shift_right_arithmetic3A_1608, %dma_start3A_1624, %multiple_of3A_1611] : memref<625x8x5000xi32, #tpu.memory_space<hbm>> -> memref<1x8x128xi32, #tpu.memory_space<hbm>>
    tpu.enqueue_dma source(%dma_start3A_1625 : memref<1x8x128xi32, #tpu.memory_space<hbm>>) target(%dma_start3A_1622 : memref<1x8x128xi32, #tpu.memory_space<vmem>>) target_semaphore(%arg18 : memref<!tpu.dma_semaphore, #tpu.memory_space<semaphore_mem>>)
    %slice3A_1626 = vector.extract_strided_slice %get3A_1310 {offsets = [15], sizes = [1], strides = [1]} : vector<16xi32> to vector<1xi32>
    %squeeze3A_1627 = vector.extract %slice3A_1626[0] : i32 from vector<1xi32>
    %shift_right_arithmetic3A_1628 = arith.constant 13 : i32
    %shift_right_arithmetic3A_1629 = arith.shrsi %squeeze3A_1627, %shift_right_arithmetic3A_1628 : i32
    %and3A_1630 = arith.constant 8191 : i32
    %and3A_1631 = arith.andi %squeeze3A_1627, %and3A_1630 : i32
    %multiple_of3A_1632 = tpu.assume_multiple %and3A_1631, 128 : i32
    %dma_start3A_1633 = arith.constant 31 : i32
    %dma_start3A_1634 = arith.constant 0 : i32
    %dma_start3A_1635 = arith.constant 0 : i32
    %dma_start3A_1636 = tpu.memref_slice %arg14[%dma_start3A_1633, %dma_start3A_1634, %dma_start3A_1635] : memref<32x8x128xi32, #tpu.memory_space<vmem>> -> memref<1x8x128xi32, #tpu.memory_space<vmem>>
    %dma_start3A_1637 = tpu.memref_reshape %arg4 : memref<5000x5000xi32, #tpu.memory_space<hbm>> -> memref<625x8x5000xi32, #tpu.memory_space<hbm>>
    %dma_start3A_1638 = arith.constant 0 : i32
    %dma_start3A_1639 = tpu.memref_slice %dma_start3A_1637[%shift_right_arithmetic3A_1629, %dma_start3A_1638, %multiple_of3A_1632] : memref<625x8x5000xi32, #tpu.memory_space<hbm>> -> memref<1x8x128xi32, #tpu.memory_space<hbm>>
    %dma_start3A_1640 = arith.constant 31 : i32
    %dma_start3A_1641 = arith.constant 0 : i32
    %dma_start3A_1642 = arith.constant 0 : i32
    %dma_start3A_1643 = tpu.memref_slice %arg14[%dma_start3A_1640, %dma_start3A_1641, %dma_start3A_1642] : memref<32x8x128xi32, #tpu.memory_space<vmem>> -> memref<1x8x128xi32, #tpu.memory_space<vmem>>
    %dma_start3A_1644 = tpu.memref_reshape %arg4 : memref<5000x5000xi32, #tpu.memory_space<hbm>> -> memref<625x8x5000xi32, #tpu.memory_space<hbm>>
    %dma_start3A_1645 = arith.constant 0 : i32
    %dma_start3A_1646 = tpu.memref_slice %dma_start3A_1644[%shift_right_arithmetic3A_1629, %dma_start3A_1645, %multiple_of3A_1632] : memref<625x8x5000xi32, #tpu.memory_space<hbm>> -> memref<1x8x128xi32, #tpu.memory_space<hbm>>
    tpu.enqueue_dma source(%dma_start3A_1646 : memref<1x8x128xi32, #tpu.memory_space<hbm>>) target(%dma_start3A_1643 : memref<1x8x128xi32, #tpu.memory_space<vmem>>) target_semaphore(%arg18 : memref<!tpu.dma_semaphore, #tpu.memory_space<semaphore_mem>>)
    %dma_wait3A = tpu.memref_reshape %arg4 : memref<5000x5000xi32, #tpu.memory_space<hbm>> -> memref<625x8x5000xi32, #tpu.memory_space<hbm>>
    %dma_wait3A_1647 = arith.constant 0 : i32
    %dma_wait3A_1648 = arith.constant 0 : i32
    %dma_wait3A_1649 = arith.constant 0 : i32
    %dma_wait3A_1650 = tpu.memref_slice %dma_wait3A[%dma_wait3A_1647, %dma_wait3A_1648, %dma_wait3A_1649] : memref<625x8x5000xi32, #tpu.memory_space<hbm>> -> memref<32x8x128xi32, #tpu.memory_space<hbm>>
    %dma_wait3A_1651 = tpu.memref_reshape %arg4 : memref<5000x5000xi32, #tpu.memory_space<hbm>> -> memref<625x8x5000xi32, #tpu.memory_space<hbm>>
    %dma_wait3A_1652 = arith.constant 0 : i32
    %dma_wait3A_1653 = arith.constant 0 : i32
    %dma_wait3A_1654 = arith.constant 0 : i32
    %dma_wait3A_1655 = tpu.memref_slice %dma_wait3A_1651[%dma_wait3A_1652, %dma_wait3A_1653, %dma_wait3A_1654] : memref<625x8x5000xi32, #tpu.memory_space<hbm>> -> memref<32x8x128xi32, #tpu.memory_space<hbm>>
    tpu.wait_dma2 semaphore(%arg17 : memref<!tpu.dma_semaphore, #tpu.memory_space<semaphore_mem>>) src(%dma_wait3A_1655 : memref<32x8x128xi32, #tpu.memory_space<hbm>>) dst(%arg13 : memref<32x8x128xi32, #tpu.memory_space<vmem>>)
    %add3A_1656 = arith.constant 0 : i32
    %add3A_1657 = vector.broadcast %add3A_1656 : i32 to vector<16xi32>
    %add3A_1658 = arith.addi %iota3A, %add3A_1657 : vector<16xi32>
    %get3A_1659 = arith.constant 0 : index
    %get3A_1660 = tpu.vector_load %arg11[%get3A_1659] {strides = array<i32>} : memref<128xi32, #tpu.memory_space<vmem>>, vector<16xi32>,
    %get3A_1661 = arith.constant 0 : index
    %get3A_1662 = tpu.vector_load %arg12[%get3A_1661] {strides = array<i32>} : memref<128xi32, #tpu.memory_space<vmem>>, vector<16xi32>,
    %gather3A = tpu.vector_load_idx %arg13[%add3A_1658, %get3A_1660, %get3A_1662] : memref<32x8x128xi32, #tpu.memory_space<vmem>>[vector<16xi32>, vector<16xi32>, vector<16xi32>], vector<16xi32>,
    %swap3A_1663 = arith.constant 0 : index
    %swap3A_1664 = tpu.vector_load %arg15[%swap3A_1663] {strides = array<i32>} : memref<128xi32, #tpu.memory_space<vmem>>, vector<16xi32>,
    tpu.vector_store %arg15[%swap3A_1663], %gather3A {strides = array<i32>} : memref<128xi32, #tpu.memory_space<vmem>>, vector<16xi32>,
    %add3A_1665 = arith.constant 16 : i32
    %add3A_1666 = vector.broadcast %add3A_1665 : i32 to vector<16xi32>
    %add3A_1667 = arith.addi %iota3A, %add3A_1666 : vector<16xi32>
    %get3A_1668 = arith.constant 16 : index
    %get3A_1669 = tpu.vector_load %arg11[%get3A_1668] {strides = array<i32>} : memref<128xi32, #tpu.memory_space<vmem>>, vector<16xi32>,
    %get3A_1670 = arith.constant 16 : index
    %get3A_1671 = tpu.vector_load %arg12[%get3A_1670] {strides = array<i32>} : memref<128xi32, #tpu.memory_space<vmem>>, vector<16xi32>,
    %gather3A_1672 = tpu.vector_load_idx %arg13[%add3A_1667, %get3A_1669, %get3A_1671] : memref<32x8x128xi32, #tpu.memory_space<vmem>>[vector<16xi32>, vector<16xi32>, vector<16xi32>], vector<16xi32>,
    %swap3A_1673 = arith.constant 16 : index
    %swap3A_1674 = tpu.vector_load %arg15[%swap3A_1673] {strides = array<i32>} : memref<128xi32, #tpu.memory_space<vmem>>, vector<16xi32>,
    tpu.vector_store %arg15[%swap3A_1673], %gather3A_1672 {strides = array<i32>} : memref<128xi32, #tpu.memory_space<vmem>>, vector<16xi32>,
    %get3A_1675 = arith.constant 64 : index
    %get3A_1676 = tpu.vector_load %arg10[%get3A_1675] {strides = array<i32>} : memref<144xi32, #tpu.memory_space<vmem>>, vector<16xi32>,
    %slice3A_1677 = vector.extract_strided_slice %get3A_1676 {offsets = [0], sizes = [1], strides = [1]} : vector<16xi32> to vector<1xi32>
    %squeeze3A_1678 = vector.extract %slice3A_1677[0] : i32 from vector<1xi32>
    %shift_right_arithmetic3A_1679 = arith.constant 13 : i32
    %shift_right_arithmetic3A_1680 = arith.shrsi %squeeze3A_1678, %shift_right_arithmetic3A_1679 : i32
    %and3A_1681 = arith.constant 8191 : i32
    %and3A_1682 = arith.andi %squeeze3A_1678, %and3A_1681 : i32
    %multiple_of3A_1683 = tpu.assume_multiple %and3A_1682, 128 : i32
    %dma_start3A_1684 = arith.constant 0 : i32
    %dma_start3A_1685 = arith.constant 0 : i32
    %dma_start3A_1686 = arith.constant 0 : i32
    %dma_start3A_1687 = tpu.memref_slice %arg13[%dma_start3A_1684, %dma_start3A_1685, %dma_start3A_1686] : memref<32x8x128xi32, #tpu.memory_space<vmem>> -> memref<1x8x128xi32, #tpu.memory_space<vmem>>
    %dma_start3A_1688 = tpu.memref_reshape %arg4 : memref<5000x5000xi32, #tpu.memory_space<hbm>> -> memref<625x8x5000xi32, #tpu.memory_space<hbm>>
    %dma_start3A_1689 = arith.constant 0 : i32
    %dma_start3A_1690 = tpu.memref_slice %dma_start3A_1688[%shift_right_arithmetic3A_1680, %dma_start3A_1689, %multiple_of3A_1683] : memref<625x8x5000xi32, #tpu.memory_space<hbm>> -> memref<1x8x128xi32, #tpu.memory_space<hbm>>
    %dma_start3A_1691 = arith.constant 0 : i32
    %dma_start3A_1692 = arith.constant 0 : i32
    %dma_start3A_1693 = arith.constant 0 : i32
    %dma_start3A_1694 = tpu.memref_slice %arg13[%dma_start3A_1691, %dma_start3A_1692, %dma_start3A_1693] : memref<32x8x128xi32, #tpu.memory_space<vmem>> -> memref<1x8x128xi32, #tpu.memory_space<vmem>>
    %dma_start3A_1695 = tpu.memref_reshape %arg4 : memref<5000x5000xi32, #tpu.memory_space<hbm>> -> memref<625x8x5000xi32, #tpu.memory_space<hbm>>
    %dma_start3A_1696 = arith.constant 0 : i32
    %dma_start3A_1697 = tpu.memref_slice %dma_start3A_1695[%shift_right_arithmetic3A_1680, %dma_start3A_1696, %multiple_of3A_1683] : memref<625x8x5000xi32, #tpu.memory_space<hbm>> -> memref<1x8x128xi32, #tpu.memory_space<hbm>>
    tpu.enqueue_dma source(%dma_start3A_1697 : memref<1x8x128xi32, #tpu.memory_space<hbm>>) target(%dma_start3A_1694 : memref<1x8x128xi32, #tpu.memory_space<vmem>>) target_semaphore(%arg17 : memref<!tpu.dma_semaphore, #tpu.memory_space<semaphore_mem>>)
    %slice3A_1698 = vector.extract_strided_slice %get3A_1676 {offsets = [1], sizes = [1], strides = [1]} : vector<16xi32> to vector<1xi32>
    %squeeze3A_1699 = vector.extract %slice3A_1698[0] : i32 from vector<1xi32>
    %shift_right_arithmetic3A_1700 = arith.constant 13 : i32
    %shift_right_arithmetic3A_1701 = arith.shrsi %squeeze3A_1699, %shift_right_arithmetic3A_1700 : i32
    %and3A_1702 = arith.constant 8191 : i32
    %and3A_1703 = arith.andi %squeeze3A_1699, %and3A_1702 : i32
    %multiple_of3A_1704 = tpu.assume_multiple %and3A_1703, 128 : i32
    %dma_start3A_1705 = arith.constant 1 : i32
    %dma_start3A_1706 = arith.constant 0 : i32
    %dma_start3A_1707 = arith.constant 0 : i32
    %dma_start3A_1708 = tpu.memref_slice %arg13[%dma_start3A_1705, %dma_start3A_1706, %dma_start3A_1707] : memref<32x8x128xi32, #tpu.memory_space<vmem>> -> memref<1x8x128xi32, #tpu.memory_space<vmem>>
    %dma_start3A_1709 = tpu.memref_reshape %arg4 : memref<5000x5000xi32, #tpu.memory_space<hbm>> -> memref<625x8x5000xi32, #tpu.memory_space<hbm>>
    %dma_start3A_1710 = arith.constant 0 : i32
    %dma_start3A_1711 = tpu.memref_slice %dma_start3A_1709[%shift_right_arithmetic3A_1701, %dma_start3A_1710, %multiple_of3A_1704] : memref<625x8x5000xi32, #tpu.memory_space<hbm>> -> memref<1x8x128xi32, #tpu.memory_space<hbm>>
    %dma_start3A_1712 = arith.constant 1 : i32
    %dma_start3A_1713 = arith.constant 0 : i32
    %dma_start3A_1714 = arith.constant 0 : i32
    %dma_start3A_1715 = tpu.memref_slice %arg13[%dma_start3A_1712, %dma_start3A_1713, %dma_start3A_1714] : memref<32x8x128xi32, #tpu.memory_space<vmem>> -> memref<1x8x128xi32, #tpu.memory_space<vmem>>
    %dma_start3A_1716 = tpu.memref_reshape %arg4 : memref<5000x5000xi32, #tpu.memory_space<hbm>> -> memref<625x8x5000xi32, #tpu.memory_space<hbm>>
    %dma_start3A_1717 = arith.constant 0 : i32
    %dma_start3A_1718 = tpu.memref_slice %dma_start3A_1716[%shift_right_arithmetic3A_1701, %dma_start3A_1717, %multiple_of3A_1704] : memref<625x8x5000xi32, #tpu.memory_space<hbm>> -> memref<1x8x128xi32, #tpu.memory_space<hbm>>
    tpu.enqueue_dma source(%dma_start3A_1718 : memref<1x8x128xi32, #tpu.memory_space<hbm>>) target(%dma_start3A_1715 : memref<1x8x128xi32, #tpu.memory_space<vmem>>) target_semaphore(%arg17 : memref<!tpu.dma_semaphore, #tpu.memory_space<semaphore_mem>>)
    %slice3A_1719 = vector.extract_strided_slice %get3A_1676 {offsets = [2], sizes = [1], strides = [1]} : vector<16xi32> to vector<1xi32>
    %squeeze3A_1720 = vector.extract %slice3A_1719[0] : i32 from vector<1xi32>
    %shift_right_arithmetic3A_1721 = arith.constant 13 : i32
    %shift_right_arithmetic3A_1722 = arith.shrsi %squeeze3A_1720, %shift_right_arithmetic3A_1721 : i32
    %and3A_1723 = arith.constant 8191 : i32
    %and3A_1724 = arith.andi %squeeze3A_1720, %and3A_1723 : i32
    %multiple_of3A_1725 = tpu.assume_multiple %and3A_1724, 128 : i32
    %dma_start3A_1726 = arith.constant 2 : i32
    %dma_start3A_1727 = arith.constant 0 : i32
    %dma_start3A_1728 = arith.constant 0 : i32
    %dma_start3A_1729 = tpu.memref_slice %arg13[%dma_start3A_1726, %dma_start3A_1727, %dma_start3A_1728] : memref<32x8x128xi32, #tpu.memory_space<vmem>> -> memref<1x8x128xi32, #tpu.memory_space<vmem>>
    %dma_start3A_1730 = tpu.memref_reshape %arg4 : memref<5000x5000xi32, #tpu.memory_space<hbm>> -> memref<625x8x5000xi32, #tpu.memory_space<hbm>>
    %dma_start3A_1731 = arith.constant 0 : i32
    %dma_start3A_1732 = tpu.memref_slice %dma_start3A_1730[%shift_right_arithmetic3A_1722, %dma_start3A_1731, %multiple_of3A_1725] : memref<625x8x5000xi32, #tpu.memory_space<hbm>> -> memref<1x8x128xi32, #tpu.memory_space<hbm>>
    %dma_start3A_1733 = arith.constant 2 : i32
    %dma_start3A_1734 = arith.constant 0 : i32
    %dma_start3A_1735 = arith.constant 0 : i32
    %dma_start3A_1736 = tpu.memref_slice %arg13[%dma_start3A_1733, %dma_start3A_1734, %dma_start3A_1735] : memref<32x8x128xi32, #tpu.memory_space<vmem>> -> memref<1x8x128xi32, #tpu.memory_space<vmem>>
    %dma_start3A_1737 = tpu.memref_reshape %arg4 : memref<5000x5000xi32, #tpu.memory_space<hbm>> -> memref<625x8x5000xi32, #tpu.memory_space<hbm>>
    %dma_start3A_1738 = arith.constant 0 : i32
    %dma_start3A_1739 = tpu.memref_slice %dma_start3A_1737[%shift_right_arithmetic3A_1722, %dma_start3A_1738, %multiple_of3A_1725] : memref<625x8x5000xi32, #tpu.memory_space<hbm>> -> memref<1x8x128xi32, #tpu.memory_space<hbm>>
    tpu.enqueue_dma source(%dma_start3A_1739 : memref<1x8x128xi32, #tpu.memory_space<hbm>>) target(%dma_start3A_1736 : memref<1x8x128xi32, #tpu.memory_space<vmem>>) target_semaphore(%arg17 : memref<!tpu.dma_semaphore, #tpu.memory_space<semaphore_mem>>)
    %slice3A_1740 = vector.extract_strided_slice %get3A_1676 {offsets = [3], sizes = [1], strides = [1]} : vector<16xi32> to vector<1xi32>
    %squeeze3A_1741 = vector.extract %slice3A_1740[0] : i32 from vector<1xi32>
    %shift_right_arithmetic3A_1742 = arith.constant 13 : i32
    %shift_right_arithmetic3A_1743 = arith.shrsi %squeeze3A_1741, %shift_right_arithmetic3A_1742 : i32
    %and3A_1744 = arith.constant 8191 : i32
    %and3A_1745 = arith.andi %squeeze3A_1741, %and3A_1744 : i32
    %multiple_of3A_1746 = tpu.assume_multiple %and3A_1745, 128 : i32
    %dma_start3A_1747 = arith.constant 3 : i32
    %dma_start3A_1748 = arith.constant 0 : i32
    %dma_start3A_1749 = arith.constant 0 : i32
    %dma_start3A_1750 = tpu.memref_slice %arg13[%dma_start3A_1747, %dma_start3A_1748, %dma_start3A_1749] : memref<32x8x128xi32, #tpu.memory_space<vmem>> -> memref<1x8x128xi32, #tpu.memory_space<vmem>>
    %dma_start3A_1751 = tpu.memref_reshape %arg4 : memref<5000x5000xi32, #tpu.memory_space<hbm>> -> memref<625x8x5000xi32, #tpu.memory_space<hbm>>
    %dma_start3A_1752 = arith.constant 0 : i32
    %dma_start3A_1753 = tpu.memref_slice %dma_start3A_1751[%shift_right_arithmetic3A_1743, %dma_start3A_1752, %multiple_of3A_1746] : memref<625x8x5000xi32, #tpu.memory_space<hbm>> -> memref<1x8x128xi32, #tpu.memory_space<hbm>>
    %dma_start3A_1754 = arith.constant 3 : i32
    %dma_start3A_1755 = arith.constant 0 : i32
    %dma_start3A_1756 = arith.constant 0 : i32
    %dma_start3A_1757 = tpu.memref_slice %arg13[%dma_start3A_1754, %dma_start3A_1755, %dma_start3A_1756] : memref<32x8x128xi32, #tpu.memory_space<vmem>> -> memref<1x8x128xi32, #tpu.memory_space<vmem>>
    %dma_start3A_1758 = tpu.memref_reshape %arg4 : memref<5000x5000xi32, #tpu.memory_space<hbm>> -> memref<625x8x5000xi32, #tpu.memory_space<hbm>>
    %dma_start3A_1759 = arith.constant 0 : i32
    %dma_start3A_1760 = tpu.memref_slice %dma_start3A_1758[%shift_right_arithmetic3A_1743, %dma_start3A_1759, %multiple_of3A_1746] : memref<625x8x5000xi32, #tpu.memory_space<hbm>> -> memref<1x8x128xi32, #tpu.memory_space<hbm>>
    tpu.enqueue_dma source(%dma_start3A_1760 : memref<1x8x128xi32, #tpu.memory_space<hbm>>) target(%dma_start3A_1757 : memref<1x8x128xi32, #tpu.memory_space<vmem>>) target_semaphore(%arg17 : memref<!tpu.dma_semaphore, #tpu.memory_space<semaphore_mem>>)
    %slice3A_1761 = vector.extract_strided_slice %get3A_1676 {offsets = [4], sizes = [1], strides = [1]} : vector<16xi32> to vector<1xi32>
    %squeeze3A_1762 = vector.extract %slice3A_1761[0] : i32 from vector<1xi32>
    %shift_right_arithmetic3A_1763 = arith.constant 13 : i32
    %shift_right_arithmetic3A_1764 = arith.shrsi %squeeze3A_1762, %shift_right_arithmetic3A_1763 : i32
    %and3A_1765 = arith.constant 8191 : i32
    %and3A_1766 = arith.andi %squeeze3A_1762, %and3A_1765 : i32
    %multiple_of3A_1767 = tpu.assume_multiple %and3A_1766, 128 : i32
    %dma_start3A_1768 = arith.constant 4 : i32
    %dma_start3A_1769 = arith.constant 0 : i32
    %dma_start3A_1770 = arith.constant 0 : i32
    %dma_start3A_1771 = tpu.memref_slice %arg13[%dma_start3A_1768, %dma_start3A_1769, %dma_start3A_1770] : memref<32x8x128xi32, #tpu.memory_space<vmem>> -> memref<1x8x128xi32, #tpu.memory_space<vmem>>
    %dma_start3A_1772 = tpu.memref_reshape %arg4 : memref<5000x5000xi32, #tpu.memory_space<hbm>> -> memref<625x8x5000xi32, #tpu.memory_space<hbm>>
    %dma_start3A_1773 = arith.constant 0 : i32
    %dma_start3A_1774 = tpu.memref_slice %dma_start3A_1772[%shift_right_arithmetic3A_1764, %dma_start3A_1773, %multiple_of3A_1767] : memref<625x8x5000xi32, #tpu.memory_space<hbm>> -> memref<1x8x128xi32, #tpu.memory_space<hbm>>
    %dma_start3A_1775 = arith.constant 4 : i32
    %dma_start3A_1776 = arith.constant 0 : i32
    %dma_start3A_1777 = arith.constant 0 : i32
    %dma_start3A_1778 = tpu.memref_slice %arg13[%dma_start3A_1775, %dma_start3A_1776, %dma_start3A_1777] : memref<32x8x128xi32, #tpu.memory_space<vmem>> -> memref<1x8x128xi32, #tpu.memory_space<vmem>>
    %dma_start3A_1779 = tpu.memref_reshape %arg4 : memref<5000x5000xi32, #tpu.memory_space<hbm>> -> memref<625x8x5000xi32, #tpu.memory_space<hbm>>
    %dma_start3A_1780 = arith.constant 0 : i32
    %dma_start3A_1781 = tpu.memref_slice %dma_start3A_1779[%shift_right_arithmetic3A_1764, %dma_start3A_1780, %multiple_of3A_1767] : memref<625x8x5000xi32, #tpu.memory_space<hbm>> -> memref<1x8x128xi32, #tpu.memory_space<hbm>>
    tpu.enqueue_dma source(%dma_start3A_1781 : memref<1x8x128xi32, #tpu.memory_space<hbm>>) target(%dma_start3A_1778 : memref<1x8x128xi32, #tpu.memory_space<vmem>>) target_semaphore(%arg17 : memref<!tpu.dma_semaphore, #tpu.memory_space<semaphore_mem>>)
    %slice3A_1782 = vector.extract_strided_slice %get3A_1676 {offsets = [5], sizes = [1], strides = [1]} : vector<16xi32> to vector<1xi32>
    %squeeze3A_1783 = vector.extract %slice3A_1782[0] : i32 from vector<1xi32>
    %shift_right_arithmetic3A_1784 = arith.constant 13 : i32
    %shift_right_arithmetic3A_1785 = arith.shrsi %squeeze3A_1783, %shift_right_arithmetic3A_1784 : i32
    %and3A_1786 = arith.constant 8191 : i32
    %and3A_1787 = arith.andi %squeeze3A_1783, %and3A_1786 : i32
    %multiple_of3A_1788 = tpu.assume_multiple %and3A_1787, 128 : i32
    %dma_start3A_1789 = arith.constant 5 : i32
    %dma_start3A_1790 = arith.constant 0 : i32
    %dma_start3A_1791 = arith.constant 0 : i32
    %dma_start3A_1792 = tpu.memref_slice %arg13[%dma_start3A_1789, %dma_start3A_1790, %dma_start3A_1791] : memref<32x8x128xi32, #tpu.memory_space<vmem>> -> memref<1x8x128xi32, #tpu.memory_space<vmem>>
    %dma_start3A_1793 = tpu.memref_reshape %arg4 : memref<5000x5000xi32, #tpu.memory_space<hbm>> -> memref<625x8x5000xi32, #tpu.memory_space<hbm>>
    %dma_start3A_1794 = arith.constant 0 : i32
    %dma_start3A_1795 = tpu.memref_slice %dma_start3A_1793[%shift_right_arithmetic3A_1785, %dma_start3A_1794, %multiple_of3A_1788] : memref<625x8x5000xi32, #tpu.memory_space<hbm>> -> memref<1x8x128xi32, #tpu.memory_space<hbm>>
    %dma_start3A_1796 = arith.constant 5 : i32
    %dma_start3A_1797 = arith.constant 0 : i32
    %dma_start3A_1798 = arith.constant 0 : i32
    %dma_start3A_1799 = tpu.memref_slice %arg13[%dma_start3A_1796, %dma_start3A_1797, %dma_start3A_1798] : memref<32x8x128xi32, #tpu.memory_space<vmem>> -> memref<1x8x128xi32, #tpu.memory_space<vmem>>
    %dma_start3A_1800 = tpu.memref_reshape %arg4 : memref<5000x5000xi32, #tpu.memory_space<hbm>> -> memref<625x8x5000xi32, #tpu.memory_space<hbm>>
    %dma_start3A_1801 = arith.constant 0 : i32
    %dma_start3A_1802 = tpu.memref_slice %dma_start3A_1800[%shift_right_arithmetic3A_1785, %dma_start3A_1801, %multiple_of3A_1788] : memref<625x8x5000xi32, #tpu.memory_space<hbm>> -> memref<1x8x128xi32, #tpu.memory_space<hbm>>
    tpu.enqueue_dma source(%dma_start3A_1802 : memref<1x8x128xi32, #tpu.memory_space<hbm>>) target(%dma_start3A_1799 : memref<1x8x128xi32, #tpu.memory_space<vmem>>) target_semaphore(%arg17 : memref<!tpu.dma_semaphore, #tpu.memory_space<semaphore_mem>>)
    %slice3A_1803 = vector.extract_strided_slice %get3A_1676 {offsets = [6], sizes = [1], strides = [1]} : vector<16xi32> to vector<1xi32>
    %squeeze3A_1804 = vector.extract %slice3A_1803[0] : i32 from vector<1xi32>
    %shift_right_arithmetic3A_1805 = arith.constant 13 : i32
    %shift_right_arithmetic3A_1806 = arith.shrsi %squeeze3A_1804, %shift_right_arithmetic3A_1805 : i32
    %and3A_1807 = arith.constant 8191 : i32
    %and3A_1808 = arith.andi %squeeze3A_1804, %and3A_1807 : i32
    %multiple_of3A_1809 = tpu.assume_multiple %and3A_1808, 128 : i32
    %dma_start3A_1810 = arith.constant 6 : i32
    %dma_start3A_1811 = arith.constant 0 : i32
    %dma_start3A_1812 = arith.constant 0 : i32
    %dma_start3A_1813 = tpu.memref_slice %arg13[%dma_start3A_1810, %dma_start3A_1811, %dma_start3A_1812] : memref<32x8x128xi32, #tpu.memory_space<vmem>> -> memref<1x8x128xi32, #tpu.memory_space<vmem>>
    %dma_start3A_1814 = tpu.memref_reshape %arg4 : memref<5000x5000xi32, #tpu.memory_space<hbm>> -> memref<625x8x5000xi32, #tpu.memory_space<hbm>>
    %dma_start3A_1815 = arith.constant 0 : i32
    %dma_start3A_1816 = tpu.memref_slice %dma_start3A_1814[%shift_right_arithmetic3A_1806, %dma_start3A_1815, %multiple_of3A_1809] : memref<625x8x5000xi32, #tpu.memory_space<hbm>> -> memref<1x8x128xi32, #tpu.memory_space<hbm>>
    %dma_start3A_1817 = arith.constant 6 : i32
    %dma_start3A_1818 = arith.constant 0 : i32
    %dma_start3A_1819 = arith.constant 0 : i32
    %dma_start3A_1820 = tpu.memref_slice %arg13[%dma_start3A_1817, %dma_start3A_1818, %dma_start3A_1819] : memref<32x8x128xi32, #tpu.memory_space<vmem>> -> memref<1x8x128xi32, #tpu.memory_space<vmem>>
    %dma_start3A_1821 = tpu.memref_reshape %arg4 : memref<5000x5000xi32, #tpu.memory_space<hbm>> -> memref<625x8x5000xi32, #tpu.memory_space<hbm>>
    %dma_start3A_1822 = arith.constant 0 : i32
    %dma_start3A_1823 = tpu.memref_slice %dma_start3A_1821[%shift_right_arithmetic3A_1806, %dma_start3A_1822, %multiple_of3A_1809] : memref<625x8x5000xi32, #tpu.memory_space<hbm>> -> memref<1x8x128xi32, #tpu.memory_space<hbm>>
    tpu.enqueue_dma source(%dma_start3A_1823 : memref<1x8x128xi32, #tpu.memory_space<hbm>>) target(%dma_start3A_1820 : memref<1x8x128xi32, #tpu.memory_space<vmem>>) target_semaphore(%arg17 : memref<!tpu.dma_semaphore, #tpu.memory_space<semaphore_mem>>)
    %slice3A_1824 = vector.extract_strided_slice %get3A_1676 {offsets = [7], sizes = [1], strides = [1]} : vector<16xi32> to vector<1xi32>
    %squeeze3A_1825 = vector.extract %slice3A_1824[0] : i32 from vector<1xi32>
    %shift_right_arithmetic3A_1826 = arith.constant 13 : i32
    %shift_right_arithmetic3A_1827 = arith.shrsi %squeeze3A_1825, %shift_right_arithmetic3A_1826 : i32
    %and3A_1828 = arith.constant 8191 : i32
    %and3A_1829 = arith.andi %squeeze3A_1825, %and3A_1828 : i32
    %multiple_of3A_1830 = tpu.assume_multiple %and3A_1829, 128 : i32
    %dma_start3A_1831 = arith.constant 7 : i32
    %dma_start3A_1832 = arith.constant 0 : i32
    %dma_start3A_1833 = arith.constant 0 : i32
    %dma_start3A_1834 = tpu.memref_slice %arg13[%dma_start3A_1831, %dma_start3A_1832, %dma_start3A_1833] : memref<32x8x128xi32, #tpu.memory_space<vmem>> -> memref<1x8x128xi32, #tpu.memory_space<vmem>>
    %dma_start3A_1835 = tpu.memref_reshape %arg4 : memref<5000x5000xi32, #tpu.memory_space<hbm>> -> memref<625x8x5000xi32, #tpu.memory_space<hbm>>
    %dma_start3A_1836 = arith.constant 0 : i32
    %dma_start3A_1837 = tpu.memref_slice %dma_start3A_1835[%shift_right_arithmetic3A_1827, %dma_start3A_1836, %multiple_of3A_1830] : memref<625x8x5000xi32, #tpu.memory_space<hbm>> -> memref<1x8x128xi32, #tpu.memory_space<hbm>>
    %dma_start3A_1838 = arith.constant 7 : i32
    %dma_start3A_1839 = arith.constant 0 : i32
    %dma_start3A_1840 = arith.constant 0 : i32
    %dma_start3A_1841 = tpu.memref_slice %arg13[%dma_start3A_1838, %dma_start3A_1839, %dma_start3A_1840] : memref<32x8x128xi32, #tpu.memory_space<vmem>> -> memref<1x8x128xi32, #tpu.memory_space<vmem>>
    %dma_start3A_1842 = tpu.memref_reshape %arg4 : memref<5000x5000xi32, #tpu.memory_space<hbm>> -> memref<625x8x5000xi32, #tpu.memory_space<hbm>>
    %dma_start3A_1843 = arith.constant 0 : i32
    %dma_start3A_1844 = tpu.memref_slice %dma_start3A_1842[%shift_right_arithmetic3A_1827, %dma_start3A_1843, %multiple_of3A_1830] : memref<625x8x5000xi32, #tpu.memory_space<hbm>> -> memref<1x8x128xi32, #tpu.memory_space<hbm>>
    tpu.enqueue_dma source(%dma_start3A_1844 : memref<1x8x128xi32, #tpu.memory_space<hbm>>) target(%dma_start3A_1841 : memref<1x8x128xi32, #tpu.memory_space<vmem>>) target_semaphore(%arg17 : memref<!tpu.dma_semaphore, #tpu.memory_space<semaphore_mem>>)
    %slice3A_1845 = vector.extract_strided_slice %get3A_1676 {offsets = [8], sizes = [1], strides = [1]} : vector<16xi32> to vector<1xi32>
    %squeeze3A_1846 = vector.extract %slice3A_1845[0] : i32 from vector<1xi32>
    %shift_right_arithmetic3A_1847 = arith.constant 13 : i32
    %shift_right_arithmetic3A_1848 = arith.shrsi %squeeze3A_1846, %shift_right_arithmetic3A_1847 : i32
    %and3A_1849 = arith.constant 8191 : i32
    %and3A_1850 = arith.andi %squeeze3A_1846, %and3A_1849 : i32
    %multiple_of3A_1851 = tpu.assume_multiple %and3A_1850, 128 : i32
    %dma_start3A_1852 = arith.constant 8 : i32
    %dma_start3A_1853 = arith.constant 0 : i32
    %dma_start3A_1854 = arith.constant 0 : i32
    %dma_start3A_1855 = tpu.memref_slice %arg13[%dma_start3A_1852, %dma_start3A_1853, %dma_start3A_1854] : memref<32x8x128xi32, #tpu.memory_space<vmem>> -> memref<1x8x128xi32, #tpu.memory_space<vmem>>
    %dma_start3A_1856 = tpu.memref_reshape %arg4 : memref<5000x5000xi32, #tpu.memory_space<hbm>> -> memref<625x8x5000xi32, #tpu.memory_space<hbm>>
    %dma_start3A_1857 = arith.constant 0 : i32
    %dma_start3A_1858 = tpu.memref_slice %dma_start3A_1856[%shift_right_arithmetic3A_1848, %dma_start3A_1857, %multiple_of3A_1851] : memref<625x8x5000xi32, #tpu.memory_space<hbm>> -> memref<1x8x128xi32, #tpu.memory_space<hbm>>
    %dma_start3A_1859 = arith.constant 8 : i32
    %dma_start3A_1860 = arith.constant 0 : i32
    %dma_start3A_1861 = arith.constant 0 : i32
    %dma_start3A_1862 = tpu.memref_slice %arg13[%dma_start3A_1859, %dma_start3A_1860, %dma_start3A_1861] : memref<32x8x128xi32, #tpu.memory_space<vmem>> -> memref<1x8x128xi32, #tpu.memory_space<vmem>>
    %dma_start3A_1863 = tpu.memref_reshape %arg4 : memref<5000x5000xi32, #tpu.memory_space<hbm>> -> memref<625x8x5000xi32, #tpu.memory_space<hbm>>
    %dma_start3A_1864 = arith.constant 0 : i32
    %dma_start3A_1865 = tpu.memref_slice %dma_start3A_1863[%shift_right_arithmetic3A_1848, %dma_start3A_1864, %multiple_of3A_1851] : memref<625x8x5000xi32, #tpu.memory_space<hbm>> -> memref<1x8x128xi32, #tpu.memory_space<hbm>>
    tpu.enqueue_dma source(%dma_start3A_1865 : memref<1x8x128xi32, #tpu.memory_space<hbm>>) target(%dma_start3A_1862 : memref<1x8x128xi32, #tpu.memory_space<vmem>>) target_semaphore(%arg17 : memref<!tpu.dma_semaphore, #tpu.memory_space<semaphore_mem>>)
    %slice3A_1866 = vector.extract_strided_slice %get3A_1676 {offsets = [9], sizes = [1], strides = [1]} : vector<16xi32> to vector<1xi32>
    %squeeze3A_1867 = vector.extract %slice3A_1866[0] : i32 from vector<1xi32>
    %shift_right_arithmetic3A_1868 = arith.constant 13 : i32
    %shift_right_arithmetic3A_1869 = arith.shrsi %squeeze3A_1867, %shift_right_arithmetic3A_1868 : i32
    %and3A_1870 = arith.constant 8191 : i32
    %and3A_1871 = arith.andi %squeeze3A_1867, %and3A_1870 : i32
    %multiple_of3A_1872 = tpu.assume_multiple %and3A_1871, 128 : i32
    %dma_start3A_1873 = arith.constant 9 : i32
    %dma_start3A_1874 = arith.constant 0 : i32
    %dma_start3A_1875 = arith.constant 0 : i32
    %dma_start3A_1876 = tpu.memref_slice %arg13[%dma_start3A_1873, %dma_start3A_1874, %dma_start3A_1875] : memref<32x8x128xi32, #tpu.memory_space<vmem>> -> memref<1x8x128xi32, #tpu.memory_space<vmem>>
    %dma_start3A_1877 = tpu.memref_reshape %arg4 : memref<5000x5000xi32, #tpu.memory_space<hbm>> -> memref<625x8x5000xi32, #tpu.memory_space<hbm>>
    %dma_start3A_1878 = arith.constant 0 : i32
    %dma_start3A_1879 = tpu.memref_slice %dma_start3A_1877[%shift_right_arithmetic3A_1869, %dma_start3A_1878, %multiple_of3A_1872] : memref<625x8x5000xi32, #tpu.memory_space<hbm>> -> memref<1x8x128xi32, #tpu.memory_space<hbm>>
    %dma_start3A_1880 = arith.constant 9 : i32
    %dma_start3A_1881 = arith.constant 0 : i32
    %dma_start3A_1882 = arith.constant 0 : i32
    %dma_start3A_1883 = tpu.memref_slice %arg13[%dma_start3A_1880, %dma_start3A_1881, %dma_start3A_1882] : memref<32x8x128xi32, #tpu.memory_space<vmem>> -> memref<1x8x128xi32, #tpu.memory_space<vmem>>
    %dma_start3A_1884 = tpu.memref_reshape %arg4 : memref<5000x5000xi32, #tpu.memory_space<hbm>> -> memref<625x8x5000xi32, #tpu.memory_space<hbm>>
    %dma_start3A_1885 = arith.constant 0 : i32
    %dma_start3A_1886 = tpu.memref_slice %dma_start3A_1884[%shift_right_arithmetic3A_1869, %dma_start3A_1885, %multiple_of3A_1872] : memref<625x8x5000xi32, #tpu.memory_space<hbm>> -> memref<1x8x128xi32, #tpu.memory_space<hbm>>
    tpu.enqueue_dma source(%dma_start3A_1886 : memref<1x8x128xi32, #tpu.memory_space<hbm>>) target(%dma_start3A_1883 : memref<1x8x128xi32, #tpu.memory_space<vmem>>) target_semaphore(%arg17 : memref<!tpu.dma_semaphore, #tpu.memory_space<semaphore_mem>>)
    %slice3A_1887 = vector.extract_strided_slice %get3A_1676 {offsets = [10], sizes = [1], strides = [1]} : vector<16xi32> to vector<1xi32>
    %squeeze3A_1888 = vector.extract %slice3A_1887[0] : i32 from vector<1xi32>
    %shift_right_arithmetic3A_1889 = arith.constant 13 : i32
    %shift_right_arithmetic3A_1890 = arith.shrsi %squeeze3A_1888, %shift_right_arithmetic3A_1889 : i32
    %and3A_1891 = arith.constant 8191 : i32
    %and3A_1892 = arith.andi %squeeze3A_1888, %and3A_1891 : i32
    %multiple_of3A_1893 = tpu.assume_multiple %and3A_1892, 128 : i32
    %dma_start3A_1894 = arith.constant 10 : i32
    %dma_start3A_1895 = arith.constant 0 : i32
    %dma_start3A_1896 = arith.constant 0 : i32
    %dma_start3A_1897 = tpu.memref_slice %arg13[%dma_start3A_1894, %dma_start3A_1895, %dma_start3A_1896] : memref<32x8x128xi32, #tpu.memory_space<vmem>> -> memref<1x8x128xi32, #tpu.memory_space<vmem>>
    %dma_start3A_1898 = tpu.memref_reshape %arg4 : memref<5000x5000xi32, #tpu.memory_space<hbm>> -> memref<625x8x5000xi32, #tpu.memory_space<hbm>>
    %dma_start3A_1899 = arith.constant 0 : i32
    %dma_start3A_1900 = tpu.memref_slice %dma_start3A_1898[%shift_right_arithmetic3A_1890, %dma_start3A_1899, %multiple_of3A_1893] : memref<625x8x5000xi32, #tpu.memory_space<hbm>> -> memref<1x8x128xi32, #tpu.memory_space<hbm>>
    %dma_start3A_1901 = arith.constant 10 : i32
    %dma_start3A_1902 = arith.constant 0 : i32
    %dma_start3A_1903 = arith.constant 0 : i32
    %dma_start3A_1904 = tpu.memref_slice %arg13[%dma_start3A_1901, %dma_start3A_1902, %dma_start3A_1903] : memref<32x8x128xi32, #tpu.memory_space<vmem>> -> memref<1x8x128xi32, #tpu.memory_space<vmem>>
    %dma_start3A_1905 = tpu.memref_reshape %arg4 : memref<5000x5000xi32, #tpu.memory_space<hbm>> -> memref<625x8x5000xi32, #tpu.memory_space<hbm>>
    %dma_start3A_1906 = arith.constant 0 : i32
    %dma_start3A_1907 = tpu.memref_slice %dma_start3A_1905[%shift_right_arithmetic3A_1890, %dma_start3A_1906, %multiple_of3A_1893] : memref<625x8x5000xi32, #tpu.memory_space<hbm>> -> memref<1x8x128xi32, #tpu.memory_space<hbm>>
    tpu.enqueue_dma source(%dma_start3A_1907 : memref<1x8x128xi32, #tpu.memory_space<hbm>>) target(%dma_start3A_1904 : memref<1x8x128xi32, #tpu.memory_space<vmem>>) target_semaphore(%arg17 : memref<!tpu.dma_semaphore, #tpu.memory_space<semaphore_mem>>)
    %slice3A_1908 = vector.extract_strided_slice %get3A_1676 {offsets = [11], sizes = [1], strides = [1]} : vector<16xi32> to vector<1xi32>
    %squeeze3A_1909 = vector.extract %slice3A_1908[0] : i32 from vector<1xi32>
    %shift_right_arithmetic3A_1910 = arith.constant 13 : i32
    %shift_right_arithmetic3A_1911 = arith.shrsi %squeeze3A_1909, %shift_right_arithmetic3A_1910 : i32
    %and3A_1912 = arith.constant 8191 : i32
    %and3A_1913 = arith.andi %squeeze3A_1909, %and3A_1912 : i32
    %multiple_of3A_1914 = tpu.assume_multiple %and3A_1913, 128 : i32
    %dma_start3A_1915 = arith.constant 11 : i32
    %dma_start3A_1916 = arith.constant 0 : i32
    %dma_start3A_1917 = arith.constant 0 : i32
    %dma_start3A_1918 = tpu.memref_slice %arg13[%dma_start3A_1915, %dma_start3A_1916, %dma_start3A_1917] : memref<32x8x128xi32, #tpu.memory_space<vmem>> -> memref<1x8x128xi32, #tpu.memory_space<vmem>>
    %dma_start3A_1919 = tpu.memref_reshape %arg4 : memref<5000x5000xi32, #tpu.memory_space<hbm>> -> memref<625x8x5000xi32, #tpu.memory_space<hbm>>
    %dma_start3A_1920 = arith.constant 0 : i32
    %dma_start3A_1921 = tpu.memref_slice %dma_start3A_1919[%shift_right_arithmetic3A_1911, %dma_start3A_1920, %multiple_of3A_1914] : memref<625x8x5000xi32, #tpu.memory_space<hbm>> -> memref<1x8x128xi32, #tpu.memory_space<hbm>>
    %dma_start3A_1922 = arith.constant 11 : i32
    %dma_start3A_1923 = arith.constant 0 : i32
    %dma_start3A_1924 = arith.constant 0 : i32
    %dma_start3A_1925 = tpu.memref_slice %arg13[%dma_start3A_1922, %dma_start3A_1923, %dma_start3A_1924] : memref<32x8x128xi32, #tpu.memory_space<vmem>> -> memref<1x8x128xi32, #tpu.memory_space<vmem>>
    %dma_start3A_1926 = tpu.memref_reshape %arg4 : memref<5000x5000xi32, #tpu.memory_space<hbm>> -> memref<625x8x5000xi32, #tpu.memory_space<hbm>>
    %dma_start3A_1927 = arith.constant 0 : i32
    %dma_start3A_1928 = tpu.memref_slice %dma_start3A_1926[%shift_right_arithmetic3A_1911, %dma_start3A_1927, %multiple_of3A_1914] : memref<625x8x5000xi32, #tpu.memory_space<hbm>> -> memref<1x8x128xi32, #tpu.memory_space<hbm>>
    tpu.enqueue_dma source(%dma_start3A_1928 : memref<1x8x128xi32, #tpu.memory_space<hbm>>) target(%dma_start3A_1925 : memref<1x8x128xi32, #tpu.memory_space<vmem>>) target_semaphore(%arg17 : memref<!tpu.dma_semaphore, #tpu.memory_space<semaphore_mem>>)
    %slice3A_1929 = vector.extract_strided_slice %get3A_1676 {offsets = [12], sizes = [1], strides = [1]} : vector<16xi32> to vector<1xi32>
    %squeeze3A_1930 = vector.extract %slice3A_1929[0] : i32 from vector<1xi32>
    %shift_right_arithmetic3A_1931 = arith.constant 13 : i32
    %shift_right_arithmetic3A_1932 = arith.shrsi %squeeze3A_1930, %shift_right_arithmetic3A_1931 : i32
    %and3A_1933 = arith.constant 8191 : i32
    %and3A_1934 = arith.andi %squeeze3A_1930, %and3A_1933 : i32
    %multiple_of3A_1935 = tpu.assume_multiple %and3A_1934, 128 : i32
    %dma_start3A_1936 = arith.constant 12 : i32
    %dma_start3A_1937 = arith.constant 0 : i32
    %dma_start3A_1938 = arith.constant 0 : i32
    %dma_start3A_1939 = tpu.memref_slice %arg13[%dma_start3A_1936, %dma_start3A_1937, %dma_start3A_1938] : memref<32x8x128xi32, #tpu.memory_space<vmem>> -> memref<1x8x128xi32, #tpu.memory_space<vmem>>
    %dma_start3A_1940 = tpu.memref_reshape %arg4 : memref<5000x5000xi32, #tpu.memory_space<hbm>> -> memref<625x8x5000xi32, #tpu.memory_space<hbm>>
    %dma_start3A_1941 = arith.constant 0 : i32
    %dma_start3A_1942 = tpu.memref_slice %dma_start3A_1940[%shift_right_arithmetic3A_1932, %dma_start3A_1941, %multiple_of3A_1935] : memref<625x8x5000xi32, #tpu.memory_space<hbm>> -> memref<1x8x128xi32, #tpu.memory_space<hbm>>
    %dma_start3A_1943 = arith.constant 12 : i32
    %dma_start3A_1944 = arith.constant 0 : i32
    %dma_start3A_1945 = arith.constant 0 : i32
    %dma_start3A_1946 = tpu.memref_slice %arg13[%dma_start3A_1943, %dma_start3A_1944, %dma_start3A_1945] : memref<32x8x128xi32, #tpu.memory_space<vmem>> -> memref<1x8x128xi32, #tpu.memory_space<vmem>>
    %dma_start3A_1947 = tpu.memref_reshape %arg4 : memref<5000x5000xi32, #tpu.memory_space<hbm>> -> memref<625x8x5000xi32, #tpu.memory_space<hbm>>
    %dma_start3A_1948 = arith.constant 0 : i32
    %dma_start3A_1949 = tpu.memref_slice %dma_start3A_1947[%shift_right_arithmetic3A_1932, %dma_start3A_1948, %multiple_of3A_1935] : memref<625x8x5000xi32, #tpu.memory_space<hbm>> -> memref<1x8x128xi32, #tpu.memory_space<hbm>>
    tpu.enqueue_dma source(%dma_start3A_1949 : memref<1x8x128xi32, #tpu.memory_space<hbm>>) target(%dma_start3A_1946 : memref<1x8x128xi32, #tpu.memory_space<vmem>>) target_semaphore(%arg17 : memref<!tpu.dma_semaphore, #tpu.memory_space<semaphore_mem>>)
    %slice3A_1950 = vector.extract_strided_slice %get3A_1676 {offsets = [13], sizes = [1], strides = [1]} : vector<16xi32> to vector<1xi32>
    %squeeze3A_1951 = vector.extract %slice3A_1950[0] : i32 from vector<1xi32>
    %shift_right_arithmetic3A_1952 = arith.constant 13 : i32
    %shift_right_arithmetic3A_1953 = arith.shrsi %squeeze3A_1951, %shift_right_arithmetic3A_1952 : i32
    %and3A_1954 = arith.constant 8191 : i32
    %and3A_1955 = arith.andi %squeeze3A_1951, %and3A_1954 : i32
    %multiple_of3A_1956 = tpu.assume_multiple %and3A_1955, 128 : i32
    %dma_start3A_1957 = arith.constant 13 : i32
    %dma_start3A_1958 = arith.constant 0 : i32
    %dma_start3A_1959 = arith.constant 0 : i32
    %dma_start3A_1960 = tpu.memref_slice %arg13[%dma_start3A_1957, %dma_start3A_1958, %dma_start3A_1959] : memref<32x8x128xi32, #tpu.memory_space<vmem>> -> memref<1x8x128xi32, #tpu.memory_space<vmem>>
    %dma_start3A_1961 = tpu.memref_reshape %arg4 : memref<5000x5000xi32, #tpu.memory_space<hbm>> -> memref<625x8x5000xi32, #tpu.memory_space<hbm>>
    %dma_start3A_1962 = arith.constant 0 : i32
    %dma_start3A_1963 = tpu.memref_slice %dma_start3A_1961[%shift_right_arithmetic3A_1953, %dma_start3A_1962, %multiple_of3A_1956] : memref<625x8x5000xi32, #tpu.memory_space<hbm>> -> memref<1x8x128xi32, #tpu.memory_space<hbm>>
    %dma_start3A_1964 = arith.constant 13 : i32
    %dma_start3A_1965 = arith.constant 0 : i32
    %dma_start3A_1966 = arith.constant 0 : i32
    %dma_start3A_1967 = tpu.memref_slice %arg13[%dma_start3A_1964, %dma_start3A_1965, %dma_start3A_1966] : memref<32x8x128xi32, #tpu.memory_space<vmem>> -> memref<1x8x128xi32, #tpu.memory_space<vmem>>
    %dma_start3A_1968 = tpu.memref_reshape %arg4 : memref<5000x5000xi32, #tpu.memory_space<hbm>> -> memref<625x8x5000xi32, #tpu.memory_space<hbm>>
    %dma_start3A_1969 = arith.constant 0 : i32
    %dma_start3A_1970 = tpu.memref_slice %dma_start3A_1968[%shift_right_arithmetic3A_1953, %dma_start3A_1969, %multiple_of3A_1956] : memref<625x8x5000xi32, #tpu.memory_space<hbm>> -> memref<1x8x128xi32, #tpu.memory_space<hbm>>
    tpu.enqueue_dma source(%dma_start3A_1970 : memref<1x8x128xi32, #tpu.memory_space<hbm>>) target(%dma_start3A_1967 : memref<1x8x128xi32, #tpu.memory_space<vmem>>) target_semaphore(%arg17 : memref<!tpu.dma_semaphore, #tpu.memory_space<semaphore_mem>>)
    %slice3A_1971 = vector.extract_strided_slice %get3A_1676 {offsets = [14], sizes = [1], strides = [1]} : vector<16xi32> to vector<1xi32>
    %squeeze3A_1972 = vector.extract %slice3A_1971[0] : i32 from vector<1xi32>
    %shift_right_arithmetic3A_1973 = arith.constant 13 : i32
    %shift_right_arithmetic3A_1974 = arith.shrsi %squeeze3A_1972, %shift_right_arithmetic3A_1973 : i32
    %and3A_1975 = arith.constant 8191 : i32
    %and3A_1976 = arith.andi %squeeze3A_1972, %and3A_1975 : i32
    %multiple_of3A_1977 = tpu.assume_multiple %and3A_1976, 128 : i32
    %dma_start3A_1978 = arith.constant 14 : i32
    %dma_start3A_1979 = arith.constant 0 : i32
    %dma_start3A_1980 = arith.constant 0 : i32
    %dma_start3A_1981 = tpu.memref_slice %arg13[%dma_start3A_1978, %dma_start3A_1979, %dma_start3A_1980] : memref<32x8x128xi32, #tpu.memory_space<vmem>> -> memref<1x8x128xi32, #tpu.memory_space<vmem>>
    %dma_start3A_1982 = tpu.memref_reshape %arg4 : memref<5000x5000xi32, #tpu.memory_space<hbm>> -> memref<625x8x5000xi32, #tpu.memory_space<hbm>>
    %dma_start3A_1983 = arith.constant 0 : i32
    %dma_start3A_1984 = tpu.memref_slice %dma_start3A_1982[%shift_right_arithmetic3A_1974, %dma_start3A_1983, %multiple_of3A_1977] : memref<625x8x5000xi32, #tpu.memory_space<hbm>> -> memref<1x8x128xi32, #tpu.memory_space<hbm>>
    %dma_start3A_1985 = arith.constant 14 : i32
    %dma_start3A_1986 = arith.constant 0 : i32
    %dma_start3A_1987 = arith.constant 0 : i32
    %dma_start3A_1988 = tpu.memref_slice %arg13[%dma_start3A_1985, %dma_start3A_1986, %dma_start3A_1987] : memref<32x8x128xi32, #tpu.memory_space<vmem>> -> memref<1x8x128xi32, #tpu.memory_space<vmem>>
    %dma_start3A_1989 = tpu.memref_reshape %arg4 : memref<5000x5000xi32, #tpu.memory_space<hbm>> -> memref<625x8x5000xi32, #tpu.memory_space<hbm>>
    %dma_start3A_1990 = arith.constant 0 : i32
    %dma_start3A_1991 = tpu.memref_slice %dma_start3A_1989[%shift_right_arithmetic3A_1974, %dma_start3A_1990, %multiple_of3A_1977] : memref<625x8x5000xi32, #tpu.memory_space<hbm>> -> memref<1x8x128xi32, #tpu.memory_space<hbm>>
    tpu.enqueue_dma source(%dma_start3A_1991 : memref<1x8x128xi32, #tpu.memory_space<hbm>>) target(%dma_start3A_1988 : memref<1x8x128xi32, #tpu.memory_space<vmem>>) target_semaphore(%arg17 : memref<!tpu.dma_semaphore, #tpu.memory_space<semaphore_mem>>)
    %slice3A_1992 = vector.extract_strided_slice %get3A_1676 {offsets = [15], sizes = [1], strides = [1]} : vector<16xi32> to vector<1xi32>
    %squeeze3A_1993 = vector.extract %slice3A_1992[0] : i32 from vector<1xi32>
    %shift_right_arithmetic3A_1994 = arith.constant 13 : i32
    %shift_right_arithmetic3A_1995 = arith.shrsi %squeeze3A_1993, %shift_right_arithmetic3A_1994 : i32
    %and3A_1996 = arith.constant 8191 : i32
    %and3A_1997 = arith.andi %squeeze3A_1993, %and3A_1996 : i32
    %multiple_of3A_1998 = tpu.assume_multiple %and3A_1997, 128 : i32
    %dma_start3A_1999 = arith.constant 15 : i32
    %dma_start3A_2000 = arith.constant 0 : i32
    %dma_start3A_2001 = arith.constant 0 : i32
    %dma_start3A_2002 = tpu.memref_slice %arg13[%dma_start3A_1999, %dma_start3A_2000, %dma_start3A_2001] : memref<32x8x128xi32, #tpu.memory_space<vmem>> -> memref<1x8x128xi32, #tpu.memory_space<vmem>>
    %dma_start3A_2003 = tpu.memref_reshape %arg4 : memref<5000x5000xi32, #tpu.memory_space<hbm>> -> memref<625x8x5000xi32, #tpu.memory_space<hbm>>
    %dma_start3A_2004 = arith.constant 0 : i32
    %dma_start3A_2005 = tpu.memref_slice %dma_start3A_2003[%shift_right_arithmetic3A_1995, %dma_start3A_2004, %multiple_of3A_1998] : memref<625x8x5000xi32, #tpu.memory_space<hbm>> -> memref<1x8x128xi32, #tpu.memory_space<hbm>>
    %dma_start3A_2006 = arith.constant 15 : i32
    %dma_start3A_2007 = arith.constant 0 : i32
    %dma_start3A_2008 = arith.constant 0 : i32
    %dma_start3A_2009 = tpu.memref_slice %arg13[%dma_start3A_2006, %dma_start3A_2007, %dma_start3A_2008] : memref<32x8x128xi32, #tpu.memory_space<vmem>> -> memref<1x8x128xi32, #tpu.memory_space<vmem>>
    %dma_start3A_2010 = tpu.memref_reshape %arg4 : memref<5000x5000xi32, #tpu.memory_space<hbm>> -> memref<625x8x5000xi32, #tpu.memory_space<hbm>>
    %dma_start3A_2011 = arith.constant 0 : i32
    %dma_start3A_2012 = tpu.memref_slice %dma_start3A_2010[%shift_right_arithmetic3A_1995, %dma_start3A_2011, %multiple_of3A_1998] : memref<625x8x5000xi32, #tpu.memory_space<hbm>> -> memref<1x8x128xi32, #tpu.memory_space<hbm>>
    tpu.enqueue_dma source(%dma_start3A_2012 : memref<1x8x128xi32, #tpu.memory_space<hbm>>) target(%dma_start3A_2009 : memref<1x8x128xi32, #tpu.memory_space<vmem>>) target_semaphore(%arg17 : memref<!tpu.dma_semaphore, #tpu.memory_space<semaphore_mem>>)
    %get3A_2013 = arith.constant 80 : index
    %get3A_2014 = tpu.vector_load %arg10[%get3A_2013] {strides = array<i32>} : memref<144xi32, #tpu.memory_space<vmem>>, vector<16xi32>,
    %slice3A_2015 = vector.extract_strided_slice %get3A_2014 {offsets = [0], sizes = [1], strides = [1]} : vector<16xi32> to vector<1xi32>
    %squeeze3A_2016 = vector.extract %slice3A_2015[0] : i32 from vector<1xi32>
    %shift_right_arithmetic3A_2017 = arith.constant 13 : i32
    %shift_right_arithmetic3A_2018 = arith.shrsi %squeeze3A_2016, %shift_right_arithmetic3A_2017 : i32
    %and3A_2019 = arith.constant 8191 : i32
    %and3A_2020 = arith.andi %squeeze3A_2016, %and3A_2019 : i32
    %multiple_of3A_2021 = tpu.assume_multiple %and3A_2020, 128 : i32
    %dma_start3A_2022 = arith.constant 16 : i32
    %dma_start3A_2023 = arith.constant 0 : i32
    %dma_start3A_2024 = arith.constant 0 : i32
    %dma_start3A_2025 = tpu.memref_slice %arg13[%dma_start3A_2022, %dma_start3A_2023, %dma_start3A_2024] : memref<32x8x128xi32, #tpu.memory_space<vmem>> -> memref<1x8x128xi32, #tpu.memory_space<vmem>>
    %dma_start3A_2026 = tpu.memref_reshape %arg4 : memref<5000x5000xi32, #tpu.memory_space<hbm>> -> memref<625x8x5000xi32, #tpu.memory_space<hbm>>
    %dma_start3A_2027 = arith.constant 0 : i32
    %dma_start3A_2028 = tpu.memref_slice %dma_start3A_2026[%shift_right_arithmetic3A_2018, %dma_start3A_2027, %multiple_of3A_2021] : memref<625x8x5000xi32, #tpu.memory_space<hbm>> -> memref<1x8x128xi32, #tpu.memory_space<hbm>>
    %dma_start3A_2029 = arith.constant 16 : i32
    %dma_start3A_2030 = arith.constant 0 : i32
    %dma_start3A_2031 = arith.constant 0 : i32
    %dma_start3A_2032 = tpu.memref_slice %arg13[%dma_start3A_2029, %dma_start3A_2030, %dma_start3A_2031] : memref<32x8x128xi32, #tpu.memory_space<vmem>> -> memref<1x8x128xi32, #tpu.memory_space<vmem>>
    %dma_start3A_2033 = tpu.memref_reshape %arg4 : memref<5000x5000xi32, #tpu.memory_space<hbm>> -> memref<625x8x5000xi32, #tpu.memory_space<hbm>>
    %dma_start3A_2034 = arith.constant 0 : i32
    %dma_start3A_2035 = tpu.memref_slice %dma_start3A_2033[%shift_right_arithmetic3A_2018, %dma_start3A_2034, %multiple_of3A_2021] : memref<625x8x5000xi32, #tpu.memory_space<hbm>> -> memref<1x8x128xi32, #tpu.memory_space<hbm>>
    tpu.enqueue_dma source(%dma_start3A_2035 : memref<1x8x128xi32, #tpu.memory_space<hbm>>) target(%dma_start3A_2032 : memref<1x8x128xi32, #tpu.memory_space<vmem>>) target_semaphore(%arg17 : memref<!tpu.dma_semaphore, #tpu.memory_space<semaphore_mem>>)
    %slice3A_2036 = vector.extract_strided_slice %get3A_2014 {offsets = [1], sizes = [1], strides = [1]} : vector<16xi32> to vector<1xi32>
    %squeeze3A_2037 = vector.extract %slice3A_2036[0] : i32 from vector<1xi32>
    %shift_right_arithmetic3A_2038 = arith.constant 13 : i32
    %shift_right_arithmetic3A_2039 = arith.shrsi %squeeze3A_2037, %shift_right_arithmetic3A_2038 : i32
    %and3A_2040 = arith.constant 8191 : i32
    %and3A_2041 = arith.andi %squeeze3A_2037, %and3A_2040 : i32
    %multiple_of3A_2042 = tpu.assume_multiple %and3A_2041, 128 : i32
    %dma_start3A_2043 = arith.constant 17 : i32
    %dma_start3A_2044 = arith.constant 0 : i32
    %dma_start3A_2045 = arith.constant 0 : i32
    %dma_start3A_2046 = tpu.memref_slice %arg13[%dma_start3A_2043, %dma_start3A_2044, %dma_start3A_2045] : memref<32x8x128xi32, #tpu.memory_space<vmem>> -> memref<1x8x128xi32, #tpu.memory_space<vmem>>
    %dma_start3A_2047 = tpu.memref_reshape %arg4 : memref<5000x5000xi32, #tpu.memory_space<hbm>> -> memref<625x8x5000xi32, #tpu.memory_space<hbm>>
    %dma_start3A_2048 = arith.constant 0 : i32
    %dma_start3A_2049 = tpu.memref_slice %dma_start3A_2047[%shift_right_arithmetic3A_2039, %dma_start3A_2048, %multiple_of3A_2042] : memref<625x8x5000xi32, #tpu.memory_space<hbm>> -> memref<1x8x128xi32, #tpu.memory_space<hbm>>
    %dma_start3A_2050 = arith.constant 17 : i32
    %dma_start3A_2051 = arith.constant 0 : i32
    %dma_start3A_2052 = arith.constant 0 : i32
    %dma_start3A_2053 = tpu.memref_slice %arg13[%dma_start3A_2050, %dma_start3A_2051, %dma_start3A_2052] : memref<32x8x128xi32, #tpu.memory_space<vmem>> -> memref<1x8x128xi32, #tpu.memory_space<vmem>>
    %dma_start3A_2054 = tpu.memref_reshape %arg4 : memref<5000x5000xi32, #tpu.memory_space<hbm>> -> memref<625x8x5000xi32, #tpu.memory_space<hbm>>
    %dma_start3A_2055 = arith.constant 0 : i32
    %dma_start3A_2056 = tpu.memref_slice %dma_start3A_2054[%shift_right_arithmetic3A_2039, %dma_start3A_2055, %multiple_of3A_2042] : memref<625x8x5000xi32, #tpu.memory_space<hbm>> -> memref<1x8x128xi32, #tpu.memory_space<hbm>>
    tpu.enqueue_dma source(%dma_start3A_2056 : memref<1x8x128xi32, #tpu.memory_space<hbm>>) target(%dma_start3A_2053 : memref<1x8x128xi32, #tpu.memory_space<vmem>>) target_semaphore(%arg17 : memref<!tpu.dma_semaphore, #tpu.memory_space<semaphore_mem>>)
    %slice3A_2057 = vector.extract_strided_slice %get3A_2014 {offsets = [2], sizes = [1], strides = [1]} : vector<16xi32> to vector<1xi32>
    %squeeze3A_2058 = vector.extract %slice3A_2057[0] : i32 from vector<1xi32>
    %shift_right_arithmetic3A_2059 = arith.constant 13 : i32
    %shift_right_arithmetic3A_2060 = arith.shrsi %squeeze3A_2058, %shift_right_arithmetic3A_2059 : i32
    %and3A_2061 = arith.constant 8191 : i32
    %and3A_2062 = arith.andi %squeeze3A_2058, %and3A_2061 : i32
    %multiple_of3A_2063 = tpu.assume_multiple %and3A_2062, 128 : i32
    %dma_start3A_2064 = arith.constant 18 : i32
    %dma_start3A_2065 = arith.constant 0 : i32
    %dma_start3A_2066 = arith.constant 0 : i32
    %dma_start3A_2067 = tpu.memref_slice %arg13[%dma_start3A_2064, %dma_start3A_2065, %dma_start3A_2066] : memref<32x8x128xi32, #tpu.memory_space<vmem>> -> memref<1x8x128xi32, #tpu.memory_space<vmem>>
    %dma_start3A_2068 = tpu.memref_reshape %arg4 : memref<5000x5000xi32, #tpu.memory_space<hbm>> -> memref<625x8x5000xi32, #tpu.memory_space<hbm>>
    %dma_start3A_2069 = arith.constant 0 : i32
    %dma_start3A_2070 = tpu.memref_slice %dma_start3A_2068[%shift_right_arithmetic3A_2060, %dma_start3A_2069, %multiple_of3A_2063] : memref<625x8x5000xi32, #tpu.memory_space<hbm>> -> memref<1x8x128xi32, #tpu.memory_space<hbm>>
    %dma_start3A_2071 = arith.constant 18 : i32
    %dma_start3A_2072 = arith.constant 0 : i32
    %dma_start3A_2073 = arith.constant 0 : i32
    %dma_start3A_2074 = tpu.memref_slice %arg13[%dma_start3A_2071, %dma_start3A_2072, %dma_start3A_2073] : memref<32x8x128xi32, #tpu.memory_space<vmem>> -> memref<1x8x128xi32, #tpu.memory_space<vmem>>
    %dma_start3A_2075 = tpu.memref_reshape %arg4 : memref<5000x5000xi32, #tpu.memory_space<hbm>> -> memref<625x8x5000xi32, #tpu.memory_space<hbm>>
    %dma_start3A_2076 = arith.constant 0 : i32
    %dma_start3A_2077 = tpu.memref_slice %dma_start3A_2075[%shift_right_arithmetic3A_2060, %dma_start3A_2076, %multiple_of3A_2063] : memref<625x8x5000xi32, #tpu.memory_space<hbm>> -> memref<1x8x128xi32, #tpu.memory_space<hbm>>
    tpu.enqueue_dma source(%dma_start3A_2077 : memref<1x8x128xi32, #tpu.memory_space<hbm>>) target(%dma_start3A_2074 : memref<1x8x128xi32, #tpu.memory_space<vmem>>) target_semaphore(%arg17 : memref<!tpu.dma_semaphore, #tpu.memory_space<semaphore_mem>>)
    %slice3A_2078 = vector.extract_strided_slice %get3A_2014 {offsets = [3], sizes = [1], strides = [1]} : vector<16xi32> to vector<1xi32>
    %squeeze3A_2079 = vector.extract %slice3A_2078[0] : i32 from vector<1xi32>
    %shift_right_arithmetic3A_2080 = arith.constant 13 : i32
    %shift_right_arithmetic3A_2081 = arith.shrsi %squeeze3A_2079, %shift_right_arithmetic3A_2080 : i32
    %and3A_2082 = arith.constant 8191 : i32
    %and3A_2083 = arith.andi %squeeze3A_2079, %and3A_2082 : i32
    %multiple_of3A_2084 = tpu.assume_multiple %and3A_2083, 128 : i32
    %dma_start3A_2085 = arith.constant 19 : i32
    %dma_start3A_2086 = arith.constant 0 : i32
    %dma_start3A_2087 = arith.constant 0 : i32
    %dma_start3A_2088 = tpu.memref_slice %arg13[%dma_start3A_2085, %dma_start3A_2086, %dma_start3A_2087] : memref<32x8x128xi32, #tpu.memory_space<vmem>> -> memref<1x8x128xi32, #tpu.memory_space<vmem>>
    %dma_start3A_2089 = tpu.memref_reshape %arg4 : memref<5000x5000xi32, #tpu.memory_space<hbm>> -> memref<625x8x5000xi32, #tpu.memory_space<hbm>>
    %dma_start3A_2090 = arith.constant 0 : i32
    %dma_start3A_2091 = tpu.memref_slice %dma_start3A_2089[%shift_right_arithmetic3A_2081, %dma_start3A_2090, %multiple_of3A_2084] : memref<625x8x5000xi32, #tpu.memory_space<hbm>> -> memref<1x8x128xi32, #tpu.memory_space<hbm>>
    %dma_start3A_2092 = arith.constant 19 : i32
    %dma_start3A_2093 = arith.constant 0 : i32
    %dma_start3A_2094 = arith.constant 0 : i32
    %dma_start3A_2095 = tpu.memref_slice %arg13[%dma_start3A_2092, %dma_start3A_2093, %dma_start3A_2094] : memref<32x8x128xi32, #tpu.memory_space<vmem>> -> memref<1x8x128xi32, #tpu.memory_space<vmem>>
    %dma_start3A_2096 = tpu.memref_reshape %arg4 : memref<5000x5000xi32, #tpu.memory_space<hbm>> -> memref<625x8x5000xi32, #tpu.memory_space<hbm>>
    %dma_start3A_2097 = arith.constant 0 : i32
    %dma_start3A_2098 = tpu.memref_slice %dma_start3A_2096[%shift_right_arithmetic3A_2081, %dma_start3A_2097, %multiple_of3A_2084] : memref<625x8x5000xi32, #tpu.memory_space<hbm>> -> memref<1x8x128xi32, #tpu.memory_space<hbm>>
    tpu.enqueue_dma source(%dma_start3A_2098 : memref<1x8x128xi32, #tpu.memory_space<hbm>>) target(%dma_start3A_2095 : memref<1x8x128xi32, #tpu.memory_space<vmem>>) target_semaphore(%arg17 : memref<!tpu.dma_semaphore, #tpu.memory_space<semaphore_mem>>)
    %slice3A_2099 = vector.extract_strided_slice %get3A_2014 {offsets = [4], sizes = [1], strides = [1]} : vector<16xi32> to vector<1xi32>
    %squeeze3A_2100 = vector.extract %slice3A_2099[0] : i32 from vector<1xi32>
    %shift_right_arithmetic3A_2101 = arith.constant 13 : i32
    %shift_right_arithmetic3A_2102 = arith.shrsi %squeeze3A_2100, %shift_right_arithmetic3A_2101 : i32
    %and3A_2103 = arith.constant 8191 : i32
    %and3A_2104 = arith.andi %squeeze3A_2100, %and3A_2103 : i32
    %multiple_of3A_2105 = tpu.assume_multiple %and3A_2104, 128 : i32
    %dma_start3A_2106 = arith.constant 20 : i32
    %dma_start3A_2107 = arith.constant 0 : i32
    %dma_start3A_2108 = arith.constant 0 : i32
    %dma_start3A_2109 = tpu.memref_slice %arg13[%dma_start3A_2106, %dma_start3A_2107, %dma_start3A_2108] : memref<32x8x128xi32, #tpu.memory_space<vmem>> -> memref<1x8x128xi32, #tpu.memory_space<vmem>>
    %dma_start3A_2110 = tpu.memref_reshape %arg4 : memref<5000x5000xi32, #tpu.memory_space<hbm>> -> memref<625x8x5000xi32, #tpu.memory_space<hbm>>
    %dma_start3A_2111 = arith.constant 0 : i32
    %dma_start3A_2112 = tpu.memref_slice %dma_start3A_2110[%shift_right_arithmetic3A_2102, %dma_start3A_2111, %multiple_of3A_2105] : memref<625x8x5000xi32, #tpu.memory_space<hbm>> -> memref<1x8x128xi32, #tpu.memory_space<hbm>>
    %dma_start3A_2113 = arith.constant 20 : i32
    %dma_start3A_2114 = arith.constant 0 : i32
    %dma_start3A_2115 = arith.constant 0 : i32
    %dma_start3A_2116 = tpu.memref_slice %arg13[%dma_start3A_2113, %dma_start3A_2114, %dma_start3A_2115] : memref<32x8x128xi32, #tpu.memory_space<vmem>> -> memref<1x8x128xi32, #tpu.memory_space<vmem>>
    %dma_start3A_2117 = tpu.memref_reshape %arg4 : memref<5000x5000xi32, #tpu.memory_space<hbm>> -> memref<625x8x5000xi32, #tpu.memory_space<hbm>>
    %dma_start3A_2118 = arith.constant 0 : i32
    %dma_start3A_2119 = tpu.memref_slice %dma_start3A_2117[%shift_right_arithmetic3A_2102, %dma_start3A_2118, %multiple_of3A_2105] : memref<625x8x5000xi32, #tpu.memory_space<hbm>> -> memref<1x8x128xi32, #tpu.memory_space<hbm>>
    tpu.enqueue_dma source(%dma_start3A_2119 : memref<1x8x128xi32, #tpu.memory_space<hbm>>) target(%dma_start3A_2116 : memref<1x8x128xi32, #tpu.memory_space<vmem>>) target_semaphore(%arg17 : memref<!tpu.dma_semaphore, #tpu.memory_space<semaphore_mem>>)
    %slice3A_2120 = vector.extract_strided_slice %get3A_2014 {offsets = [5], sizes = [1], strides = [1]} : vector<16xi32> to vector<1xi32>
    %squeeze3A_2121 = vector.extract %slice3A_2120[0] : i32 from vector<1xi32>
    %shift_right_arithmetic3A_2122 = arith.constant 13 : i32
    %shift_right_arithmetic3A_2123 = arith.shrsi %squeeze3A_2121, %shift_right_arithmetic3A_2122 : i32
    %and3A_2124 = arith.constant 8191 : i32
    %and3A_2125 = arith.andi %squeeze3A_2121, %and3A_2124 : i32
    %multiple_of3A_2126 = tpu.assume_multiple %and3A_2125, 128 : i32
    %dma_start3A_2127 = arith.constant 21 : i32
    %dma_start3A_2128 = arith.constant 0 : i32
    %dma_start3A_2129 = arith.constant 0 : i32
    %dma_start3A_2130 = tpu.memref_slice %arg13[%dma_start3A_2127, %dma_start3A_2128, %dma_start3A_2129] : memref<32x8x128xi32, #tpu.memory_space<vmem>> -> memref<1x8x128xi32, #tpu.memory_space<vmem>>
    %dma_start3A_2131 = tpu.memref_reshape %arg4 : memref<5000x5000xi32, #tpu.memory_space<hbm>> -> memref<625x8x5000xi32, #tpu.memory_space<hbm>>
    %dma_start3A_2132 = arith.constant 0 : i32
    %dma_start3A_2133 = tpu.memref_slice %dma_start3A_2131[%shift_right_arithmetic3A_2123, %dma_start3A_2132, %multiple_of3A_2126] : memref<625x8x5000xi32, #tpu.memory_space<hbm>> -> memref<1x8x128xi32, #tpu.memory_space<hbm>>
    %dma_start3A_2134 = arith.constant 21 : i32
    %dma_start3A_2135 = arith.constant 0 : i32
    %dma_start3A_2136 = arith.constant 0 : i32
    %dma_start3A_2137 = tpu.memref_slice %arg13[%dma_start3A_2134, %dma_start3A_2135, %dma_start3A_2136] : memref<32x8x128xi32, #tpu.memory_space<vmem>> -> memref<1x8x128xi32, #tpu.memory_space<vmem>>
    %dma_start3A_2138 = tpu.memref_reshape %arg4 : memref<5000x5000xi32, #tpu.memory_space<hbm>> -> memref<625x8x5000xi32, #tpu.memory_space<hbm>>
    %dma_start3A_2139 = arith.constant 0 : i32
    %dma_start3A_2140 = tpu.memref_slice %dma_start3A_2138[%shift_right_arithmetic3A_2123, %dma_start3A_2139, %multiple_of3A_2126] : memref<625x8x5000xi32, #tpu.memory_space<hbm>> -> memref<1x8x128xi32, #tpu.memory_space<hbm>>
    tpu.enqueue_dma source(%dma_start3A_2140 : memref<1x8x128xi32, #tpu.memory_space<hbm>>) target(%dma_start3A_2137 : memref<1x8x128xi32, #tpu.memory_space<vmem>>) target_semaphore(%arg17 : memref<!tpu.dma_semaphore, #tpu.memory_space<semaphore_mem>>)
    %slice3A_2141 = vector.extract_strided_slice %get3A_2014 {offsets = [6], sizes = [1], strides = [1]} : vector<16xi32> to vector<1xi32>
    %squeeze3A_2142 = vector.extract %slice3A_2141[0] : i32 from vector<1xi32>
    %shift_right_arithmetic3A_2143 = arith.constant 13 : i32
    %shift_right_arithmetic3A_2144 = arith.shrsi %squeeze3A_2142, %shift_right_arithmetic3A_2143 : i32
    %and3A_2145 = arith.constant 8191 : i32
    %and3A_2146 = arith.andi %squeeze3A_2142, %and3A_2145 : i32
    %multiple_of3A_2147 = tpu.assume_multiple %and3A_2146, 128 : i32
    %dma_start3A_2148 = arith.constant 22 : i32
    %dma_start3A_2149 = arith.constant 0 : i32
    %dma_start3A_2150 = arith.constant 0 : i32
    %dma_start3A_2151 = tpu.memref_slice %arg13[%dma_start3A_2148, %dma_start3A_2149, %dma_start3A_2150] : memref<32x8x128xi32, #tpu.memory_space<vmem>> -> memref<1x8x128xi32, #tpu.memory_space<vmem>>
    %dma_start3A_2152 = tpu.memref_reshape %arg4 : memref<5000x5000xi32, #tpu.memory_space<hbm>> -> memref<625x8x5000xi32, #tpu.memory_space<hbm>>
    %dma_start3A_2153 = arith.constant 0 : i32
    %dma_start3A_2154 = tpu.memref_slice %dma_start3A_2152[%shift_right_arithmetic3A_2144, %dma_start3A_2153, %multiple_of3A_2147] : memref<625x8x5000xi32, #tpu.memory_space<hbm>> -> memref<1x8x128xi32, #tpu.memory_space<hbm>>
    %dma_start3A_2155 = arith.constant 22 : i32
    %dma_start3A_2156 = arith.constant 0 : i32
    %dma_start3A_2157 = arith.constant 0 : i32
    %dma_start3A_2158 = tpu.memref_slice %arg13[%dma_start3A_2155, %dma_start3A_2156, %dma_start3A_2157] : memref<32x8x128xi32, #tpu.memory_space<vmem>> -> memref<1x8x128xi32, #tpu.memory_space<vmem>>
    %dma_start3A_2159 = tpu.memref_reshape %arg4 : memref<5000x5000xi32, #tpu.memory_space<hbm>> -> memref<625x8x5000xi32, #tpu.memory_space<hbm>>
    %dma_start3A_2160 = arith.constant 0 : i32
    %dma_start3A_2161 = tpu.memref_slice %dma_start3A_2159[%shift_right_arithmetic3A_2144, %dma_start3A_2160, %multiple_of3A_2147] : memref<625x8x5000xi32, #tpu.memory_space<hbm>> -> memref<1x8x128xi32, #tpu.memory_space<hbm>>
    tpu.enqueue_dma source(%dma_start3A_2161 : memref<1x8x128xi32, #tpu.memory_space<hbm>>) target(%dma_start3A_2158 : memref<1x8x128xi32, #tpu.memory_space<vmem>>) target_semaphore(%arg17 : memref<!tpu.dma_semaphore, #tpu.memory_space<semaphore_mem>>)
    %slice3A_2162 = vector.extract_strided_slice %get3A_2014 {offsets = [7], sizes = [1], strides = [1]} : vector<16xi32> to vector<1xi32>
    %squeeze3A_2163 = vector.extract %slice3A_2162[0] : i32 from vector<1xi32>
    %shift_right_arithmetic3A_2164 = arith.constant 13 : i32
    %shift_right_arithmetic3A_2165 = arith.shrsi %squeeze3A_2163, %shift_right_arithmetic3A_2164 : i32
    %and3A_2166 = arith.constant 8191 : i32
    %and3A_2167 = arith.andi %squeeze3A_2163, %and3A_2166 : i32
    %multiple_of3A_2168 = tpu.assume_multiple %and3A_2167, 128 : i32
    %dma_start3A_2169 = arith.constant 23 : i32
    %dma_start3A_2170 = arith.constant 0 : i32
    %dma_start3A_2171 = arith.constant 0 : i32
    %dma_start3A_2172 = tpu.memref_slice %arg13[%dma_start3A_2169, %dma_start3A_2170, %dma_start3A_2171] : memref<32x8x128xi32, #tpu.memory_space<vmem>> -> memref<1x8x128xi32, #tpu.memory_space<vmem>>
    %dma_start3A_2173 = tpu.memref_reshape %arg4 : memref<5000x5000xi32, #tpu.memory_space<hbm>> -> memref<625x8x5000xi32, #tpu.memory_space<hbm>>
    %dma_start3A_2174 = arith.constant 0 : i32
    %dma_start3A_2175 = tpu.memref_slice %dma_start3A_2173[%shift_right_arithmetic3A_2165, %dma_start3A_2174, %multiple_of3A_2168] : memref<625x8x5000xi32, #tpu.memory_space<hbm>> -> memref<1x8x128xi32, #tpu.memory_space<hbm>>
    %dma_start3A_2176 = arith.constant 23 : i32
    %dma_start3A_2177 = arith.constant 0 : i32
    %dma_start3A_2178 = arith.constant 0 : i32
    %dma_start3A_2179 = tpu.memref_slice %arg13[%dma_start3A_2176, %dma_start3A_2177, %dma_start3A_2178] : memref<32x8x128xi32, #tpu.memory_space<vmem>> -> memref<1x8x128xi32, #tpu.memory_space<vmem>>
    %dma_start3A_2180 = tpu.memref_reshape %arg4 : memref<5000x5000xi32, #tpu.memory_space<hbm>> -> memref<625x8x5000xi32, #tpu.memory_space<hbm>>
    %dma_start3A_2181 = arith.constant 0 : i32
    %dma_start3A_2182 = tpu.memref_slice %dma_start3A_2180[%shift_right_arithmetic3A_2165, %dma_start3A_2181, %multiple_of3A_2168] : memref<625x8x5000xi32, #tpu.memory_space<hbm>> -> memref<1x8x128xi32, #tpu.memory_space<hbm>>
    tpu.enqueue_dma source(%dma_start3A_2182 : memref<1x8x128xi32, #tpu.memory_space<hbm>>) target(%dma_start3A_2179 : memref<1x8x128xi32, #tpu.memory_space<vmem>>) target_semaphore(%arg17 : memref<!tpu.dma_semaphore, #tpu.memory_space<semaphore_mem>>)
    %slice3A_2183 = vector.extract_strided_slice %get3A_2014 {offsets = [8], sizes = [1], strides = [1]} : vector<16xi32> to vector<1xi32>
    %squeeze3A_2184 = vector.extract %slice3A_2183[0] : i32 from vector<1xi32>
    %shift_right_arithmetic3A_2185 = arith.constant 13 : i32
    %shift_right_arithmetic3A_2186 = arith.shrsi %squeeze3A_2184, %shift_right_arithmetic3A_2185 : i32
    %and3A_2187 = arith.constant 8191 : i32
    %and3A_2188 = arith.andi %squeeze3A_2184, %and3A_2187 : i32
    %multiple_of3A_2189 = tpu.assume_multiple %and3A_2188, 128 : i32
    %dma_start3A_2190 = arith.constant 24 : i32
    %dma_start3A_2191 = arith.constant 0 : i32
    %dma_start3A_2192 = arith.constant 0 : i32
    %dma_start3A_2193 = tpu.memref_slice %arg13[%dma_start3A_2190, %dma_start3A_2191, %dma_start3A_2192] : memref<32x8x128xi32, #tpu.memory_space<vmem>> -> memref<1x8x128xi32, #tpu.memory_space<vmem>>
    %dma_start3A_2194 = tpu.memref_reshape %arg4 : memref<5000x5000xi32, #tpu.memory_space<hbm>> -> memref<625x8x5000xi32, #tpu.memory_space<hbm>>
    %dma_start3A_2195 = arith.constant 0 : i32
    %dma_start3A_2196 = tpu.memref_slice %dma_start3A_2194[%shift_right_arithmetic3A_2186, %dma_start3A_2195, %multiple_of3A_2189] : memref<625x8x5000xi32, #tpu.memory_space<hbm>> -> memref<1x8x128xi32, #tpu.memory_space<hbm>>
    %dma_start3A_2197 = arith.constant 24 : i32
    %dma_start3A_2198 = arith.constant 0 : i32
    %dma_start3A_2199 = arith.constant 0 : i32
    %dma_start3A_2200 = tpu.memref_slice %arg13[%dma_start3A_2197, %dma_start3A_2198, %dma_start3A_2199] : memref<32x8x128xi32, #tpu.memory_space<vmem>> -> memref<1x8x128xi32, #tpu.memory_space<vmem>>
    %dma_start3A_2201 = tpu.memref_reshape %arg4 : memref<5000x5000xi32, #tpu.memory_space<hbm>> -> memref<625x8x5000xi32, #tpu.memory_space<hbm>>
    %dma_start3A_2202 = arith.constant 0 : i32
    %dma_start3A_2203 = tpu.memref_slice %dma_start3A_2201[%shift_right_arithmetic3A_2186, %dma_start3A_2202, %multiple_of3A_2189] : memref<625x8x5000xi32, #tpu.memory_space<hbm>> -> memref<1x8x128xi32, #tpu.memory_space<hbm>>
    tpu.enqueue_dma source(%dma_start3A_2203 : memref<1x8x128xi32, #tpu.memory_space<hbm>>) target(%dma_start3A_2200 : memref<1x8x128xi32, #tpu.memory_space<vmem>>) target_semaphore(%arg17 : memref<!tpu.dma_semaphore, #tpu.memory_space<semaphore_mem>>)
    %slice3A_2204 = vector.extract_strided_slice %get3A_2014 {offsets = [9], sizes = [1], strides = [1]} : vector<16xi32> to vector<1xi32>
    %squeeze3A_2205 = vector.extract %slice3A_2204[0] : i32 from vector<1xi32>
    %shift_right_arithmetic3A_2206 = arith.constant 13 : i32
    %shift_right_arithmetic3A_2207 = arith.shrsi %squeeze3A_2205, %shift_right_arithmetic3A_2206 : i32
    %and3A_2208 = arith.constant 8191 : i32
    %and3A_2209 = arith.andi %squeeze3A_2205, %and3A_2208 : i32
    %multiple_of3A_2210 = tpu.assume_multiple %and3A_2209, 128 : i32
    %dma_start3A_2211 = arith.constant 25 : i32
    %dma_start3A_2212 = arith.constant 0 : i32
    %dma_start3A_2213 = arith.constant 0 : i32
    %dma_start3A_2214 = tpu.memref_slice %arg13[%dma_start3A_2211, %dma_start3A_2212, %dma_start3A_2213] : memref<32x8x128xi32, #tpu.memory_space<vmem>> -> memref<1x8x128xi32, #tpu.memory_space<vmem>>
    %dma_start3A_2215 = tpu.memref_reshape %arg4 : memref<5000x5000xi32, #tpu.memory_space<hbm>> -> memref<625x8x5000xi32, #tpu.memory_space<hbm>>
    %dma_start3A_2216 = arith.constant 0 : i32
    %dma_start3A_2217 = tpu.memref_slice %dma_start3A_2215[%shift_right_arithmetic3A_2207, %dma_start3A_2216, %multiple_of3A_2210] : memref<625x8x5000xi32, #tpu.memory_space<hbm>> -> memref<1x8x128xi32, #tpu.memory_space<hbm>>
    %dma_start3A_2218 = arith.constant 25 : i32
    %dma_start3A_2219 = arith.constant 0 : i32
    %dma_start3A_2220 = arith.constant 0 : i32
    %dma_start3A_2221 = tpu.memref_slice %arg13[%dma_start3A_2218, %dma_start3A_2219, %dma_start3A_2220] : memref<32x8x128xi32, #tpu.memory_space<vmem>> -> memref<1x8x128xi32, #tpu.memory_space<vmem>>
    %dma_start3A_2222 = tpu.memref_reshape %arg4 : memref<5000x5000xi32, #tpu.memory_space<hbm>> -> memref<625x8x5000xi32, #tpu.memory_space<hbm>>
    %dma_start3A_2223 = arith.constant 0 : i32
    %dma_start3A_2224 = tpu.memref_slice %dma_start3A_2222[%shift_right_arithmetic3A_2207, %dma_start3A_2223, %multiple_of3A_2210] : memref<625x8x5000xi32, #tpu.memory_space<hbm>> -> memref<1x8x128xi32, #tpu.memory_space<hbm>>
    tpu.enqueue_dma source(%dma_start3A_2224 : memref<1x8x128xi32, #tpu.memory_space<hbm>>) target(%dma_start3A_2221 : memref<1x8x128xi32, #tpu.memory_space<vmem>>) target_semaphore(%arg17 : memref<!tpu.dma_semaphore, #tpu.memory_space<semaphore_mem>>)
    %slice3A_2225 = vector.extract_strided_slice %get3A_2014 {offsets = [10], sizes = [1], strides = [1]} : vector<16xi32> to vector<1xi32>
    %squeeze3A_2226 = vector.extract %slice3A_2225[0] : i32 from vector<1xi32>
    %shift_right_arithmetic3A_2227 = arith.constant 13 : i32
    %shift_right_arithmetic3A_2228 = arith.shrsi %squeeze3A_2226, %shift_right_arithmetic3A_2227 : i32
    %and3A_2229 = arith.constant 8191 : i32
    %and3A_2230 = arith.andi %squeeze3A_2226, %and3A_2229 : i32
    %multiple_of3A_2231 = tpu.assume_multiple %and3A_2230, 128 : i32
    %dma_start3A_2232 = arith.constant 26 : i32
    %dma_start3A_2233 = arith.constant 0 : i32
    %dma_start3A_2234 = arith.constant 0 : i32
    %dma_start3A_2235 = tpu.memref_slice %arg13[%dma_start3A_2232, %dma_start3A_2233, %dma_start3A_2234] : memref<32x8x128xi32, #tpu.memory_space<vmem>> -> memref<1x8x128xi32, #tpu.memory_space<vmem>>
    %dma_start3A_2236 = tpu.memref_reshape %arg4 : memref<5000x5000xi32, #tpu.memory_space<hbm>> -> memref<625x8x5000xi32, #tpu.memory_space<hbm>>
    %dma_start3A_2237 = arith.constant 0 : i32
    %dma_start3A_2238 = tpu.memref_slice %dma_start3A_2236[%shift_right_arithmetic3A_2228, %dma_start3A_2237, %multiple_of3A_2231] : memref<625x8x5000xi32, #tpu.memory_space<hbm>> -> memref<1x8x128xi32, #tpu.memory_space<hbm>>
    %dma_start3A_2239 = arith.constant 26 : i32
    %dma_start3A_2240 = arith.constant 0 : i32
    %dma_start3A_2241 = arith.constant 0 : i32
    %dma_start3A_2242 = tpu.memref_slice %arg13[%dma_start3A_2239, %dma_start3A_2240, %dma_start3A_2241] : memref<32x8x128xi32, #tpu.memory_space<vmem>> -> memref<1x8x128xi32, #tpu.memory_space<vmem>>
    %dma_start3A_2243 = tpu.memref_reshape %arg4 : memref<5000x5000xi32, #tpu.memory_space<hbm>> -> memref<625x8x5000xi32, #tpu.memory_space<hbm>>
    %dma_start3A_2244 = arith.constant 0 : i32
    %dma_start3A_2245 = tpu.memref_slice %dma_start3A_2243[%shift_right_arithmetic3A_2228, %dma_start3A_2244, %multiple_of3A_2231] : memref<625x8x5000xi32, #tpu.memory_space<hbm>> -> memref<1x8x128xi32, #tpu.memory_space<hbm>>
    tpu.enqueue_dma source(%dma_start3A_2245 : memref<1x8x128xi32, #tpu.memory_space<hbm>>) target(%dma_start3A_2242 : memref<1x8x128xi32, #tpu.memory_space<vmem>>) target_semaphore(%arg17 : memref<!tpu.dma_semaphore, #tpu.memory_space<semaphore_mem>>)
    %slice3A_2246 = vector.extract_strided_slice %get3A_2014 {offsets = [11], sizes = [1], strides = [1]} : vector<16xi32> to vector<1xi32>
    %squeeze3A_2247 = vector.extract %slice3A_2246[0] : i32 from vector<1xi32>
    %shift_right_arithmetic3A_2248 = arith.constant 13 : i32
    %shift_right_arithmetic3A_2249 = arith.shrsi %squeeze3A_2247, %shift_right_arithmetic3A_2248 : i32
    %and3A_2250 = arith.constant 8191 : i32
    %and3A_2251 = arith.andi %squeeze3A_2247, %and3A_2250 : i32
    %multiple_of3A_2252 = tpu.assume_multiple %and3A_2251, 128 : i32
    %dma_start3A_2253 = arith.constant 27 : i32
    %dma_start3A_2254 = arith.constant 0 : i32
    %dma_start3A_2255 = arith.constant 0 : i32
    %dma_start3A_2256 = tpu.memref_slice %arg13[%dma_start3A_2253, %dma_start3A_2254, %dma_start3A_2255] : memref<32x8x128xi32, #tpu.memory_space<vmem>> -> memref<1x8x128xi32, #tpu.memory_space<vmem>>
    %dma_start3A_2257 = tpu.memref_reshape %arg4 : memref<5000x5000xi32, #tpu.memory_space<hbm>> -> memref<625x8x5000xi32, #tpu.memory_space<hbm>>
    %dma_start3A_2258 = arith.constant 0 : i32
    %dma_start3A_2259 = tpu.memref_slice %dma_start3A_2257[%shift_right_arithmetic3A_2249, %dma_start3A_2258, %multiple_of3A_2252] : memref<625x8x5000xi32, #tpu.memory_space<hbm>> -> memref<1x8x128xi32, #tpu.memory_space<hbm>>
    %dma_start3A_2260 = arith.constant 27 : i32
    %dma_start3A_2261 = arith.constant 0 : i32
    %dma_start3A_2262 = arith.constant 0 : i32
    %dma_start3A_2263 = tpu.memref_slice %arg13[%dma_start3A_2260, %dma_start3A_2261, %dma_start3A_2262] : memref<32x8x128xi32, #tpu.memory_space<vmem>> -> memref<1x8x128xi32, #tpu.memory_space<vmem>>
    %dma_start3A_2264 = tpu.memref_reshape %arg4 : memref<5000x5000xi32, #tpu.memory_space<hbm>> -> memref<625x8x5000xi32, #tpu.memory_space<hbm>>
    %dma_start3A_2265 = arith.constant 0 : i32
    %dma_start3A_2266 = tpu.memref_slice %dma_start3A_2264[%shift_right_arithmetic3A_2249, %dma_start3A_2265, %multiple_of3A_2252] : memref<625x8x5000xi32, #tpu.memory_space<hbm>> -> memref<1x8x128xi32, #tpu.memory_space<hbm>>
    tpu.enqueue_dma source(%dma_start3A_2266 : memref<1x8x128xi32, #tpu.memory_space<hbm>>) target(%dma_start3A_2263 : memref<1x8x128xi32, #tpu.memory_space<vmem>>) target_semaphore(%arg17 : memref<!tpu.dma_semaphore, #tpu.memory_space<semaphore_mem>>)
    %slice3A_2267 = vector.extract_strided_slice %get3A_2014 {offsets = [12], sizes = [1], strides = [1]} : vector<16xi32> to vector<1xi32>
    %squeeze3A_2268 = vector.extract %slice3A_2267[0] : i32 from vector<1xi32>
    %shift_right_arithmetic3A_2269 = arith.constant 13 : i32
    %shift_right_arithmetic3A_2270 = arith.shrsi %squeeze3A_2268, %shift_right_arithmetic3A_2269 : i32
    %and3A_2271 = arith.constant 8191 : i32
    %and3A_2272 = arith.andi %squeeze3A_2268, %and3A_2271 : i32
    %multiple_of3A_2273 = tpu.assume_multiple %and3A_2272, 128 : i32
    %dma_start3A_2274 = arith.constant 28 : i32
    %dma_start3A_2275 = arith.constant 0 : i32
    %dma_start3A_2276 = arith.constant 0 : i32
    %dma_start3A_2277 = tpu.memref_slice %arg13[%dma_start3A_2274, %dma_start3A_2275, %dma_start3A_2276] : memref<32x8x128xi32, #tpu.memory_space<vmem>> -> memref<1x8x128xi32, #tpu.memory_space<vmem>>
    %dma_start3A_2278 = tpu.memref_reshape %arg4 : memref<5000x5000xi32, #tpu.memory_space<hbm>> -> memref<625x8x5000xi32, #tpu.memory_space<hbm>>
    %dma_start3A_2279 = arith.constant 0 : i32
    %dma_start3A_2280 = tpu.memref_slice %dma_start3A_2278[%shift_right_arithmetic3A_2270, %dma_start3A_2279, %multiple_of3A_2273] : memref<625x8x5000xi32, #tpu.memory_space<hbm>> -> memref<1x8x128xi32, #tpu.memory_space<hbm>>
    %dma_start3A_2281 = arith.constant 28 : i32
    %dma_start3A_2282 = arith.constant 0 : i32
    %dma_start3A_2283 = arith.constant 0 : i32
    %dma_start3A_2284 = tpu.memref_slice %arg13[%dma_start3A_2281, %dma_start3A_2282, %dma_start3A_2283] : memref<32x8x128xi32, #tpu.memory_space<vmem>> -> memref<1x8x128xi32, #tpu.memory_space<vmem>>
    %dma_start3A_2285 = tpu.memref_reshape %arg4 : memref<5000x5000xi32, #tpu.memory_space<hbm>> -> memref<625x8x5000xi32, #tpu.memory_space<hbm>>
    %dma_start3A_2286 = arith.constant 0 : i32
    %dma_start3A_2287 = tpu.memref_slice %dma_start3A_2285[%shift_right_arithmetic3A_2270, %dma_start3A_2286, %multiple_of3A_2273] : memref<625x8x5000xi32, #tpu.memory_space<hbm>> -> memref<1x8x128xi32, #tpu.memory_space<hbm>>
    tpu.enqueue_dma source(%dma_start3A_2287 : memref<1x8x128xi32, #tpu.memory_space<hbm>>) target(%dma_start3A_2284 : memref<1x8x128xi32, #tpu.memory_space<vmem>>) target_semaphore(%arg17 : memref<!tpu.dma_semaphore, #tpu.memory_space<semaphore_mem>>)
    %slice3A_2288 = vector.extract_strided_slice %get3A_2014 {offsets = [13], sizes = [1], strides = [1]} : vector<16xi32> to vector<1xi32>
    %squeeze3A_2289 = vector.extract %slice3A_2288[0] : i32 from vector<1xi32>
    %shift_right_arithmetic3A_2290 = arith.constant 13 : i32
    %shift_right_arithmetic3A_2291 = arith.shrsi %squeeze3A_2289, %shift_right_arithmetic3A_2290 : i32
    %and3A_2292 = arith.constant 8191 : i32
    %and3A_2293 = arith.andi %squeeze3A_2289, %and3A_2292 : i32
    %multiple_of3A_2294 = tpu.assume_multiple %and3A_2293, 128 : i32
    %dma_start3A_2295 = arith.constant 29 : i32
    %dma_start3A_2296 = arith.constant 0 : i32
    %dma_start3A_2297 = arith.constant 0 : i32
    %dma_start3A_2298 = tpu.memref_slice %arg13[%dma_start3A_2295, %dma_start3A_2296, %dma_start3A_2297] : memref<32x8x128xi32, #tpu.memory_space<vmem>> -> memref<1x8x128xi32, #tpu.memory_space<vmem>>
    %dma_start3A_2299 = tpu.memref_reshape %arg4 : memref<5000x5000xi32, #tpu.memory_space<hbm>> -> memref<625x8x5000xi32, #tpu.memory_space<hbm>>
    %dma_start3A_2300 = arith.constant 0 : i32
    %dma_start3A_2301 = tpu.memref_slice %dma_start3A_2299[%shift_right_arithmetic3A_2291, %dma_start3A_2300, %multiple_of3A_2294] : memref<625x8x5000xi32, #tpu.memory_space<hbm>> -> memref<1x8x128xi32, #tpu.memory_space<hbm>>
    %dma_start3A_2302 = arith.constant 29 : i32
    %dma_start3A_2303 = arith.constant 0 : i32
    %dma_start3A_2304 = arith.constant 0 : i32
    %dma_start3A_2305 = tpu.memref_slice %arg13[%dma_start3A_2302, %dma_start3A_2303, %dma_start3A_2304] : memref<32x8x128xi32, #tpu.memory_space<vmem>> -> memref<1x8x128xi32, #tpu.memory_space<vmem>>
    %dma_start3A_2306 = tpu.memref_reshape %arg4 : memref<5000x5000xi32, #tpu.memory_space<hbm>> -> memref<625x8x5000xi32, #tpu.memory_space<hbm>>
    %dma_start3A_2307 = arith.constant 0 : i32
    %dma_start3A_2308 = tpu.memref_slice %dma_start3A_2306[%shift_right_arithmetic3A_2291, %dma_start3A_2307, %multiple_of3A_2294] : memref<625x8x5000xi32, #tpu.memory_space<hbm>> -> memref<1x8x128xi32, #tpu.memory_space<hbm>>
    tpu.enqueue_dma source(%dma_start3A_2308 : memref<1x8x128xi32, #tpu.memory_space<hbm>>) target(%dma_start3A_2305 : memref<1x8x128xi32, #tpu.memory_space<vmem>>) target_semaphore(%arg17 : memref<!tpu.dma_semaphore, #tpu.memory_space<semaphore_mem>>)
    %slice3A_2309 = vector.extract_strided_slice %get3A_2014 {offsets = [14], sizes = [1], strides = [1]} : vector<16xi32> to vector<1xi32>
    %squeeze3A_2310 = vector.extract %slice3A_2309[0] : i32 from vector<1xi32>
    %shift_right_arithmetic3A_2311 = arith.constant 13 : i32
    %shift_right_arithmetic3A_2312 = arith.shrsi %squeeze3A_2310, %shift_right_arithmetic3A_2311 : i32
    %and3A_2313 = arith.constant 8191 : i32
    %and3A_2314 = arith.andi %squeeze3A_2310, %and3A_2313 : i32
    %multiple_of3A_2315 = tpu.assume_multiple %and3A_2314, 128 : i32
    %dma_start3A_2316 = arith.constant 30 : i32
    %dma_start3A_2317 = arith.constant 0 : i32
    %dma_start3A_2318 = arith.constant 0 : i32
    %dma_start3A_2319 = tpu.memref_slice %arg13[%dma_start3A_2316, %dma_start3A_2317, %dma_start3A_2318] : memref<32x8x128xi32, #tpu.memory_space<vmem>> -> memref<1x8x128xi32, #tpu.memory_space<vmem>>
    %dma_start3A_2320 = tpu.memref_reshape %arg4 : memref<5000x5000xi32, #tpu.memory_space<hbm>> -> memref<625x8x5000xi32, #tpu.memory_space<hbm>>
    %dma_start3A_2321 = arith.constant 0 : i32
    %dma_start3A_2322 = tpu.memref_slice %dma_start3A_2320[%shift_right_arithmetic3A_2312, %dma_start3A_2321, %multiple_of3A_2315] : memref<625x8x5000xi32, #tpu.memory_space<hbm>> -> memref<1x8x128xi32, #tpu.memory_space<hbm>>
    %dma_start3A_2323 = arith.constant 30 : i32
    %dma_start3A_2324 = arith.constant 0 : i32
    %dma_start3A_2325 = arith.constant 0 : i32
    %dma_start3A_2326 = tpu.memref_slice %arg13[%dma_start3A_2323, %dma_start3A_2324, %dma_start3A_2325] : memref<32x8x128xi32, #tpu.memory_space<vmem>> -> memref<1x8x128xi32, #tpu.memory_space<vmem>>
    %dma_start3A_2327 = tpu.memref_reshape %arg4 : memref<5000x5000xi32, #tpu.memory_space<hbm>> -> memref<625x8x5000xi32, #tpu.memory_space<hbm>>
    %dma_start3A_2328 = arith.constant 0 : i32
    %dma_start3A_2329 = tpu.memref_slice %dma_start3A_2327[%shift_right_arithmetic3A_2312, %dma_start3A_2328, %multiple_of3A_2315] : memref<625x8x5000xi32, #tpu.memory_space<hbm>> -> memref<1x8x128xi32, #tpu.memory_space<hbm>>
    tpu.enqueue_dma source(%dma_start3A_2329 : memref<1x8x128xi32, #tpu.memory_space<hbm>>) target(%dma_start3A_2326 : memref<1x8x128xi32, #tpu.memory_space<vmem>>) target_semaphore(%arg17 : memref<!tpu.dma_semaphore, #tpu.memory_space<semaphore_mem>>)
    %slice3A_2330 = vector.extract_strided_slice %get3A_2014 {offsets = [15], sizes = [1], strides = [1]} : vector<16xi32> to vector<1xi32>
    %squeeze3A_2331 = vector.extract %slice3A_2330[0] : i32 from vector<1xi32>
    %shift_right_arithmetic3A_2332 = arith.constant 13 : i32
    %shift_right_arithmetic3A_2333 = arith.shrsi %squeeze3A_2331, %shift_right_arithmetic3A_2332 : i32
    %and3A_2334 = arith.constant 8191 : i32
    %and3A_2335 = arith.andi %squeeze3A_2331, %and3A_2334 : i32
    %multiple_of3A_2336 = tpu.assume_multiple %and3A_2335, 128 : i32
    %dma_start3A_2337 = arith.constant 31 : i32
    %dma_start3A_2338 = arith.constant 0 : i32
    %dma_start3A_2339 = arith.constant 0 : i32
    %dma_start3A_2340 = tpu.memref_slice %arg13[%dma_start3A_2337, %dma_start3A_2338, %dma_start3A_2339] : memref<32x8x128xi32, #tpu.memory_space<vmem>> -> memref<1x8x128xi32, #tpu.memory_space<vmem>>
    %dma_start3A_2341 = tpu.memref_reshape %arg4 : memref<5000x5000xi32, #tpu.memory_space<hbm>> -> memref<625x8x5000xi32, #tpu.memory_space<hbm>>
    %dma_start3A_2342 = arith.constant 0 : i32
    %dma_start3A_2343 = tpu.memref_slice %dma_start3A_2341[%shift_right_arithmetic3A_2333, %dma_start3A_2342, %multiple_of3A_2336] : memref<625x8x5000xi32, #tpu.memory_space<hbm>> -> memref<1x8x128xi32, #tpu.memory_space<hbm>>
    %dma_start3A_2344 = arith.constant 31 : i32
    %dma_start3A_2345 = arith.constant 0 : i32
    %dma_start3A_2346 = arith.constant 0 : i32
    %dma_start3A_2347 = tpu.memref_slice %arg13[%dma_start3A_2344, %dma_start3A_2345, %dma_start3A_2346] : memref<32x8x128xi32, #tpu.memory_space<vmem>> -> memref<1x8x128xi32, #tpu.memory_space<vmem>>
    %dma_start3A_2348 = tpu.memref_reshape %arg4 : memref<5000x5000xi32, #tpu.memory_space<hbm>> -> memref<625x8x5000xi32, #tpu.memory_space<hbm>>
    %dma_start3A_2349 = arith.constant 0 : i32
    %dma_start3A_2350 = tpu.memref_slice %dma_start3A_2348[%shift_right_arithmetic3A_2333, %dma_start3A_2349, %multiple_of3A_2336] : memref<625x8x5000xi32, #tpu.memory_space<hbm>> -> memref<1x8x128xi32, #tpu.memory_space<hbm>>
    tpu.enqueue_dma source(%dma_start3A_2350 : memref<1x8x128xi32, #tpu.memory_space<hbm>>) target(%dma_start3A_2347 : memref<1x8x128xi32, #tpu.memory_space<vmem>>) target_semaphore(%arg17 : memref<!tpu.dma_semaphore, #tpu.memory_space<semaphore_mem>>)
    %dma_wait3A_2351 = tpu.memref_reshape %arg4 : memref<5000x5000xi32, #tpu.memory_space<hbm>> -> memref<625x8x5000xi32, #tpu.memory_space<hbm>>
    %dma_wait3A_2352 = arith.constant 0 : i32
    %dma_wait3A_2353 = arith.constant 0 : i32
    %dma_wait3A_2354 = arith.constant 0 : i32
    %dma_wait3A_2355 = tpu.memref_slice %dma_wait3A_2351[%dma_wait3A_2352, %dma_wait3A_2353, %dma_wait3A_2354] : memref<625x8x5000xi32, #tpu.memory_space<hbm>> -> memref<32x8x128xi32, #tpu.memory_space<hbm>>
    %dma_wait3A_2356 = tpu.memref_reshape %arg4 : memref<5000x5000xi32, #tpu.memory_space<hbm>> -> memref<625x8x5000xi32, #tpu.memory_space<hbm>>
    %dma_wait3A_2357 = arith.constant 0 : i32
    %dma_wait3A_2358 = arith.constant 0 : i32
    %dma_wait3A_2359 = arith.constant 0 : i32
    %dma_wait3A_2360 = tpu.memref_slice %dma_wait3A_2356[%dma_wait3A_2357, %dma_wait3A_2358, %dma_wait3A_2359] : memref<625x8x5000xi32, #tpu.memory_space<hbm>> -> memref<32x8x128xi32, #tpu.memory_space<hbm>>
    tpu.wait_dma2 semaphore(%arg18 : memref<!tpu.dma_semaphore, #tpu.memory_space<semaphore_mem>>) src(%dma_wait3A_2360 : memref<32x8x128xi32, #tpu.memory_space<hbm>>) dst(%arg14 : memref<32x8x128xi32, #tpu.memory_space<vmem>>)
    %add3A_2361 = arith.constant 0 : i32
    %add3A_2362 = vector.broadcast %add3A_2361 : i32 to vector<16xi32>
    %add3A_2363 = arith.addi %iota3A, %add3A_2362 : vector<16xi32>
    %get3A_2364 = arith.constant 32 : index
    %get3A_2365 = tpu.vector_load %arg11[%get3A_2364] {strides = array<i32>} : memref<128xi32, #tpu.memory_space<vmem>>, vector<16xi32>,
    %get3A_2366 = arith.constant 32 : index
    %get3A_2367 = tpu.vector_load %arg12[%get3A_2366] {strides = array<i32>} : memref<128xi32, #tpu.memory_space<vmem>>, vector<16xi32>,
    %gather3A_2368 = tpu.vector_load_idx %arg14[%add3A_2363, %get3A_2365, %get3A_2367] : memref<32x8x128xi32, #tpu.memory_space<vmem>>[vector<16xi32>, vector<16xi32>, vector<16xi32>], vector<16xi32>,
    %swap3A_2369 = arith.constant 32 : index
    %swap3A_2370 = tpu.vector_load %arg15[%swap3A_2369] {strides = array<i32>} : memref<128xi32, #tpu.memory_space<vmem>>, vector<16xi32>,
    tpu.vector_store %arg15[%swap3A_2369], %gather3A_2368 {strides = array<i32>} : memref<128xi32, #tpu.memory_space<vmem>>, vector<16xi32>,
    %add3A_2371 = arith.constant 16 : i32
    %add3A_2372 = vector.broadcast %add3A_2371 : i32 to vector<16xi32>
    %add3A_2373 = arith.addi %iota3A, %add3A_2372 : vector<16xi32>
    %get3A_2374 = arith.constant 48 : index
    %get3A_2375 = tpu.vector_load %arg11[%get3A_2374] {strides = array<i32>} : memref<128xi32, #tpu.memory_space<vmem>>, vector<16xi32>,
    %get3A_2376 = arith.constant 48 : index
    %get3A_2377 = tpu.vector_load %arg12[%get3A_2376] {strides = array<i32>} : memref<128xi32, #tpu.memory_space<vmem>>, vector<16xi32>,
    %gather3A_2378 = tpu.vector_load_idx %arg14[%add3A_2373, %get3A_2375, %get3A_2377] : memref<32x8x128xi32, #tpu.memory_space<vmem>>[vector<16xi32>, vector<16xi32>, vector<16xi32>], vector<16xi32>,
    %swap3A_2379 = arith.constant 48 : index
    %swap3A_2380 = tpu.vector_load %arg15[%swap3A_2379] {strides = array<i32>} : memref<128xi32, #tpu.memory_space<vmem>>, vector<16xi32>,
    tpu.vector_store %arg15[%swap3A_2379], %gather3A_2378 {strides = array<i32>} : memref<128xi32, #tpu.memory_space<vmem>>, vector<16xi32>,
    %get3A_2381 = arith.constant 96 : index
    %get3A_2382 = tpu.vector_load %arg10[%get3A_2381] {strides = array<i32>} : memref<144xi32, #tpu.memory_space<vmem>>, vector<16xi32>,
    %slice3A_2383 = vector.extract_strided_slice %get3A_2382 {offsets = [0], sizes = [1], strides = [1]} : vector<16xi32> to vector<1xi32>
    %squeeze3A_2384 = vector.extract %slice3A_2383[0] : i32 from vector<1xi32>
    %shift_right_arithmetic3A_2385 = arith.constant 13 : i32
    %shift_right_arithmetic3A_2386 = arith.shrsi %squeeze3A_2384, %shift_right_arithmetic3A_2385 : i32
    %and3A_2387 = arith.constant 8191 : i32
    %and3A_2388 = arith.andi %squeeze3A_2384, %and3A_2387 : i32
    %multiple_of3A_2389 = tpu.assume_multiple %and3A_2388, 128 : i32
    %dma_start3A_2390 = arith.constant 0 : i32
    %dma_start3A_2391 = arith.constant 0 : i32
    %dma_start3A_2392 = arith.constant 0 : i32
    %dma_start3A_2393 = tpu.memref_slice %arg14[%dma_start3A_2390, %dma_start3A_2391, %dma_start3A_2392] : memref<32x8x128xi32, #tpu.memory_space<vmem>> -> memref<1x8x128xi32, #tpu.memory_space<vmem>>
    %dma_start3A_2394 = tpu.memref_reshape %arg4 : memref<5000x5000xi32, #tpu.memory_space<hbm>> -> memref<625x8x5000xi32, #tpu.memory_space<hbm>>
    %dma_start3A_2395 = arith.constant 0 : i32
    %dma_start3A_2396 = tpu.memref_slice %dma_start3A_2394[%shift_right_arithmetic3A_2386, %dma_start3A_2395, %multiple_of3A_2389] : memref<625x8x5000xi32, #tpu.memory_space<hbm>> -> memref<1x8x128xi32, #tpu.memory_space<hbm>>
    %dma_start3A_2397 = arith.constant 0 : i32
    %dma_start3A_2398 = arith.constant 0 : i32
    %dma_start3A_2399 = arith.constant 0 : i32
    %dma_start3A_2400 = tpu.memref_slice %arg14[%dma_start3A_2397, %dma_start3A_2398, %dma_start3A_2399] : memref<32x8x128xi32, #tpu.memory_space<vmem>> -> memref<1x8x128xi32, #tpu.memory_space<vmem>>
    %dma_start3A_2401 = tpu.memref_reshape %arg4 : memref<5000x5000xi32, #tpu.memory_space<hbm>> -> memref<625x8x5000xi32, #tpu.memory_space<hbm>>
    %dma_start3A_2402 = arith.constant 0 : i32
    %dma_start3A_2403 = tpu.memref_slice %dma_start3A_2401[%shift_right_arithmetic3A_2386, %dma_start3A_2402, %multiple_of3A_2389] : memref<625x8x5000xi32, #tpu.memory_space<hbm>> -> memref<1x8x128xi32, #tpu.memory_space<hbm>>
    tpu.enqueue_dma source(%dma_start3A_2403 : memref<1x8x128xi32, #tpu.memory_space<hbm>>) target(%dma_start3A_2400 : memref<1x8x128xi32, #tpu.memory_space<vmem>>) target_semaphore(%arg18 : memref<!tpu.dma_semaphore, #tpu.memory_space<semaphore_mem>>)
    %slice3A_2404 = vector.extract_strided_slice %get3A_2382 {offsets = [1], sizes = [1], strides = [1]} : vector<16xi32> to vector<1xi32>
    %squeeze3A_2405 = vector.extract %slice3A_2404[0] : i32 from vector<1xi32>
    %shift_right_arithmetic3A_2406 = arith.constant 13 : i32
    %shift_right_arithmetic3A_2407 = arith.shrsi %squeeze3A_2405, %shift_right_arithmetic3A_2406 : i32
    %and3A_2408 = arith.constant 8191 : i32
    %and3A_2409 = arith.andi %squeeze3A_2405, %and3A_2408 : i32
    %multiple_of3A_2410 = tpu.assume_multiple %and3A_2409, 128 : i32
    %dma_start3A_2411 = arith.constant 1 : i32
    %dma_start3A_2412 = arith.constant 0 : i32
    %dma_start3A_2413 = arith.constant 0 : i32
    %dma_start3A_2414 = tpu.memref_slice %arg14[%dma_start3A_2411, %dma_start3A_2412, %dma_start3A_2413] : memref<32x8x128xi32, #tpu.memory_space<vmem>> -> memref<1x8x128xi32, #tpu.memory_space<vmem>>
    %dma_start3A_2415 = tpu.memref_reshape %arg4 : memref<5000x5000xi32, #tpu.memory_space<hbm>> -> memref<625x8x5000xi32, #tpu.memory_space<hbm>>
    %dma_start3A_2416 = arith.constant 0 : i32
    %dma_start3A_2417 = tpu.memref_slice %dma_start3A_2415[%shift_right_arithmetic3A_2407, %dma_start3A_2416, %multiple_of3A_2410] : memref<625x8x5000xi32, #tpu.memory_space<hbm>> -> memref<1x8x128xi32, #tpu.memory_space<hbm>>
    %dma_start3A_2418 = arith.constant 1 : i32
    %dma_start3A_2419 = arith.constant 0 : i32
    %dma_start3A_2420 = arith.constant 0 : i32
    %dma_start3A_2421 = tpu.memref_slice %arg14[%dma_start3A_2418, %dma_start3A_2419, %dma_start3A_2420] : memref<32x8x128xi32, #tpu.memory_space<vmem>> -> memref<1x8x128xi32, #tpu.memory_space<vmem>>
    %dma_start3A_2422 = tpu.memref_reshape %arg4 : memref<5000x5000xi32, #tpu.memory_space<hbm>> -> memref<625x8x5000xi32, #tpu.memory_space<hbm>>
    %dma_start3A_2423 = arith.constant 0 : i32
    %dma_start3A_2424 = tpu.memref_slice %dma_start3A_2422[%shift_right_arithmetic3A_2407, %dma_start3A_2423, %multiple_of3A_2410] : memref<625x8x5000xi32, #tpu.memory_space<hbm>> -> memref<1x8x128xi32, #tpu.memory_space<hbm>>
    tpu.enqueue_dma source(%dma_start3A_2424 : memref<1x8x128xi32, #tpu.memory_space<hbm>>) target(%dma_start3A_2421 : memref<1x8x128xi32, #tpu.memory_space<vmem>>) target_semaphore(%arg18 : memref<!tpu.dma_semaphore, #tpu.memory_space<semaphore_mem>>)
    %slice3A_2425 = vector.extract_strided_slice %get3A_2382 {offsets = [2], sizes = [1], strides = [1]} : vector<16xi32> to vector<1xi32>
    %squeeze3A_2426 = vector.extract %slice3A_2425[0] : i32 from vector<1xi32>
    %shift_right_arithmetic3A_2427 = arith.constant 13 : i32
    %shift_right_arithmetic3A_2428 = arith.shrsi %squeeze3A_2426, %shift_right_arithmetic3A_2427 : i32
    %and3A_2429 = arith.constant 8191 : i32
    %and3A_2430 = arith.andi %squeeze3A_2426, %and3A_2429 : i32
    %multiple_of3A_2431 = tpu.assume_multiple %and3A_2430, 128 : i32
    %dma_start3A_2432 = arith.constant 2 : i32
    %dma_start3A_2433 = arith.constant 0 : i32
    %dma_start3A_2434 = arith.constant 0 : i32
    %dma_start3A_2435 = tpu.memref_slice %arg14[%dma_start3A_2432, %dma_start3A_2433, %dma_start3A_2434] : memref<32x8x128xi32, #tpu.memory_space<vmem>> -> memref<1x8x128xi32, #tpu.memory_space<vmem>>
    %dma_start3A_2436 = tpu.memref_reshape %arg4 : memref<5000x5000xi32, #tpu.memory_space<hbm>> -> memref<625x8x5000xi32, #tpu.memory_space<hbm>>
    %dma_start3A_2437 = arith.constant 0 : i32
    %dma_start3A_2438 = tpu.memref_slice %dma_start3A_2436[%shift_right_arithmetic3A_2428, %dma_start3A_2437, %multiple_of3A_2431] : memref<625x8x5000xi32, #tpu.memory_space<hbm>> -> memref<1x8x128xi32, #tpu.memory_space<hbm>>
    %dma_start3A_2439 = arith.constant 2 : i32
    %dma_start3A_2440 = arith.constant 0 : i32
    %dma_start3A_2441 = arith.constant 0 : i32
    %dma_start3A_2442 = tpu.memref_slice %arg14[%dma_start3A_2439, %dma_start3A_2440, %dma_start3A_2441] : memref<32x8x128xi32, #tpu.memory_space<vmem>> -> memref<1x8x128xi32, #tpu.memory_space<vmem>>
    %dma_start3A_2443 = tpu.memref_reshape %arg4 : memref<5000x5000xi32, #tpu.memory_space<hbm>> -> memref<625x8x5000xi32, #tpu.memory_space<hbm>>
    %dma_start3A_2444 = arith.constant 0 : i32
    %dma_start3A_2445 = tpu.memref_slice %dma_start3A_2443[%shift_right_arithmetic3A_2428, %dma_start3A_2444, %multiple_of3A_2431] : memref<625x8x5000xi32, #tpu.memory_space<hbm>> -> memref<1x8x128xi32, #tpu.memory_space<hbm>>
    tpu.enqueue_dma source(%dma_start3A_2445 : memref<1x8x128xi32, #tpu.memory_space<hbm>>) target(%dma_start3A_2442 : memref<1x8x128xi32, #tpu.memory_space<vmem>>) target_semaphore(%arg18 : memref<!tpu.dma_semaphore, #tpu.memory_space<semaphore_mem>>)
    %slice3A_2446 = vector.extract_strided_slice %get3A_2382 {offsets = [3], sizes = [1], strides = [1]} : vector<16xi32> to vector<1xi32>
    %squeeze3A_2447 = vector.extract %slice3A_2446[0] : i32 from vector<1xi32>
    %shift_right_arithmetic3A_2448 = arith.constant 13 : i32
    %shift_right_arithmetic3A_2449 = arith.shrsi %squeeze3A_2447, %shift_right_arithmetic3A_2448 : i32
    %and3A_2450 = arith.constant 8191 : i32
    %and3A_2451 = arith.andi %squeeze3A_2447, %and3A_2450 : i32
    %multiple_of3A_2452 = tpu.assume_multiple %and3A_2451, 128 : i32
    %dma_start3A_2453 = arith.constant 3 : i32
    %dma_start3A_2454 = arith.constant 0 : i32
    %dma_start3A_2455 = arith.constant 0 : i32
    %dma_start3A_2456 = tpu.memref_slice %arg14[%dma_start3A_2453, %dma_start3A_2454, %dma_start3A_2455] : memref<32x8x128xi32, #tpu.memory_space<vmem>> -> memref<1x8x128xi32, #tpu.memory_space<vmem>>
    %dma_start3A_2457 = tpu.memref_reshape %arg4 : memref<5000x5000xi32, #tpu.memory_space<hbm>> -> memref<625x8x5000xi32, #tpu.memory_space<hbm>>
    %dma_start3A_2458 = arith.constant 0 : i32
    %dma_start3A_2459 = tpu.memref_slice %dma_start3A_2457[%shift_right_arithmetic3A_2449, %dma_start3A_2458, %multiple_of3A_2452] : memref<625x8x5000xi32, #tpu.memory_space<hbm>> -> memref<1x8x128xi32, #tpu.memory_space<hbm>>
    %dma_start3A_2460 = arith.constant 3 : i32
    %dma_start3A_2461 = arith.constant 0 : i32
    %dma_start3A_2462 = arith.constant 0 : i32
    %dma_start3A_2463 = tpu.memref_slice %arg14[%dma_start3A_2460, %dma_start3A_2461, %dma_start3A_2462] : memref<32x8x128xi32, #tpu.memory_space<vmem>> -> memref<1x8x128xi32, #tpu.memory_space<vmem>>
    %dma_start3A_2464 = tpu.memref_reshape %arg4 : memref<5000x5000xi32, #tpu.memory_space<hbm>> -> memref<625x8x5000xi32, #tpu.memory_space<hbm>>
    %dma_start3A_2465 = arith.constant 0 : i32
    %dma_start3A_2466 = tpu.memref_slice %dma_start3A_2464[%shift_right_arithmetic3A_2449, %dma_start3A_2465, %multiple_of3A_2452] : memref<625x8x5000xi32, #tpu.memory_space<hbm>> -> memref<1x8x128xi32, #tpu.memory_space<hbm>>
    tpu.enqueue_dma source(%dma_start3A_2466 : memref<1x8x128xi32, #tpu.memory_space<hbm>>) target(%dma_start3A_2463 : memref<1x8x128xi32, #tpu.memory_space<vmem>>) target_semaphore(%arg18 : memref<!tpu.dma_semaphore, #tpu.memory_space<semaphore_mem>>)
    %slice3A_2467 = vector.extract_strided_slice %get3A_2382 {offsets = [4], sizes = [1], strides = [1]} : vector<16xi32> to vector<1xi32>
    %squeeze3A_2468 = vector.extract %slice3A_2467[0] : i32 from vector<1xi32>
    %shift_right_arithmetic3A_2469 = arith.constant 13 : i32
    %shift_right_arithmetic3A_2470 = arith.shrsi %squeeze3A_2468, %shift_right_arithmetic3A_2469 : i32
    %and3A_2471 = arith.constant 8191 : i32
    %and3A_2472 = arith.andi %squeeze3A_2468, %and3A_2471 : i32
    %multiple_of3A_2473 = tpu.assume_multiple %and3A_2472, 128 : i32
    %dma_start3A_2474 = arith.constant 4 : i32
    %dma_start3A_2475 = arith.constant 0 : i32
    %dma_start3A_2476 = arith.constant 0 : i32
    %dma_start3A_2477 = tpu.memref_slice %arg14[%dma_start3A_2474, %dma_start3A_2475, %dma_start3A_2476] : memref<32x8x128xi32, #tpu.memory_space<vmem>> -> memref<1x8x128xi32, #tpu.memory_space<vmem>>
    %dma_start3A_2478 = tpu.memref_reshape %arg4 : memref<5000x5000xi32, #tpu.memory_space<hbm>> -> memref<625x8x5000xi32, #tpu.memory_space<hbm>>
    %dma_start3A_2479 = arith.constant 0 : i32
    %dma_start3A_2480 = tpu.memref_slice %dma_start3A_2478[%shift_right_arithmetic3A_2470, %dma_start3A_2479, %multiple_of3A_2473] : memref<625x8x5000xi32, #tpu.memory_space<hbm>> -> memref<1x8x128xi32, #tpu.memory_space<hbm>>
    %dma_start3A_2481 = arith.constant 4 : i32
    %dma_start3A_2482 = arith.constant 0 : i32
    %dma_start3A_2483 = arith.constant 0 : i32
    %dma_start3A_2484 = tpu.memref_slice %arg14[%dma_start3A_2481, %dma_start3A_2482, %dma_start3A_2483] : memref<32x8x128xi32, #tpu.memory_space<vmem>> -> memref<1x8x128xi32, #tpu.memory_space<vmem>>
    %dma_start3A_2485 = tpu.memref_reshape %arg4 : memref<5000x5000xi32, #tpu.memory_space<hbm>> -> memref<625x8x5000xi32, #tpu.memory_space<hbm>>
    %dma_start3A_2486 = arith.constant 0 : i32
    %dma_start3A_2487 = tpu.memref_slice %dma_start3A_2485[%shift_right_arithmetic3A_2470, %dma_start3A_2486, %multiple_of3A_2473] : memref<625x8x5000xi32, #tpu.memory_space<hbm>> -> memref<1x8x128xi32, #tpu.memory_space<hbm>>
    tpu.enqueue_dma source(%dma_start3A_2487 : memref<1x8x128xi32, #tpu.memory_space<hbm>>) target(%dma_start3A_2484 : memref<1x8x128xi32, #tpu.memory_space<vmem>>) target_semaphore(%arg18 : memref<!tpu.dma_semaphore, #tpu.memory_space<semaphore_mem>>)
    %slice3A_2488 = vector.extract_strided_slice %get3A_2382 {offsets = [5], sizes = [1], strides = [1]} : vector<16xi32> to vector<1xi32>
    %squeeze3A_2489 = vector.extract %slice3A_2488[0] : i32 from vector<1xi32>
    %shift_right_arithmetic3A_2490 = arith.constant 13 : i32
    %shift_right_arithmetic3A_2491 = arith.shrsi %squeeze3A_2489, %shift_right_arithmetic3A_2490 : i32
    %and3A_2492 = arith.constant 8191 : i32
    %and3A_2493 = arith.andi %squeeze3A_2489, %and3A_2492 : i32
    %multiple_of3A_2494 = tpu.assume_multiple %and3A_2493, 128 : i32
    %dma_start3A_2495 = arith.constant 5 : i32
    %dma_start3A_2496 = arith.constant 0 : i32
    %dma_start3A_2497 = arith.constant 0 : i32
    %dma_start3A_2498 = tpu.memref_slice %arg14[%dma_start3A_2495, %dma_start3A_2496, %dma_start3A_2497] : memref<32x8x128xi32, #tpu.memory_space<vmem>> -> memref<1x8x128xi32, #tpu.memory_space<vmem>>
    %dma_start3A_2499 = tpu.memref_reshape %arg4 : memref<5000x5000xi32, #tpu.memory_space<hbm>> -> memref<625x8x5000xi32, #tpu.memory_space<hbm>>
    %dma_start3A_2500 = arith.constant 0 : i32
    %dma_start3A_2501 = tpu.memref_slice %dma_start3A_2499[%shift_right_arithmetic3A_2491, %dma_start3A_2500, %multiple_of3A_2494] : memref<625x8x5000xi32, #tpu.memory_space<hbm>> -> memref<1x8x128xi32, #tpu.memory_space<hbm>>
    %dma_start3A_2502 = arith.constant 5 : i32
    %dma_start3A_2503 = arith.constant 0 : i32
    %dma_start3A_2504 = arith.constant 0 : i32
    %dma_start3A_2505 = tpu.memref_slice %arg14[%dma_start3A_2502, %dma_start3A_2503, %dma_start3A_2504] : memref<32x8x128xi32, #tpu.memory_space<vmem>> -> memref<1x8x128xi32, #tpu.memory_space<vmem>>
    %dma_start3A_2506 = tpu.memref_reshape %arg4 : memref<5000x5000xi32, #tpu.memory_space<hbm>> -> memref<625x8x5000xi32, #tpu.memory_space<hbm>>
    %dma_start3A_2507 = arith.constant 0 : i32
    %dma_start3A_2508 = tpu.memref_slice %dma_start3A_2506[%shift_right_arithmetic3A_2491, %dma_start3A_2507, %multiple_of3A_2494] : memref<625x8x5000xi32, #tpu.memory_space<hbm>> -> memref<1x8x128xi32, #tpu.memory_space<hbm>>
    tpu.enqueue_dma source(%dma_start3A_2508 : memref<1x8x128xi32, #tpu.memory_space<hbm>>) target(%dma_start3A_2505 : memref<1x8x128xi32, #tpu.memory_space<vmem>>) target_semaphore(%arg18 : memref<!tpu.dma_semaphore, #tpu.memory_space<semaphore_mem>>)
    %slice3A_2509 = vector.extract_strided_slice %get3A_2382 {offsets = [6], sizes = [1], strides = [1]} : vector<16xi32> to vector<1xi32>
    %squeeze3A_2510 = vector.extract %slice3A_2509[0] : i32 from vector<1xi32>
    %shift_right_arithmetic3A_2511 = arith.constant 13 : i32
    %shift_right_arithmetic3A_2512 = arith.shrsi %squeeze3A_2510, %shift_right_arithmetic3A_2511 : i32
    %and3A_2513 = arith.constant 8191 : i32
    %and3A_2514 = arith.andi %squeeze3A_2510, %and3A_2513 : i32
    %multiple_of3A_2515 = tpu.assume_multiple %and3A_2514, 128 : i32
    %dma_start3A_2516 = arith.constant 6 : i32
    %dma_start3A_2517 = arith.constant 0 : i32
    %dma_start3A_2518 = arith.constant 0 : i32
    %dma_start3A_2519 = tpu.memref_slice %arg14[%dma_start3A_2516, %dma_start3A_2517, %dma_start3A_2518] : memref<32x8x128xi32, #tpu.memory_space<vmem>> -> memref<1x8x128xi32, #tpu.memory_space<vmem>>
    %dma_start3A_2520 = tpu.memref_reshape %arg4 : memref<5000x5000xi32, #tpu.memory_space<hbm>> -> memref<625x8x5000xi32, #tpu.memory_space<hbm>>
    %dma_start3A_2521 = arith.constant 0 : i32
    %dma_start3A_2522 = tpu.memref_slice %dma_start3A_2520[%shift_right_arithmetic3A_2512, %dma_start3A_2521, %multiple_of3A_2515] : memref<625x8x5000xi32, #tpu.memory_space<hbm>> -> memref<1x8x128xi32, #tpu.memory_space<hbm>>
    %dma_start3A_2523 = arith.constant 6 : i32
    %dma_start3A_2524 = arith.constant 0 : i32
    %dma_start3A_2525 = arith.constant 0 : i32
    %dma_start3A_2526 = tpu.memref_slice %arg14[%dma_start3A_2523, %dma_start3A_2524, %dma_start3A_2525] : memref<32x8x128xi32, #tpu.memory_space<vmem>> -> memref<1x8x128xi32, #tpu.memory_space<vmem>>
    %dma_start3A_2527 = tpu.memref_reshape %arg4 : memref<5000x5000xi32, #tpu.memory_space<hbm>> -> memref<625x8x5000xi32, #tpu.memory_space<hbm>>
    %dma_start3A_2528 = arith.constant 0 : i32
    %dma_start3A_2529 = tpu.memref_slice %dma_start3A_2527[%shift_right_arithmetic3A_2512, %dma_start3A_2528, %multiple_of3A_2515] : memref<625x8x5000xi32, #tpu.memory_space<hbm>> -> memref<1x8x128xi32, #tpu.memory_space<hbm>>
    tpu.enqueue_dma source(%dma_start3A_2529 : memref<1x8x128xi32, #tpu.memory_space<hbm>>) target(%dma_start3A_2526 : memref<1x8x128xi32, #tpu.memory_space<vmem>>) target_semaphore(%arg18 : memref<!tpu.dma_semaphore, #tpu.memory_space<semaphore_mem>>)
    %slice3A_2530 = vector.extract_strided_slice %get3A_2382 {offsets = [7], sizes = [1], strides = [1]} : vector<16xi32> to vector<1xi32>
    %squeeze3A_2531 = vector.extract %slice3A_2530[0] : i32 from vector<1xi32>
    %shift_right_arithmetic3A_2532 = arith.constant 13 : i32
    %shift_right_arithmetic3A_2533 = arith.shrsi %squeeze3A_2531, %shift_right_arithmetic3A_2532 : i32
    %and3A_2534 = arith.constant 8191 : i32
    %and3A_2535 = arith.andi %squeeze3A_2531, %and3A_2534 : i32
    %multiple_of3A_2536 = tpu.assume_multiple %and3A_2535, 128 : i32
    %dma_start3A_2537 = arith.constant 7 : i32
    %dma_start3A_2538 = arith.constant 0 : i32
    %dma_start3A_2539 = arith.constant 0 : i32
    %dma_start3A_2540 = tpu.memref_slice %arg14[%dma_start3A_2537, %dma_start3A_2538, %dma_start3A_2539] : memref<32x8x128xi32, #tpu.memory_space<vmem>> -> memref<1x8x128xi32, #tpu.memory_space<vmem>>
    %dma_start3A_2541 = tpu.memref_reshape %arg4 : memref<5000x5000xi32, #tpu.memory_space<hbm>> -> memref<625x8x5000xi32, #tpu.memory_space<hbm>>
    %dma_start3A_2542 = arith.constant 0 : i32
    %dma_start3A_2543 = tpu.memref_slice %dma_start3A_2541[%shift_right_arithmetic3A_2533, %dma_start3A_2542, %multiple_of3A_2536] : memref<625x8x5000xi32, #tpu.memory_space<hbm>> -> memref<1x8x128xi32, #tpu.memory_space<hbm>>
    %dma_start3A_2544 = arith.constant 7 : i32
    %dma_start3A_2545 = arith.constant 0 : i32
    %dma_start3A_2546 = arith.constant 0 : i32
    %dma_start3A_2547 = tpu.memref_slice %arg14[%dma_start3A_2544, %dma_start3A_2545, %dma_start3A_2546] : memref<32x8x128xi32, #tpu.memory_space<vmem>> -> memref<1x8x128xi32, #tpu.memory_space<vmem>>
    %dma_start3A_2548 = tpu.memref_reshape %arg4 : memref<5000x5000xi32, #tpu.memory_space<hbm>> -> memref<625x8x5000xi32, #tpu.memory_space<hbm>>
    %dma_start3A_2549 = arith.constant 0 : i32
    %dma_start3A_2550 = tpu.memref_slice %dma_start3A_2548[%shift_right_arithmetic3A_2533, %dma_start3A_2549, %multiple_of3A_2536] : memref<625x8x5000xi32, #tpu.memory_space<hbm>> -> memref<1x8x128xi32, #tpu.memory_space<hbm>>
    tpu.enqueue_dma source(%dma_start3A_2550 : memref<1x8x128xi32, #tpu.memory_space<hbm>>) target(%dma_start3A_2547 : memref<1x8x128xi32, #tpu.memory_space<vmem>>) target_semaphore(%arg18 : memref<!tpu.dma_semaphore, #tpu.memory_space<semaphore_mem>>)
    %slice3A_2551 = vector.extract_strided_slice %get3A_2382 {offsets = [8], sizes = [1], strides = [1]} : vector<16xi32> to vector<1xi32>
    %squeeze3A_2552 = vector.extract %slice3A_2551[0] : i32 from vector<1xi32>
    %shift_right_arithmetic3A_2553 = arith.constant 13 : i32
    %shift_right_arithmetic3A_2554 = arith.shrsi %squeeze3A_2552, %shift_right_arithmetic3A_2553 : i32
    %and3A_2555 = arith.constant 8191 : i32
    %and3A_2556 = arith.andi %squeeze3A_2552, %and3A_2555 : i32
    %multiple_of3A_2557 = tpu.assume_multiple %and3A_2556, 128 : i32
    %dma_start3A_2558 = arith.constant 8 : i32
    %dma_start3A_2559 = arith.constant 0 : i32
    %dma_start3A_2560 = arith.constant 0 : i32
    %dma_start3A_2561 = tpu.memref_slice %arg14[%dma_start3A_2558, %dma_start3A_2559, %dma_start3A_2560] : memref<32x8x128xi32, #tpu.memory_space<vmem>> -> memref<1x8x128xi32, #tpu.memory_space<vmem>>
    %dma_start3A_2562 = tpu.memref_reshape %arg4 : memref<5000x5000xi32, #tpu.memory_space<hbm>> -> memref<625x8x5000xi32, #tpu.memory_space<hbm>>
    %dma_start3A_2563 = arith.constant 0 : i32
    %dma_start3A_2564 = tpu.memref_slice %dma_start3A_2562[%shift_right_arithmetic3A_2554, %dma_start3A_2563, %multiple_of3A_2557] : memref<625x8x5000xi32, #tpu.memory_space<hbm>> -> memref<1x8x128xi32, #tpu.memory_space<hbm>>
    %dma_start3A_2565 = arith.constant 8 : i32
    %dma_start3A_2566 = arith.constant 0 : i32
    %dma_start3A_2567 = arith.constant 0 : i32
    %dma_start3A_2568 = tpu.memref_slice %arg14[%dma_start3A_2565, %dma_start3A_2566, %dma_start3A_2567] : memref<32x8x128xi32, #tpu.memory_space<vmem>> -> memref<1x8x128xi32, #tpu.memory_space<vmem>>
    %dma_start3A_2569 = tpu.memref_reshape %arg4 : memref<5000x5000xi32, #tpu.memory_space<hbm>> -> memref<625x8x5000xi32, #tpu.memory_space<hbm>>
    %dma_start3A_2570 = arith.constant 0 : i32
    %dma_start3A_2571 = tpu.memref_slice %dma_start3A_2569[%shift_right_arithmetic3A_2554, %dma_start3A_2570, %multiple_of3A_2557] : memref<625x8x5000xi32, #tpu.memory_space<hbm>> -> memref<1x8x128xi32, #tpu.memory_space<hbm>>
    tpu.enqueue_dma source(%dma_start3A_2571 : memref<1x8x128xi32, #tpu.memory_space<hbm>>) target(%dma_start3A_2568 : memref<1x8x128xi32, #tpu.memory_space<vmem>>) target_semaphore(%arg18 : memref<!tpu.dma_semaphore, #tpu.memory_space<semaphore_mem>>)
    %slice3A_2572 = vector.extract_strided_slice %get3A_2382 {offsets = [9], sizes = [1], strides = [1]} : vector<16xi32> to vector<1xi32>
    %squeeze3A_2573 = vector.extract %slice3A_2572[0] : i32 from vector<1xi32>
    %shift_right_arithmetic3A_2574 = arith.constant 13 : i32
    %shift_right_arithmetic3A_2575 = arith.shrsi %squeeze3A_2573, %shift_right_arithmetic3A_2574 : i32
    %and3A_2576 = arith.constant 8191 : i32
    %and3A_2577 = arith.andi %squeeze3A_2573, %and3A_2576 : i32
    %multiple_of3A_2578 = tpu.assume_multiple %and3A_2577, 128 : i32
    %dma_start3A_2579 = arith.constant 9 : i32
    %dma_start3A_2580 = arith.constant 0 : i32
    %dma_start3A_2581 = arith.constant 0 : i32
    %dma_start3A_2582 = tpu.memref_slice %arg14[%dma_start3A_2579, %dma_start3A_2580, %dma_start3A_2581] : memref<32x8x128xi32, #tpu.memory_space<vmem>> -> memref<1x8x128xi32, #tpu.memory_space<vmem>>
    %dma_start3A_2583 = tpu.memref_reshape %arg4 : memref<5000x5000xi32, #tpu.memory_space<hbm>> -> memref<625x8x5000xi32, #tpu.memory_space<hbm>>
    %dma_start3A_2584 = arith.constant 0 : i32
    %dma_start3A_2585 = tpu.memref_slice %dma_start3A_2583[%shift_right_arithmetic3A_2575, %dma_start3A_2584, %multiple_of3A_2578] : memref<625x8x5000xi32, #tpu.memory_space<hbm>> -> memref<1x8x128xi32, #tpu.memory_space<hbm>>
    %dma_start3A_2586 = arith.constant 9 : i32
    %dma_start3A_2587 = arith.constant 0 : i32
    %dma_start3A_2588 = arith.constant 0 : i32
    %dma_start3A_2589 = tpu.memref_slice %arg14[%dma_start3A_2586, %dma_start3A_2587, %dma_start3A_2588] : memref<32x8x128xi32, #tpu.memory_space<vmem>> -> memref<1x8x128xi32, #tpu.memory_space<vmem>>
    %dma_start3A_2590 = tpu.memref_reshape %arg4 : memref<5000x5000xi32, #tpu.memory_space<hbm>> -> memref<625x8x5000xi32, #tpu.memory_space<hbm>>
    %dma_start3A_2591 = arith.constant 0 : i32
    %dma_start3A_2592 = tpu.memref_slice %dma_start3A_2590[%shift_right_arithmetic3A_2575, %dma_start3A_2591, %multiple_of3A_2578] : memref<625x8x5000xi32, #tpu.memory_space<hbm>> -> memref<1x8x128xi32, #tpu.memory_space<hbm>>
    tpu.enqueue_dma source(%dma_start3A_2592 : memref<1x8x128xi32, #tpu.memory_space<hbm>>) target(%dma_start3A_2589 : memref<1x8x128xi32, #tpu.memory_space<vmem>>) target_semaphore(%arg18 : memref<!tpu.dma_semaphore, #tpu.memory_space<semaphore_mem>>)
    %slice3A_2593 = vector.extract_strided_slice %get3A_2382 {offsets = [10], sizes = [1], strides = [1]} : vector<16xi32> to vector<1xi32>
    %squeeze3A_2594 = vector.extract %slice3A_2593[0] : i32 from vector<1xi32>
    %shift_right_arithmetic3A_2595 = arith.constant 13 : i32
    %shift_right_arithmetic3A_2596 = arith.shrsi %squeeze3A_2594, %shift_right_arithmetic3A_2595 : i32
    %and3A_2597 = arith.constant 8191 : i32
    %and3A_2598 = arith.andi %squeeze3A_2594, %and3A_2597 : i32
    %multiple_of3A_2599 = tpu.assume_multiple %and3A_2598, 128 : i32
    %dma_start3A_2600 = arith.constant 10 : i32
    %dma_start3A_2601 = arith.constant 0 : i32
    %dma_start3A_2602 = arith.constant 0 : i32
    %dma_start3A_2603 = tpu.memref_slice %arg14[%dma_start3A_2600, %dma_start3A_2601, %dma_start3A_2602] : memref<32x8x128xi32, #tpu.memory_space<vmem>> -> memref<1x8x128xi32, #tpu.memory_space<vmem>>
    %dma_start3A_2604 = tpu.memref_reshape %arg4 : memref<5000x5000xi32, #tpu.memory_space<hbm>> -> memref<625x8x5000xi32, #tpu.memory_space<hbm>>
    %dma_start3A_2605 = arith.constant 0 : i32
    %dma_start3A_2606 = tpu.memref_slice %dma_start3A_2604[%shift_right_arithmetic3A_2596, %dma_start3A_2605, %multiple_of3A_2599] : memref<625x8x5000xi32, #tpu.memory_space<hbm>> -> memref<1x8x128xi32, #tpu.memory_space<hbm>>
    %dma_start3A_2607 = arith.constant 10 : i32
    %dma_start3A_2608 = arith.constant 0 : i32
    %dma_start3A_2609 = arith.constant 0 : i32
    %dma_start3A_2610 = tpu.memref_slice %arg14[%dma_start3A_2607, %dma_start3A_2608, %dma_start3A_2609] : memref<32x8x128xi32, #tpu.memory_space<vmem>> -> memref<1x8x128xi32, #tpu.memory_space<vmem>>
    %dma_start3A_2611 = tpu.memref_reshape %arg4 : memref<5000x5000xi32, #tpu.memory_space<hbm>> -> memref<625x8x5000xi32, #tpu.memory_space<hbm>>
    %dma_start3A_2612 = arith.constant 0 : i32
    %dma_start3A_2613 = tpu.memref_slice %dma_start3A_2611[%shift_right_arithmetic3A_2596, %dma_start3A_2612, %multiple_of3A_2599] : memref<625x8x5000xi32, #tpu.memory_space<hbm>> -> memref<1x8x128xi32, #tpu.memory_space<hbm>>
    tpu.enqueue_dma source(%dma_start3A_2613 : memref<1x8x128xi32, #tpu.memory_space<hbm>>) target(%dma_start3A_2610 : memref<1x8x128xi32, #tpu.memory_space<vmem>>) target_semaphore(%arg18 : memref<!tpu.dma_semaphore, #tpu.memory_space<semaphore_mem>>)
    %slice3A_2614 = vector.extract_strided_slice %get3A_2382 {offsets = [11], sizes = [1], strides = [1]} : vector<16xi32> to vector<1xi32>
    %squeeze3A_2615 = vector.extract %slice3A_2614[0] : i32 from vector<1xi32>
    %shift_right_arithmetic3A_2616 = arith.constant 13 : i32
    %shift_right_arithmetic3A_2617 = arith.shrsi %squeeze3A_2615, %shift_right_arithmetic3A_2616 : i32
    %and3A_2618 = arith.constant 8191 : i32
    %and3A_2619 = arith.andi %squeeze3A_2615, %and3A_2618 : i32
    %multiple_of3A_2620 = tpu.assume_multiple %and3A_2619, 128 : i32
    %dma_start3A_2621 = arith.constant 11 : i32
    %dma_start3A_2622 = arith.constant 0 : i32
    %dma_start3A_2623 = arith.constant 0 : i32
    %dma_start3A_2624 = tpu.memref_slice %arg14[%dma_start3A_2621, %dma_start3A_2622, %dma_start3A_2623] : memref<32x8x128xi32, #tpu.memory_space<vmem>> -> memref<1x8x128xi32, #tpu.memory_space<vmem>>
    %dma_start3A_2625 = tpu.memref_reshape %arg4 : memref<5000x5000xi32, #tpu.memory_space<hbm>> -> memref<625x8x5000xi32, #tpu.memory_space<hbm>>
    %dma_start3A_2626 = arith.constant 0 : i32
    %dma_start3A_2627 = tpu.memref_slice %dma_start3A_2625[%shift_right_arithmetic3A_2617, %dma_start3A_2626, %multiple_of3A_2620] : memref<625x8x5000xi32, #tpu.memory_space<hbm>> -> memref<1x8x128xi32, #tpu.memory_space<hbm>>
    %dma_start3A_2628 = arith.constant 11 : i32
    %dma_start3A_2629 = arith.constant 0 : i32
    %dma_start3A_2630 = arith.constant 0 : i32
    %dma_start3A_2631 = tpu.memref_slice %arg14[%dma_start3A_2628, %dma_start3A_2629, %dma_start3A_2630] : memref<32x8x128xi32, #tpu.memory_space<vmem>> -> memref<1x8x128xi32, #tpu.memory_space<vmem>>
    %dma_start3A_2632 = tpu.memref_reshape %arg4 : memref<5000x5000xi32, #tpu.memory_space<hbm>> -> memref<625x8x5000xi32, #tpu.memory_space<hbm>>
    %dma_start3A_2633 = arith.constant 0 : i32
    %dma_start3A_2634 = tpu.memref_slice %dma_start3A_2632[%shift_right_arithmetic3A_2617, %dma_start3A_2633, %multiple_of3A_2620] : memref<625x8x5000xi32, #tpu.memory_space<hbm>> -> memref<1x8x128xi32, #tpu.memory_space<hbm>>
    tpu.enqueue_dma source(%dma_start3A_2634 : memref<1x8x128xi32, #tpu.memory_space<hbm>>) target(%dma_start3A_2631 : memref<1x8x128xi32, #tpu.memory_space<vmem>>) target_semaphore(%arg18 : memref<!tpu.dma_semaphore, #tpu.memory_space<semaphore_mem>>)
    %slice3A_2635 = vector.extract_strided_slice %get3A_2382 {offsets = [12], sizes = [1], strides = [1]} : vector<16xi32> to vector<1xi32>
    %squeeze3A_2636 = vector.extract %slice3A_2635[0] : i32 from vector<1xi32>
    %shift_right_arithmetic3A_2637 = arith.constant 13 : i32
    %shift_right_arithmetic3A_2638 = arith.shrsi %squeeze3A_2636, %shift_right_arithmetic3A_2637 : i32
    %and3A_2639 = arith.constant 8191 : i32
    %and3A_2640 = arith.andi %squeeze3A_2636, %and3A_2639 : i32
    %multiple_of3A_2641 = tpu.assume_multiple %and3A_2640, 128 : i32
    %dma_start3A_2642 = arith.constant 12 : i32
    %dma_start3A_2643 = arith.constant 0 : i32
    %dma_start3A_2644 = arith.constant 0 : i32
    %dma_start3A_2645 = tpu.memref_slice %arg14[%dma_start3A_2642, %dma_start3A_2643, %dma_start3A_2644] : memref<32x8x128xi32, #tpu.memory_space<vmem>> -> memref<1x8x128xi32, #tpu.memory_space<vmem>>
    %dma_start3A_2646 = tpu.memref_reshape %arg4 : memref<5000x5000xi32, #tpu.memory_space<hbm>> -> memref<625x8x5000xi32, #tpu.memory_space<hbm>>
    %dma_start3A_2647 = arith.constant 0 : i32
    %dma_start3A_2648 = tpu.memref_slice %dma_start3A_2646[%shift_right_arithmetic3A_2638, %dma_start3A_2647, %multiple_of3A_2641] : memref<625x8x5000xi32, #tpu.memory_space<hbm>> -> memref<1x8x128xi32, #tpu.memory_space<hbm>>
    %dma_start3A_2649 = arith.constant 12 : i32
    %dma_start3A_2650 = arith.constant 0 : i32
    %dma_start3A_2651 = arith.constant 0 : i32
    %dma_start3A_2652 = tpu.memref_slice %arg14[%dma_start3A_2649, %dma_start3A_2650, %dma_start3A_2651] : memref<32x8x128xi32, #tpu.memory_space<vmem>> -> memref<1x8x128xi32, #tpu.memory_space<vmem>>
    %dma_start3A_2653 = tpu.memref_reshape %arg4 : memref<5000x5000xi32, #tpu.memory_space<hbm>> -> memref<625x8x5000xi32, #tpu.memory_space<hbm>>
    %dma_start3A_2654 = arith.constant 0 : i32
    %dma_start3A_2655 = tpu.memref_slice %dma_start3A_2653[%shift_right_arithmetic3A_2638, %dma_start3A_2654, %multiple_of3A_2641] : memref<625x8x5000xi32, #tpu.memory_space<hbm>> -> memref<1x8x128xi32, #tpu.memory_space<hbm>>
    tpu.enqueue_dma source(%dma_start3A_2655 : memref<1x8x128xi32, #tpu.memory_space<hbm>>) target(%dma_start3A_2652 : memref<1x8x128xi32, #tpu.memory_space<vmem>>) target_semaphore(%arg18 : memref<!tpu.dma_semaphore, #tpu.memory_space<semaphore_mem>>)
    %slice3A_2656 = vector.extract_strided_slice %get3A_2382 {offsets = [13], sizes = [1], strides = [1]} : vector<16xi32> to vector<1xi32>
    %squeeze3A_2657 = vector.extract %slice3A_2656[0] : i32 from vector<1xi32>
    %shift_right_arithmetic3A_2658 = arith.constant 13 : i32
    %shift_right_arithmetic3A_2659 = arith.shrsi %squeeze3A_2657, %shift_right_arithmetic3A_2658 : i32
    %and3A_2660 = arith.constant 8191 : i32
    %and3A_2661 = arith.andi %squeeze3A_2657, %and3A_2660 : i32
    %multiple_of3A_2662 = tpu.assume_multiple %and3A_2661, 128 : i32
    %dma_start3A_2663 = arith.constant 13 : i32
    %dma_start3A_2664 = arith.constant 0 : i32
    %dma_start3A_2665 = arith.constant 0 : i32
    %dma_start3A_2666 = tpu.memref_slice %arg14[%dma_start3A_2663, %dma_start3A_2664, %dma_start3A_2665] : memref<32x8x128xi32, #tpu.memory_space<vmem>> -> memref<1x8x128xi32, #tpu.memory_space<vmem>>
    %dma_start3A_2667 = tpu.memref_reshape %arg4 : memref<5000x5000xi32, #tpu.memory_space<hbm>> -> memref<625x8x5000xi32, #tpu.memory_space<hbm>>
    %dma_start3A_2668 = arith.constant 0 : i32
    %dma_start3A_2669 = tpu.memref_slice %dma_start3A_2667[%shift_right_arithmetic3A_2659, %dma_start3A_2668, %multiple_of3A_2662] : memref<625x8x5000xi32, #tpu.memory_space<hbm>> -> memref<1x8x128xi32, #tpu.memory_space<hbm>>
    %dma_start3A_2670 = arith.constant 13 : i32
    %dma_start3A_2671 = arith.constant 0 : i32
    %dma_start3A_2672 = arith.constant 0 : i32
    %dma_start3A_2673 = tpu.memref_slice %arg14[%dma_start3A_2670, %dma_start3A_2671, %dma_start3A_2672] : memref<32x8x128xi32, #tpu.memory_space<vmem>> -> memref<1x8x128xi32, #tpu.memory_space<vmem>>
    %dma_start3A_2674 = tpu.memref_reshape %arg4 : memref<5000x5000xi32, #tpu.memory_space<hbm>> -> memref<625x8x5000xi32, #tpu.memory_space<hbm>>
    %dma_start3A_2675 = arith.constant 0 : i32
    %dma_start3A_2676 = tpu.memref_slice %dma_start3A_2674[%shift_right_arithmetic3A_2659, %dma_start3A_2675, %multiple_of3A_2662] : memref<625x8x5000xi32, #tpu.memory_space<hbm>> -> memref<1x8x128xi32, #tpu.memory_space<hbm>>
    tpu.enqueue_dma source(%dma_start3A_2676 : memref<1x8x128xi32, #tpu.memory_space<hbm>>) target(%dma_start3A_2673 : memref<1x8x128xi32, #tpu.memory_space<vmem>>) target_semaphore(%arg18 : memref<!tpu.dma_semaphore, #tpu.memory_space<semaphore_mem>>)
    %slice3A_2677 = vector.extract_strided_slice %get3A_2382 {offsets = [14], sizes = [1], strides = [1]} : vector<16xi32> to vector<1xi32>
    %squeeze3A_2678 = vector.extract %slice3A_2677[0] : i32 from vector<1xi32>
    %shift_right_arithmetic3A_2679 = arith.constant 13 : i32
    %shift_right_arithmetic3A_2680 = arith.shrsi %squeeze3A_2678, %shift_right_arithmetic3A_2679 : i32
    %and3A_2681 = arith.constant 8191 : i32
    %and3A_2682 = arith.andi %squeeze3A_2678, %and3A_2681 : i32
    %multiple_of3A_2683 = tpu.assume_multiple %and3A_2682, 128 : i32
    %dma_start3A_2684 = arith.constant 14 : i32
    %dma_start3A_2685 = arith.constant 0 : i32
    %dma_start3A_2686 = arith.constant 0 : i32
    %dma_start3A_2687 = tpu.memref_slice %arg14[%dma_start3A_2684, %dma_start3A_2685, %dma_start3A_2686] : memref<32x8x128xi32, #tpu.memory_space<vmem>> -> memref<1x8x128xi32, #tpu.memory_space<vmem>>
    %dma_start3A_2688 = tpu.memref_reshape %arg4 : memref<5000x5000xi32, #tpu.memory_space<hbm>> -> memref<625x8x5000xi32, #tpu.memory_space<hbm>>
    %dma_start3A_2689 = arith.constant 0 : i32
    %dma_start3A_2690 = tpu.memref_slice %dma_start3A_2688[%shift_right_arithmetic3A_2680, %dma_start3A_2689, %multiple_of3A_2683] : memref<625x8x5000xi32, #tpu.memory_space<hbm>> -> memref<1x8x128xi32, #tpu.memory_space<hbm>>
    %dma_start3A_2691 = arith.constant 14 : i32
    %dma_start3A_2692 = arith.constant 0 : i32
    %dma_start3A_2693 = arith.constant 0 : i32
    %dma_start3A_2694 = tpu.memref_slice %arg14[%dma_start3A_2691, %dma_start3A_2692, %dma_start3A_2693] : memref<32x8x128xi32, #tpu.memory_space<vmem>> -> memref<1x8x128xi32, #tpu.memory_space<vmem>>
    %dma_start3A_2695 = tpu.memref_reshape %arg4 : memref<5000x5000xi32, #tpu.memory_space<hbm>> -> memref<625x8x5000xi32, #tpu.memory_space<hbm>>
    %dma_start3A_2696 = arith.constant 0 : i32
    %dma_start3A_2697 = tpu.memref_slice %dma_start3A_2695[%shift_right_arithmetic3A_2680, %dma_start3A_2696, %multiple_of3A_2683] : memref<625x8x5000xi32, #tpu.memory_space<hbm>> -> memref<1x8x128xi32, #tpu.memory_space<hbm>>
    tpu.enqueue_dma source(%dma_start3A_2697 : memref<1x8x128xi32, #tpu.memory_space<hbm>>) target(%dma_start3A_2694 : memref<1x8x128xi32, #tpu.memory_space<vmem>>) target_semaphore(%arg18 : memref<!tpu.dma_semaphore, #tpu.memory_space<semaphore_mem>>)
    %slice3A_2698 = vector.extract_strided_slice %get3A_2382 {offsets = [15], sizes = [1], strides = [1]} : vector<16xi32> to vector<1xi32>
    %squeeze3A_2699 = vector.extract %slice3A_2698[0] : i32 from vector<1xi32>
    %shift_right_arithmetic3A_2700 = arith.constant 13 : i32
    %shift_right_arithmetic3A_2701 = arith.shrsi %squeeze3A_2699, %shift_right_arithmetic3A_2700 : i32
    %and3A_2702 = arith.constant 8191 : i32
    %and3A_2703 = arith.andi %squeeze3A_2699, %and3A_2702 : i32
    %multiple_of3A_2704 = tpu.assume_multiple %and3A_2703, 128 : i32
    %dma_start3A_2705 = arith.constant 15 : i32
    %dma_start3A_2706 = arith.constant 0 : i32
    %dma_start3A_2707 = arith.constant 0 : i32
    %dma_start3A_2708 = tpu.memref_slice %arg14[%dma_start3A_2705, %dma_start3A_2706, %dma_start3A_2707] : memref<32x8x128xi32, #tpu.memory_space<vmem>> -> memref<1x8x128xi32, #tpu.memory_space<vmem>>
    %dma_start3A_2709 = tpu.memref_reshape %arg4 : memref<5000x5000xi32, #tpu.memory_space<hbm>> -> memref<625x8x5000xi32, #tpu.memory_space<hbm>>
    %dma_start3A_2710 = arith.constant 0 : i32
    %dma_start3A_2711 = tpu.memref_slice %dma_start3A_2709[%shift_right_arithmetic3A_2701, %dma_start3A_2710, %multiple_of3A_2704] : memref<625x8x5000xi32, #tpu.memory_space<hbm>> -> memref<1x8x128xi32, #tpu.memory_space<hbm>>
    %dma_start3A_2712 = arith.constant 15 : i32
    %dma_start3A_2713 = arith.constant 0 : i32
    %dma_start3A_2714 = arith.constant 0 : i32
    %dma_start3A_2715 = tpu.memref_slice %arg14[%dma_start3A_2712, %dma_start3A_2713, %dma_start3A_2714] : memref<32x8x128xi32, #tpu.memory_space<vmem>> -> memref<1x8x128xi32, #tpu.memory_space<vmem>>
    %dma_start3A_2716 = tpu.memref_reshape %arg4 : memref<5000x5000xi32, #tpu.memory_space<hbm>> -> memref<625x8x5000xi32, #tpu.memory_space<hbm>>
    %dma_start3A_2717 = arith.constant 0 : i32
    %dma_start3A_2718 = tpu.memref_slice %dma_start3A_2716[%shift_right_arithmetic3A_2701, %dma_start3A_2717, %multiple_of3A_2704] : memref<625x8x5000xi32, #tpu.memory_space<hbm>> -> memref<1x8x128xi32, #tpu.memory_space<hbm>>
    tpu.enqueue_dma source(%dma_start3A_2718 : memref<1x8x128xi32, #tpu.memory_space<hbm>>) target(%dma_start3A_2715 : memref<1x8x128xi32, #tpu.memory_space<vmem>>) target_semaphore(%arg18 : memref<!tpu.dma_semaphore, #tpu.memory_space<semaphore_mem>>)
    %get3A_2719 = arith.constant 112 : index
    %get3A_2720 = tpu.vector_load %arg10[%get3A_2719] {strides = array<i32>} : memref<144xi32, #tpu.memory_space<vmem>>, vector<16xi32>,
    %slice3A_2721 = vector.extract_strided_slice %get3A_2720 {offsets = [0], sizes = [1], strides = [1]} : vector<16xi32> to vector<1xi32>
    %squeeze3A_2722 = vector.extract %slice3A_2721[0] : i32 from vector<1xi32>
    %shift_right_arithmetic3A_2723 = arith.constant 13 : i32
    %shift_right_arithmetic3A_2724 = arith.shrsi %squeeze3A_2722, %shift_right_arithmetic3A_2723 : i32
    %and3A_2725 = arith.constant 8191 : i32
    %and3A_2726 = arith.andi %squeeze3A_2722, %and3A_2725 : i32
    %multiple_of3A_2727 = tpu.assume_multiple %and3A_2726, 128 : i32
    %dma_start3A_2728 = arith.constant 16 : i32
    %dma_start3A_2729 = arith.constant 0 : i32
    %dma_start3A_2730 = arith.constant 0 : i32
    %dma_start3A_2731 = tpu.memref_slice %arg14[%dma_start3A_2728, %dma_start3A_2729, %dma_start3A_2730] : memref<32x8x128xi32, #tpu.memory_space<vmem>> -> memref<1x8x128xi32, #tpu.memory_space<vmem>>
    %dma_start3A_2732 = tpu.memref_reshape %arg4 : memref<5000x5000xi32, #tpu.memory_space<hbm>> -> memref<625x8x5000xi32, #tpu.memory_space<hbm>>
    %dma_start3A_2733 = arith.constant 0 : i32
    %dma_start3A_2734 = tpu.memref_slice %dma_start3A_2732[%shift_right_arithmetic3A_2724, %dma_start3A_2733, %multiple_of3A_2727] : memref<625x8x5000xi32, #tpu.memory_space<hbm>> -> memref<1x8x128xi32, #tpu.memory_space<hbm>>
    %dma_start3A_2735 = arith.constant 16 : i32
    %dma_start3A_2736 = arith.constant 0 : i32
    %dma_start3A_2737 = arith.constant 0 : i32
    %dma_start3A_2738 = tpu.memref_slice %arg14[%dma_start3A_2735, %dma_start3A_2736, %dma_start3A_2737] : memref<32x8x128xi32, #tpu.memory_space<vmem>> -> memref<1x8x128xi32, #tpu.memory_space<vmem>>
    %dma_start3A_2739 = tpu.memref_reshape %arg4 : memref<5000x5000xi32, #tpu.memory_space<hbm>> -> memref<625x8x5000xi32, #tpu.memory_space<hbm>>
    %dma_start3A_2740 = arith.constant 0 : i32
    %dma_start3A_2741 = tpu.memref_slice %dma_start3A_2739[%shift_right_arithmetic3A_2724, %dma_start3A_2740, %multiple_of3A_2727] : memref<625x8x5000xi32, #tpu.memory_space<hbm>> -> memref<1x8x128xi32, #tpu.memory_space<hbm>>
    tpu.enqueue_dma source(%dma_start3A_2741 : memref<1x8x128xi32, #tpu.memory_space<hbm>>) target(%dma_start3A_2738 : memref<1x8x128xi32, #tpu.memory_space<vmem>>) target_semaphore(%arg18 : memref<!tpu.dma_semaphore, #tpu.memory_space<semaphore_mem>>)
    %slice3A_2742 = vector.extract_strided_slice %get3A_2720 {offsets = [1], sizes = [1], strides = [1]} : vector<16xi32> to vector<1xi32>
    %squeeze3A_2743 = vector.extract %slice3A_2742[0] : i32 from vector<1xi32>
    %shift_right_arithmetic3A_2744 = arith.constant 13 : i32
    %shift_right_arithmetic3A_2745 = arith.shrsi %squeeze3A_2743, %shift_right_arithmetic3A_2744 : i32
    %and3A_2746 = arith.constant 8191 : i32
    %and3A_2747 = arith.andi %squeeze3A_2743, %and3A_2746 : i32
    %multiple_of3A_2748 = tpu.assume_multiple %and3A_2747, 128 : i32
    %dma_start3A_2749 = arith.constant 17 : i32
    %dma_start3A_2750 = arith.constant 0 : i32
    %dma_start3A_2751 = arith.constant 0 : i32
    %dma_start3A_2752 = tpu.memref_slice %arg14[%dma_start3A_2749, %dma_start3A_2750, %dma_start3A_2751] : memref<32x8x128xi32, #tpu.memory_space<vmem>> -> memref<1x8x128xi32, #tpu.memory_space<vmem>>
    %dma_start3A_2753 = tpu.memref_reshape %arg4 : memref<5000x5000xi32, #tpu.memory_space<hbm>> -> memref<625x8x5000xi32, #tpu.memory_space<hbm>>
    %dma_start3A_2754 = arith.constant 0 : i32
    %dma_start3A_2755 = tpu.memref_slice %dma_start3A_2753[%shift_right_arithmetic3A_2745, %dma_start3A_2754, %multiple_of3A_2748] : memref<625x8x5000xi32, #tpu.memory_space<hbm>> -> memref<1x8x128xi32, #tpu.memory_space<hbm>>
    %dma_start3A_2756 = arith.constant 17 : i32
    %dma_start3A_2757 = arith.constant 0 : i32
    %dma_start3A_2758 = arith.constant 0 : i32
    %dma_start3A_2759 = tpu.memref_slice %arg14[%dma_start3A_2756, %dma_start3A_2757, %dma_start3A_2758] : memref<32x8x128xi32, #tpu.memory_space<vmem>> -> memref<1x8x128xi32, #tpu.memory_space<vmem>>
    %dma_start3A_2760 = tpu.memref_reshape %arg4 : memref<5000x5000xi32, #tpu.memory_space<hbm>> -> memref<625x8x5000xi32, #tpu.memory_space<hbm>>
    %dma_start3A_2761 = arith.constant 0 : i32
    %dma_start3A_2762 = tpu.memref_slice %dma_start3A_2760[%shift_right_arithmetic3A_2745, %dma_start3A_2761, %multiple_of3A_2748] : memref<625x8x5000xi32, #tpu.memory_space<hbm>> -> memref<1x8x128xi32, #tpu.memory_space<hbm>>
    tpu.enqueue_dma source(%dma_start3A_2762 : memref<1x8x128xi32, #tpu.memory_space<hbm>>) target(%dma_start3A_2759 : memref<1x8x128xi32, #tpu.memory_space<vmem>>) target_semaphore(%arg18 : memref<!tpu.dma_semaphore, #tpu.memory_space<semaphore_mem>>)
    %slice3A_2763 = vector.extract_strided_slice %get3A_2720 {offsets = [2], sizes = [1], strides = [1]} : vector<16xi32> to vector<1xi32>
    %squeeze3A_2764 = vector.extract %slice3A_2763[0] : i32 from vector<1xi32>
    %shift_right_arithmetic3A_2765 = arith.constant 13 : i32
    %shift_right_arithmetic3A_2766 = arith.shrsi %squeeze3A_2764, %shift_right_arithmetic3A_2765 : i32
    %and3A_2767 = arith.constant 8191 : i32
    %and3A_2768 = arith.andi %squeeze3A_2764, %and3A_2767 : i32
    %multiple_of3A_2769 = tpu.assume_multiple %and3A_2768, 128 : i32
    %dma_start3A_2770 = arith.constant 18 : i32
    %dma_start3A_2771 = arith.constant 0 : i32
    %dma_start3A_2772 = arith.constant 0 : i32
    %dma_start3A_2773 = tpu.memref_slice %arg14[%dma_start3A_2770, %dma_start3A_2771, %dma_start3A_2772] : memref<32x8x128xi32, #tpu.memory_space<vmem>> -> memref<1x8x128xi32, #tpu.memory_space<vmem>>
    %dma_start3A_2774 = tpu.memref_reshape %arg4 : memref<5000x5000xi32, #tpu.memory_space<hbm>> -> memref<625x8x5000xi32, #tpu.memory_space<hbm>>
    %dma_start3A_2775 = arith.constant 0 : i32
    %dma_start3A_2776 = tpu.memref_slice %dma_start3A_2774[%shift_right_arithmetic3A_2766, %dma_start3A_2775, %multiple_of3A_2769] : memref<625x8x5000xi32, #tpu.memory_space<hbm>> -> memref<1x8x128xi32, #tpu.memory_space<hbm>>
    %dma_start3A_2777 = arith.constant 18 : i32
    %dma_start3A_2778 = arith.constant 0 : i32
    %dma_start3A_2779 = arith.constant 0 : i32
    %dma_start3A_2780 = tpu.memref_slice %arg14[%dma_start3A_2777, %dma_start3A_2778, %dma_start3A_2779] : memref<32x8x128xi32, #tpu.memory_space<vmem>> -> memref<1x8x128xi32, #tpu.memory_space<vmem>>
    %dma_start3A_2781 = tpu.memref_reshape %arg4 : memref<5000x5000xi32, #tpu.memory_space<hbm>> -> memref<625x8x5000xi32, #tpu.memory_space<hbm>>
    %dma_start3A_2782 = arith.constant 0 : i32
    %dma_start3A_2783 = tpu.memref_slice %dma_start3A_2781[%shift_right_arithmetic3A_2766, %dma_start3A_2782, %multiple_of3A_2769] : memref<625x8x5000xi32, #tpu.memory_space<hbm>> -> memref<1x8x128xi32, #tpu.memory_space<hbm>>
    tpu.enqueue_dma source(%dma_start3A_2783 : memref<1x8x128xi32, #tpu.memory_space<hbm>>) target(%dma_start3A_2780 : memref<1x8x128xi32, #tpu.memory_space<vmem>>) target_semaphore(%arg18 : memref<!tpu.dma_semaphore, #tpu.memory_space<semaphore_mem>>)
    %slice3A_2784 = vector.extract_strided_slice %get3A_2720 {offsets = [3], sizes = [1], strides = [1]} : vector<16xi32> to vector<1xi32>
    %squeeze3A_2785 = vector.extract %slice3A_2784[0] : i32 from vector<1xi32>
    %shift_right_arithmetic3A_2786 = arith.constant 13 : i32
    %shift_right_arithmetic3A_2787 = arith.shrsi %squeeze3A_2785, %shift_right_arithmetic3A_2786 : i32
    %and3A_2788 = arith.constant 8191 : i32
    %and3A_2789 = arith.andi %squeeze3A_2785, %and3A_2788 : i32
    %multiple_of3A_2790 = tpu.assume_multiple %and3A_2789, 128 : i32
    %dma_start3A_2791 = arith.constant 19 : i32
    %dma_start3A_2792 = arith.constant 0 : i32
    %dma_start3A_2793 = arith.constant 0 : i32
    %dma_start3A_2794 = tpu.memref_slice %arg14[%dma_start3A_2791, %dma_start3A_2792, %dma_start3A_2793] : memref<32x8x128xi32, #tpu.memory_space<vmem>> -> memref<1x8x128xi32, #tpu.memory_space<vmem>>
    %dma_start3A_2795 = tpu.memref_reshape %arg4 : memref<5000x5000xi32, #tpu.memory_space<hbm>> -> memref<625x8x5000xi32, #tpu.memory_space<hbm>>
    %dma_start3A_2796 = arith.constant 0 : i32
    %dma_start3A_2797 = tpu.memref_slice %dma_start3A_2795[%shift_right_arithmetic3A_2787, %dma_start3A_2796, %multiple_of3A_2790] : memref<625x8x5000xi32, #tpu.memory_space<hbm>> -> memref<1x8x128xi32, #tpu.memory_space<hbm>>
    %dma_start3A_2798 = arith.constant 19 : i32
    %dma_start3A_2799 = arith.constant 0 : i32
    %dma_start3A_2800 = arith.constant 0 : i32
    %dma_start3A_2801 = tpu.memref_slice %arg14[%dma_start3A_2798, %dma_start3A_2799, %dma_start3A_2800] : memref<32x8x128xi32, #tpu.memory_space<vmem>> -> memref<1x8x128xi32, #tpu.memory_space<vmem>>
    %dma_start3A_2802 = tpu.memref_reshape %arg4 : memref<5000x5000xi32, #tpu.memory_space<hbm>> -> memref<625x8x5000xi32, #tpu.memory_space<hbm>>
    %dma_start3A_2803 = arith.constant 0 : i32
    %dma_start3A_2804 = tpu.memref_slice %dma_start3A_2802[%shift_right_arithmetic3A_2787, %dma_start3A_2803, %multiple_of3A_2790] : memref<625x8x5000xi32, #tpu.memory_space<hbm>> -> memref<1x8x128xi32, #tpu.memory_space<hbm>>
    tpu.enqueue_dma source(%dma_start3A_2804 : memref<1x8x128xi32, #tpu.memory_space<hbm>>) target(%dma_start3A_2801 : memref<1x8x128xi32, #tpu.memory_space<vmem>>) target_semaphore(%arg18 : memref<!tpu.dma_semaphore, #tpu.memory_space<semaphore_mem>>)
    %slice3A_2805 = vector.extract_strided_slice %get3A_2720 {offsets = [4], sizes = [1], strides = [1]} : vector<16xi32> to vector<1xi32>
    %squeeze3A_2806 = vector.extract %slice3A_2805[0] : i32 from vector<1xi32>
    %shift_right_arithmetic3A_2807 = arith.constant 13 : i32
    %shift_right_arithmetic3A_2808 = arith.shrsi %squeeze3A_2806, %shift_right_arithmetic3A_2807 : i32
    %and3A_2809 = arith.constant 8191 : i32
    %and3A_2810 = arith.andi %squeeze3A_2806, %and3A_2809 : i32
    %multiple_of3A_2811 = tpu.assume_multiple %and3A_2810, 128 : i32
    %dma_start3A_2812 = arith.constant 20 : i32
    %dma_start3A_2813 = arith.constant 0 : i32
    %dma_start3A_2814 = arith.constant 0 : i32
    %dma_start3A_2815 = tpu.memref_slice %arg14[%dma_start3A_2812, %dma_start3A_2813, %dma_start3A_2814] : memref<32x8x128xi32, #tpu.memory_space<vmem>> -> memref<1x8x128xi32, #tpu.memory_space<vmem>>
    %dma_start3A_2816 = tpu.memref_reshape %arg4 : memref<5000x5000xi32, #tpu.memory_space<hbm>> -> memref<625x8x5000xi32, #tpu.memory_space<hbm>>
    %dma_start3A_2817 = arith.constant 0 : i32
    %dma_start3A_2818 = tpu.memref_slice %dma_start3A_2816[%shift_right_arithmetic3A_2808, %dma_start3A_2817, %multiple_of3A_2811] : memref<625x8x5000xi32, #tpu.memory_space<hbm>> -> memref<1x8x128xi32, #tpu.memory_space<hbm>>
    %dma_start3A_2819 = arith.constant 20 : i32
    %dma_start3A_2820 = arith.constant 0 : i32
    %dma_start3A_2821 = arith.constant 0 : i32
    %dma_start3A_2822 = tpu.memref_slice %arg14[%dma_start3A_2819, %dma_start3A_2820, %dma_start3A_2821] : memref<32x8x128xi32, #tpu.memory_space<vmem>> -> memref<1x8x128xi32, #tpu.memory_space<vmem>>
    %dma_start3A_2823 = tpu.memref_reshape %arg4 : memref<5000x5000xi32, #tpu.memory_space<hbm>> -> memref<625x8x5000xi32, #tpu.memory_space<hbm>>
    %dma_start3A_2824 = arith.constant 0 : i32
    %dma_start3A_2825 = tpu.memref_slice %dma_start3A_2823[%shift_right_arithmetic3A_2808, %dma_start3A_2824, %multiple_of3A_2811] : memref<625x8x5000xi32, #tpu.memory_space<hbm>> -> memref<1x8x128xi32, #tpu.memory_space<hbm>>
    tpu.enqueue_dma source(%dma_start3A_2825 : memref<1x8x128xi32, #tpu.memory_space<hbm>>) target(%dma_start3A_2822 : memref<1x8x128xi32, #tpu.memory_space<vmem>>) target_semaphore(%arg18 : memref<!tpu.dma_semaphore, #tpu.memory_space<semaphore_mem>>)
    %slice3A_2826 = vector.extract_strided_slice %get3A_2720 {offsets = [5], sizes = [1], strides = [1]} : vector<16xi32> to vector<1xi32>
    %squeeze3A_2827 = vector.extract %slice3A_2826[0] : i32 from vector<1xi32>
    %shift_right_arithmetic3A_2828 = arith.constant 13 : i32
    %shift_right_arithmetic3A_2829 = arith.shrsi %squeeze3A_2827, %shift_right_arithmetic3A_2828 : i32
    %and3A_2830 = arith.constant 8191 : i32
    %and3A_2831 = arith.andi %squeeze3A_2827, %and3A_2830 : i32
    %multiple_of3A_2832 = tpu.assume_multiple %and3A_2831, 128 : i32
    %dma_start3A_2833 = arith.constant 21 : i32
    %dma_start3A_2834 = arith.constant 0 : i32
    %dma_start3A_2835 = arith.constant 0 : i32
    %dma_start3A_2836 = tpu.memref_slice %arg14[%dma_start3A_2833, %dma_start3A_2834, %dma_start3A_2835] : memref<32x8x128xi32, #tpu.memory_space<vmem>> -> memref<1x8x128xi32, #tpu.memory_space<vmem>>
    %dma_start3A_2837 = tpu.memref_reshape %arg4 : memref<5000x5000xi32, #tpu.memory_space<hbm>> -> memref<625x8x5000xi32, #tpu.memory_space<hbm>>
    %dma_start3A_2838 = arith.constant 0 : i32
    %dma_start3A_2839 = tpu.memref_slice %dma_start3A_2837[%shift_right_arithmetic3A_2829, %dma_start3A_2838, %multiple_of3A_2832] : memref<625x8x5000xi32, #tpu.memory_space<hbm>> -> memref<1x8x128xi32, #tpu.memory_space<hbm>>
    %dma_start3A_2840 = arith.constant 21 : i32
    %dma_start3A_2841 = arith.constant 0 : i32
    %dma_start3A_2842 = arith.constant 0 : i32
    %dma_start3A_2843 = tpu.memref_slice %arg14[%dma_start3A_2840, %dma_start3A_2841, %dma_start3A_2842] : memref<32x8x128xi32, #tpu.memory_space<vmem>> -> memref<1x8x128xi32, #tpu.memory_space<vmem>>
    %dma_start3A_2844 = tpu.memref_reshape %arg4 : memref<5000x5000xi32, #tpu.memory_space<hbm>> -> memref<625x8x5000xi32, #tpu.memory_space<hbm>>
    %dma_start3A_2845 = arith.constant 0 : i32
    %dma_start3A_2846 = tpu.memref_slice %dma_start3A_2844[%shift_right_arithmetic3A_2829, %dma_start3A_2845, %multiple_of3A_2832] : memref<625x8x5000xi32, #tpu.memory_space<hbm>> -> memref<1x8x128xi32, #tpu.memory_space<hbm>>
    tpu.enqueue_dma source(%dma_start3A_2846 : memref<1x8x128xi32, #tpu.memory_space<hbm>>) target(%dma_start3A_2843 : memref<1x8x128xi32, #tpu.memory_space<vmem>>) target_semaphore(%arg18 : memref<!tpu.dma_semaphore, #tpu.memory_space<semaphore_mem>>)
    %slice3A_2847 = vector.extract_strided_slice %get3A_2720 {offsets = [6], sizes = [1], strides = [1]} : vector<16xi32> to vector<1xi32>
    %squeeze3A_2848 = vector.extract %slice3A_2847[0] : i32 from vector<1xi32>
    %shift_right_arithmetic3A_2849 = arith.constant 13 : i32
    %shift_right_arithmetic3A_2850 = arith.shrsi %squeeze3A_2848, %shift_right_arithmetic3A_2849 : i32
    %and3A_2851 = arith.constant 8191 : i32
    %and3A_2852 = arith.andi %squeeze3A_2848, %and3A_2851 : i32
    %multiple_of3A_2853 = tpu.assume_multiple %and3A_2852, 128 : i32
    %dma_start3A_2854 = arith.constant 22 : i32
    %dma_start3A_2855 = arith.constant 0 : i32
    %dma_start3A_2856 = arith.constant 0 : i32
    %dma_start3A_2857 = tpu.memref_slice %arg14[%dma_start3A_2854, %dma_start3A_2855, %dma_start3A_2856] : memref<32x8x128xi32, #tpu.memory_space<vmem>> -> memref<1x8x128xi32, #tpu.memory_space<vmem>>
    %dma_start3A_2858 = tpu.memref_reshape %arg4 : memref<5000x5000xi32, #tpu.memory_space<hbm>> -> memref<625x8x5000xi32, #tpu.memory_space<hbm>>
    %dma_start3A_2859 = arith.constant 0 : i32
    %dma_start3A_2860 = tpu.memref_slice %dma_start3A_2858[%shift_right_arithmetic3A_2850, %dma_start3A_2859, %multiple_of3A_2853] : memref<625x8x5000xi32, #tpu.memory_space<hbm>> -> memref<1x8x128xi32, #tpu.memory_space<hbm>>
    %dma_start3A_2861 = arith.constant 22 : i32
    %dma_start3A_2862 = arith.constant 0 : i32
    %dma_start3A_2863 = arith.constant 0 : i32
    %dma_start3A_2864 = tpu.memref_slice %arg14[%dma_start3A_2861, %dma_start3A_2862, %dma_start3A_2863] : memref<32x8x128xi32, #tpu.memory_space<vmem>> -> memref<1x8x128xi32, #tpu.memory_space<vmem>>
    %dma_start3A_2865 = tpu.memref_reshape %arg4 : memref<5000x5000xi32, #tpu.memory_space<hbm>> -> memref<625x8x5000xi32, #tpu.memory_space<hbm>>
    %dma_start3A_2866 = arith.constant 0 : i32
    %dma_start3A_2867 = tpu.memref_slice %dma_start3A_2865[%shift_right_arithmetic3A_2850, %dma_start3A_2866, %multiple_of3A_2853] : memref<625x8x5000xi32, #tpu.memory_space<hbm>> -> memref<1x8x128xi32, #tpu.memory_space<hbm>>
    tpu.enqueue_dma source(%dma_start3A_2867 : memref<1x8x128xi32, #tpu.memory_space<hbm>>) target(%dma_start3A_2864 : memref<1x8x128xi32, #tpu.memory_space<vmem>>) target_semaphore(%arg18 : memref<!tpu.dma_semaphore, #tpu.memory_space<semaphore_mem>>)
    %slice3A_2868 = vector.extract_strided_slice %get3A_2720 {offsets = [7], sizes = [1], strides = [1]} : vector<16xi32> to vector<1xi32>
    %squeeze3A_2869 = vector.extract %slice3A_2868[0] : i32 from vector<1xi32>
    %shift_right_arithmetic3A_2870 = arith.constant 13 : i32
    %shift_right_arithmetic3A_2871 = arith.shrsi %squeeze3A_2869, %shift_right_arithmetic3A_2870 : i32
    %and3A_2872 = arith.constant 8191 : i32
    %and3A_2873 = arith.andi %squeeze3A_2869, %and3A_2872 : i32
    %multiple_of3A_2874 = tpu.assume_multiple %and3A_2873, 128 : i32
    %dma_start3A_2875 = arith.constant 23 : i32
    %dma_start3A_2876 = arith.constant 0 : i32
    %dma_start3A_2877 = arith.constant 0 : i32
    %dma_start3A_2878 = tpu.memref_slice %arg14[%dma_start3A_2875, %dma_start3A_2876, %dma_start3A_2877] : memref<32x8x128xi32, #tpu.memory_space<vmem>> -> memref<1x8x128xi32, #tpu.memory_space<vmem>>
    %dma_start3A_2879 = tpu.memref_reshape %arg4 : memref<5000x5000xi32, #tpu.memory_space<hbm>> -> memref<625x8x5000xi32, #tpu.memory_space<hbm>>
    %dma_start3A_2880 = arith.constant 0 : i32
    %dma_start3A_2881 = tpu.memref_slice %dma_start3A_2879[%shift_right_arithmetic3A_2871, %dma_start3A_2880, %multiple_of3A_2874] : memref<625x8x5000xi32, #tpu.memory_space<hbm>> -> memref<1x8x128xi32, #tpu.memory_space<hbm>>
    %dma_start3A_2882 = arith.constant 23 : i32
    %dma_start3A_2883 = arith.constant 0 : i32
    %dma_start3A_2884 = arith.constant 0 : i32
    %dma_start3A_2885 = tpu.memref_slice %arg14[%dma_start3A_2882, %dma_start3A_2883, %dma_start3A_2884] : memref<32x8x128xi32, #tpu.memory_space<vmem>> -> memref<1x8x128xi32, #tpu.memory_space<vmem>>
    %dma_start3A_2886 = tpu.memref_reshape %arg4 : memref<5000x5000xi32, #tpu.memory_space<hbm>> -> memref<625x8x5000xi32, #tpu.memory_space<hbm>>
    %dma_start3A_2887 = arith.constant 0 : i32
    %dma_start3A_2888 = tpu.memref_slice %dma_start3A_2886[%shift_right_arithmetic3A_2871, %dma_start3A_2887, %multiple_of3A_2874] : memref<625x8x5000xi32, #tpu.memory_space<hbm>> -> memref<1x8x128xi32, #tpu.memory_space<hbm>>
    tpu.enqueue_dma source(%dma_start3A_2888 : memref<1x8x128xi32, #tpu.memory_space<hbm>>) target(%dma_start3A_2885 : memref<1x8x128xi32, #tpu.memory_space<vmem>>) target_semaphore(%arg18 : memref<!tpu.dma_semaphore, #tpu.memory_space<semaphore_mem>>)
    %slice3A_2889 = vector.extract_strided_slice %get3A_2720 {offsets = [8], sizes = [1], strides = [1]} : vector<16xi32> to vector<1xi32>
    %squeeze3A_2890 = vector.extract %slice3A_2889[0] : i32 from vector<1xi32>
    %shift_right_arithmetic3A_2891 = arith.constant 13 : i32
    %shift_right_arithmetic3A_2892 = arith.shrsi %squeeze3A_2890, %shift_right_arithmetic3A_2891 : i32
    %and3A_2893 = arith.constant 8191 : i32
    %and3A_2894 = arith.andi %squeeze3A_2890, %and3A_2893 : i32
    %multiple_of3A_2895 = tpu.assume_multiple %and3A_2894, 128 : i32
    %dma_start3A_2896 = arith.constant 24 : i32
    %dma_start3A_2897 = arith.constant 0 : i32
    %dma_start3A_2898 = arith.constant 0 : i32
    %dma_start3A_2899 = tpu.memref_slice %arg14[%dma_start3A_2896, %dma_start3A_2897, %dma_start3A_2898] : memref<32x8x128xi32, #tpu.memory_space<vmem>> -> memref<1x8x128xi32, #tpu.memory_space<vmem>>
    %dma_start3A_2900 = tpu.memref_reshape %arg4 : memref<5000x5000xi32, #tpu.memory_space<hbm>> -> memref<625x8x5000xi32, #tpu.memory_space<hbm>>
    %dma_start3A_2901 = arith.constant 0 : i32
    %dma_start3A_2902 = tpu.memref_slice %dma_start3A_2900[%shift_right_arithmetic3A_2892, %dma_start3A_2901, %multiple_of3A_2895] : memref<625x8x5000xi32, #tpu.memory_space<hbm>> -> memref<1x8x128xi32, #tpu.memory_space<hbm>>
    %dma_start3A_2903 = arith.constant 24 : i32
    %dma_start3A_2904 = arith.constant 0 : i32
    %dma_start3A_2905 = arith.constant 0 : i32
    %dma_start3A_2906 = tpu.memref_slice %arg14[%dma_start3A_2903, %dma_start3A_2904, %dma_start3A_2905] : memref<32x8x128xi32, #tpu.memory_space<vmem>> -> memref<1x8x128xi32, #tpu.memory_space<vmem>>
    %dma_start3A_2907 = tpu.memref_reshape %arg4 : memref<5000x5000xi32, #tpu.memory_space<hbm>> -> memref<625x8x5000xi32, #tpu.memory_space<hbm>>
    %dma_start3A_2908 = arith.constant 0 : i32
    %dma_start3A_2909 = tpu.memref_slice %dma_start3A_2907[%shift_right_arithmetic3A_2892, %dma_start3A_2908, %multiple_of3A_2895] : memref<625x8x5000xi32, #tpu.memory_space<hbm>> -> memref<1x8x128xi32, #tpu.memory_space<hbm>>
    tpu.enqueue_dma source(%dma_start3A_2909 : memref<1x8x128xi32, #tpu.memory_space<hbm>>) target(%dma_start3A_2906 : memref<1x8x128xi32, #tpu.memory_space<vmem>>) target_semaphore(%arg18 : memref<!tpu.dma_semaphore, #tpu.memory_space<semaphore_mem>>)
    %slice3A_2910 = vector.extract_strided_slice %get3A_2720 {offsets = [9], sizes = [1], strides = [1]} : vector<16xi32> to vector<1xi32>
    %squeeze3A_2911 = vector.extract %slice3A_2910[0] : i32 from vector<1xi32>
    %shift_right_arithmetic3A_2912 = arith.constant 13 : i32
    %shift_right_arithmetic3A_2913 = arith.shrsi %squeeze3A_2911, %shift_right_arithmetic3A_2912 : i32
    %and3A_2914 = arith.constant 8191 : i32
    %and3A_2915 = arith.andi %squeeze3A_2911, %and3A_2914 : i32
    %multiple_of3A_2916 = tpu.assume_multiple %and3A_2915, 128 : i32
    %dma_start3A_2917 = arith.constant 25 : i32
    %dma_start3A_2918 = arith.constant 0 : i32
    %dma_start3A_2919 = arith.constant 0 : i32
    %dma_start3A_2920 = tpu.memref_slice %arg14[%dma_start3A_2917, %dma_start3A_2918, %dma_start3A_2919] : memref<32x8x128xi32, #tpu.memory_space<vmem>> -> memref<1x8x128xi32, #tpu.memory_space<vmem>>
    %dma_start3A_2921 = tpu.memref_reshape %arg4 : memref<5000x5000xi32, #tpu.memory_space<hbm>> -> memref<625x8x5000xi32, #tpu.memory_space<hbm>>
    %dma_start3A_2922 = arith.constant 0 : i32
    %dma_start3A_2923 = tpu.memref_slice %dma_start3A_2921[%shift_right_arithmetic3A_2913, %dma_start3A_2922, %multiple_of3A_2916] : memref<625x8x5000xi32, #tpu.memory_space<hbm>> -> memref<1x8x128xi32, #tpu.memory_space<hbm>>
    %dma_start3A_2924 = arith.constant 25 : i32
    %dma_start3A_2925 = arith.constant 0 : i32
    %dma_start3A_2926 = arith.constant 0 : i32
    %dma_start3A_2927 = tpu.memref_slice %arg14[%dma_start3A_2924, %dma_start3A_2925, %dma_start3A_2926] : memref<32x8x128xi32, #tpu.memory_space<vmem>> -> memref<1x8x128xi32, #tpu.memory_space<vmem>>
    %dma_start3A_2928 = tpu.memref_reshape %arg4 : memref<5000x5000xi32, #tpu.memory_space<hbm>> -> memref<625x8x5000xi32, #tpu.memory_space<hbm>>
    %dma_start3A_2929 = arith.constant 0 : i32
    %dma_start3A_2930 = tpu.memref_slice %dma_start3A_2928[%shift_right_arithmetic3A_2913, %dma_start3A_2929, %multiple_of3A_2916] : memref<625x8x5000xi32, #tpu.memory_space<hbm>> -> memref<1x8x128xi32, #tpu.memory_space<hbm>>
    tpu.enqueue_dma source(%dma_start3A_2930 : memref<1x8x128xi32, #tpu.memory_space<hbm>>) target(%dma_start3A_2927 : memref<1x8x128xi32, #tpu.memory_space<vmem>>) target_semaphore(%arg18 : memref<!tpu.dma_semaphore, #tpu.memory_space<semaphore_mem>>)
    %slice3A_2931 = vector.extract_strided_slice %get3A_2720 {offsets = [10], sizes = [1], strides = [1]} : vector<16xi32> to vector<1xi32>
    %squeeze3A_2932 = vector.extract %slice3A_2931[0] : i32 from vector<1xi32>
    %shift_right_arithmetic3A_2933 = arith.constant 13 : i32
    %shift_right_arithmetic3A_2934 = arith.shrsi %squeeze3A_2932, %shift_right_arithmetic3A_2933 : i32
    %and3A_2935 = arith.constant 8191 : i32
    %and3A_2936 = arith.andi %squeeze3A_2932, %and3A_2935 : i32
    %multiple_of3A_2937 = tpu.assume_multiple %and3A_2936, 128 : i32
    %dma_start3A_2938 = arith.constant 26 : i32
    %dma_start3A_2939 = arith.constant 0 : i32
    %dma_start3A_2940 = arith.constant 0 : i32
    %dma_start3A_2941 = tpu.memref_slice %arg14[%dma_start3A_2938, %dma_start3A_2939, %dma_start3A_2940] : memref<32x8x128xi32, #tpu.memory_space<vmem>> -> memref<1x8x128xi32, #tpu.memory_space<vmem>>
    %dma_start3A_2942 = tpu.memref_reshape %arg4 : memref<5000x5000xi32, #tpu.memory_space<hbm>> -> memref<625x8x5000xi32, #tpu.memory_space<hbm>>
    %dma_start3A_2943 = arith.constant 0 : i32
    %dma_start3A_2944 = tpu.memref_slice %dma_start3A_2942[%shift_right_arithmetic3A_2934, %dma_start3A_2943, %multiple_of3A_2937] : memref<625x8x5000xi32, #tpu.memory_space<hbm>> -> memref<1x8x128xi32, #tpu.memory_space<hbm>>
    %dma_start3A_2945 = arith.constant 26 : i32
    %dma_start3A_2946 = arith.constant 0 : i32
    %dma_start3A_2947 = arith.constant 0 : i32
    %dma_start3A_2948 = tpu.memref_slice %arg14[%dma_start3A_2945, %dma_start3A_2946, %dma_start3A_2947] : memref<32x8x128xi32, #tpu.memory_space<vmem>> -> memref<1x8x128xi32, #tpu.memory_space<vmem>>
    %dma_start3A_2949 = tpu.memref_reshape %arg4 : memref<5000x5000xi32, #tpu.memory_space<hbm>> -> memref<625x8x5000xi32, #tpu.memory_space<hbm>>
    %dma_start3A_2950 = arith.constant 0 : i32
    %dma_start3A_2951 = tpu.memref_slice %dma_start3A_2949[%shift_right_arithmetic3A_2934, %dma_start3A_2950, %multiple_of3A_2937] : memref<625x8x5000xi32, #tpu.memory_space<hbm>> -> memref<1x8x128xi32, #tpu.memory_space<hbm>>
    tpu.enqueue_dma source(%dma_start3A_2951 : memref<1x8x128xi32, #tpu.memory_space<hbm>>) target(%dma_start3A_2948 : memref<1x8x128xi32, #tpu.memory_space<vmem>>) target_semaphore(%arg18 : memref<!tpu.dma_semaphore, #tpu.memory_space<semaphore_mem>>)
    %slice3A_2952 = vector.extract_strided_slice %get3A_2720 {offsets = [11], sizes = [1], strides = [1]} : vector<16xi32> to vector<1xi32>
    %squeeze3A_2953 = vector.extract %slice3A_2952[0] : i32 from vector<1xi32>
    %shift_right_arithmetic3A_2954 = arith.constant 13 : i32
    %shift_right_arithmetic3A_2955 = arith.shrsi %squeeze3A_2953, %shift_right_arithmetic3A_2954 : i32
    %and3A_2956 = arith.constant 8191 : i32
    %and3A_2957 = arith.andi %squeeze3A_2953, %and3A_2956 : i32
    %multiple_of3A_2958 = tpu.assume_multiple %and3A_2957, 128 : i32
    %dma_start3A_2959 = arith.constant 27 : i32
    %dma_start3A_2960 = arith.constant 0 : i32
    %dma_start3A_2961 = arith.constant 0 : i32
    %dma_start3A_2962 = tpu.memref_slice %arg14[%dma_start3A_2959, %dma_start3A_2960, %dma_start3A_2961] : memref<32x8x128xi32, #tpu.memory_space<vmem>> -> memref<1x8x128xi32, #tpu.memory_space<vmem>>
    %dma_start3A_2963 = tpu.memref_reshape %arg4 : memref<5000x5000xi32, #tpu.memory_space<hbm>> -> memref<625x8x5000xi32, #tpu.memory_space<hbm>>
    %dma_start3A_2964 = arith.constant 0 : i32
    %dma_start3A_2965 = tpu.memref_slice %dma_start3A_2963[%shift_right_arithmetic3A_2955, %dma_start3A_2964, %multiple_of3A_2958] : memref<625x8x5000xi32, #tpu.memory_space<hbm>> -> memref<1x8x128xi32, #tpu.memory_space<hbm>>
    %dma_start3A_2966 = arith.constant 27 : i32
    %dma_start3A_2967 = arith.constant 0 : i32
    %dma_start3A_2968 = arith.constant 0 : i32
    %dma_start3A_2969 = tpu.memref_slice %arg14[%dma_start3A_2966, %dma_start3A_2967, %dma_start3A_2968] : memref<32x8x128xi32, #tpu.memory_space<vmem>> -> memref<1x8x128xi32, #tpu.memory_space<vmem>>
    %dma_start3A_2970 = tpu.memref_reshape %arg4 : memref<5000x5000xi32, #tpu.memory_space<hbm>> -> memref<625x8x5000xi32, #tpu.memory_space<hbm>>
    %dma_start3A_2971 = arith.constant 0 : i32
    %dma_start3A_2972 = tpu.memref_slice %dma_start3A_2970[%shift_right_arithmetic3A_2955, %dma_start3A_2971, %multiple_of3A_2958] : memref<625x8x5000xi32, #tpu.memory_space<hbm>> -> memref<1x8x128xi32, #tpu.memory_space<hbm>>
    tpu.enqueue_dma source(%dma_start3A_2972 : memref<1x8x128xi32, #tpu.memory_space<hbm>>) target(%dma_start3A_2969 : memref<1x8x128xi32, #tpu.memory_space<vmem>>) target_semaphore(%arg18 : memref<!tpu.dma_semaphore, #tpu.memory_space<semaphore_mem>>)
    %slice3A_2973 = vector.extract_strided_slice %get3A_2720 {offsets = [12], sizes = [1], strides = [1]} : vector<16xi32> to vector<1xi32>
    %squeeze3A_2974 = vector.extract %slice3A_2973[0] : i32 from vector<1xi32>
    %shift_right_arithmetic3A_2975 = arith.constant 13 : i32
    %shift_right_arithmetic3A_2976 = arith.shrsi %squeeze3A_2974, %shift_right_arithmetic3A_2975 : i32
    %and3A_2977 = arith.constant 8191 : i32
    %and3A_2978 = arith.andi %squeeze3A_2974, %and3A_2977 : i32
    %multiple_of3A_2979 = tpu.assume_multiple %and3A_2978, 128 : i32
    %dma_start3A_2980 = arith.constant 28 : i32
    %dma_start3A_2981 = arith.constant 0 : i32
    %dma_start3A_2982 = arith.constant 0 : i32
    %dma_start3A_2983 = tpu.memref_slice %arg14[%dma_start3A_2980, %dma_start3A_2981, %dma_start3A_2982] : memref<32x8x128xi32, #tpu.memory_space<vmem>> -> memref<1x8x128xi32, #tpu.memory_space<vmem>>
    %dma_start3A_2984 = tpu.memref_reshape %arg4 : memref<5000x5000xi32, #tpu.memory_space<hbm>> -> memref<625x8x5000xi32, #tpu.memory_space<hbm>>
    %dma_start3A_2985 = arith.constant 0 : i32
    %dma_start3A_2986 = tpu.memref_slice %dma_start3A_2984[%shift_right_arithmetic3A_2976, %dma_start3A_2985, %multiple_of3A_2979] : memref<625x8x5000xi32, #tpu.memory_space<hbm>> -> memref<1x8x128xi32, #tpu.memory_space<hbm>>
    %dma_start3A_2987 = arith.constant 28 : i32
    %dma_start3A_2988 = arith.constant 0 : i32
    %dma_start3A_2989 = arith.constant 0 : i32
    %dma_start3A_2990 = tpu.memref_slice %arg14[%dma_start3A_2987, %dma_start3A_2988, %dma_start3A_2989] : memref<32x8x128xi32, #tpu.memory_space<vmem>> -> memref<1x8x128xi32, #tpu.memory_space<vmem>>
    %dma_start3A_2991 = tpu.memref_reshape %arg4 : memref<5000x5000xi32, #tpu.memory_space<hbm>> -> memref<625x8x5000xi32, #tpu.memory_space<hbm>>
    %dma_start3A_2992 = arith.constant 0 : i32
    %dma_start3A_2993 = tpu.memref_slice %dma_start3A_2991[%shift_right_arithmetic3A_2976, %dma_start3A_2992, %multiple_of3A_2979] : memref<625x8x5000xi32, #tpu.memory_space<hbm>> -> memref<1x8x128xi32, #tpu.memory_space<hbm>>
    tpu.enqueue_dma source(%dma_start3A_2993 : memref<1x8x128xi32, #tpu.memory_space<hbm>>) target(%dma_start3A_2990 : memref<1x8x128xi32, #tpu.memory_space<vmem>>) target_semaphore(%arg18 : memref<!tpu.dma_semaphore, #tpu.memory_space<semaphore_mem>>)
    %slice3A_2994 = vector.extract_strided_slice %get3A_2720 {offsets = [13], sizes = [1], strides = [1]} : vector<16xi32> to vector<1xi32>
    %squeeze3A_2995 = vector.extract %slice3A_2994[0] : i32 from vector<1xi32>
    %shift_right_arithmetic3A_2996 = arith.constant 13 : i32
    %shift_right_arithmetic3A_2997 = arith.shrsi %squeeze3A_2995, %shift_right_arithmetic3A_2996 : i32
    %and3A_2998 = arith.constant 8191 : i32
    %and3A_2999 = arith.andi %squeeze3A_2995, %and3A_2998 : i32
    %multiple_of3A_3000 = tpu.assume_multiple %and3A_2999, 128 : i32
    %dma_start3A_3001 = arith.constant 29 : i32
    %dma_start3A_3002 = arith.constant 0 : i32
    %dma_start3A_3003 = arith.constant 0 : i32
    %dma_start3A_3004 = tpu.memref_slice %arg14[%dma_start3A_3001, %dma_start3A_3002, %dma_start3A_3003] : memref<32x8x128xi32, #tpu.memory_space<vmem>> -> memref<1x8x128xi32, #tpu.memory_space<vmem>>
    %dma_start3A_3005 = tpu.memref_reshape %arg4 : memref<5000x5000xi32, #tpu.memory_space<hbm>> -> memref<625x8x5000xi32, #tpu.memory_space<hbm>>
    %dma_start3A_3006 = arith.constant 0 : i32
    %dma_start3A_3007 = tpu.memref_slice %dma_start3A_3005[%shift_right_arithmetic3A_2997, %dma_start3A_3006, %multiple_of3A_3000] : memref<625x8x5000xi32, #tpu.memory_space<hbm>> -> memref<1x8x128xi32, #tpu.memory_space<hbm>>
    %dma_start3A_3008 = arith.constant 29 : i32
    %dma_start3A_3009 = arith.constant 0 : i32
    %dma_start3A_3010 = arith.constant 0 : i32
    %dma_start3A_3011 = tpu.memref_slice %arg14[%dma_start3A_3008, %dma_start3A_3009, %dma_start3A_3010] : memref<32x8x128xi32, #tpu.memory_space<vmem>> -> memref<1x8x128xi32, #tpu.memory_space<vmem>>
    %dma_start3A_3012 = tpu.memref_reshape %arg4 : memref<5000x5000xi32, #tpu.memory_space<hbm>> -> memref<625x8x5000xi32, #tpu.memory_space<hbm>>
    %dma_start3A_3013 = arith.constant 0 : i32
    %dma_start3A_3014 = tpu.memref_slice %dma_start3A_3012[%shift_right_arithmetic3A_2997, %dma_start3A_3013, %multiple_of3A_3000] : memref<625x8x5000xi32, #tpu.memory_space<hbm>> -> memref<1x8x128xi32, #tpu.memory_space<hbm>>
    tpu.enqueue_dma source(%dma_start3A_3014 : memref<1x8x128xi32, #tpu.memory_space<hbm>>) target(%dma_start3A_3011 : memref<1x8x128xi32, #tpu.memory_space<vmem>>) target_semaphore(%arg18 : memref<!tpu.dma_semaphore, #tpu.memory_space<semaphore_mem>>)
    %slice3A_3015 = vector.extract_strided_slice %get3A_2720 {offsets = [14], sizes = [1], strides = [1]} : vector<16xi32> to vector<1xi32>
    %squeeze3A_3016 = vector.extract %slice3A_3015[0] : i32 from vector<1xi32>
    %shift_right_arithmetic3A_3017 = arith.constant 13 : i32
    %shift_right_arithmetic3A_3018 = arith.shrsi %squeeze3A_3016, %shift_right_arithmetic3A_3017 : i32
    %and3A_3019 = arith.constant 8191 : i32
    %and3A_3020 = arith.andi %squeeze3A_3016, %and3A_3019 : i32
    %multiple_of3A_3021 = tpu.assume_multiple %and3A_3020, 128 : i32
    %dma_start3A_3022 = arith.constant 30 : i32
    %dma_start3A_3023 = arith.constant 0 : i32
    %dma_start3A_3024 = arith.constant 0 : i32
    %dma_start3A_3025 = tpu.memref_slice %arg14[%dma_start3A_3022, %dma_start3A_3023, %dma_start3A_3024] : memref<32x8x128xi32, #tpu.memory_space<vmem>> -> memref<1x8x128xi32, #tpu.memory_space<vmem>>
    %dma_start3A_3026 = tpu.memref_reshape %arg4 : memref<5000x5000xi32, #tpu.memory_space<hbm>> -> memref<625x8x5000xi32, #tpu.memory_space<hbm>>
    %dma_start3A_3027 = arith.constant 0 : i32
    %dma_start3A_3028 = tpu.memref_slice %dma_start3A_3026[%shift_right_arithmetic3A_3018, %dma_start3A_3027, %multiple_of3A_3021] : memref<625x8x5000xi32, #tpu.memory_space<hbm>> -> memref<1x8x128xi32, #tpu.memory_space<hbm>>
    %dma_start3A_3029 = arith.constant 30 : i32
    %dma_start3A_3030 = arith.constant 0 : i32
    %dma_start3A_3031 = arith.constant 0 : i32
    %dma_start3A_3032 = tpu.memref_slice %arg14[%dma_start3A_3029, %dma_start3A_3030, %dma_start3A_3031] : memref<32x8x128xi32, #tpu.memory_space<vmem>> -> memref<1x8x128xi32, #tpu.memory_space<vmem>>
    %dma_start3A_3033 = tpu.memref_reshape %arg4 : memref<5000x5000xi32, #tpu.memory_space<hbm>> -> memref<625x8x5000xi32, #tpu.memory_space<hbm>>
    %dma_start3A_3034 = arith.constant 0 : i32
    %dma_start3A_3035 = tpu.memref_slice %dma_start3A_3033[%shift_right_arithmetic3A_3018, %dma_start3A_3034, %multiple_of3A_3021] : memref<625x8x5000xi32, #tpu.memory_space<hbm>> -> memref<1x8x128xi32, #tpu.memory_space<hbm>>
    tpu.enqueue_dma source(%dma_start3A_3035 : memref<1x8x128xi32, #tpu.memory_space<hbm>>) target(%dma_start3A_3032 : memref<1x8x128xi32, #tpu.memory_space<vmem>>) target_semaphore(%arg18 : memref<!tpu.dma_semaphore, #tpu.memory_space<semaphore_mem>>)
    %slice3A_3036 = vector.extract_strided_slice %get3A_2720 {offsets = [15], sizes = [1], strides = [1]} : vector<16xi32> to vector<1xi32>
    %squeeze3A_3037 = vector.extract %slice3A_3036[0] : i32 from vector<1xi32>
    %shift_right_arithmetic3A_3038 = arith.constant 13 : i32
    %shift_right_arithmetic3A_3039 = arith.shrsi %squeeze3A_3037, %shift_right_arithmetic3A_3038 : i32
    %and3A_3040 = arith.constant 8191 : i32
    %and3A_3041 = arith.andi %squeeze3A_3037, %and3A_3040 : i32
    %multiple_of3A_3042 = tpu.assume_multiple %and3A_3041, 128 : i32
    %dma_start3A_3043 = arith.constant 31 : i32
    %dma_start3A_3044 = arith.constant 0 : i32
    %dma_start3A_3045 = arith.constant 0 : i32
    %dma_start3A_3046 = tpu.memref_slice %arg14[%dma_start3A_3043, %dma_start3A_3044, %dma_start3A_3045] : memref<32x8x128xi32, #tpu.memory_space<vmem>> -> memref<1x8x128xi32, #tpu.memory_space<vmem>>
    %dma_start3A_3047 = tpu.memref_reshape %arg4 : memref<5000x5000xi32, #tpu.memory_space<hbm>> -> memref<625x8x5000xi32, #tpu.memory_space<hbm>>
    %dma_start3A_3048 = arith.constant 0 : i32
    %dma_start3A_3049 = tpu.memref_slice %dma_start3A_3047[%shift_right_arithmetic3A_3039, %dma_start3A_3048, %multiple_of3A_3042] : memref<625x8x5000xi32, #tpu.memory_space<hbm>> -> memref<1x8x128xi32, #tpu.memory_space<hbm>>
    %dma_start3A_3050 = arith.constant 31 : i32
    %dma_start3A_3051 = arith.constant 0 : i32
    %dma_start3A_3052 = arith.constant 0 : i32
    %dma_start3A_3053 = tpu.memref_slice %arg14[%dma_start3A_3050, %dma_start3A_3051, %dma_start3A_3052] : memref<32x8x128xi32, #tpu.memory_space<vmem>> -> memref<1x8x128xi32, #tpu.memory_space<vmem>>
    %dma_start3A_3054 = tpu.memref_reshape %arg4 : memref<5000x5000xi32, #tpu.memory_space<hbm>> -> memref<625x8x5000xi32, #tpu.memory_space<hbm>>
    %dma_start3A_3055 = arith.constant 0 : i32
    %dma_start3A_3056 = tpu.memref_slice %dma_start3A_3054[%shift_right_arithmetic3A_3039, %dma_start3A_3055, %multiple_of3A_3042] : memref<625x8x5000xi32, #tpu.memory_space<hbm>> -> memref<1x8x128xi32, #tpu.memory_space<hbm>>
    tpu.enqueue_dma source(%dma_start3A_3056 : memref<1x8x128xi32, #tpu.memory_space<hbm>>) target(%dma_start3A_3053 : memref<1x8x128xi32, #tpu.memory_space<vmem>>) target_semaphore(%arg18 : memref<!tpu.dma_semaphore, #tpu.memory_space<semaphore_mem>>)
    %dma_wait3A_3057 = tpu.memref_reshape %arg4 : memref<5000x5000xi32, #tpu.memory_space<hbm>> -> memref<625x8x5000xi32, #tpu.memory_space<hbm>>
    %dma_wait3A_3058 = arith.constant 0 : i32
    %dma_wait3A_3059 = arith.constant 0 : i32
    %dma_wait3A_3060 = arith.constant 0 : i32
    %dma_wait3A_3061 = tpu.memref_slice %dma_wait3A_3057[%dma_wait3A_3058, %dma_wait3A_3059, %dma_wait3A_3060] : memref<625x8x5000xi32, #tpu.memory_space<hbm>> -> memref<32x8x128xi32, #tpu.memory_space<hbm>>
    %dma_wait3A_3062 = tpu.memref_reshape %arg4 : memref<5000x5000xi32, #tpu.memory_space<hbm>> -> memref<625x8x5000xi32, #tpu.memory_space<hbm>>
    %dma_wait3A_3063 = arith.constant 0 : i32
    %dma_wait3A_3064 = arith.constant 0 : i32
    %dma_wait3A_3065 = arith.constant 0 : i32
    %dma_wait3A_3066 = tpu.memref_slice %dma_wait3A_3062[%dma_wait3A_3063, %dma_wait3A_3064, %dma_wait3A_3065] : memref<625x8x5000xi32, #tpu.memory_space<hbm>> -> memref<32x8x128xi32, #tpu.memory_space<hbm>>
    tpu.wait_dma2 semaphore(%arg17 : memref<!tpu.dma_semaphore, #tpu.memory_space<semaphore_mem>>) src(%dma_wait3A_3066 : memref<32x8x128xi32, #tpu.memory_space<hbm>>) dst(%arg13 : memref<32x8x128xi32, #tpu.memory_space<vmem>>)
    %add3A_3067 = arith.constant 0 : i32
    %add3A_3068 = vector.broadcast %add3A_3067 : i32 to vector<16xi32>
    %add3A_3069 = arith.addi %iota3A, %add3A_3068 : vector<16xi32>
    %get3A_3070 = arith.constant 64 : index
    %get3A_3071 = tpu.vector_load %arg11[%get3A_3070] {strides = array<i32>} : memref<128xi32, #tpu.memory_space<vmem>>, vector<16xi32>,
    %get3A_3072 = arith.constant 64 : index
    %get3A_3073 = tpu.vector_load %arg12[%get3A_3072] {strides = array<i32>} : memref<128xi32, #tpu.memory_space<vmem>>, vector<16xi32>,
    %gather3A_3074 = tpu.vector_load_idx %arg13[%add3A_3069, %get3A_3071, %get3A_3073] : memref<32x8x128xi32, #tpu.memory_space<vmem>>[vector<16xi32>, vector<16xi32>, vector<16xi32>], vector<16xi32>,
    %swap3A_3075 = arith.constant 64 : index
    %swap3A_3076 = tpu.vector_load %arg15[%swap3A_3075] {strides = array<i32>} : memref<128xi32, #tpu.memory_space<vmem>>, vector<16xi32>,
    tpu.vector_store %arg15[%swap3A_3075], %gather3A_3074 {strides = array<i32>} : memref<128xi32, #tpu.memory_space<vmem>>, vector<16xi32>,
    %add3A_3077 = arith.constant 16 : i32
    %add3A_3078 = vector.broadcast %add3A_3077 : i32 to vector<16xi32>
    %add3A_3079 = arith.addi %iota3A, %add3A_3078 : vector<16xi32>
    %get3A_3080 = arith.constant 80 : index
    %get3A_3081 = tpu.vector_load %arg11[%get3A_3080] {strides = array<i32>} : memref<128xi32, #tpu.memory_space<vmem>>, vector<16xi32>,
    %get3A_3082 = arith.constant 80 : index
    %get3A_3083 = tpu.vector_load %arg12[%get3A_3082] {strides = array<i32>} : memref<128xi32, #tpu.memory_space<vmem>>, vector<16xi32>,
    %gather3A_3084 = tpu.vector_load_idx %arg13[%add3A_3079, %get3A_3081, %get3A_3083] : memref<32x8x128xi32, #tpu.memory_space<vmem>>[vector<16xi32>, vector<16xi32>, vector<16xi32>], vector<16xi32>,
    %swap3A_3085 = arith.constant 80 : index
    %swap3A_3086 = tpu.vector_load %arg15[%swap3A_3085] {strides = array<i32>} : memref<128xi32, #tpu.memory_space<vmem>>, vector<16xi32>,
    tpu.vector_store %arg15[%swap3A_3085], %gather3A_3084 {strides = array<i32>} : memref<128xi32, #tpu.memory_space<vmem>>, vector<16xi32>,
    %dma_wait3A_3087 = tpu.memref_reshape %arg4 : memref<5000x5000xi32, #tpu.memory_space<hbm>> -> memref<625x8x5000xi32, #tpu.memory_space<hbm>>
    %dma_wait3A_3088 = arith.constant 0 : i32
    %dma_wait3A_3089 = arith.constant 0 : i32
    %dma_wait3A_3090 = arith.constant 0 : i32
    %dma_wait3A_3091 = tpu.memref_slice %dma_wait3A_3087[%dma_wait3A_3088, %dma_wait3A_3089, %dma_wait3A_3090] : memref<625x8x5000xi32, #tpu.memory_space<hbm>> -> memref<32x8x128xi32, #tpu.memory_space<hbm>>
    %dma_wait3A_3092 = tpu.memref_reshape %arg4 : memref<5000x5000xi32, #tpu.memory_space<hbm>> -> memref<625x8x5000xi32, #tpu.memory_space<hbm>>
    %dma_wait3A_3093 = arith.constant 0 : i32
    %dma_wait3A_3094 = arith.constant 0 : i32
    %dma_wait3A_3095 = arith.constant 0 : i32
    %dma_wait3A_3096 = tpu.memref_slice %dma_wait3A_3092[%dma_wait3A_3093, %dma_wait3A_3094, %dma_wait3A_3095] : memref<625x8x5000xi32, #tpu.memory_space<hbm>> -> memref<32x8x128xi32, #tpu.memory_space<hbm>>
    tpu.wait_dma2 semaphore(%arg18 : memref<!tpu.dma_semaphore, #tpu.memory_space<semaphore_mem>>) src(%dma_wait3A_3096 : memref<32x8x128xi32, #tpu.memory_space<hbm>>) dst(%arg14 : memref<32x8x128xi32, #tpu.memory_space<vmem>>)
    %add3A_3097 = arith.constant 0 : i32
    %add3A_3098 = vector.broadcast %add3A_3097 : i32 to vector<16xi32>
    %add3A_3099 = arith.addi %iota3A, %add3A_3098 : vector<16xi32>
    %get3A_3100 = arith.constant 96 : index
    %get3A_3101 = tpu.vector_load %arg11[%get3A_3100] {strides = array<i32>} : memref<128xi32, #tpu.memory_space<vmem>>, vector<16xi32>,
    %get3A_3102 = arith.constant 96 : index
    %get3A_3103 = tpu.vector_load %arg12[%get3A_3102] {strides = array<i32>} : memref<128xi32, #tpu.memory_space<vmem>>, vector<16xi32>,
    %gather3A_3104 = tpu.vector_load_idx %arg14[%add3A_3099, %get3A_3101, %get3A_3103] : memref<32x8x128xi32, #tpu.memory_space<vmem>>[vector<16xi32>, vector<16xi32>, vector<16xi32>], vector<16xi32>,
    %swap3A_3105 = arith.constant 96 : index
    %swap3A_3106 = tpu.vector_load %arg15[%swap3A_3105] {strides = array<i32>} : memref<128xi32, #tpu.memory_space<vmem>>, vector<16xi32>,
    tpu.vector_store %arg15[%swap3A_3105], %gather3A_3104 {strides = array<i32>} : memref<128xi32, #tpu.memory_space<vmem>>, vector<16xi32>,
    %add3A_3107 = arith.constant 16 : i32
    %add3A_3108 = vector.broadcast %add3A_3107 : i32 to vector<16xi32>
    %add3A_3109 = arith.addi %iota3A, %add3A_3108 : vector<16xi32>
    %get3A_3110 = arith.constant 112 : index
    %get3A_3111 = tpu.vector_load %arg11[%get3A_3110] {strides = array<i32>} : memref<128xi32, #tpu.memory_space<vmem>>, vector<16xi32>,
    %get3A_3112 = arith.constant 112 : index
    %get3A_3113 = tpu.vector_load %arg12[%get3A_3112] {strides = array<i32>} : memref<128xi32, #tpu.memory_space<vmem>>, vector<16xi32>,
    %gather3A_3114 = tpu.vector_load_idx %arg14[%add3A_3109, %get3A_3111, %get3A_3113] : memref<32x8x128xi32, #tpu.memory_space<vmem>>[vector<16xi32>, vector<16xi32>, vector<16xi32>], vector<16xi32>,
    %swap3A_3115 = arith.constant 112 : index
    %swap3A_3116 = tpu.vector_load %arg15[%swap3A_3115] {strides = array<i32>} : memref<128xi32, #tpu.memory_space<vmem>>, vector<16xi32>,
    tpu.vector_store %arg15[%swap3A_3115], %gather3A_3114 {strides = array<i32>} : memref<128xi32, #tpu.memory_space<vmem>>, vector<16xi32>,
    "tpu.region"() ({
      %run_scoped3A = tpu.sem_alloc : memref<!tpu.dma_semaphore, #tpu.memory_space<semaphore_mem>>
      %dma_start3A_3120 = tpu.memref_slice %arg6[%mul3A_2] : memref<4096xi32, #tpu.memory_space<hbm>> -> memref<128xi32, #tpu.memory_space<hbm>>
      %dma_start3A_3121 = tpu.memref_slice %arg6[%mul3A_2] : memref<4096xi32, #tpu.memory_space<hbm>> -> memref<128xi32, #tpu.memory_space<hbm>>
      tpu.enqueue_dma source(%arg15 : memref<128xi32, #tpu.memory_space<vmem>>) target(%dma_start3A_3121 : memref<128xi32, #tpu.memory_space<hbm>>) target_semaphore(%run_scoped3A : memref<!tpu.dma_semaphore, #tpu.memory_space<semaphore_mem>>)
      %dma_wait3A_3122 = tpu.memref_slice %arg6[%mul3A_2] : memref<4096xi32, #tpu.memory_space<hbm>> -> memref<128xi32, #tpu.memory_space<hbm>>
      %dma_wait3A_3123 = tpu.memref_slice %arg6[%mul3A_2] : memref<4096xi32, #tpu.memory_space<hbm>> -> memref<128xi32, #tpu.memory_space<hbm>>
      tpu.wait_dma2 semaphore(%run_scoped3A : memref<!tpu.dma_semaphore, #tpu.memory_space<semaphore_mem>>) src(%arg15 : memref<128xi32, #tpu.memory_space<vmem>>) dst(%dma_wait3A_3123 : memref<128xi32, #tpu.memory_space<hbm>>)
      tpu.yield
    }) : () -> ()
    %dma_wait3A_3117 = arith.constant 0 : i32
    %dma_wait3A_3118 = arith.constant 0 : i32
    %dma_wait3A_3119 = tpu.memref_slice %arg5[%dma_wait3A_3117, %dma_wait3A_3118] : memref<5001x128xf32, #tpu.memory_space<hbm>> -> memref<5001x128xf32, #tpu.memory_space<hbm>>
    tpu.wait_indirect_dma semaphore(%arg19 : memref<!tpu.dma_semaphore, #tpu.memory_space<semaphore_mem>>) src(%dma_wait3A_3119 : memref<5001x128xf32, #tpu.memory_space<hbm>>) dst(%arg16 : memref<128x128xf32, #tpu.memory_space<vmem>>)
    "tpu.region"() ({
      %run_scoped3A = tpu.sem_alloc : memref<!tpu.dma_semaphore, #tpu.memory_space<semaphore_mem>>
      %dma_start3A_3120 = arith.constant 0 : i32
      %dma_start3A_3121 = tpu.memref_slice %arg7[%mul3A_2, %dma_start3A_3120] : memref<4096x128xf32, #tpu.memory_space<hbm>> -> memref<128x128xf32, #tpu.memory_space<hbm>>
      %dma_start3A_3122 = arith.constant 0 : i32
      %dma_start3A_3123 = tpu.memref_slice %arg7[%mul3A_2, %dma_start3A_3122] : memref<4096x128xf32, #tpu.memory_space<hbm>> -> memref<128x128xf32, #tpu.memory_space<hbm>>
      tpu.enqueue_dma source(%arg16 : memref<128x128xf32, #tpu.memory_space<vmem>>) target(%dma_start3A_3123 : memref<128x128xf32, #tpu.memory_space<hbm>>) target_semaphore(%run_scoped3A : memref<!tpu.dma_semaphore, #tpu.memory_space<semaphore_mem>>)
      %dma_wait3A_3124 = arith.constant 0 : i32
      %dma_wait3A_3125 = tpu.memref_slice %arg7[%mul3A_2, %dma_wait3A_3124] : memref<4096x128xf32, #tpu.memory_space<hbm>> -> memref<128x128xf32, #tpu.memory_space<hbm>>
      %dma_wait3A_3126 = arith.constant 0 : i32
      %dma_wait3A_3127 = tpu.memref_slice %arg7[%mul3A_2, %dma_wait3A_3126] : memref<4096x128xf32, #tpu.memory_space<hbm>> -> memref<128x128xf32, #tpu.memory_space<hbm>>
      tpu.wait_dma2 semaphore(%run_scoped3A : memref<!tpu.dma_semaphore, #tpu.memory_space<semaphore_mem>>) src(%arg16 : memref<128x128xf32, #tpu.memory_space<vmem>>) dst(%dma_wait3A_3127 : memref<128x128xf32, #tpu.memory_space<hbm>>)
      tpu.yield
    }) : () -> ()
    return
  }
}

module attributes {stable_mosaic.version = 14 : i64} {
  func.func @_tail_body(%arg0: memref<5000x64xf32, #tpu.memory_space<vmem>>, %arg1: memref<8x64xf32, #tpu.memory_space<vmem>>, %arg2: memref<8x64x5000xf32, #tpu.memory_space<vmem>>) attributes {dimension_semantics = [], scalar_prefetch = 0 : i64, scratch_operands = 0 : i64, tpu.core_type = #tpu.core_type<tc>} {
    %get3A = arith.constant 0 : index
    %get3A_0 = arith.constant 0 : index
    %get3A_1 = vector.load %arg0[%get3A, %get3A_0] : memref<5000x64xf32, #tpu.memory_space<vmem>>, vector<5000x64xf32>
    %transpose3A = tpu.transpose %get3A_1, [1, 0] : vector<5000x64xf32> -> vector<64x5000xf32>
    %get3A_2 = arith.constant 0 : index
    %get3A_3 = arith.constant 0 : index
    %get3A_4 = vector.load %arg1[%get3A_2, %get3A_3] : memref<8x64xf32, #tpu.memory_space<vmem>>, vector<1x64xf32>
    %transpose3A_5 = tpu.transpose %get3A_4, [1, 0] : vector<1x64xf32> -> vector<64x1xf32>
    %mul3A = vector.broadcast %transpose3A_5 : vector<64x1xf32> to vector<64x5000xf32>
    %mul3A_6 = arith.mulf %transpose3A, %mul3A : vector<64x5000xf32>
    %reduce_sum3A = arith.constant dense<0.000000e+00> : vector<5000xf32>
    %reduce_sum3A_7 = vector.multi_reduction <add>, %mul3A_6, %reduce_sum3A [0] : vector<64x5000xf32> to vector<5000xf32>
    %broadcast_in_dim3A = vector.shape_cast %reduce_sum3A_7 : vector<5000xf32> to vector<1x5000xf32>
    %mul3A_8 = vector.broadcast %transpose3A_5 : vector<64x1xf32> to vector<64x5000xf32>
    %mul3A_9 = vector.broadcast %broadcast_in_dim3A : vector<1x5000xf32> to vector<64x5000xf32>
    %mul3A_10 = arith.mulf %mul3A_8, %mul3A_9 : vector<64x5000xf32>
    %sub3A = arith.subf %transpose3A, %mul3A_10 : vector<64x5000xf32>
    %swap3A = arith.constant 0 : index
    %swap3A_11 = arith.constant 0 : index
    %swap3A_12 = arith.constant 0 : index
    %swap3A_13 = vector.load %arg2[%swap3A, %swap3A_11, %swap3A_12] : memref<8x64x5000xf32, #tpu.memory_space<vmem>>, vector<1x64x5000xf32>
    %swap3A_14 = vector.shape_cast %swap3A_13 : vector<1x64x5000xf32> to vector<64x5000xf32>
    %swap3A_15 = vector.shape_cast %sub3A : vector<64x5000xf32> to vector<1x64x5000xf32>
    tpu.vector_store %arg2[%swap3A, %swap3A_11, %swap3A_12], %swap3A_15 {strides = array<i32>} : memref<8x64x5000xf32, #tpu.memory_space<vmem>>, vector<1x64x5000xf32>,
    %get3A_16 = arith.constant 1 : index
    %get3A_17 = arith.constant 0 : index
    %get3A_18 = vector.load %arg1[%get3A_16, %get3A_17] : memref<8x64xf32, #tpu.memory_space<vmem>>, vector<1x64xf32>
    %transpose3A_19 = tpu.transpose %get3A_18, [1, 0] : vector<1x64xf32> -> vector<64x1xf32>
    %mul3A_20 = vector.broadcast %transpose3A_19 : vector<64x1xf32> to vector<64x5000xf32>
    %mul3A_21 = arith.mulf %transpose3A, %mul3A_20 : vector<64x5000xf32>
    %reduce_sum3A_22 = arith.constant dense<0.000000e+00> : vector<5000xf32>
    %reduce_sum3A_23 = vector.multi_reduction <add>, %mul3A_21, %reduce_sum3A_22 [0] : vector<64x5000xf32> to vector<5000xf32>
    %broadcast_in_dim3A_24 = vector.shape_cast %reduce_sum3A_23 : vector<5000xf32> to vector<1x5000xf32>
    %mul3A_25 = vector.broadcast %transpose3A_19 : vector<64x1xf32> to vector<64x5000xf32>
    %mul3A_26 = vector.broadcast %broadcast_in_dim3A_24 : vector<1x5000xf32> to vector<64x5000xf32>
    %mul3A_27 = arith.mulf %mul3A_25, %mul3A_26 : vector<64x5000xf32>
    %sub3A_28 = arith.subf %transpose3A, %mul3A_27 : vector<64x5000xf32>
    %swap3A_29 = arith.constant 1 : index
    %swap3A_30 = arith.constant 0 : index
    %swap3A_31 = arith.constant 0 : index
    %swap3A_32 = vector.load %arg2[%swap3A_29, %swap3A_30, %swap3A_31] : memref<8x64x5000xf32, #tpu.memory_space<vmem>>, vector<1x64x5000xf32>
    %swap3A_33 = vector.shape_cast %swap3A_32 : vector<1x64x5000xf32> to vector<64x5000xf32>
    %swap3A_34 = vector.shape_cast %sub3A_28 : vector<64x5000xf32> to vector<1x64x5000xf32>
    tpu.vector_store %arg2[%swap3A_29, %swap3A_30, %swap3A_31], %swap3A_34 {strides = array<i32>} : memref<8x64x5000xf32, #tpu.memory_space<vmem>>, vector<1x64x5000xf32>,
    %get3A_35 = arith.constant 2 : index
    %get3A_36 = arith.constant 0 : index
    %get3A_37 = vector.load %arg1[%get3A_35, %get3A_36] : memref<8x64xf32, #tpu.memory_space<vmem>>, vector<1x64xf32>
    %transpose3A_38 = tpu.transpose %get3A_37, [1, 0] : vector<1x64xf32> -> vector<64x1xf32>
    %mul3A_39 = vector.broadcast %transpose3A_38 : vector<64x1xf32> to vector<64x5000xf32>
    %mul3A_40 = arith.mulf %transpose3A, %mul3A_39 : vector<64x5000xf32>
    %reduce_sum3A_41 = arith.constant dense<0.000000e+00> : vector<5000xf32>
    %reduce_sum3A_42 = vector.multi_reduction <add>, %mul3A_40, %reduce_sum3A_41 [0] : vector<64x5000xf32> to vector<5000xf32>
    %broadcast_in_dim3A_43 = vector.shape_cast %reduce_sum3A_42 : vector<5000xf32> to vector<1x5000xf32>
    %mul3A_44 = vector.broadcast %transpose3A_38 : vector<64x1xf32> to vector<64x5000xf32>
    %mul3A_45 = vector.broadcast %broadcast_in_dim3A_43 : vector<1x5000xf32> to vector<64x5000xf32>
    %mul3A_46 = arith.mulf %mul3A_44, %mul3A_45 : vector<64x5000xf32>
    %sub3A_47 = arith.subf %transpose3A, %mul3A_46 : vector<64x5000xf32>
    %swap3A_48 = arith.constant 2 : index
    %swap3A_49 = arith.constant 0 : index
    %swap3A_50 = arith.constant 0 : index
    %swap3A_51 = vector.load %arg2[%swap3A_48, %swap3A_49, %swap3A_50] : memref<8x64x5000xf32, #tpu.memory_space<vmem>>, vector<1x64x5000xf32>
    %swap3A_52 = vector.shape_cast %swap3A_51 : vector<1x64x5000xf32> to vector<64x5000xf32>
    %swap3A_53 = vector.shape_cast %sub3A_47 : vector<64x5000xf32> to vector<1x64x5000xf32>
    tpu.vector_store %arg2[%swap3A_48, %swap3A_49, %swap3A_50], %swap3A_53 {strides = array<i32>} : memref<8x64x5000xf32, #tpu.memory_space<vmem>>, vector<1x64x5000xf32>,
    %get3A_54 = arith.constant 3 : index
    %get3A_55 = arith.constant 0 : index
    %get3A_56 = vector.load %arg1[%get3A_54, %get3A_55] : memref<8x64xf32, #tpu.memory_space<vmem>>, vector<1x64xf32>
    %transpose3A_57 = tpu.transpose %get3A_56, [1, 0] : vector<1x64xf32> -> vector<64x1xf32>
    %mul3A_58 = vector.broadcast %transpose3A_57 : vector<64x1xf32> to vector<64x5000xf32>
    %mul3A_59 = arith.mulf %transpose3A, %mul3A_58 : vector<64x5000xf32>
    %reduce_sum3A_60 = arith.constant dense<0.000000e+00> : vector<5000xf32>
    %reduce_sum3A_61 = vector.multi_reduction <add>, %mul3A_59, %reduce_sum3A_60 [0] : vector<64x5000xf32> to vector<5000xf32>
    %broadcast_in_dim3A_62 = vector.shape_cast %reduce_sum3A_61 : vector<5000xf32> to vector<1x5000xf32>
    %mul3A_63 = vector.broadcast %transpose3A_57 : vector<64x1xf32> to vector<64x5000xf32>
    %mul3A_64 = vector.broadcast %broadcast_in_dim3A_62 : vector<1x5000xf32> to vector<64x5000xf32>
    %mul3A_65 = arith.mulf %mul3A_63, %mul3A_64 : vector<64x5000xf32>
    %sub3A_66 = arith.subf %transpose3A, %mul3A_65 : vector<64x5000xf32>
    %swap3A_67 = arith.constant 3 : index
    %swap3A_68 = arith.constant 0 : index
    %swap3A_69 = arith.constant 0 : index
    %swap3A_70 = vector.load %arg2[%swap3A_67, %swap3A_68, %swap3A_69] : memref<8x64x5000xf32, #tpu.memory_space<vmem>>, vector<1x64x5000xf32>
    %swap3A_71 = vector.shape_cast %swap3A_70 : vector<1x64x5000xf32> to vector<64x5000xf32>
    %swap3A_72 = vector.shape_cast %sub3A_66 : vector<64x5000xf32> to vector<1x64x5000xf32>
    tpu.vector_store %arg2[%swap3A_67, %swap3A_68, %swap3A_69], %swap3A_72 {strides = array<i32>} : memref<8x64x5000xf32, #tpu.memory_space<vmem>>, vector<1x64x5000xf32>,
    %get3A_73 = arith.constant 4 : index
    %get3A_74 = arith.constant 0 : index
    %get3A_75 = vector.load %arg1[%get3A_73, %get3A_74] : memref<8x64xf32, #tpu.memory_space<vmem>>, vector<1x64xf32>
    %transpose3A_76 = tpu.transpose %get3A_75, [1, 0] : vector<1x64xf32> -> vector<64x1xf32>
    %mul3A_77 = vector.broadcast %transpose3A_76 : vector<64x1xf32> to vector<64x5000xf32>
    %mul3A_78 = arith.mulf %transpose3A, %mul3A_77 : vector<64x5000xf32>
    %reduce_sum3A_79 = arith.constant dense<0.000000e+00> : vector<5000xf32>
    %reduce_sum3A_80 = vector.multi_reduction <add>, %mul3A_78, %reduce_sum3A_79 [0] : vector<64x5000xf32> to vector<5000xf32>
    %broadcast_in_dim3A_81 = vector.shape_cast %reduce_sum3A_80 : vector<5000xf32> to vector<1x5000xf32>
    %mul3A_82 = vector.broadcast %transpose3A_76 : vector<64x1xf32> to vector<64x5000xf32>
    %mul3A_83 = vector.broadcast %broadcast_in_dim3A_81 : vector<1x5000xf32> to vector<64x5000xf32>
    %mul3A_84 = arith.mulf %mul3A_82, %mul3A_83 : vector<64x5000xf32>
    %sub3A_85 = arith.subf %transpose3A, %mul3A_84 : vector<64x5000xf32>
    %swap3A_86 = arith.constant 4 : index
    %swap3A_87 = arith.constant 0 : index
    %swap3A_88 = arith.constant 0 : index
    %swap3A_89 = vector.load %arg2[%swap3A_86, %swap3A_87, %swap3A_88] : memref<8x64x5000xf32, #tpu.memory_space<vmem>>, vector<1x64x5000xf32>
    %swap3A_90 = vector.shape_cast %swap3A_89 : vector<1x64x5000xf32> to vector<64x5000xf32>
    %swap3A_91 = vector.shape_cast %sub3A_85 : vector<64x5000xf32> to vector<1x64x5000xf32>
    tpu.vector_store %arg2[%swap3A_86, %swap3A_87, %swap3A_88], %swap3A_91 {strides = array<i32>} : memref<8x64x5000xf32, #tpu.memory_space<vmem>>, vector<1x64x5000xf32>,
    %get3A_92 = arith.constant 5 : index
    %get3A_93 = arith.constant 0 : index
    %get3A_94 = vector.load %arg1[%get3A_92, %get3A_93] : memref<8x64xf32, #tpu.memory_space<vmem>>, vector<1x64xf32>
    %transpose3A_95 = tpu.transpose %get3A_94, [1, 0] : vector<1x64xf32> -> vector<64x1xf32>
    %mul3A_96 = vector.broadcast %transpose3A_95 : vector<64x1xf32> to vector<64x5000xf32>
    %mul3A_97 = arith.mulf %transpose3A, %mul3A_96 : vector<64x5000xf32>
    %reduce_sum3A_98 = arith.constant dense<0.000000e+00> : vector<5000xf32>
    %reduce_sum3A_99 = vector.multi_reduction <add>, %mul3A_97, %reduce_sum3A_98 [0] : vector<64x5000xf32> to vector<5000xf32>
    %broadcast_in_dim3A_100 = vector.shape_cast %reduce_sum3A_99 : vector<5000xf32> to vector<1x5000xf32>
    %mul3A_101 = vector.broadcast %transpose3A_95 : vector<64x1xf32> to vector<64x5000xf32>
    %mul3A_102 = vector.broadcast %broadcast_in_dim3A_100 : vector<1x5000xf32> to vector<64x5000xf32>
    %mul3A_103 = arith.mulf %mul3A_101, %mul3A_102 : vector<64x5000xf32>
    %sub3A_104 = arith.subf %transpose3A, %mul3A_103 : vector<64x5000xf32>
    %swap3A_105 = arith.constant 5 : index
    %swap3A_106 = arith.constant 0 : index
    %swap3A_107 = arith.constant 0 : index
    %swap3A_108 = vector.load %arg2[%swap3A_105, %swap3A_106, %swap3A_107] : memref<8x64x5000xf32, #tpu.memory_space<vmem>>, vector<1x64x5000xf32>
    %swap3A_109 = vector.shape_cast %swap3A_108 : vector<1x64x5000xf32> to vector<64x5000xf32>
    %swap3A_110 = vector.shape_cast %sub3A_104 : vector<64x5000xf32> to vector<1x64x5000xf32>
    tpu.vector_store %arg2[%swap3A_105, %swap3A_106, %swap3A_107], %swap3A_110 {strides = array<i32>} : memref<8x64x5000xf32, #tpu.memory_space<vmem>>, vector<1x64x5000xf32>,
    %get3A_111 = arith.constant 6 : index
    %get3A_112 = arith.constant 0 : index
    %get3A_113 = vector.load %arg1[%get3A_111, %get3A_112] : memref<8x64xf32, #tpu.memory_space<vmem>>, vector<1x64xf32>
    %transpose3A_114 = tpu.transpose %get3A_113, [1, 0] : vector<1x64xf32> -> vector<64x1xf32>
    %mul3A_115 = vector.broadcast %transpose3A_114 : vector<64x1xf32> to vector<64x5000xf32>
    %mul3A_116 = arith.mulf %transpose3A, %mul3A_115 : vector<64x5000xf32>
    %reduce_sum3A_117 = arith.constant dense<0.000000e+00> : vector<5000xf32>
    %reduce_sum3A_118 = vector.multi_reduction <add>, %mul3A_116, %reduce_sum3A_117 [0] : vector<64x5000xf32> to vector<5000xf32>
    %broadcast_in_dim3A_119 = vector.shape_cast %reduce_sum3A_118 : vector<5000xf32> to vector<1x5000xf32>
    %mul3A_120 = vector.broadcast %transpose3A_114 : vector<64x1xf32> to vector<64x5000xf32>
    %mul3A_121 = vector.broadcast %broadcast_in_dim3A_119 : vector<1x5000xf32> to vector<64x5000xf32>
    %mul3A_122 = arith.mulf %mul3A_120, %mul3A_121 : vector<64x5000xf32>
    %sub3A_123 = arith.subf %transpose3A, %mul3A_122 : vector<64x5000xf32>
    %swap3A_124 = arith.constant 6 : index
    %swap3A_125 = arith.constant 0 : index
    %swap3A_126 = arith.constant 0 : index
    %swap3A_127 = vector.load %arg2[%swap3A_124, %swap3A_125, %swap3A_126] : memref<8x64x5000xf32, #tpu.memory_space<vmem>>, vector<1x64x5000xf32>
    %swap3A_128 = vector.shape_cast %swap3A_127 : vector<1x64x5000xf32> to vector<64x5000xf32>
    %swap3A_129 = vector.shape_cast %sub3A_123 : vector<64x5000xf32> to vector<1x64x5000xf32>
    tpu.vector_store %arg2[%swap3A_124, %swap3A_125, %swap3A_126], %swap3A_129 {strides = array<i32>} : memref<8x64x5000xf32, #tpu.memory_space<vmem>>, vector<1x64x5000xf32>,
    %get3A_130 = arith.constant 7 : index
    %get3A_131 = arith.constant 0 : index
    %get3A_132 = vector.load %arg1[%get3A_130, %get3A_131] : memref<8x64xf32, #tpu.memory_space<vmem>>, vector<1x64xf32>
    %transpose3A_133 = tpu.transpose %get3A_132, [1, 0] : vector<1x64xf32> -> vector<64x1xf32>
    %mul3A_134 = vector.broadcast %transpose3A_133 : vector<64x1xf32> to vector<64x5000xf32>
    %mul3A_135 = arith.mulf %transpose3A, %mul3A_134 : vector<64x5000xf32>
    %reduce_sum3A_136 = arith.constant dense<0.000000e+00> : vector<5000xf32>
    %reduce_sum3A_137 = vector.multi_reduction <add>, %mul3A_135, %reduce_sum3A_136 [0] : vector<64x5000xf32> to vector<5000xf32>
    %broadcast_in_dim3A_138 = vector.shape_cast %reduce_sum3A_137 : vector<5000xf32> to vector<1x5000xf32>
    %mul3A_139 = vector.broadcast %transpose3A_133 : vector<64x1xf32> to vector<64x5000xf32>
    %mul3A_140 = vector.broadcast %broadcast_in_dim3A_138 : vector<1x5000xf32> to vector<64x5000xf32>
    %mul3A_141 = arith.mulf %mul3A_139, %mul3A_140 : vector<64x5000xf32>
    %sub3A_142 = arith.subf %transpose3A, %mul3A_141 : vector<64x5000xf32>
    %swap3A_143 = arith.constant 7 : index
    %swap3A_144 = arith.constant 0 : index
    %swap3A_145 = arith.constant 0 : index
    %swap3A_146 = vector.load %arg2[%swap3A_143, %swap3A_144, %swap3A_145] : memref<8x64x5000xf32, #tpu.memory_space<vmem>>, vector<1x64x5000xf32>
    %swap3A_147 = vector.shape_cast %swap3A_146 : vector<1x64x5000xf32> to vector<64x5000xf32>
    %swap3A_148 = vector.shape_cast %sub3A_142 : vector<64x5000xf32> to vector<1x64x5000xf32>
    tpu.vector_store %arg2[%swap3A_143, %swap3A_144, %swap3A_145], %swap3A_148 {strides = array<i32>} : memref<8x64x5000xf32, #tpu.memory_space<vmem>>, vector<1x64x5000xf32>,
    return
  }
}

module attributes {stable_mosaic.version = 14 : i64} {
  func.func @_proj_body(%arg0: memref<1x4096xi32, #tpu.memory_space<vmem>>, %arg1: memref<4096x128xf32, #tpu.memory_space<vmem>>, %arg2: memref<64x8xf32, #tpu.memory_space<vmem>>, %arg3: memref<64x8xf32, #tpu.memory_space<vmem>>, %arg4: memref<64x4096xf32, #tpu.memory_space<vmem>>, %arg5: memref<64x4096xf32, #tpu.memory_space<vmem>>) attributes {dimension_semantics = [], scalar_prefetch = 0 : i64, scratch_operands = 0 : i64, tpu.core_type = #tpu.core_type<tc>} {
    %get3A = arith.constant 0 : index
    %get3A_0 = arith.constant 0 : index
    %get3A_1 = vector.load %arg0[%get3A, %get3A_0] : memref<1x4096xi32, #tpu.memory_space<vmem>>, vector<1x4096xi32>
    %iota3A = tpu.iota {dimensions = array<i32: 0>} : vector<8x4096xi32>
    %eq3A = vector.broadcast %get3A_1 : vector<1x4096xi32> to vector<8x4096xi32>
    %eq3A_2 = arith.cmpi eq, %iota3A, %eq3A : vector<8x4096xi32>
    %convert_element_type3A = arith.extui %eq3A_2 : vector<8x4096xi1> to vector<8x4096xi32>
    %convert_element_type3A_3 = arith.sitofp %convert_element_type3A : vector<8x4096xi32> to vector<8x4096xf32>
    %get3A_4 = arith.constant 0 : index
    %get3A_5 = arith.constant 0 : index
    %get3A_6 = vector.load %arg3[%get3A_4, %get3A_5] : memref<64x8xf32, #tpu.memory_space<vmem>>, vector<64x8xf32>
    %dot_general3A = arith.constant dense<0.000000e+00> : vector<64x4096xf32>
    %dot_general3A_7 = tpu.matmul %get3A_6, %convert_element_type3A_3, %dot_general3A {dimension_numbers = #tpu.dot_dimension_numbers<[1], [0], [0], [1], [0, 0, 1, 1], [], []>, transpose_lhs_hint = false} : vector<64x8xf32>, vector<8x4096xf32>, vector<64x4096xf32> -> vector<64x4096xf32>
    %get3A_8 = arith.constant 0 : index
    %get3A_9 = arith.constant 0 : index
    %get3A_10 = vector.load %arg2[%get3A_8, %get3A_9] : memref<64x8xf32, #tpu.memory_space<vmem>>, vector<64x8xf32>
    %dot_general3A_11 = arith.constant dense<0.000000e+00> : vector<64x4096xf32>
    %dot_general3A_12 = tpu.matmul %get3A_10, %convert_element_type3A_3, %dot_general3A_11 {dimension_numbers = #tpu.dot_dimension_numbers<[1], [0], [0], [1], [0, 0, 1, 1], [], []>, transpose_lhs_hint = false} : vector<64x8xf32>, vector<8x4096xf32>, vector<64x4096xf32> -> vector<64x4096xf32>
    %get3A_13 = arith.constant 0 : index
    %get3A_14 = arith.constant 0 : index
    %get3A_15 = vector.load %arg1[%get3A_13, %get3A_14] : memref<4096x128xf32, #tpu.memory_space<vmem>>, vector<4096x64xf32>
    %transpose3A = tpu.transpose %get3A_15, [1, 0] : vector<4096x64xf32> -> vector<64x4096xf32>
    %mul3A = arith.mulf %transpose3A, %dot_general3A_7 : vector<64x4096xf32>
    %reduce_sum3A = arith.constant dense<0.000000e+00> : vector<4096xf32>
    %reduce_sum3A_16 = vector.multi_reduction <add>, %mul3A, %reduce_sum3A [0] : vector<64x4096xf32> to vector<4096xf32>
    %broadcast_in_dim3A = vector.shape_cast %reduce_sum3A_16 : vector<4096xf32> to vector<1x4096xf32>
    %mul3A_17 = vector.broadcast %broadcast_in_dim3A : vector<1x4096xf32> to vector<64x4096xf32>
    %mul3A_18 = arith.mulf %dot_general3A_7, %mul3A_17 : vector<64x4096xf32>
    %sub3A = arith.subf %transpose3A, %mul3A_18 : vector<64x4096xf32>
    %swap3A = arith.constant 0 : index
    %swap3A_19 = arith.constant 0 : index
    %swap3A_20 = vector.load %arg4[%swap3A, %swap3A_19] : memref<64x4096xf32, #tpu.memory_space<vmem>>, vector<64x4096xf32>
    tpu.vector_store %arg4[%swap3A, %swap3A_19], %sub3A {strides = array<i32>} : memref<64x4096xf32, #tpu.memory_space<vmem>>, vector<64x4096xf32>,
    %swap3A_21 = arith.constant 0 : index
    %swap3A_22 = arith.constant 0 : index
    %swap3A_23 = vector.load %arg5[%swap3A_21, %swap3A_22] : memref<64x4096xf32, #tpu.memory_space<vmem>>, vector<64x4096xf32>
    tpu.vector_store %arg5[%swap3A_21, %swap3A_22], %dot_general3A_12 {strides = array<i32>} : memref<64x4096xf32, #tpu.memory_space<vmem>>, vector<64x4096xf32>,
    return
  }
}

</mosaic_0001>

<sc_bundles>
// kernel: kernel.5.cloned.1.call-start
scs
__scs_entry_jumppad:
0x0: {  	(pc) =	sbr.rel $0x88, $3  }
0x1: {  	(tag) =	ssettag $0x0;
	lr =	simm.s32 $0x1  }
0x2: {  	[smem:$0x3F9B] =	sst lr;
	_ =	strace $0xD0000000  }
0x3: {  	_ = 	snop  }
0x4: {  	_ = 	snop  }
0x5: {  	_ = 	snop  }
0x6: {  	_ = 	snop  }
0x7: {  	_ = 	snop  }
__scs_overlays_trampoline_lowered:
0x8: {  	[smem:$0x3FAA] =	sst s0  }
0x9: {  	[smem:$0x3FAB] =	sst s1  }
0xa: {  	[smem:$0x3FAC] =	sst s2  }
0xb: {  	[smem:$0x3FAD] =	sst s3  }
0xc: {  	[smem:$0x3FAE] =	sst s4  }
0xd: {  	[smem:$0x3FAF] =	sst s5  }
0xe: {  	[smem:$0x3FB0] =	sst s6  }
0xf: {  	[smem:$0x3FB1] =	sst s7  }
0x10: {  	[smem:$0x3FB2] =	sst s8  }
0x11: {  	[smem:$0x3FB3] =	sst s9;
	s0 =	simm.s32 @!p0 $0x0  }
0x12: {  	s1 =	sld [smem:$0x3F99];
	s0 =	simm.s32 @p0 $0x1  }
0x13: {  	[smem:$0x3FB4] =	sst s0;
	s0 =	simm.s32 @!p1 $0x0  }
0x14: {  	s2 =	sld [smem:$0x3F98];
	s0 =	simm.s32 @p1 $0x1  }
0x15: {  	[smem:$0x3FB5] =	sst s0;
	s0 =	simm.s32 @!p2 $0x0  }
0x16: {  	s3 =	sld [smem:$0x3FDB];
	s0 =	simm.s32 @p2 $0x1  }
0x17: {  	s4 =	simm.s32 $0x1BF5;
	[smem:$0x3FB7] =	sst s0  }
0x18: {  	s0 =	sld [smem:$0x3F9A];
	_ =	swait.ge [sflag:s4], $0x0  }
0x19: {  	s7 =	sld [smem:$0x3F9B]  }
0x1a: {  	s8 =	sadd.s32 $0xFFFFE003, lr  }
0x1b: {  	s9 =	sadd.s32 $0xFFFFFEF7, lr;
	s5 =	simm.s32 $0xFFFFFFFF;
	p2 =	slt.u32 s8, $0xFFFFF086  }
0x1c: {  	p1 =	slt.u32 s9, $0xF7A;
	s5 =	simm.s32 @!p2 $0x0  }
0x1d: {  	s5 =	simm.s32 @p1 $0x1;
	p0 =	seq.s32 s7, s2  }
0x1e: {  	s7 =	smul.u32 @!p0 $0xF7A, s2;
	p2 =	seq.s32 @!p0 s5, $0x0  }
0x1f: {  	s9 =	smul.u32 $0xF7A, s1;
	s8 =	simm.s32 @!p0 $0x1BF5;
	p2 =	por !p2, p0  }
0x20: {  	[sflag:s8] =	ssyncset.s32 @!p0 $0xFFFFF086;
	s6 =	sadd.s32 @!p0 s3, s7;
	s7 =	simm.s32 @!p0 $0x108  }
0x21: {  	s3 =	sadd.s32 s3, s9;
	s6 =	sadd.s32 @!p0 $0x88, s6;
	s7 =	simm.s32 @p2 $0x1082  }
0x22: {  	[simem:s7], [sflag:s8] =	dma.local @!p0 [hbm:s6], $0xF7A  }
0x23: {  	s9 =	sor.u32 $0xD0000000, s2;
	s6 =	simm.s32 $0x108;
	_ =	swait.ge @!p0 [sflag:s8], $0x0  }
0x24: {  	s3 =	sadd.s32 $0x88, s3;
	s6 =	simm.s32 @!p1 $0x1082;
	[sflag:s4] =	ssyncset.s32 $0xFFFFF086  }
0x25: {  	[simem:s6], [sflag:s4] =	dma.local [hbm:s3], $0xF7A  }
0x26: {  	[smem:$0x3F9B] =	sst s1;
	(tag) =	ssettag s2;
	_ =	strace s9  }
0x27: {  	s1 =	sld [smem:$0x3FAB]  }
0x28: {  	s2 =	sld [smem:$0x3FAC]  }
0x29: {  	s4 =	sld [smem:$0x3FAE]  }
0x2a: {  	p0 =	seq.s32 s5, $0x0;
	s5 =	sld [smem:$0x3FAF]  }
0x2b: {  	s6 =	sld [smem:$0x3FB0]  }
0x2c: {  	s7 =	sld [smem:$0x3FB1]  }
0x2d: {  	s3 =	simm.s32 $0x108;
	s8 =	sld [smem:$0x3FB2]  }
0x2e: {  	s3 =	simm.s32 @!p0 $0x1082;
	s9 =	sld [smem:$0x3FB3]  }
0x2f: {  	lr =	sadd.s32 s0, s3;
	s0 =	sld [smem:$0x3FAA]  }
0x30: {  	s3 =	sld [smem:$0x3FAD]  }
0x31: {  	[smem:$0x3FB6] =	sst s10  }
0x32: {  	s10 =	sld [smem:$0x3FB4];
	_ =	sdelay $0x3  }
0x33: {  	p0 =	seq.s32 s10, $0x1;
	s10 =	sld [smem:$0x3FB6];
	_ =	sdelay $0x3  }
0x34: {  	[smem:$0x3FB6] =	sst s10  }
0x35: {  	s10 =	sld [smem:$0x3FB5];
	_ =	sdelay $0x3  }
0x36: {  	p1 =	seq.s32 s10, $0x1;
	s10 =	sld [smem:$0x3FB6];
	_ =	sdelay $0x3  }
0x37: {  	[smem:$0x3FB6] =	sst s10  }
0x38: {  	s10 =	sld [smem:$0x3FB7]  }
0x39: {  	_ = 	snop;
	(pc) =	sbr.ind lr, $3  }
0x3a: {  	_ = 	snop  }
0x3b: {  	_ = 	snop  }
0x3c: {  	p2 =	seq.s32 s10, $0x1;
	s10 =	sld [smem:$0x3FB6]  }
0x3d: {  	_ =	shalt  }
0x3e: {  	_ =	shalt  }
0x3f: {  	_ =	shalt  }
0x40: {  	_ =	shalt  }
0x41: {  	_ =	shalt  }
0x42: {  	_ =	shalt  }
0x43: {  	_ =	shalt  }
0x44: {  	_ =	shalt  }
0x45: {  	_ =	shalt  }
0x46: {  	_ =	shalt  }
0x47: {  	_ =	shalt  }
0x48: {  	_ =	shalt  }
0x49: {  	_ =	shalt  }
0x4a: {  	_ =	shalt  }
0x4b: {  	_ =	shalt  }
0x4c: {  	_ =	shalt  }
0x4d: {  	_ =	shalt  }
0x4e: {  	_ =	shalt  }
0x4f: {  	_ =	shalt  }
0x50: {  	_ =	shalt  }
0x51: {  	_ =	shalt  }
0x52: {  	_ =	shalt  }
0x53: {  	_ =	shalt  }
0x54: {  	_ =	shalt  }
0x55: {  	_ =	shalt  }
0x56: {  	_ =	shalt  }
0x57: {  	_ =	shalt  }
0x58: {  	_ =	shalt  }
0x59: {  	_ =	shalt  }
0x5a: {  	_ =	shalt  }
0x5b: {  	_ =	shalt  }
0x5c: {  	_ =	shalt  }
0x5d: {  	_ =	shalt  }
0x5e: {  	_ =	shalt  }
0x5f: {  	_ =	shalt  }
0x60: {  	_ =	shalt  }
0x61: {  	_ =	shalt  }
0x62: {  	_ =	shalt  }
0x63: {  	_ =	shalt  }
0x64: {  	_ =	shalt  }
0x65: {  	_ =	shalt  }
0x66: {  	_ =	shalt  }
0x67: {  	_ =	shalt  }
0x68: {  	_ =	shalt  }
0x69: {  	_ =	shalt  }
0x6a: {  	_ =	shalt  }
0x6b: {  	_ =	shalt  }
0x6c: {  	_ =	shalt  }
0x6d: {  	_ =	shalt  }
0x6e: {  	_ =	shalt  }
0x6f: {  	_ =	shalt  }
0x70: {  	_ =	shalt  }
0x71: {  	_ =	shalt  }
0x72: {  	_ =	shalt  }
0x73: {  	_ =	shalt  }
0x74: {  	_ =	shalt  }
0x75: {  	_ =	shalt  }
0x76: {  	_ =	shalt  }
0x77: {  	_ =	shalt  }
0x78: {  	_ =	shalt  }
0x79: {  	_ =	shalt  }
0x7a: {  	_ =	shalt  }
0x7b: {  	_ =	shalt  }
0x7c: {  	_ =	shalt  }
0x7d: {  	_ =	shalt  }
0x7e: {  	_ =	shalt  }
0x7f: {  	_ =	shalt  }
0x80: {  	_ =	shalt  }
0x81: {  	_ =	shalt  }
0x82: {  	_ =	shalt  }
0x83: {  	_ =	shalt  }
0x84: {  	_ =	shalt  }
0x85: {  	_ =	shalt  }
0x86: {  	_ =	shalt  }
0x87: {  	_ =	shalt  }
.Lfunc_end0:
.L_simem_size_0:
called_computation_lowered:
.L_overlay_start_0:
0x88: {  	s2 =	sld [smem:$0x3FD9]  }
0x89: {  	s3 =	sld [smem:$0x3FFE];
	_ =	sdelay $0x1  }
0x8a: {  	s1 =	srdreg.scid  }
0x8b: {  	s0 =	sand.u32 $0x1, s1  }
0x8c: {  	s14 =	sshll.u32 s0, $0xA;
	s2 =	sadd.s32 s3, s2  }
0x8d: {  	s2 =	sadd.s32 s2, s14  }
0x8e: {  	[smem:$0x3FC2] =	sst s2  }
0x8f: {  	_ = 	snop  }
0x90: {  	s2 =	sld [smem:$0x3FD0];
	_ =	sdelay $0x1  }
0x91: {  	s15 =	sld [smem:$0x3FC8]  }
0x92: {  	s5 =	simm.s32 $0xA;
	s6 =	simm.s32 $0x10;
	s4 =	sld [smem:$0x3FC7]  }
0x93: {  	[smem:s6], [sflag:s5] =	dma.local [hbm:s2], $0x1  }
0x94: {  	_ =	swait.eq [sflag:s5], $0x1  }
0x95: {  	[sflag:s5] =	ssyncset.done $0x0  }
0x96: {  	s16 =	sld [smem:$0x10];
	[sflag:s5] =	ssyncadd.s32 $0xFFFFFFFF  }
0x97: {  	s17 =	sld [smem:$0x11];
	(tm) =	ssettm $0x1  }
0x98: {  	s18 =	sld [smem:$0x3FFB];
	_ =	sdelay $0x3  }
0x99: {  	_ =	strace s18  }
0x9a: {  	s6 =	sld [smem:$0x3FFC];
	_ =	sdelay $0x3  }
0x9b: {  	_ =	strace s6  }
0x9c: {  	s6 =	sld [smem:$0x3FFD];
	_ =	sdelay $0x3  }
0x9d: {  	_ =	strace s6  }
0x9e: {  	_ =	strace $0x8FFFFFFF  }
0x9f: {  	s19 =	sld [smem:$0x3FDB];
	_ =	sdelay $0x1  }
0xa0: {  	s7 =	simm.s32 $_scs_section_size  }
0xa1: {  	s8 =	simm.s32 $_size__tile_overlayer_lowered;
	s9 =	simm.s32 $_tile_overlayer_lowered  }
0xa2: {  	s22 =	simm.s32 $0x1BFF;
	s21 =	sshll.u32 s9, $0x1;
	s6 =	sadd.s32 s7, s19  }
0xa3: {  	s10 =	simm.s32 $0x0;
	s20 =	sshll.u32 s8, $0x1;
	s8 =	sadd.s32 s21, s6  }
0xa4: {  	[timem:s10], [sflag:s22] =	dma.local [hbm:s8], s20  }
0xa5: {  	_ =	swait.ge [sflag:s22], s20  }
0xa6: {  	s7 =	ssub.s32 $0x0, s20;
	[sflag:s22] =	ssyncset.done $0x0  }
0xa7: {  	[sflag:s22] =	ssyncadd.s32 s7;
	_ =	sdelay $0x1  }
0xa8: {  	s23 =	simm.s32 $0x1B8B  }
0xa9: {  	_ =	swait.ge [sflag:s23], $0x1  }
0xaa: {  	[sflag:s23] =	ssyncset.done $0x0  }
0xab: {  	s25 =	simm.s32 $0x1B8E;
	s24 =	sld [smem:$0x3FFE];
	[sflag:s23] =	ssyncadd.s32 $0xFFFFFFFF  }
0xac: {  	s26 =	simm.s32 $execute0_lowered;
	[smem:$0x3FD2] =	sst s25  }
0xad: {  	s8 =	sshll.u32 s26, $0x1;
	_ =	strace $0x80000046;
	[dreg:$0x1] =	wrdreg $0xFFFFFFFF  }
0xae: {  	s28 =	simm.s32 $_size_execute0_lowered;
	s6 =	sadd.s32 s6, s8;
	[dreg:$0x0] =	wrdreg $0x0  }
0xaf: {  	s8 =	sshll.u32 s28, $0x1;
	[dreg:$0x2] =	wrdreg s6  }
0xb0: {  	[dreg:$0x3] =	wrdreg s8  }
0xb1: {  	[dreg:$0x4] =	wrdreg $0xC0  }
0xb2: {  	_ =	task [dreg:s10], $0x5FFFF  }
0xb3: {  	[dreg:$0x1] =	wrdreg $0xFFFFFFFF  }
0xb4: {  	[dreg:$0x0] =	wrdreg $0x60  }
0xb5: {  	[dreg:$0x2] =	wrdreg s17  }
0xb6: {  	[dreg:$0x3] =	wrdreg s15  }
0xb7: {  	[dreg:$0x4] =	wrdreg s4  }
0xb8: {  	[dreg:$0x5] =	wrdreg s24  }
0xb9: {  	[dreg:$0x6] =	wrdreg s16  }
0xba: {  	[dreg:$0x7] =	wrdreg $0x9  }
0xbb: {  	_ =	task.clear_ibuf [dreg:s10], $0x8FFFF;
	_ =	strace $0x90000046  }
0xbc: {  	s29 =	simm.s32 $0x9;
	_ =	strace $0x80000048  }
0xbd: {  	_ =	swait.ge [sflag:s29], $0x1  }
0xbe: {  	[sflag:s29] =	ssyncadd.s32 $0xFFFFFFFF  }
0xbf: {  	_ =	strace $0x90000048  }
0xc0: {  	_ =	sfence  }
0xc1: {  	s30 =	sld [smem:$0x0];
	_ =	sdelay $0x2  }
0xc2: {  	s31 =	sshll.u32 s1, $0xD;
	s1 =	sshrl.u32 s1, $0x2  }
0xc3: {  	s3 =	sand.u32 $0x4000, s31;
	s1 =	sadd.s32 s1, s30  }
0xc4: {  	s0 =	sor.u32 s3, s0;
	s1 =	sshll.u32 s1, $0x11  }
0xc5: {  	s0 =	sor.u32 s1, s0  }
0xc6: {  	s0 =	sadd.s32 $0x8F2B, s0  }
0xc7: {  	[sflag:s0] =	ssyncadd.remote.s32 $0x1  }
0xc8: {  	_ =	sfence.sel $0xFFFF  }
0xc9: {  	[dreg:$0x0] =	wrdreg $0xFFFFFFFF;
	(pc) =	sbr.abs _section_cstart, $3  }
0xca: {  	[dreg:$0x1] =	wrdreg $0xFFFFFFFF  }
0xcb: {  	_ =	task.clear_ibuf [dreg:s10], $0x2FFFF;
	_ =	strace $0x9FFFFFFF  }
0xcc: {  	(tm) =	ssettm $0x7FFFFFFF  }
0xcd: {  	_ =	shalt  }
tec
execute0_lowered:
.L_overlay_start_1:
0x0: {  	(tag) =	ssettag $0x1  }
0x1: {  	s0 =	rddreg [dreg:$0x0]  }
0x2: {  	s2 =	rddreg [dreg:$0x1]  }
0x3: {  	s1 =	rddreg [dreg:$0x2]  }
0x4: {  	s4 =	rddreg [dreg:$0x3]  }
0x5: {  	s5 =	rddreg [dreg:$0x4]  }
0x6: {  	s6 =	srdreg.scid;
	s3 =	simm.s32 $0x0;
	s7 =	stileid.u32  }
0x7: {  	s26 =	simm.s32 $0x10300;
	s14 =	simm.s32 $0x300;
	s28 =	simm.s32 $0x700  }
0x8: {  	s29 =	simm.s32 $0xB00;
	s30 =	simm.s32 $0xF00;
	s31 =	simm.s32 $0x1300  }
0x9: {  	s10 =	simm.s32 $0x2B00;
	s11 =	simm.s32 $0x2F00;
	s12 =	simm.s32 $0x3300  }
0xa: {  	s13 =	simm.s32 $0x3700;
	s15 =	simm.s32 $0x3B00;
	s16 =	simm.s32 $0x3F00  }
0xb: {  	s17 =	simm.s32 $0x4300;
	s18 =	simm.s32 $0x4700;
	s19 =	simm.s32 $0x4B00  }
0xc: {  	s20 =	simm.s32 $0x4F00;
	s6 =	sand.u32 $0x1, s6;
	[smem:$0x7FF] =	sst s3  }
0xd: {  	s7 =	sshll.u32 s7, $0x8;
	s21 =	sadd.s32 $0x1400, s4;
	s8 =	sshll.u32 s6, $0x7  }
0xe: {  	_ =	strace $0x80000047;
	[dreg:$0x6] =	wrdreg s21;
	s6 =	ssub.s32 $0x2, s6  }
0xf: {  	[dreg:$0xb] =	wrdreg s26;
	s26 =	simm.s32 $0x5B00;
	s7 =	sor.u32 s8, s7  }
0x10: {  	s21 =	simm.s32 $0x5F00;
	s23 =	sshrl.u32 s6, $0x1;
	s9 =	sshll.u32 s7, $0x4  }
0x11: {  	s8 =	simm.s32 $0x5700;
	s7 =	sshrl.u32 s7, $0x3;
	s4 =	sadd.s32 s9, s4  }
0x12: {  	s0 =	sadd.s32 s0, s7;
	s22 =	sadd.s32 s2, s7;
	s24 =	sadd.s32 s5, s7  }
0x13: {  	v0 =	vlaneseq.u32;
	s2 =	ssub.s32 s6, s23;
	s5 =	simm.s32 $0x4;
	[dreg:$0x7] =	wrdreg s0  }
0x14: {  	v0 =	vmul.u32 $0x400, v0;
	s9 =	simm.s32 $0x2700;
	s23 =	simm.s32 $0x5300;
	[dreg:$0x8] =	wrdreg s22  }
0x15: {  	[dreg:$0x9] =	wrdreg s24;
	s25 =	sadd.s32 $0x14E00, s4;
	s4 =	smax.u32 s2, $0x1  }
0x16: {  	v1 =	vor.u32 $0x4000, v0;
	s22 =	simm.s32 $0x6300;
	s2 =	simm.s32 $0x8300;
	[dreg:$0xa] =	wrdreg s25  }
.LBB2_1:
0x17: {  	s24 =	rddreg [dreg:$0x7]  }
0x18: {  	[tilespmem:s3], [sflag:$0x4] =	stream.linear.gather [hbm4b:s24+s3], $0x80, $0x38;
	[tilespmem:$0x14380] =	vst v63  }
0x19: {  	_ =	swait.ge [sflag:s5], $0x80  }
0x1a: {  	[sflag:s5] =	ssyncset.done $0x0  }
0x1b: {  	s25 =	simm.s32 $0x80;
	s6 =	rddreg [dreg:$0x8];
	[sflag:s5] =	ssyncadd.s32 $0xFFFFFF80  }
0x1c: {  	[tilespmem:s25], [sflag:$0x4] =	stream.linear.gather [hbm4b:s6+s3], $0x80, $0x38;
	[tilespmem:$0x14380] =	vst v63  }
0x1d: {  	_ =	swait.ge [sflag:s5], $0x80  }
0x1e: {  	[sflag:s5] =	ssyncset.done $0x0  }
0x1f: {  	s0 =	simm.s32 $0x10380;
	s7 =	rddreg [dreg:$0x6];
	[sflag:s5] =	ssyncadd.s32 $0xFFFFFF80  }
0x20: {  	[tilespmem:s0], [sflag:$0x3] =	stream.indirect.gather [hbm4b:s7+s25], $0x80, s3, s25, $0xb8;
	[tilespmem:$0x14380] =	vst v63  }
0x21: {  	v2 =	vld [tilespmem:$0x0];
	_ =	sdelay $0x2  }
0x22: {  	v3 =	vld [tilespmem:$0x80];
	_ =	sdelay $0x1  }
0x23: {  	vm0 =	veq.s32 v2, $0x0;
	v2 =	vadd.s32 $0xFFFFFFFF, v2  }
0x24: {  	v4 =	vsel vm0, $0x1387, v2  }
0x25: {  	v2 =	vshll.u32 v4, $0xA  }
0x26: {  	v6 =	vand.u32 $0xFFFFFF80, v3;
	v2 =	vand.u32 $0xFFFFE000, v2  }
0x27: {  	v5 =	vld [tilespmem:$0x10];
	v2 =	vor.u32 v6, v2  }
0x28: {  	v14 =	vld [tilespmem:$0x90];
	[tilespmem:$0x100] =	vst v2  }
0x29: {  	v2 =	vld [tilespmem:$0x100]  }
0x2a: {  	v7 =	vld [tilespmem:$0x20]  }
0x2b: {  	v8 =	vld [tilespmem:$0x30]  }
0x2c: {  	v10 =	vld [tilespmem:$0xA0]  }
0x2d: {  	v18 =	vld [tilespmem:$0xB0]  }
0x2e: {  	v20 =	vld [tilespmem:$0x40];
	(v2sf) =	vpush v2, $0x0  }
0x2f: {  	v25 =	vld [tilespmem:$0xC0]  }
0x30: {  	v28 =	vld [tilespmem:$0x50]  }
0x31: {  	v29 =	vld [tilespmem:$0x60]  }
0x32: {  	v33 =	vld [tilespmem:$0xD0];
	vm9 =	veq.s32 v5, $0x0;
	v5 =	vadd.s32 $0xFFFFFFFF, v5;
	v3 =	vand.u32 $0x7F, v3  }
0x33: {  	v17 =	vand.u32 $0xFFFFFF80, v14;
	vm10 =	veq.s32 v7, $0x0;
	v19 =	vand.u32 $0x7F, v14  }
0x34: {  	vm11 =	veq.s32 v8, $0x0;
	v8 =	vadd.s32 $0xFFFFFFFF, v8;
	v22 =	vand.u32 $0x7F, v10;
	[tilespmem:$0x280] =	vst v3  }
0x35: {  	v23 =	vand.u32 $0xFFFFFF80, v10;
	vm12 =	veq.s32 v20, $0x0;
	v30 =	vand.u32 $0x7F, v18;
	[tilespmem:$0x290] =	vst v19  }
0x36: {  	v34 =	vand.u32 $0xFFFFFF80, v25;
	vm13 =	veq.s32 v28, $0x0;
	vm14 =	veq.s32 v29, $0x0;
	[tilespmem:$0x2A0] =	vst v22  }
0x37: {  	v38 =	vadd.s32 $0xFFFFFFFF, v29;
	v42 =	vand.u32 $0x7F, v33;
	v5 =	vsel vm9, $0x1387, v5;
	[tilespmem:$0x2B0] =	vst v30  }
0x38: {  	v3 =	vadd.s32 $0xFFFFFFFF, v7;
	v8 =	vsel vm11, $0x1387, v8;
	[tilespmem:$0x2D0] =	vst v42;
	v4 =	vand.u32 $0x7, v4  }
0x39: {  	v40 =	vsel vm14, $0x1387, v38;
	v9 =	vshll.u32 v5, $0xA;
	v15 =	vand.u32 $0x7, v5;
	[tilespmem:$0x200] =	vst v4  }
0x3a: {  	v3 =	vsel vm10, $0x1387, v3;
	v26 =	vand.u32 $0x7, v8;
	[tilespmem:$0x210] =	vst v15;
	(v2sf) =	vpush v2, $0x1  }
0x3b: {  	v39 =	vld [tilespmem:$0x70];
	v43 =	vand.u32 $0x7, v40;
	v21 =	vand.u32 $0x7, v3;
	v3 =	vshll.u32 v3, $0xA;
	[tilespmem:$0x230] =	vst v26  }
0x3c: {  	v24 =	vshll.u32 v8, $0xA;
	v16 =	vand.u32 $0xFFFFE000, v9;
	[tilespmem:$0x260] =	vst v43;
	v3 =	vand.u32 $0xFFFFE000, v3  }
0x3d: {  	v27 =	vand.u32 $0xFFFFE000, v24;
	[tilespmem:$0x220] =	vst v21;
	v3 =	vor.u32 v23, v3;
	s0 =	spop (v2sf);
	(v2sf) =	vpush v2, $0x2  }
0x3e: {  	v5 =	vor.u32 v17, v16;
	v6 =	vadd.s32 $0xFFFFFFFF, v20;
	[tilespmem:$0x120] =	vst v3;
	v3 =	vand.u32 $0xFFFFFF80, v18  }
0x3f: {  	v36 =	vadd.s32 $0xFFFFFFFF, v28;
	[tilespmem:$0x110] =	vst v5;
	v31 =	vsel vm12, $0x1387, v6;
	v3 =	vor.u32 v3, v27  }
0x40: {  	v37 =	vld [tilespmem:$0xE0];
	vm15 =	veq.s32 v39, $0x0;
	v5 =	vshll.u32 v31, $0xA;
	[tilespmem:$0x130] =	vst v3;
	v3 =	vand.u32 $0x7F, v25  }
0x41: {  	v32 =	vand.u32 $0x7, v31;
	v5 =	vand.u32 $0xFFFFE000, v5;
	[tilespmem:$0x2C0] =	vst v3;
	v3 =	vsel vm13, $0x1387, v36  }
0x42: {  	[tilespmem:$0x240] =	vst v32;
	v35 =	vor.u32 v34, v5;
	v41 =	vand.u32 $0x7, v3;
	v3 =	vshll.u32 v3, $0xA  }
0x43: {  	v44 =	vld [tilespmem:$0xF0];
	v6 =	vand.u32 $0xFFFFFF80, v33;
	[tilespmem:$0x140] =	vst v35;
	v3 =	vand.u32 $0xFFFFE000, v3;
	(v2sf) =	vpush v2, $0x3  }
0x44: {  	v45 =	vadd.s32 $0xFFFFFFFF, v39;
	v4 =	vshll.u32 v40, $0xA;
	[tilespmem:$0x250] =	vst v41;
	v3 =	vor.u32 v6, v3  }
0x45: {  	v7 =	vand.u32 $0xFFFFFF80, v37;
	v4 =	vand.u32 $0xFFFFE000, v4;
	[tilespmem:$0x150] =	vst v3;
	v3 =	vand.u32 $0x7F, v37;
	s6 =	sshrl.u32 s0, $0xD  }
0x46: {  	v46 =	vsel vm15, $0x1387, v45;
	[tilespmem:$0x2E0] =	vst v3;
	v3 =	vor.u32 v7, v4;
	s24 =	sshll.u32 s0, $0x3;
	s25 =	smul.u32 $0xA000, s6  }
0x47: {  	v4 =	vshll.u32 v46, $0xA;
	[tilespmem:$0x160] =	vst v3;
	v3 =	vand.u32 $0x7, v46;
	s24 =	sand.u32 $0xFC00, s24  }
0x48: {  	v47 =	vand.u32 $0xFFFFFF80, v44;
	v4 =	vand.u32 $0xFFFFE000, v4;
	[tilespmem:$0x270] =	vst v3;
	v3 =	vand.u32 $0x7F, v44;
	s24 =	sadd.s32 s24, s25  }
0x49: {  	[tilespmem:$0x2F0] =	vst v3;
	v3 =	vor.u32 v47, v4;
	s7 =	spop (v2sf);
	s24 =	sshrl.u32 s24, $0x3  }
0x4a: {  	[tilespmem:$0x170] =	vst v3;
	s0 =	sshrl.u32 s7, $0xD;
	s24 =	sadd.s32 s1, s24  }
0x4b: {  	[tilespmem:s14], [sflag:$0x1] =	stream.linear.gather [hbm4b:s24+s3], $0x400, $0x38;
	[tilespmem:$0x14380] =	vst v63  }
0x4c: {  	s25 =	smul.u32 $0xA000, s0;
	s24 =	sshll.u32 s7, $0x3;
	s6 =	spop (v2sf);
	(v2sf) =	vpush v2, $0x4  }
0x4d: {  	s24 =	sand.u32 $0xFC00, s24  }
0x4e: {  	s24 =	sadd.s32 s24, s25  }
0x4f: {  	s24 =	sshrl.u32 s24, $0x3  }
0x50: {  	s24 =	sadd.s32 s1, s24  }
0x51: {  	[tilespmem:s28], [sflag:$0x1] =	stream.linear.gather [hbm4b:s24+s3], $0x400, $0x38;
	[tilespmem:$0x14380] =	vst v63  }
0x52: {  	s7 =	sshrl.u32 s6, $0xD;
	s0 =	spop (v2sf);
	(v2sf) =	vpush v2, $0x5  }
0x53: {  	s24 =	sshll.u32 s6, $0x3;
	s25 =	smul.u32 $0xA000, s7  }
0x54: {  	s24 =	sand.u32 $0xFC00, s24  }
0x55: {  	s24 =	sadd.s32 s24, s25  }
0x56: {  	s24 =	sshrl.u32 s24, $0x3  }
0x57: {  	s6 =	sshrl.u32 s0, $0xD;
	s24 =	sadd.s32 s1, s24  }
0x58: {  	[tilespmem:s29], [sflag:$0x1] =	stream.linear.gather [hbm4b:s24+s3], $0x400, $0x38;
	[tilespmem:$0x14380] =	vst v63  }
0x59: {  	s25 =	smul.u32 $0xA000, s6;
	s24 =	sshll.u32 s0, $0x3  }
0x5a: {  	s24 =	sand.u32 $0xFC00, s24  }
0x5b: {  	s24 =	sadd.s32 s24, s25;
	s7 =	spop (v2sf);
	(v2sf) =	vpush v2, $0x6  }
0x5c: {  	s24 =	sshrl.u32 s24, $0x3  }
0x5d: {  	s24 =	sadd.s32 s1, s24  }
0x5e: {  	[tilespmem:s30], [sflag:$0x1] =	stream.linear.gather [hbm4b:s24+s3], $0x400, $0x38;
	[tilespmem:$0x14380] =	vst v63  }
0x5f: {  	s0 =	sshrl.u32 s7, $0xD  }
0x60: {  	s24 =	sshll.u32 s7, $0x3;
	s25 =	smul.u32 $0xA000, s0  }
0x61: {  	s6 =	spop (v2sf);
	(v2sf) =	vpush v2, $0x7;
	s24 =	sand.u32 $0xFC00, s24  }
0x62: {  	s24 =	sadd.s32 s24, s25  }
0x63: {  	s24 =	sshrl.u32 s24, $0x3  }
0x64: {  	s7 =	sshrl.u32 s6, $0xD;
	s24 =	sadd.s32 s1, s24  }
0x65: {  	[tilespmem:s31], [sflag:$0x1] =	stream.linear.gather [hbm4b:s24+s3], $0x400, $0x38;
	[tilespmem:$0x14380] =	vst v63  }
0x66: {  	s25 =	smul.u32 $0xA000, s7;
	s24 =	sshll.u32 s6, $0x3  }
0x67: {  	s24 =	sand.u32 $0xFC00, s24  }
0x68: {  	s24 =	sadd.s32 s24, s25  }
0x69: {  	s24 =	sshrl.u32 s24, $0x3  }
0x6a: {  	s25 =	simm.s32 $0x1700;
	s24 =	sadd.s32 s1, s24;
	s6 =	spop (v2sf);
	(v2sf) =	vpush v2, $0x8  }
0x6b: {  	[tilespmem:s25], [sflag:$0x1] =	stream.linear.gather [hbm4b:s24+s3], $0x400, $0x38;
	[tilespmem:$0x14380] =	vst v63  }
0x6c: {  	s7 =	sshrl.u32 s6, $0xD  }
0x6d: {  	s24 =	sshll.u32 s6, $0x3;
	s25 =	smul.u32 $0xA000, s7  }
0x6e: {  	s24 =	sand.u32 $0xFC00, s24  }
0x6f: {  	s24 =	sadd.s32 s24, s25  }
0x70: {  	s6 =	spop (v2sf);
	s24 =	sshrl.u32 s24, $0x3  }
0x71: {  	s7 =	sshrl.u32 s6, $0xD;
	s25 =	simm.s32 $0x1B00;
	s24 =	sadd.s32 s1, s24  }
0x72: {  	(v2sf) =	vpush v2, $0x9;
	[tilespmem:s25], [sflag:$0x1] =	stream.linear.gather [hbm4b:s24+s3], $0x400, $0x38;
	[tilespmem:$0x14380] =	vst v63  }
0x73: {  	s25 =	smul.u32 $0xA000, s7;
	s24 =	sshll.u32 s6, $0x3  }
0x74: {  	s24 =	sand.u32 $0xFC00, s24  }
0x75: {  	s24 =	sadd.s32 s24, s25  }
0x76: {  	s24 =	sshrl.u32 s24, $0x3  }
0x77: {  	s6 =	simm.s32 $0x1F00;
	s24 =	sadd.s32 s1, s24  }
0x78: {  	[tilespmem:s6], [sflag:$0x1] =	stream.linear.gather [hbm4b:s24+s3], $0x400, $0x38;
	[tilespmem:$0x14380] =	vst v63  }
0x79: {  	s0 =	spop (v2sf)  }
0x7a: {  	(v2sf) =	vpush v2, $0xA;
	s7 =	sshrl.u32 s0, $0xD  }
0x7b: {  	s24 =	sshll.u32 s0, $0x3;
	s25 =	smul.u32 $0xA000, s7  }
0x7c: {  	s24 =	sand.u32 $0xFC00, s24  }
0x7d: {  	s24 =	sadd.s32 s24, s25  }
0x7e: {  	s24 =	sshrl.u32 s24, $0x3  }
0x7f: {  	s7 =	simm.s32 $0x2300;
	s24 =	sadd.s32 s1, s24  }
0x80: {  	[tilespmem:s7], [sflag:$0x1] =	stream.linear.gather [hbm4b:s24+s3], $0x400, $0x38;
	[tilespmem:$0x14380] =	vst v63  }
0x81: {  	s24 =	spop (v2sf)  }
0x82: {  	(v2sf) =	vpush v2, $0xB;
	s0 =	sshrl.u32 s24, $0xD  }
0x83: {  	s24 =	sshll.u32 s24, $0x3;
	s25 =	smul.u32 $0xA000, s0  }
0x84: {  	s24 =	sand.u32 $0xFC00, s24  }
0x85: {  	s24 =	sadd.s32 s24, s25  }
0x86: {  	s24 =	sshrl.u32 s24, $0x3  }
0x87: {  	s24 =	sadd.s32 s1, s24  }
0x88: {  	[tilespmem:s9], [sflag:$0x1] =	stream.linear.gather [hbm4b:s24+s3], $0x400, $0x38;
	[tilespmem:$0x14380] =	vst v63  }
0x89: {  	s24 =	spop (v2sf)  }
0x8a: {  	(v2sf) =	vpush v2, $0xC;
	s0 =	sshrl.u32 s24, $0xD  }
0x8b: {  	s24 =	sshll.u32 s24, $0x3;
	s25 =	smul.u32 $0xA000, s0  }
0x8c: {  	s24 =	sand.u32 $0xFC00, s24  }
0x8d: {  	s24 =	sadd.s32 s24, s25  }
0x8e: {  	s24 =	sshrl.u32 s24, $0x3  }
0x8f: {  	s24 =	sadd.s32 s1, s24  }
0x90: {  	[tilespmem:s10], [sflag:$0x1] =	stream.linear.gather [hbm4b:s24+s3], $0x400, $0x38;
	[tilespmem:$0x14380] =	vst v63  }
0x91: {  	s24 =	spop (v2sf)  }
0x92: {  	(v2sf) =	vpush v2, $0xD;
	s0 =	sshrl.u32 s24, $0xD  }
0x93: {  	s24 =	sshll.u32 s24, $0x3;
	s25 =	smul.u32 $0xA000, s0  }
0x94: {  	s24 =	sand.u32 $0xFC00, s24  }
0x95: {  	s24 =	sadd.s32 s24, s25  }
0x96: {  	s24 =	sshrl.u32 s24, $0x3  }
0x97: {  	s24 =	sadd.s32 s1, s24  }
0x98: {  	[tilespmem:s11], [sflag:$0x1] =	stream.linear.gather [hbm4b:s24+s3], $0x400, $0x38;
	[tilespmem:$0x14380] =	vst v63  }
0x99: {  	s24 =	spop (v2sf)  }
0x9a: {  	(v2sf) =	vpush v2, $0xE;
	s0 =	sshrl.u32 s24, $0xD  }
0x9b: {  	s24 =	sshll.u32 s24, $0x3;
	s25 =	smul.u32 $0xA000, s0  }
0x9c: {  	s24 =	sand.u32 $0xFC00, s24  }
0x9d: {  	s24 =	sadd.s32 s24, s25  }
0x9e: {  	s24 =	sshrl.u32 s24, $0x3  }
0x9f: {  	s24 =	sadd.s32 s1, s24  }
0xa0: {  	[tilespmem:s12], [sflag:$0x1] =	stream.linear.gather [hbm4b:s24+s3], $0x400, $0x38;
	[tilespmem:$0x14380] =	vst v63  }
0xa1: {  	s24 =	spop (v2sf)  }
0xa2: {  	(v2sf) =	vpush v2, $0xF;
	s0 =	sshrl.u32 s24, $0xD  }
0xa3: {  	s24 =	sshll.u32 s24, $0x3;
	s25 =	smul.u32 $0xA000, s0  }
0xa4: {  	s24 =	sand.u32 $0xFC00, s24  }
0xa5: {  	s24 =	sadd.s32 s24, s25  }
0xa6: {  	s24 =	sshrl.u32 s24, $0x3  }
0xa7: {  	s24 =	sadd.s32 s1, s24  }
0xa8: {  	[tilespmem:s13], [sflag:$0x1] =	stream.linear.gather [hbm4b:s24+s3], $0x400, $0x38;
	[tilespmem:$0x14380] =	vst v63  }
0xa9: {  	s24 =	spop (v2sf)  }
0xaa: {  	s0 =	sshrl.u32 s24, $0xD  }
0xab: {  	s24 =	sshll.u32 s24, $0x3;
	s25 =	smul.u32 $0xA000, s0  }
0xac: {  	s24 =	sand.u32 $0xFC00, s24  }
0xad: {  	s24 =	sadd.s32 s24, s25  }
0xae: {  	s24 =	sshrl.u32 s24, $0x3  }
0xaf: {  	s24 =	sadd.s32 s1, s24  }
0xb0: {  	[tilespmem:s15], [sflag:$0x1] =	stream.linear.gather [hbm4b:s24+s3], $0x400, $0x38;
	[tilespmem:$0x14380] =	vst v63  }
0xb1: {  	s24 =	spop (v2sf)  }
0xb2: {  	s0 =	sshrl.u32 s24, $0xD  }
0xb3: {  	s24 =	sshll.u32 s24, $0x3;
	s25 =	smul.u32 $0xA000, s0  }
0xb4: {  	s24 =	sand.u32 $0xFC00, s24  }
0xb5: {  	s24 =	sadd.s32 s24, s25  }
0xb6: {  	s24 =	sshrl.u32 s24, $0x3  }
0xb7: {  	s24 =	sadd.s32 s1, s24  }
0xb8: {  	[tilespmem:s16], [sflag:$0x1] =	stream.linear.gather [hbm4b:s24+s3], $0x400, $0x38;
	[tilespmem:$0x14380] =	vst v63  }
0xb9: {  	v2 =	vld [tilespmem:$0x110];
	_ =	sdelay $0x4  }
0xba: {  	(v2sf) =	vpush v2, $0x0;
	_ =	sdelay $0x7  }
0xbb: {  	(v2sf) =	vpush v2, $0x1;
	_ =	sdelay $0x6  }
0xbc: {  	s24 =	spop (v2sf)  }
0xbd: {  	(v2sf) =	vpush v2, $0x2;
	s0 =	sshrl.u32 s24, $0xD  }
0xbe: {  	s24 =	sshll.u32 s24, $0x3;
	s25 =	smul.u32 $0xA000, s0  }
0xbf: {  	s24 =	sand.u32 $0xFC00, s24  }
0xc0: {  	s24 =	sadd.s32 s24, s25  }
0xc1: {  	s24 =	sshrl.u32 s24, $0x3  }
0xc2: {  	s24 =	sadd.s32 s1, s24  }
0xc3: {  	[tilespmem:s17], [sflag:$0x1] =	stream.linear.gather [hbm4b:s24+s3], $0x400, $0x38;
	[tilespmem:$0x14380] =	vst v63  }
0xc4: {  	s24 =	spop (v2sf)  }
0xc5: {  	(v2sf) =	vpush v2, $0x3;
	s0 =	sshrl.u32 s24, $0xD  }
0xc6: {  	s24 =	sshll.u32 s24, $0x3;
	s25 =	smul.u32 $0xA000, s0  }
0xc7: {  	s24 =	sand.u32 $0xFC00, s24  }
0xc8: {  	s24 =	sadd.s32 s24, s25  }
0xc9: {  	s24 =	sshrl.u32 s24, $0x3  }
0xca: {  	s24 =	sadd.s32 s1, s24  }
0xcb: {  	[tilespmem:s18], [sflag:$0x1] =	stream.linear.gather [hbm4b:s24+s3], $0x400, $0x38;
	[tilespmem:$0x14380] =	vst v63  }
0xcc: {  	s24 =	spop (v2sf)  }
0xcd: {  	(v2sf) =	vpush v2, $0x4;
	s0 =	sshrl.u32 s24, $0xD  }
0xce: {  	s24 =	sshll.u32 s24, $0x3;
	s25 =	smul.u32 $0xA000, s0  }
0xcf: {  	s24 =	sand.u32 $0xFC00, s24  }
0xd0: {  	s24 =	sadd.s32 s24, s25  }
0xd1: {  	s24 =	sshrl.u32 s24, $0x3  }
0xd2: {  	s24 =	sadd.s32 s1, s24  }
0xd3: {  	[tilespmem:s19], [sflag:$0x1] =	stream.linear.gather [hbm4b:s24+s3], $0x400, $0x38;
	[tilespmem:$0x14380] =	vst v63  }
0xd4: {  	s24 =	spop (v2sf)  }
0xd5: {  	(v2sf) =	vpush v2, $0x5;
	s0 =	sshrl.u32 s24, $0xD  }
0xd6: {  	s24 =	sshll.u32 s24, $0x3;
	s25 =	smul.u32 $0xA000, s0  }
0xd7: {  	s24 =	sand.u32 $0xFC00, s24  }
0xd8: {  	s24 =	sadd.s32 s24, s25  }
0xd9: {  	s24 =	sshrl.u32 s24, $0x3  }
0xda: {  	s24 =	sadd.s32 s1, s24  }
0xdb: {  	[tilespmem:s20], [sflag:$0x1] =	stream.linear.gather [hbm4b:s24+s3], $0x400, $0x38;
	[tilespmem:$0x14380] =	vst v63  }
0xdc: {  	s24 =	spop (v2sf)  }
0xdd: {  	(v2sf) =	vpush v2, $0x6;
	s0 =	sshrl.u32 s24, $0xD  }
0xde: {  	s24 =	sshll.u32 s24, $0x3;
	s25 =	smul.u32 $0xA000, s0  }
0xdf: {  	s24 =	sand.u32 $0xFC00, s24  }
0xe0: {  	s24 =	sadd.s32 s24, s25  }
0xe1: {  	s24 =	sshrl.u32 s24, $0x3  }
0xe2: {  	s24 =	sadd.s32 s1, s24  }
0xe3: {  	[tilespmem:s23], [sflag:$0x1] =	stream.linear.gather [hbm4b:s24+s3], $0x400, $0x38;
	[tilespmem:$0x14380] =	vst v63  }
0xe4: {  	s24 =	spop (v2sf)  }
0xe5: {  	(v2sf) =	vpush v2, $0x7;
	s0 =	sshrl.u32 s24, $0xD  }
0xe6: {  	s24 =	sshll.u32 s24, $0x3;
	s25 =	smul.u32 $0xA000, s0  }
0xe7: {  	s24 =	sand.u32 $0xFC00, s24  }
0xe8: {  	s24 =	sadd.s32 s24, s25  }
0xe9: {  	s24 =	sshrl.u32 s24, $0x3  }
0xea: {  	s24 =	sadd.s32 s1, s24  }
0xeb: {  	[tilespmem:s8], [sflag:$0x1] =	stream.linear.gather [hbm4b:s24+s3], $0x400, $0x38;
	[tilespmem:$0x14380] =	vst v63  }
0xec: {  	s24 =	spop (v2sf)  }
0xed: {  	(v2sf) =	vpush v2, $0x8;
	s0 =	sshrl.u32 s24, $0xD  }
0xee: {  	s24 =	sshll.u32 s24, $0x3;
	s25 =	smul.u32 $0xA000, s0  }
0xef: {  	s24 =	sand.u32 $0xFC00, s24  }
0xf0: {  	s24 =	sadd.s32 s24, s25  }
0xf1: {  	s24 =	sshrl.u32 s24, $0x3  }
0xf2: {  	s24 =	sadd.s32 s1, s24  }
0xf3: {  	[tilespmem:s26], [sflag:$0x1] =	stream.linear.gather [hbm4b:s24+s3], $0x400, $0x38;
	[tilespmem:$0x14380] =	vst v63  }
0xf4: {  	s24 =	spop (v2sf)  }
0xf5: {  	(v2sf) =	vpush v2, $0x9;
	s0 =	sshrl.u32 s24, $0xD  }
0xf6: {  	s24 =	sshll.u32 s24, $0x3;
	s25 =	smul.u32 $0xA000, s0  }
0xf7: {  	s24 =	sand.u32 $0xFC00, s24  }
0xf8: {  	s24 =	sadd.s32 s24, s25  }
0xf9: {  	s24 =	sshrl.u32 s24, $0x3  }
0xfa: {  	s24 =	sadd.s32 s1, s24  }
0xfb: {  	[tilespmem:s21], [sflag:$0x1] =	stream.linear.gather [hbm4b:s24+s3], $0x400, $0x38;
	[tilespmem:$0x14380] =	vst v63  }
0xfc: {  	s24 =	spop (v2sf)  }
0xfd: {  	(v2sf) =	vpush v2, $0xA;
	s0 =	sshrl.u32 s24, $0xD  }
0xfe: {  	s24 =	sshll.u32 s24, $0x3;
	s25 =	smul.u32 $0xA000, s0  }
0xff: {  	s24 =	sand.u32 $0xFC00, s24  }
0x100: {  	s24 =	sadd.s32 s24, s25  }
0x101: {  	s24 =	sshrl.u32 s24, $0x3  }
0x102: {  	s24 =	sadd.s32 s1, s24  }
0x103: {  	[tilespmem:s22], [sflag:$0x1] =	stream.linear.gather [hbm4b:s24+s3], $0x400, $0x38;
	[tilespmem:$0x14380] =	vst v63  }
0x104: {  	s24 =	spop (v2sf)  }
0x105: {  	(v2sf) =	vpush v2, $0xB;
	s0 =	sshrl.u32 s24, $0xD  }
0x106: {  	s24 =	sshll.u32 s24, $0x3;
	s25 =	smul.u32 $0xA000, s0  }
0x107: {  	s24 =	sand.u32 $0xFC00, s24  }
0x108: {  	s24 =	sadd.s32 s24, s25  }
0x109: {  	s24 =	sshrl.u32 s24, $0x3  }
0x10a: {  	s25 =	simm.s32 $0x6700;
	s24 =	sadd.s32 s1, s24  }
0x10b: {  	[tilespmem:s25], [sflag:$0x1] =	stream.linear.gather [hbm4b:s24+s3], $0x400, $0x38;
	[tilespmem:$0x14380] =	vst v63  }
0x10c: {  	s24 =	spop (v2sf)  }
0x10d: {  	(v2sf) =	vpush v2, $0xC;
	s0 =	sshrl.u32 s24, $0xD  }
0x10e: {  	s24 =	sshll.u32 s24, $0x3;
	s25 =	smul.u32 $0xA000, s0  }
0x10f: {  	s24 =	sand.u32 $0xFC00, s24  }
0x110: {  	s24 =	sadd.s32 s24, s25  }
0x111: {  	s24 =	sshrl.u32 s24, $0x3  }
0x112: {  	s25 =	simm.s32 $0x6B00;
	s24 =	sadd.s32 s1, s24  }
0x113: {  	[tilespmem:s25], [sflag:$0x1] =	stream.linear.gather [hbm4b:s24+s3], $0x400, $0x38;
	[tilespmem:$0x14380] =	vst v63  }
0x114: {  	s24 =	spop (v2sf)  }
0x115: {  	(v2sf) =	vpush v2, $0xD;
	s0 =	sshrl.u32 s24, $0xD  }
0x116: {  	s24 =	sshll.u32 s24, $0x3;
	s25 =	smul.u32 $0xA000, s0  }
0x117: {  	s24 =	sand.u32 $0xFC00, s24  }
0x118: {  	s24 =	sadd.s32 s24, s25  }
0x119: {  	s24 =	sshrl.u32 s24, $0x3  }
0x11a: {  	s25 =	simm.s32 $0x6F00;
	s24 =	sadd.s32 s1, s24  }
0x11b: {  	[tilespmem:s25], [sflag:$0x1] =	stream.linear.gather [hbm4b:s24+s3], $0x400, $0x38;
	[tilespmem:$0x14380] =	vst v63  }
0x11c: {  	s24 =	spop (v2sf)  }
0x11d: {  	(v2sf) =	vpush v2, $0xE;
	s0 =	sshrl.u32 s24, $0xD  }
0x11e: {  	s24 =	sshll.u32 s24, $0x3;
	s25 =	smul.u32 $0xA000, s0  }
0x11f: {  	s24 =	sand.u32 $0xFC00, s24  }
0x120: {  	s24 =	sadd.s32 s24, s25  }
0x121: {  	s24 =	sshrl.u32 s24, $0x3  }
0x122: {  	s25 =	simm.s32 $0x7300;
	s24 =	sadd.s32 s1, s24  }
0x123: {  	[tilespmem:s25], [sflag:$0x1] =	stream.linear.gather [hbm4b:s24+s3], $0x400, $0x38;
	[tilespmem:$0x14380] =	vst v63  }
0x124: {  	s24 =	spop (v2sf)  }
0x125: {  	(v2sf) =	vpush v2, $0xF;
	s0 =	sshrl.u32 s24, $0xD  }
0x126: {  	s24 =	sshll.u32 s24, $0x3;
	s25 =	smul.u32 $0xA000, s0  }
0x127: {  	s24 =	sand.u32 $0xFC00, s24  }
0x128: {  	s24 =	sadd.s32 s24, s25  }
0x129: {  	s24 =	sshrl.u32 s24, $0x3  }
0x12a: {  	s25 =	simm.s32 $0x7700;
	s24 =	sadd.s32 s1, s24  }
0x12b: {  	[tilespmem:s25], [sflag:$0x1] =	stream.linear.gather [hbm4b:s24+s3], $0x400, $0x38;
	[tilespmem:$0x14380] =	vst v63  }
0x12c: {  	s24 =	spop (v2sf)  }
0x12d: {  	s0 =	sshrl.u32 s24, $0xD  }
0x12e: {  	s24 =	sshll.u32 s24, $0x3;
	s25 =	smul.u32 $0xA000, s0  }
0x12f: {  	s24 =	sand.u32 $0xFC00, s24  }
0x130: {  	s24 =	sadd.s32 s24, s25  }
0x131: {  	s24 =	sshrl.u32 s24, $0x3  }
0x132: {  	s25 =	simm.s32 $0x7B00;
	s24 =	sadd.s32 s1, s24  }
0x133: {  	[tilespmem:s25], [sflag:$0x1] =	stream.linear.gather [hbm4b:s24+s3], $0x400, $0x38;
	[tilespmem:$0x14380] =	vst v63  }
0x134: {  	s24 =	spop (v2sf)  }
0x135: {  	s0 =	sshrl.u32 s24, $0xD  }
0x136: {  	s24 =	sshll.u32 s24, $0x3;
	s25 =	smul.u32 $0xA000, s0  }
0x137: {  	s24 =	sand.u32 $0xFC00, s24  }
0x138: {  	s24 =	sadd.s32 s24, s25  }
0x139: {  	s24 =	sshrl.u32 s24, $0x3  }
0x13a: {  	s25 =	simm.s32 $0x7F00;
	s24 =	sadd.s32 s1, s24  }
0x13b: {  	[tilespmem:s25], [sflag:$0x1] =	stream.linear.gather [hbm4b:s24+s3], $0x400, $0x38;
	[tilespmem:$0x14380] =	vst v63  }
0x13c: {  	v2 =	vld [tilespmem:$0x120];
	_ =	sdelay $0x4  }
0x13d: {  	(v2sf) =	vpush v2, $0x0;
	_ =	sdelay $0x7  }
0x13e: {  	(v2sf) =	vpush v2, $0x1;
	_ =	sdelay $0x6  }
0x13f: {  	s24 =	spop (v2sf)  }
0x140: {  	(v2sf) =	vpush v2, $0x2;
	s0 =	sshrl.u32 s24, $0xD  }
0x141: {  	s24 =	sshll.u32 s24, $0x3;
	s25 =	smul.u32 $0xA000, s0  }
0x142: {  	s24 =	sand.u32 $0xFC00, s24  }
0x143: {  	s24 =	sadd.s32 s24, s25  }
0x144: {  	s24 =	sshrl.u32 s24, $0x3  }
0x145: {  	s24 =	sadd.s32 s1, s24  }
0x146: {  	[tilespmem:s2], [sflag:$0x2] =	stream.linear.gather [hbm4b:s24+s3], $0x400, $0x38;
	[tilespmem:$0x14380] =	vst v63  }
0x147: {  	s24 =	spop (v2sf)  }
0x148: {  	(v2sf) =	vpush v2, $0x3;
	s0 =	sshrl.u32 s24, $0xD  }
0x149: {  	s24 =	sshll.u32 s24, $0x3;
	s25 =	smul.u32 $0xA000, s0  }
0x14a: {  	s24 =	sand.u32 $0xFC00, s24  }
0x14b: {  	s24 =	sadd.s32 s24, s25  }
0x14c: {  	s24 =	sshrl.u32 s24, $0x3  }
0x14d: {  	s25 =	simm.s32 $0x8700;
	s24 =	sadd.s32 s1, s24  }
0x14e: {  	[tilespmem:s25], [sflag:$0x2] =	stream.linear.gather [hbm4b:s24+s3], $0x400, $0x38;
	[tilespmem:$0x14380] =	vst v63  }
0x14f: {  	s24 =	spop (v2sf)  }
0x150: {  	(v2sf) =	vpush v2, $0x4;
	s0 =	sshrl.u32 s24, $0xD  }
0x151: {  	s24 =	sshll.u32 s24, $0x3;
	s25 =	smul.u32 $0xA000, s0  }
0x152: {  	s24 =	sand.u32 $0xFC00, s24  }
0x153: {  	s24 =	sadd.s32 s24, s25  }
0x154: {  	s24 =	sshrl.u32 s24, $0x3  }
0x155: {  	s25 =	simm.s32 $0x8B00;
	s24 =	sadd.s32 s1, s24  }
0x156: {  	[tilespmem:s25], [sflag:$0x2] =	stream.linear.gather [hbm4b:s24+s3], $0x400, $0x38;
	[tilespmem:$0x14380] =	vst v63  }
0x157: {  	s24 =	spop (v2sf)  }
0x158: {  	(v2sf) =	vpush v2, $0x5;
	s0 =	sshrl.u32 s24, $0xD  }
0x159: {  	s24 =	sshll.u32 s24, $0x3;
	s25 =	smul.u32 $0xA000, s0  }
0x15a: {  	s24 =	sand.u32 $0xFC00, s24  }
0x15b: {  	s24 =	sadd.s32 s24, s25  }
0x15c: {  	s24 =	sshrl.u32 s24, $0x3  }
0x15d: {  	s25 =	simm.s32 $0x8F00;
	s24 =	sadd.s32 s1, s24  }
0x15e: {  	[tilespmem:s25], [sflag:$0x2] =	stream.linear.gather [hbm4b:s24+s3], $0x400, $0x38;
	[tilespmem:$0x14380] =	vst v63  }
0x15f: {  	s24 =	spop (v2sf)  }
0x160: {  	(v2sf) =	vpush v2, $0x6;
	s0 =	sshrl.u32 s24, $0xD  }
0x161: {  	s24 =	sshll.u32 s24, $0x3;
	s25 =	smul.u32 $0xA000, s0  }
0x162: {  	s24 =	sand.u32 $0xFC00, s24  }
0x163: {  	s24 =	sadd.s32 s24, s25  }
0x164: {  	s24 =	sshrl.u32 s24, $0x3  }
0x165: {  	s25 =	simm.s32 $0x9300;
	s24 =	sadd.s32 s1, s24  }
0x166: {  	[tilespmem:s25], [sflag:$0x2] =	stream.linear.gather [hbm4b:s24+s3], $0x400, $0x38;
	[tilespmem:$0x14380] =	vst v63  }
0x167: {  	s24 =	spop (v2sf)  }
0x168: {  	(v2sf) =	vpush v2, $0x7;
	s0 =	sshrl.u32 s24, $0xD  }
0x169: {  	s24 =	sshll.u32 s24, $0x3;
	s25 =	smul.u32 $0xA000, s0  }
0x16a: {  	s24 =	sand.u32 $0xFC00, s24  }
0x16b: {  	s24 =	sadd.s32 s24, s25  }
0x16c: {  	s24 =	sshrl.u32 s24, $0x3  }
0x16d: {  	s25 =	simm.s32 $0x9700;
	s24 =	sadd.s32 s1, s24  }
0x16e: {  	[tilespmem:s25], [sflag:$0x2] =	stream.linear.gather [hbm4b:s24+s3], $0x400, $0x38;
	[tilespmem:$0x14380] =	vst v63  }
0x16f: {  	s24 =	spop (v2sf)  }
0x170: {  	(v2sf) =	vpush v2, $0x8;
	s0 =	sshrl.u32 s24, $0xD  }
0x171: {  	s24 =	sshll.u32 s24, $0x3;
	s25 =	smul.u32 $0xA000, s0  }
0x172: {  	s24 =	sand.u32 $0xFC00, s24  }
0x173: {  	s24 =	sadd.s32 s24, s25  }
0x174: {  	s24 =	sshrl.u32 s24, $0x3  }
0x175: {  	s25 =	simm.s32 $0x9B00;
	s24 =	sadd.s32 s1, s24  }
0x176: {  	[tilespmem:s25], [sflag:$0x2] =	stream.linear.gather [hbm4b:s24+s3], $0x400, $0x38;
	[tilespmem:$0x14380] =	vst v63  }
0x177: {  	s24 =	spop (v2sf)  }
0x178: {  	(v2sf) =	vpush v2, $0x9;
	s0 =	sshrl.u32 s24, $0xD  }
0x179: {  	s24 =	sshll.u32 s24, $0x3;
	s25 =	smul.u32 $0xA000, s0  }
0x17a: {  	s24 =	sand.u32 $0xFC00, s24  }
0x17b: {  	s24 =	sadd.s32 s24, s25  }
0x17c: {  	s24 =	sshrl.u32 s24, $0x3  }
0x17d: {  	s25 =	simm.s32 $0x9F00;
	s24 =	sadd.s32 s1, s24  }
0x17e: {  	[tilespmem:s25], [sflag:$0x2] =	stream.linear.gather [hbm4b:s24+s3], $0x400, $0x38;
	[tilespmem:$0x14380] =	vst v63  }
0x17f: {  	s24 =	spop (v2sf)  }
0x180: {  	(v2sf) =	vpush v2, $0xA;
	s0 =	sshrl.u32 s24, $0xD  }
0x181: {  	s24 =	sshll.u32 s24, $0x3;
	s25 =	smul.u32 $0xA000, s0  }
0x182: {  	s24 =	sand.u32 $0xFC00, s24  }
0x183: {  	s24 =	sadd.s32 s24, s25  }
0x184: {  	s24 =	sshrl.u32 s24, $0x3  }
0x185: {  	s25 =	simm.s32 $0xA300;
	s24 =	sadd.s32 s1, s24  }
0x186: {  	[tilespmem:s25], [sflag:$0x2] =	stream.linear.gather [hbm4b:s24+s3], $0x400, $0x38;
	[tilespmem:$0x14380] =	vst v63  }
0x187: {  	s24 =	spop (v2sf)  }
0x188: {  	(v2sf) =	vpush v2, $0xB;
	s0 =	sshrl.u32 s24, $0xD  }
0x189: {  	s24 =	sshll.u32 s24, $0x3;
	s25 =	smul.u32 $0xA000, s0  }
0x18a: {  	s24 =	sand.u32 $0xFC00, s24  }
0x18b: {  	s24 =	sadd.s32 s24, s25  }
0x18c: {  	s24 =	sshrl.u32 s24, $0x3  }
0x18d: {  	s25 =	simm.s32 $0xA700;
	s24 =	sadd.s32 s1, s24  }
0x18e: {  	[tilespmem:s25], [sflag:$0x2] =	stream.linear.gather [hbm4b:s24+s3], $0x400, $0x38;
	[tilespmem:$0x14380] =	vst v63  }
0x18f: {  	s24 =	spop (v2sf)  }
0x190: {  	(v2sf) =	vpush v2, $0xC;
	s0 =	sshrl.u32 s24, $0xD  }
0x191: {  	s24 =	sshll.u32 s24, $0x3;
	s25 =	smul.u32 $0xA000, s0  }
0x192: {  	s24 =	sand.u32 $0xFC00, s24  }
0x193: {  	s24 =	sadd.s32 s24, s25  }
0x194: {  	s24 =	sshrl.u32 s24, $0x3  }
0x195: {  	s25 =	simm.s32 $0xAB00;
	s24 =	sadd.s32 s1, s24  }
0x196: {  	[tilespmem:s25], [sflag:$0x2] =	stream.linear.gather [hbm4b:s24+s3], $0x400, $0x38;
	[tilespmem:$0x14380] =	vst v63  }
0x197: {  	s24 =	spop (v2sf)  }
0x198: {  	(v2sf) =	vpush v2, $0xD;
	s0 =	sshrl.u32 s24, $0xD  }
0x199: {  	s24 =	sshll.u32 s24, $0x3;
	s25 =	smul.u32 $0xA000, s0  }
0x19a: {  	s24 =	sand.u32 $0xFC00, s24  }
0x19b: {  	s24 =	sadd.s32 s24, s25  }
0x19c: {  	s24 =	sshrl.u32 s24, $0x3  }
0x19d: {  	s25 =	simm.s32 $0xAF00;
	s24 =	sadd.s32 s1, s24  }
0x19e: {  	[tilespmem:s25], [sflag:$0x2] =	stream.linear.gather [hbm4b:s24+s3], $0x400, $0x38;
	[tilespmem:$0x14380] =	vst v63  }
0x19f: {  	s24 =	spop (v2sf)  }
0x1a0: {  	(v2sf) =	vpush v2, $0xE;
	s0 =	sshrl.u32 s24, $0xD  }
0x1a1: {  	s24 =	sshll.u32 s24, $0x3;
	s25 =	smul.u32 $0xA000, s0  }
0x1a2: {  	s24 =	sand.u32 $0xFC00, s24  }
0x1a3: {  	s24 =	sadd.s32 s24, s25  }
0x1a4: {  	s24 =	sshrl.u32 s24, $0x3  }
0x1a5: {  	s25 =	simm.s32 $0xB300;
	s24 =	sadd.s32 s1, s24  }
0x1a6: {  	[tilespmem:s25], [sflag:$0x2] =	stream.linear.gather [hbm4b:s24+s3], $0x400, $0x38;
	[tilespmem:$0x14380] =	vst v63  }
0x1a7: {  	s24 =	spop (v2sf)  }
0x1a8: {  	(v2sf) =	vpush v2, $0xF;
	s0 =	sshrl.u32 s24, $0xD  }
0x1a9: {  	s24 =	sshll.u32 s24, $0x3;
	s25 =	smul.u32 $0xA000, s0  }
0x1aa: {  	s24 =	sand.u32 $0xFC00, s24  }
0x1ab: {  	s24 =	sadd.s32 s24, s25  }
0x1ac: {  	s24 =	sshrl.u32 s24, $0x3  }
0x1ad: {  	s25 =	simm.s32 $0xB700;
	s24 =	sadd.s32 s1, s24  }
0x1ae: {  	[tilespmem:s25], [sflag:$0x2] =	stream.linear.gather [hbm4b:s24+s3], $0x400, $0x38;
	[tilespmem:$0x14380] =	vst v63  }
0x1af: {  	s24 =	spop (v2sf)  }
0x1b0: {  	s0 =	sshrl.u32 s24, $0xD  }
0x1b1: {  	s24 =	sshll.u32 s24, $0x3;
	s25 =	smul.u32 $0xA000, s0  }
0x1b2: {  	s24 =	sand.u32 $0xFC00, s24  }
0x1b3: {  	s24 =	sadd.s32 s24, s25  }
0x1b4: {  	s24 =	sshrl.u32 s24, $0x3  }
0x1b5: {  	s25 =	simm.s32 $0xBB00;
	s24 =	sadd.s32 s1, s24  }
0x1b6: {  	[tilespmem:s25], [sflag:$0x2] =	stream.linear.gather [hbm4b:s24+s3], $0x400, $0x38;
	[tilespmem:$0x14380] =	vst v63  }
0x1b7: {  	s24 =	spop (v2sf)  }
0x1b8: {  	s0 =	sshrl.u32 s24, $0xD  }
0x1b9: {  	s24 =	sshll.u32 s24, $0x3;
	s25 =	smul.u32 $0xA000, s0  }
0x1ba: {  	s24 =	sand.u32 $0xFC00, s24  }
0x1bb: {  	s24 =	sadd.s32 s24, s25  }
0x1bc: {  	s24 =	sshrl.u32 s24, $0x3  }
0x1bd: {  	s25 =	simm.s32 $0xBF00;
	s24 =	sadd.s32 s1, s24  }
0x1be: {  	[tilespmem:s25], [sflag:$0x2] =	stream.linear.gather [hbm4b:s24+s3], $0x400, $0x38;
	[tilespmem:$0x14380] =	vst v63  }
0x1bf: {  	v2 =	vld [tilespmem:$0x130];
	_ =	sdelay $0x4  }
0x1c0: {  	(v2sf) =	vpush v2, $0x0;
	_ =	sdelay $0x7  }
0x1c1: {  	(v2sf) =	vpush v2, $0x1;
	_ =	sdelay $0x6  }
0x1c2: {  	s24 =	spop (v2sf)  }
0x1c3: {  	(v2sf) =	vpush v2, $0x2;
	s0 =	sshrl.u32 s24, $0xD  }
0x1c4: {  	s24 =	sshll.u32 s24, $0x3;
	s25 =	smul.u32 $0xA000, s0  }
0x1c5: {  	s24 =	sand.u32 $0xFC00, s24  }
0x1c6: {  	s24 =	sadd.s32 s24, s25  }
0x1c7: {  	s24 =	sshrl.u32 s24, $0x3  }
0x1c8: {  	s25 =	simm.s32 $0xC300;
	s24 =	sadd.s32 s1, s24  }
0x1c9: {  	[tilespmem:s25], [sflag:$0x2] =	stream.linear.gather [hbm4b:s24+s3], $0x400, $0x38;
	[tilespmem:$0x14380] =	vst v63  }
0x1ca: {  	s24 =	spop (v2sf)  }
0x1cb: {  	(v2sf) =	vpush v2, $0x3;
	s0 =	sshrl.u32 s24, $0xD  }
0x1cc: {  	s24 =	sshll.u32 s24, $0x3;
	s25 =	smul.u32 $0xA000, s0  }
0x1cd: {  	s24 =	sand.u32 $0xFC00, s24  }
0x1ce: {  	s24 =	sadd.s32 s24, s25  }
0x1cf: {  	s24 =	sshrl.u32 s24, $0x3  }
0x1d0: {  	s25 =	simm.s32 $0xC700;
	s24 =	sadd.s32 s1, s24  }
0x1d1: {  	[tilespmem:s25], [sflag:$0x2] =	stream.linear.gather [hbm4b:s24+s3], $0x400, $0x38;
	[tilespmem:$0x14380] =	vst v63  }
0x1d2: {  	s24 =	spop (v2sf)  }
0x1d3: {  	(v2sf) =	vpush v2, $0x4;
	s0 =	sshrl.u32 s24, $0xD  }
0x1d4: {  	s24 =	sshll.u32 s24, $0x3;
	s25 =	smul.u32 $0xA000, s0  }
0x1d5: {  	s24 =	sand.u32 $0xFC00, s24  }
0x1d6: {  	s24 =	sadd.s32 s24, s25  }
0x1d7: {  	s24 =	sshrl.u32 s24, $0x3  }
0x1d8: {  	s25 =	simm.s32 $0xCB00;
	s24 =	sadd.s32 s1, s24  }
0x1d9: {  	[tilespmem:s25], [sflag:$0x2] =	stream.linear.gather [hbm4b:s24+s3], $0x400, $0x38;
	[tilespmem:$0x14380] =	vst v63  }
0x1da: {  	s24 =	spop (v2sf)  }
0x1db: {  	(v2sf) =	vpush v2, $0x5;
	s0 =	sshrl.u32 s24, $0xD  }
0x1dc: {  	s24 =	sshll.u32 s24, $0x3;
	s25 =	smul.u32 $0xA000, s0  }
0x1dd: {  	s24 =	sand.u32 $0xFC00, s24  }
0x1de: {  	s24 =	sadd.s32 s24, s25  }
0x1df: {  	s24 =	sshrl.u32 s24, $0x3  }
0x1e0: {  	s25 =	simm.s32 $0xCF00;
	s24 =	sadd.s32 s1, s24  }
0x1e1: {  	[tilespmem:s25], [sflag:$0x2] =	stream.linear.gather [hbm4b:s24+s3], $0x400, $0x38;
	[tilespmem:$0x14380] =	vst v63  }
0x1e2: {  	s24 =	spop (v2sf)  }
0x1e3: {  	(v2sf) =	vpush v2, $0x6;
	s0 =	sshrl.u32 s24, $0xD  }
0x1e4: {  	s24 =	sshll.u32 s24, $0x3;
	s25 =	smul.u32 $0xA000, s0  }
0x1e5: {  	s24 =	sand.u32 $0xFC00, s24  }
0x1e6: {  	s24 =	sadd.s32 s24, s25  }
0x1e7: {  	s24 =	sshrl.u32 s24, $0x3  }
0x1e8: {  	s25 =	simm.s32 $0xD300;
	s24 =	sadd.s32 s1, s24  }
0x1e9: {  	[tilespmem:s25], [sflag:$0x2] =	stream.linear.gather [hbm4b:s24+s3], $0x400, $0x38;
	[tilespmem:$0x14380] =	vst v63  }
0x1ea: {  	s24 =	spop (v2sf)  }
0x1eb: {  	(v2sf) =	vpush v2, $0x7;
	s0 =	sshrl.u32 s24, $0xD  }
0x1ec: {  	s24 =	sshll.u32 s24, $0x3;
	s25 =	smul.u32 $0xA000, s0  }
0x1ed: {  	s24 =	sand.u32 $0xFC00, s24  }
0x1ee: {  	s24 =	sadd.s32 s24, s25  }
0x1ef: {  	s24 =	sshrl.u32 s24, $0x3  }
0x1f0: {  	s25 =	simm.s32 $0xD700;
	s24 =	sadd.s32 s1, s24  }
0x1f1: {  	[tilespmem:s25], [sflag:$0x2] =	stream.linear.gather [hbm4b:s24+s3], $0x400, $0x38;
	[tilespmem:$0x14380] =	vst v63  }
0x1f2: {  	s24 =	spop (v2sf)  }
0x1f3: {  	(v2sf) =	vpush v2, $0x8;
	s0 =	sshrl.u32 s24, $0xD  }
0x1f4: {  	s24 =	sshll.u32 s24, $0x3;
	s25 =	smul.u32 $0xA000, s0  }
0x1f5: {  	s24 =	sand.u32 $0xFC00, s24  }
0x1f6: {  	s24 =	sadd.s32 s24, s25  }
0x1f7: {  	s24 =	sshrl.u32 s24, $0x3  }
0x1f8: {  	s25 =	simm.s32 $0xDB00;
	s24 =	sadd.s32 s1, s24  }
0x1f9: {  	[tilespmem:s25], [sflag:$0x2] =	stream.linear.gather [hbm4b:s24+s3], $0x400, $0x38;
	[tilespmem:$0x14380] =	vst v63  }
0x1fa: {  	s24 =	spop (v2sf)  }
0x1fb: {  	(v2sf) =	vpush v2, $0x9;
	s0 =	sshrl.u32 s24, $0xD  }
0x1fc: {  	s24 =	sshll.u32 s24, $0x3;
	s25 =	smul.u32 $0xA000, s0  }
0x1fd: {  	s24 =	sand.u32 $0xFC00, s24  }
0x1fe: {  	s24 =	sadd.s32 s24, s25  }
0x1ff: {  	s24 =	sshrl.u32 s24, $0x3  }
0x200: {  	s25 =	simm.s32 $0xDF00;
	s24 =	sadd.s32 s1, s24  }
0x201: {  	[tilespmem:s25], [sflag:$0x2] =	stream.linear.gather [hbm4b:s24+s3], $0x400, $0x38;
	[tilespmem:$0x14380] =	vst v63  }
0x202: {  	s24 =	spop (v2sf)  }
0x203: {  	(v2sf) =	vpush v2, $0xA;
	s0 =	sshrl.u32 s24, $0xD  }
0x204: {  	s24 =	sshll.u32 s24, $0x3;
	s25 =	smul.u32 $0xA000, s0  }
0x205: {  	s24 =	sand.u32 $0xFC00, s24  }
0x206: {  	s24 =	sadd.s32 s24, s25  }
0x207: {  	s24 =	sshrl.u32 s24, $0x3  }
0x208: {  	s25 =	simm.s32 $0xE300;
	s24 =	sadd.s32 s1, s24  }
0x209: {  	[tilespmem:s25], [sflag:$0x2] =	stream.linear.gather [hbm4b:s24+s3], $0x400, $0x38;
	[tilespmem:$0x14380] =	vst v63  }
0x20a: {  	s24 =	spop (v2sf)  }
0x20b: {  	(v2sf) =	vpush v2, $0xB;
	s0 =	sshrl.u32 s24, $0xD  }
0x20c: {  	s24 =	sshll.u32 s24, $0x3;
	s25 =	smul.u32 $0xA000, s0  }
0x20d: {  	s24 =	sand.u32 $0xFC00, s24  }
0x20e: {  	s24 =	sadd.s32 s24, s25  }
0x20f: {  	s24 =	sshrl.u32 s24, $0x3  }
0x210: {  	s25 =	simm.s32 $0xE700;
	s24 =	sadd.s32 s1, s24  }
0x211: {  	[tilespmem:s25], [sflag:$0x2] =	stream.linear.gather [hbm4b:s24+s3], $0x400, $0x38;
	[tilespmem:$0x14380] =	vst v63  }
0x212: {  	s24 =	spop (v2sf)  }
0x213: {  	(v2sf) =	vpush v2, $0xC;
	s0 =	sshrl.u32 s24, $0xD  }
0x214: {  	s24 =	sshll.u32 s24, $0x3;
	s25 =	smul.u32 $0xA000, s0  }
0x215: {  	s24 =	sand.u32 $0xFC00, s24  }
0x216: {  	s24 =	sadd.s32 s24, s25  }
0x217: {  	s24 =	sshrl.u32 s24, $0x3  }
0x218: {  	s25 =	simm.s32 $0xEB00;
	s24 =	sadd.s32 s1, s24  }
0x219: {  	[tilespmem:s25], [sflag:$0x2] =	stream.linear.gather [hbm4b:s24+s3], $0x400, $0x38;
	[tilespmem:$0x14380] =	vst v63  }
0x21a: {  	s24 =	spop (v2sf)  }
0x21b: {  	(v2sf) =	vpush v2, $0xD;
	s0 =	sshrl.u32 s24, $0xD  }
0x21c: {  	s24 =	sshll.u32 s24, $0x3;
	s25 =	smul.u32 $0xA000, s0  }
0x21d: {  	s24 =	sand.u32 $0xFC00, s24  }
0x21e: {  	s24 =	sadd.s32 s24, s25  }
0x21f: {  	s24 =	sshrl.u32 s24, $0x3  }
0x220: {  	s25 =	simm.s32 $0xEF00;
	s24 =	sadd.s32 s1, s24  }
0x221: {  	[tilespmem:s25], [sflag:$0x2] =	stream.linear.gather [hbm4b:s24+s3], $0x400, $0x38;
	[tilespmem:$0x14380] =	vst v63  }
0x222: {  	s24 =	spop (v2sf)  }
0x223: {  	(v2sf) =	vpush v2, $0xE;
	s0 =	sshrl.u32 s24, $0xD  }
0x224: {  	s24 =	sshll.u32 s24, $0x3;
	s25 =	smul.u32 $0xA000, s0  }
0x225: {  	s24 =	sand.u32 $0xFC00, s24  }
0x226: {  	s24 =	sadd.s32 s24, s25  }
0x227: {  	s24 =	sshrl.u32 s24, $0x3  }
0x228: {  	s25 =	simm.s32 $0xF300;
	s24 =	sadd.s32 s1, s24  }
0x229: {  	[tilespmem:s25], [sflag:$0x2] =	stream.linear.gather [hbm4b:s24+s3], $0x400, $0x38;
	[tilespmem:$0x14380] =	vst v63  }
0x22a: {  	s24 =	spop (v2sf)  }
0x22b: {  	(v2sf) =	vpush v2, $0xF;
	s0 =	sshrl.u32 s24, $0xD  }
0x22c: {  	s24 =	sshll.u32 s24, $0x3;
	s25 =	smul.u32 $0xA000, s0  }
0x22d: {  	s24 =	sand.u32 $0xFC00, s24  }
0x22e: {  	s24 =	sadd.s32 s24, s25  }
0x22f: {  	s24 =	sshrl.u32 s24, $0x3  }
0x230: {  	s25 =	simm.s32 $0xF700;
	s24 =	sadd.s32 s1, s24  }
0x231: {  	[tilespmem:s25], [sflag:$0x2] =	stream.linear.gather [hbm4b:s24+s3], $0x400, $0x38;
	[tilespmem:$0x14380] =	vst v63  }
0x232: {  	s24 =	spop (v2sf)  }
0x233: {  	s0 =	sshrl.u32 s24, $0xD  }
0x234: {  	s24 =	sshll.u32 s24, $0x3;
	s25 =	smul.u32 $0xA000, s0  }
0x235: {  	s24 =	sand.u32 $0xFC00, s24  }
0x236: {  	s24 =	sadd.s32 s24, s25  }
0x237: {  	s24 =	sshrl.u32 s24, $0x3  }
0x238: {  	s25 =	simm.s32 $0xFB00;
	s24 =	sadd.s32 s1, s24  }
0x239: {  	[tilespmem:s25], [sflag:$0x2] =	stream.linear.gather [hbm4b:s24+s3], $0x400, $0x38;
	[tilespmem:$0x14380] =	vst v63  }
0x23a: {  	s24 =	spop (v2sf)  }
0x23b: {  	s0 =	sshrl.u32 s24, $0xD  }
0x23c: {  	s24 =	sshll.u32 s24, $0x3;
	s25 =	smul.u32 $0xA000, s0  }
0x23d: {  	s24 =	sand.u32 $0xFC00, s24  }
0x23e: {  	s24 =	sadd.s32 s24, s25  }
0x23f: {  	s24 =	sshrl.u32 s24, $0x3  }
0x240: {  	s0 =	simm.s32 $0x1;
	s25 =	simm.s32 $0xFF00;
	s24 =	sadd.s32 s1, s24  }
0x241: {  	[tilespmem:s25], [sflag:$0x2] =	stream.linear.gather [hbm4b:s24+s3], $0x400, $0x38;
	[tilespmem:$0x14380] =	vst v63  }
0x242: {  	_ =	swait.ge [sflag:s0], $0x8000  }
0x243: {  	[sflag:s0] =	ssyncset.done $0x0  }
0x244: {  	[sflag:s0] =	ssyncadd.s32 $0xFFFF8000  }
0x245: {  	v2 =	vld [tilespmem:$0x140]  }
0x246: {  	v3 =	vld [tilespmem:$0x200]  }
0x247: {  	v48 =	vld [tilespmem:$0x280];
	_ =	sdelay $0x2  }
0x248: {  	(v2sf) =	vpush v2, $0x0;
	_ =	sdelay $0x1  }
0x249: {  	v50 =	vld [tilespmem:$0x210];
	v49 =	vand.u32 $0xFFFFFF80, v48;
	v3 =	vshll.u32 v3, $0x7  }
0x24a: {  	v51 =	vld [tilespmem:$0x290];
	v4 =	vand.u32 $0x7F, v48;
	v3 =	vadd.s32 v49, v3  }
0x24b: {  	v3 =	vor.u32 v4, v3  }
0x24c: {  	v3 =	vadd.s32 v0, v3;
	_ =	sdelay $0x2  }
0x24d: {  	v52 =	vand.u32 $0xFFFFFF80, v51;
	v6 =	vshll.u32 v50, $0x7;
	(v2sf) =	vpush v2, $0x1  }
0x24e: {  	v5 =	vand.u32 $0x7F, v51;
	v4 =	vadd.s32 v52, v6  }
0x24f: {  	v4 =	vor.u32 v5, v4;
	v3 =	vld.idx.msk [tilespmem:v3+s14+$0x0], $0xffff  }
0x250: {  	v4 =	vadd.s32 v1, v4;
	_ =	sdelay $0x3  }
0x251: {  	[tilespmem:$0x10300] =	vst v3;
	s24 =	spop (v2sf)  }
0x252: {  	(v2sf) =	vpush v2, $0x2;
	v3 =	vld.idx.msk [tilespmem:v4+s14+$0x0], $0xffff;
	s25 =	sshrl.u32 s24, $0xD  }
0x253: {  	s24 =	sshll.u32 s24, $0x3;
	s25 =	smul.u32 $0xA000, s25  }
0x254: {  	s24 =	sand.u32 $0xFC00, s24  }
0x255: {  	s24 =	sadd.s32 s24, s25  }
0x256: {  	s24 =	sshrl.u32 s24, $0x3  }
0x257: {  	[tilespmem:$0x10310] =	vst v3;
	s24 =	sadd.s32 s1, s24  }
0x258: {  	[tilespmem:s14], [sflag:$0x1] =	stream.linear.gather [hbm4b:s24+s3], $0x400, $0x38;
	[tilespmem:$0x14380] =	vst v63  }
0x259: {  	s24 =	spop (v2sf)  }
0x25a: {  	(v2sf) =	vpush v2, $0x3;
	s25 =	sshrl.u32 s24, $0xD  }
0x25b: {  	s24 =	sshll.u32 s24, $0x3;
	s25 =	smul.u32 $0xA000, s25  }
0x25c: {  	s24 =	sand.u32 $0xFC00, s24  }
0x25d: {  	s24 =	sadd.s32 s24, s25  }
0x25e: {  	s24 =	sshrl.u32 s24, $0x3  }
0x25f: {  	s24 =	sadd.s32 s1, s24  }
0x260: {  	[tilespmem:s28], [sflag:$0x1] =	stream.linear.gather [hbm4b:s24+s3], $0x400, $0x38;
	[tilespmem:$0x14380] =	vst v63  }
0x261: {  	s24 =	spop (v2sf)  }
0x262: {  	(v2sf) =	vpush v2, $0x4;
	s25 =	sshrl.u32 s24, $0xD  }
0x263: {  	s24 =	sshll.u32 s24, $0x3;
	s25 =	smul.u32 $0xA000, s25  }
0x264: {  	s24 =	sand.u32 $0xFC00, s24  }
0x265: {  	s24 =	sadd.s32 s24, s25  }
0x266: {  	s24 =	sshrl.u32 s24, $0x3  }
0x267: {  	s24 =	sadd.s32 s1, s24  }
0x268: {  	[tilespmem:s29], [sflag:$0x1] =	stream.linear.gather [hbm4b:s24+s3], $0x400, $0x38;
	[tilespmem:$0x14380] =	vst v63  }
0x269: {  	s24 =	spop (v2sf)  }
0x26a: {  	(v2sf) =	vpush v2, $0x5;
	s25 =	sshrl.u32 s24, $0xD  }
0x26b: {  	s24 =	sshll.u32 s24, $0x3;
	s25 =	smul.u32 $0xA000, s25  }
0x26c: {  	s24 =	sand.u32 $0xFC00, s24  }
0x26d: {  	s24 =	sadd.s32 s24, s25  }
0x26e: {  	s24 =	sshrl.u32 s24, $0x3  }
0x26f: {  	s24 =	sadd.s32 s1, s24  }
0x270: {  	[tilespmem:s30], [sflag:$0x1] =	stream.linear.gather [hbm4b:s24+s3], $0x400, $0x38;
	[tilespmem:$0x14380] =	vst v63  }
0x271: {  	s24 =	spop (v2sf)  }
0x272: {  	(v2sf) =	vpush v2, $0x6;
	s25 =	sshrl.u32 s24, $0xD  }
0x273: {  	s24 =	sshll.u32 s24, $0x3;
	s25 =	smul.u32 $0xA000, s25  }
0x274: {  	s24 =	sand.u32 $0xFC00, s24  }
0x275: {  	s24 =	sadd.s32 s24, s25  }
0x276: {  	s24 =	sshrl.u32 s24, $0x3  }
0x277: {  	s24 =	sadd.s32 s1, s24  }
0x278: {  	[tilespmem:s31], [sflag:$0x1] =	stream.linear.gather [hbm4b:s24+s3], $0x400, $0x38;
	[tilespmem:$0x14380] =	vst v63  }
0x279: {  	s24 =	spop (v2sf)  }
0x27a: {  	(v2sf) =	vpush v2, $0x7;
	s25 =	sshrl.u32 s24, $0xD  }
0x27b: {  	s24 =	sshll.u32 s24, $0x3;
	s25 =	smul.u32 $0xA000, s25  }
0x27c: {  	s24 =	sand.u32 $0xFC00, s24  }
0x27d: {  	s24 =	sadd.s32 s24, s25  }
0x27e: {  	s24 =	sshrl.u32 s24, $0x3  }
0x27f: {  	s25 =	simm.s32 $0x1700;
	s24 =	sadd.s32 s1, s24  }
0x280: {  	[tilespmem:s25], [sflag:$0x1] =	stream.linear.gather [hbm4b:s24+s3], $0x400, $0x38;
	[tilespmem:$0x14380] =	vst v63  }
0x281: {  	s24 =	spop (v2sf)  }
0x282: {  	(v2sf) =	vpush v2, $0x8;
	s25 =	sshrl.u32 s24, $0xD  }
0x283: {  	s24 =	sshll.u32 s24, $0x3;
	s25 =	smul.u32 $0xA000, s25  }
0x284: {  	s24 =	sand.u32 $0xFC00, s24  }
0x285: {  	s24 =	sadd.s32 s24, s25  }
0x286: {  	s24 =	sshrl.u32 s24, $0x3  }
0x287: {  	s25 =	simm.s32 $0x1B00;
	s24 =	sadd.s32 s1, s24  }
0x288: {  	[tilespmem:s25], [sflag:$0x1] =	stream.linear.gather [hbm4b:s24+s3], $0x400, $0x38;
	[tilespmem:$0x14380] =	vst v63  }
0x289: {  	s24 =	spop (v2sf)  }
0x28a: {  	(v2sf) =	vpush v2, $0x9;
	s25 =	sshrl.u32 s24, $0xD  }
0x28b: {  	s24 =	sshll.u32 s24, $0x3;
	s25 =	smul.u32 $0xA000, s25  }
0x28c: {  	s24 =	sand.u32 $0xFC00, s24  }
0x28d: {  	s24 =	sadd.s32 s24, s25  }
0x28e: {  	s24 =	sshrl.u32 s24, $0x3  }
0x28f: {  	s24 =	sadd.s32 s1, s24  }
0x290: {  	[tilespmem:s6], [sflag:$0x1] =	stream.linear.gather [hbm4b:s24+s3], $0x400, $0x38;
	[tilespmem:$0x14380] =	vst v63  }
0x291: {  	s24 =	spop (v2sf)  }
0x292: {  	(v2sf) =	vpush v2, $0xA;
	s6 =	sshrl.u32 s24, $0xD  }
0x293: {  	s24 =	sshll.u32 s24, $0x3;
	s25 =	smul.u32 $0xA000, s6  }
0x294: {  	s24 =	sand.u32 $0xFC00, s24  }
0x295: {  	s24 =	sadd.s32 s24, s25  }
0x296: {  	s24 =	sshrl.u32 s24, $0x3  }
0x297: {  	s24 =	sadd.s32 s1, s24  }
0x298: {  	[tilespmem:s7], [sflag:$0x1] =	stream.linear.gather [hbm4b:s24+s3], $0x400, $0x38;
	[tilespmem:$0x14380] =	vst v63  }
0x299: {  	s6 =	spop (v2sf)  }
0x29a: {  	(v2sf) =	vpush v2, $0xB;
	s7 =	sshrl.u32 s6, $0xD  }
0x29b: {  	s24 =	sshll.u32 s6, $0x3;
	s25 =	smul.u32 $0xA000, s7  }
0x29c: {  	s24 =	sand.u32 $0xFC00, s24  }
0x29d: {  	s24 =	sadd.s32 s24, s25  }
0x29e: {  	s24 =	sshrl.u32 s24, $0x3  }
0x29f: {  	s24 =	sadd.s32 s1, s24  }
0x2a0: {  	[tilespmem:s9], [sflag:$0x1] =	stream.linear.gather [hbm4b:s24+s3], $0x400, $0x38;
	[tilespmem:$0x14380] =	vst v63  }
0x2a1: {  	s6 =	spop (v2sf)  }
0x2a2: {  	(v2sf) =	vpush v2, $0xC;
	s7 =	sshrl.u32 s6, $0xD  }
0x2a3: {  	s24 =	sshll.u32 s6, $0x3;
	s25 =	smul.u32 $0xA000, s7  }
0x2a4: {  	s24 =	sand.u32 $0xFC00, s24  }
0x2a5: {  	s24 =	sadd.s32 s24, s25  }
0x2a6: {  	s24 =	sshrl.u32 s24, $0x3  }
0x2a7: {  	s24 =	sadd.s32 s1, s24  }
0x2a8: {  	[tilespmem:s10], [sflag:$0x1] =	stream.linear.gather [hbm4b:s24+s3], $0x400, $0x38;
	[tilespmem:$0x14380] =	vst v63  }
0x2a9: {  	s6 =	spop (v2sf)  }
0x2aa: {  	(v2sf) =	vpush v2, $0xD;
	s7 =	sshrl.u32 s6, $0xD  }
0x2ab: {  	s24 =	sshll.u32 s6, $0x3;
	s25 =	smul.u32 $0xA000, s7  }
0x2ac: {  	s24 =	sand.u32 $0xFC00, s24  }
0x2ad: {  	s24 =	sadd.s32 s24, s25  }
0x2ae: {  	s24 =	sshrl.u32 s24, $0x3  }
0x2af: {  	s24 =	sadd.s32 s1, s24  }
0x2b0: {  	[tilespmem:s11], [sflag:$0x1] =	stream.linear.gather [hbm4b:s24+s3], $0x400, $0x38;
	[tilespmem:$0x14380] =	vst v63  }
0x2b1: {  	s6 =	spop (v2sf)  }
0x2b2: {  	(v2sf) =	vpush v2, $0xE;
	s7 =	sshrl.u32 s6, $0xD  }
0x2b3: {  	s24 =	sshll.u32 s6, $0x3;
	s25 =	smul.u32 $0xA000, s7  }
0x2b4: {  	s24 =	sand.u32 $0xFC00, s24  }
0x2b5: {  	s24 =	sadd.s32 s24, s25  }
0x2b6: {  	s24 =	sshrl.u32 s24, $0x3  }
0x2b7: {  	s24 =	sadd.s32 s1, s24  }
0x2b8: {  	[tilespmem:s12], [sflag:$0x1] =	stream.linear.gather [hbm4b:s24+s3], $0x400, $0x38;
	[tilespmem:$0x14380] =	vst v63  }
0x2b9: {  	s6 =	spop (v2sf)  }
0x2ba: {  	(v2sf) =	vpush v2, $0xF;
	s7 =	sshrl.u32 s6, $0xD  }
0x2bb: {  	s24 =	sshll.u32 s6, $0x3;
	s25 =	smul.u32 $0xA000, s7  }
0x2bc: {  	s24 =	sand.u32 $0xFC00, s24  }
0x2bd: {  	s24 =	sadd.s32 s24, s25  }
0x2be: {  	s24 =	sshrl.u32 s24, $0x3  }
0x2bf: {  	s24 =	sadd.s32 s1, s24  }
0x2c0: {  	[tilespmem:s13], [sflag:$0x1] =	stream.linear.gather [hbm4b:s24+s3], $0x400, $0x38;
	[tilespmem:$0x14380] =	vst v63  }
0x2c1: {  	s6 =	spop (v2sf)  }
0x2c2: {  	s7 =	sshrl.u32 s6, $0xD  }
0x2c3: {  	s24 =	sshll.u32 s6, $0x3;
	s25 =	smul.u32 $0xA000, s7  }
0x2c4: {  	s24 =	sand.u32 $0xFC00, s24  }
0x2c5: {  	s24 =	sadd.s32 s24, s25  }
0x2c6: {  	s24 =	sshrl.u32 s24, $0x3  }
0x2c7: {  	s24 =	sadd.s32 s1, s24  }
0x2c8: {  	[tilespmem:s15], [sflag:$0x1] =	stream.linear.gather [hbm4b:s24+s3], $0x400, $0x38;
	[tilespmem:$0x14380] =	vst v63  }
0x2c9: {  	s6 =	spop (v2sf)  }
0x2ca: {  	s7 =	sshrl.u32 s6, $0xD  }
0x2cb: {  	s24 =	sshll.u32 s6, $0x3;
	s25 =	smul.u32 $0xA000, s7  }
0x2cc: {  	s24 =	sand.u32 $0xFC00, s24  }
0x2cd: {  	s24 =	sadd.s32 s24, s25  }
0x2ce: {  	s24 =	sshrl.u32 s24, $0x3  }
0x2cf: {  	s24 =	sadd.s32 s1, s24  }
0x2d0: {  	[tilespmem:s16], [sflag:$0x1] =	stream.linear.gather [hbm4b:s24+s3], $0x400, $0x38;
	[tilespmem:$0x14380] =	vst v63  }
0x2d1: {  	v2 =	vld [tilespmem:$0x150];
	_ =	sdelay $0x4  }
0x2d2: {  	(v2sf) =	vpush v2, $0x0;
	_ =	sdelay $0x2  }
0x2d3: {  	(v2sf) =	vpush v2, $0x1;
	_ =	sdelay $0x6  }
0x2d4: {  	(v2sf) =	vpush v2, $0x2;
	_ =	sdelay $0x4  }
0x2d5: {  	s6 =	spop (v2sf)  }
0x2d6: {  	s7 =	sshrl.u32 s6, $0xD  }
0x2d7: {  	s24 =	sshll.u32 s6, $0x3;
	s25 =	smul.u32 $0xA000, s7  }
0x2d8: {  	s6 =	spop (v2sf);
	(v2sf) =	vpush v2, $0x3;
	s24 =	sand.u32 $0xFC00, s24  }
0x2d9: {  	s24 =	sadd.s32 s24, s25  }
0x2da: {  	s24 =	sshrl.u32 s24, $0x3  }
0x2db: {  	s7 =	sshrl.u32 s6, $0xD;
	s24 =	sadd.s32 s1, s24  }
0x2dc: {  	[tilespmem:s17], [sflag:$0x1] =	stream.linear.gather [hbm4b:s24+s3], $0x400, $0x38;
	[tilespmem:$0x14380] =	vst v63  }
0x2dd: {  	s25 =	smul.u32 $0xA000, s7;
	s24 =	sshll.u32 s6, $0x3  }
0x2de: {  	s24 =	sand.u32 $0xFC00, s24  }
0x2df: {  	s6 =	spop (v2sf);
	(v2sf) =	vpush v2, $0x4;
	s24 =	sadd.s32 s24, s25  }
0x2e0: {  	s24 =	sshrl.u32 s24, $0x3  }
0x2e1: {  	s7 =	sshrl.u32 s6, $0xD;
	s24 =	sadd.s32 s1, s24  }
0x2e2: {  	[tilespmem:s18], [sflag:$0x1] =	stream.linear.gather [hbm4b:s24+s3], $0x400, $0x38;
	[tilespmem:$0x14380] =	vst v63  }
0x2e3: {  	s25 =	smul.u32 $0xA000, s7;
	s24 =	sshll.u32 s6, $0x3  }
0x2e4: {  	s24 =	sand.u32 $0xFC00, s24  }
0x2e5: {  	s24 =	sadd.s32 s24, s25  }
0x2e6: {  	s24 =	sshrl.u32 s24, $0x3  }
0x2e7: {  	s24 =	sadd.s32 s1, s24;
	s6 =	spop (v2sf)  }
0x2e8: {  	(v2sf) =	vpush v2, $0x5;
	[tilespmem:s19], [sflag:$0x1] =	stream.linear.gather [hbm4b:s24+s3], $0x400, $0x38;
	[tilespmem:$0x14380] =	vst v63  }
0x2e9: {  	s7 =	sshrl.u32 s6, $0xD  }
0x2ea: {  	s24 =	sshll.u32 s6, $0x3;
	s25 =	smul.u32 $0xA000, s7  }
0x2eb: {  	s24 =	sand.u32 $0xFC00, s24  }
0x2ec: {  	s24 =	sadd.s32 s24, s25  }
0x2ed: {  	s24 =	sshrl.u32 s24, $0x3  }
0x2ee: {  	s24 =	sadd.s32 s1, s24;
	s6 =	spop (v2sf);
	(v2sf) =	vpush v2, $0x6  }
0x2ef: {  	[tilespmem:s20], [sflag:$0x1] =	stream.linear.gather [hbm4b:s24+s3], $0x400, $0x38;
	[tilespmem:$0x14380] =	vst v63  }
0x2f0: {  	s7 =	sshrl.u32 s6, $0xD  }
0x2f1: {  	s24 =	sshll.u32 s6, $0x3;
	s25 =	smul.u32 $0xA000, s7  }
0x2f2: {  	s24 =	sand.u32 $0xFC00, s24  }
0x2f3: {  	s24 =	sadd.s32 s24, s25  }
0x2f4: {  	s24 =	sshrl.u32 s24, $0x3  }
0x2f5: {  	s24 =	sadd.s32 s1, s24  }
0x2f6: {  	[tilespmem:s23], [sflag:$0x1] =	stream.linear.gather [hbm4b:s24+s3], $0x400, $0x38;
	[tilespmem:$0x14380] =	vst v63  }
0x2f7: {  	s6 =	spop (v2sf);
	(v2sf) =	vpush v2, $0x7  }
0x2f8: {  	s7 =	sshrl.u32 s6, $0xD  }
0x2f9: {  	s24 =	sshll.u32 s6, $0x3;
	s25 =	smul.u32 $0xA000, s7  }
0x2fa: {  	s24 =	sand.u32 $0xFC00, s24  }
0x2fb: {  	s24 =	sadd.s32 s24, s25  }
0x2fc: {  	s24 =	sshrl.u32 s24, $0x3  }
0x2fd: {  	s24 =	sadd.s32 s1, s24;
	s6 =	spop (v2sf);
	(v2sf) =	vpush v2, $0x8  }
0x2fe: {  	[tilespmem:s8], [sflag:$0x1] =	stream.linear.gather [hbm4b:s24+s3], $0x400, $0x38;
	[tilespmem:$0x14380] =	vst v63  }
0x2ff: {  	s7 =	sshrl.u32 s6, $0xD  }
0x300: {  	s24 =	sshll.u32 s6, $0x3;
	s25 =	smul.u32 $0xA000, s7  }
0x301: {  	s24 =	sand.u32 $0xFC00, s24  }
0x302: {  	s24 =	sadd.s32 s24, s25  }
0x303: {  	s24 =	sshrl.u32 s24, $0x3  }
0x304: {  	s24 =	sadd.s32 s1, s24  }
0x305: {  	[tilespmem:s26], [sflag:$0x1] =	stream.linear.gather [hbm4b:s24+s3], $0x400, $0x38;
	[tilespmem:$0x14380] =	vst v63  }
0x306: {  	s6 =	spop (v2sf);
	(v2sf) =	vpush v2, $0x9  }
0x307: {  	s7 =	sshrl.u32 s6, $0xD  }
0x308: {  	s24 =	sshll.u32 s6, $0x3;
	s25 =	smul.u32 $0xA000, s7  }
0x309: {  	s24 =	sand.u32 $0xFC00, s24  }
0x30a: {  	s24 =	sadd.s32 s24, s25  }
0x30b: {  	s24 =	sshrl.u32 s24, $0x3  }
0x30c: {  	s24 =	sadd.s32 s1, s24;
	s6 =	spop (v2sf);
	(v2sf) =	vpush v2, $0xA  }
0x30d: {  	[tilespmem:s21], [sflag:$0x1] =	stream.linear.gather [hbm4b:s24+s3], $0x400, $0x38;
	[tilespmem:$0x14380] =	vst v63  }
0x30e: {  	s7 =	sshrl.u32 s6, $0xD  }
0x30f: {  	s24 =	sshll.u32 s6, $0x3;
	s25 =	smul.u32 $0xA000, s7  }
0x310: {  	s24 =	sand.u32 $0xFC00, s24  }
0x311: {  	s24 =	sadd.s32 s24, s25  }
0x312: {  	s24 =	sshrl.u32 s24, $0x3  }
0x313: {  	s24 =	sadd.s32 s1, s24  }
0x314: {  	[tilespmem:s22], [sflag:$0x1] =	stream.linear.gather [hbm4b:s24+s3], $0x400, $0x38;
	[tilespmem:$0x14380] =	vst v63  }
0x315: {  	s6 =	spop (v2sf);
	(v2sf) =	vpush v2, $0xB  }
0x316: {  	s7 =	sshrl.u32 s6, $0xD  }
0x317: {  	s24 =	sshll.u32 s6, $0x3;
	s25 =	smul.u32 $0xA000, s7  }
0x318: {  	s24 =	sand.u32 $0xFC00, s24  }
0x319: {  	s24 =	sadd.s32 s24, s25  }
0x31a: {  	s24 =	sshrl.u32 s24, $0x3  }
0x31b: {  	s25 =	simm.s32 $0x6700;
	s24 =	sadd.s32 s1, s24;
	s6 =	spop (v2sf);
	(v2sf) =	vpush v2, $0xC  }
0x31c: {  	[tilespmem:s25], [sflag:$0x1] =	stream.linear.gather [hbm4b:s24+s3], $0x400, $0x38;
	[tilespmem:$0x14380] =	vst v63  }
0x31d: {  	s7 =	sshrl.u32 s6, $0xD  }
0x31e: {  	s24 =	sshll.u32 s6, $0x3;
	s25 =	smul.u32 $0xA000, s7  }
0x31f: {  	s24 =	sand.u32 $0xFC00, s24  }
0x320: {  	s24 =	sadd.s32 s24, s25  }
0x321: {  	s24 =	sshrl.u32 s24, $0x3  }
0x322: {  	s25 =	simm.s32 $0x6B00;
	s24 =	sadd.s32 s1, s24  }
0x323: {  	[tilespmem:s25], [sflag:$0x1] =	stream.linear.gather [hbm4b:s24+s3], $0x400, $0x38;
	[tilespmem:$0x14380] =	vst v63  }
0x324: {  	s6 =	spop (v2sf);
	(v2sf) =	vpush v2, $0xD  }
0x325: {  	s7 =	sshrl.u32 s6, $0xD  }
0x326: {  	s24 =	sshll.u32 s6, $0x3;
	s25 =	smul.u32 $0xA000, s7  }
0x327: {  	s24 =	sand.u32 $0xFC00, s24  }
0x328: {  	s24 =	sadd.s32 s24, s25  }
0x329: {  	s24 =	sshrl.u32 s24, $0x3  }
0x32a: {  	s25 =	simm.s32 $0x6F00;
	s24 =	sadd.s32 s1, s24;
	s6 =	spop (v2sf);
	(v2sf) =	vpush v2, $0xE  }
0x32b: {  	[tilespmem:s25], [sflag:$0x1] =	stream.linear.gather [hbm4b:s24+s3], $0x400, $0x38;
	[tilespmem:$0x14380] =	vst v63  }
0x32c: {  	s7 =	sshrl.u32 s6, $0xD  }
0x32d: {  	s24 =	sshll.u32 s6, $0x3;
	s25 =	smul.u32 $0xA000, s7  }
0x32e: {  	s24 =	sand.u32 $0xFC00, s24  }
0x32f: {  	s24 =	sadd.s32 s24, s25  }
0x330: {  	s24 =	sshrl.u32 s24, $0x3  }
0x331: {  	s25 =	simm.s32 $0x7300;
	s24 =	sadd.s32 s1, s24  }
0x332: {  	[tilespmem:s25], [sflag:$0x1] =	stream.linear.gather [hbm4b:s24+s3], $0x400, $0x38;
	[tilespmem:$0x14380] =	vst v63  }
0x333: {  	s6 =	spop (v2sf);
	(v2sf) =	vpush v2, $0xF  }
0x334: {  	s7 =	sshrl.u32 s6, $0xD  }
0x335: {  	s24 =	sshll.u32 s6, $0x3;
	s25 =	smul.u32 $0xA000, s7  }
0x336: {  	s24 =	sand.u32 $0xFC00, s24  }
0x337: {  	s24 =	sadd.s32 s24, s25  }
0x338: {  	s24 =	sshrl.u32 s24, $0x3  }
0x339: {  	s25 =	simm.s32 $0x7700;
	s24 =	sadd.s32 s1, s24;
	s6 =	spop (v2sf)  }
0x33a: {  	[tilespmem:s25], [sflag:$0x1] =	stream.linear.gather [hbm4b:s24+s3], $0x400, $0x38;
	[tilespmem:$0x14380] =	vst v63  }
0x33b: {  	s7 =	sshrl.u32 s6, $0xD  }
0x33c: {  	s24 =	sshll.u32 s6, $0x3;
	s25 =	smul.u32 $0xA000, s7  }
0x33d: {  	s24 =	sand.u32 $0xFC00, s24  }
0x33e: {  	s24 =	sadd.s32 s24, s25  }
0x33f: {  	s24 =	sshrl.u32 s24, $0x3  }
0x340: {  	s25 =	simm.s32 $0x7B00;
	s24 =	sadd.s32 s1, s24  }
0x341: {  	[tilespmem:s25], [sflag:$0x1] =	stream.linear.gather [hbm4b:s24+s3], $0x400, $0x38;
	[tilespmem:$0x14380] =	vst v63  }
0x342: {  	s6 =	spop (v2sf)  }
0x343: {  	s7 =	sshrl.u32 s6, $0xD  }
0x344: {  	s24 =	sshll.u32 s6, $0x3;
	s25 =	smul.u32 $0xA000, s7  }
0x345: {  	s24 =	sand.u32 $0xFC00, s24  }
0x346: {  	s24 =	sadd.s32 s24, s25  }
0x347: {  	s24 =	sshrl.u32 s24, $0x3  }
0x348: {  	s6 =	simm.s32 $0x2;
	s25 =	simm.s32 $0x7F00;
	s24 =	sadd.s32 s1, s24  }
0x349: {  	[tilespmem:s25], [sflag:$0x1] =	stream.linear.gather [hbm4b:s24+s3], $0x400, $0x38;
	[tilespmem:$0x14380] =	vst v63  }
0x34a: {  	_ =	swait.ge [sflag:s6], $0x8000  }
0x34b: {  	[sflag:s6] =	ssyncset.done $0x0  }
0x34c: {  	[sflag:s6] =	ssyncadd.s32 $0xFFFF8000  }
0x34d: {  	v2 =	vld [tilespmem:$0x160]  }
0x34e: {  	v3 =	vld [tilespmem:$0x220]  }
0x34f: {  	v53 =	vld [tilespmem:$0x2A0];
	_ =	sdelay $0x2  }
0x350: {  	(v2sf) =	vpush v2, $0x0;
	_ =	sdelay $0x1  }
0x351: {  	v55 =	vld [tilespmem:$0x230];
	v54 =	vand.u32 $0xFFFFFF80, v53;
	v3 =	vshll.u32 v3, $0x7  }
0x352: {  	v56 =	vld [tilespmem:$0x2B0];
	v4 =	vand.u32 $0x7F, v53;
	v3 =	vadd.s32 v54, v3  }
0x353: {  	v3 =	vor.u32 v4, v3  }
0x354: {  	v3 =	vadd.s32 v0, v3;
	_ =	sdelay $0x2  }
0x355: {  	v57 =	vand.u32 $0xFFFFFF80, v56;
	v6 =	vshll.u32 v55, $0x7;
	(v2sf) =	vpush v2, $0x1  }
0x356: {  	v5 =	vand.u32 $0x7F, v56;
	v4 =	vadd.s32 v57, v6  }
0x357: {  	v4 =	vor.u32 v5, v4;
	v3 =	vld.idx.msk [tilespmem:v3+s2+$0x0], $0xffff  }
0x358: {  	v4 =	vadd.s32 v1, v4;
	_ =	sdelay $0x3  }
0x359: {  	[tilespmem:$0x10320] =	vst v3;
	s24 =	spop (v2sf)  }
0x35a: {  	(v2sf) =	vpush v2, $0x2;
	v3 =	vld.idx.msk [tilespmem:v4+s2+$0x0], $0xffff;
	s7 =	sshrl.u32 s24, $0xD  }
0x35b: {  	s24 =	sshll.u32 s24, $0x3;
	s25 =	smul.u32 $0xA000, s7  }
0x35c: {  	s24 =	sand.u32 $0xFC00, s24  }
0x35d: {  	s24 =	sadd.s32 s24, s25  }
0x35e: {  	s24 =	sshrl.u32 s24, $0x3  }
0x35f: {  	[tilespmem:$0x10330] =	vst v3;
	s24 =	sadd.s32 s1, s24  }
0x360: {  	[tilespmem:s2], [sflag:$0x2] =	stream.linear.gather [hbm4b:s24+s3], $0x400, $0x38;
	[tilespmem:$0x14380] =	vst v63  }
0x361: {  	s24 =	spop (v2sf)  }
0x362: {  	(v2sf) =	vpush v2, $0x3;
	s7 =	sshrl.u32 s24, $0xD  }
0x363: {  	s24 =	sshll.u32 s24, $0x3;
	s25 =	smul.u32 $0xA000, s7  }
0x364: {  	s24 =	sand.u32 $0xFC00, s24  }
0x365: {  	s24 =	sadd.s32 s24, s25  }
0x366: {  	s24 =	sshrl.u32 s24, $0x3  }
0x367: {  	s25 =	simm.s32 $0x8700;
	s24 =	sadd.s32 s1, s24  }
0x368: {  	[tilespmem:s25], [sflag:$0x2] =	stream.linear.gather [hbm4b:s24+s3], $0x400, $0x38;
	[tilespmem:$0x14380] =	vst v63  }
0x369: {  	s24 =	spop (v2sf)  }
0x36a: {  	(v2sf) =	vpush v2, $0x4;
	s7 =	sshrl.u32 s24, $0xD  }
0x36b: {  	s24 =	sshll.u32 s24, $0x3;
	s25 =	smul.u32 $0xA000, s7  }
0x36c: {  	s24 =	sand.u32 $0xFC00, s24  }
0x36d: {  	s24 =	sadd.s32 s24, s25  }
0x36e: {  	s24 =	sshrl.u32 s24, $0x3  }
0x36f: {  	s25 =	simm.s32 $0x8B00;
	s24 =	sadd.s32 s1, s24  }
0x370: {  	[tilespmem:s25], [sflag:$0x2] =	stream.linear.gather [hbm4b:s24+s3], $0x400, $0x38;
	[tilespmem:$0x14380] =	vst v63  }
0x371: {  	s24 =	spop (v2sf)  }
0x372: {  	(v2sf) =	vpush v2, $0x5;
	s7 =	sshrl.u32 s24, $0xD  }
0x373: {  	s24 =	sshll.u32 s24, $0x3;
	s25 =	smul.u32 $0xA000, s7  }
0x374: {  	s24 =	sand.u32 $0xFC00, s24  }
0x375: {  	s24 =	sadd.s32 s24, s25  }
0x376: {  	s24 =	sshrl.u32 s24, $0x3  }
0x377: {  	s25 =	simm.s32 $0x8F00;
	s24 =	sadd.s32 s1, s24  }
0x378: {  	[tilespmem:s25], [sflag:$0x2] =	stream.linear.gather [hbm4b:s24+s3], $0x400, $0x38;
	[tilespmem:$0x14380] =	vst v63  }
0x379: {  	s24 =	spop (v2sf)  }
0x37a: {  	(v2sf) =	vpush v2, $0x6;
	s7 =	sshrl.u32 s24, $0xD  }
0x37b: {  	s24 =	sshll.u32 s24, $0x3;
	s25 =	smul.u32 $0xA000, s7  }
0x37c: {  	s24 =	sand.u32 $0xFC00, s24  }
0x37d: {  	s24 =	sadd.s32 s24, s25  }
0x37e: {  	s24 =	sshrl.u32 s24, $0x3  }
0x37f: {  	s25 =	simm.s32 $0x9300;
	s24 =	sadd.s32 s1, s24  }
0x380: {  	[tilespmem:s25], [sflag:$0x2] =	stream.linear.gather [hbm4b:s24+s3], $0x400, $0x38;
	[tilespmem:$0x14380] =	vst v63  }
0x381: {  	s24 =	spop (v2sf)  }
0x382: {  	(v2sf) =	vpush v2, $0x7;
	s7 =	sshrl.u32 s24, $0xD  }
0x383: {  	s24 =	sshll.u32 s24, $0x3;
	s25 =	smul.u32 $0xA000, s7  }
0x384: {  	s24 =	sand.u32 $0xFC00, s24  }
0x385: {  	s24 =	sadd.s32 s24, s25  }
0x386: {  	s24 =	sshrl.u32 s24, $0x3  }
0x387: {  	s25 =	simm.s32 $0x9700;
	s24 =	sadd.s32 s1, s24  }
0x388: {  	[tilespmem:s25], [sflag:$0x2] =	stream.linear.gather [hbm4b:s24+s3], $0x400, $0x38;
	[tilespmem:$0x14380] =	vst v63  }
0x389: {  	s24 =	spop (v2sf)  }
0x38a: {  	(v2sf) =	vpush v2, $0x8;
	s7 =	sshrl.u32 s24, $0xD  }
0x38b: {  	s24 =	sshll.u32 s24, $0x3;
	s25 =	smul.u32 $0xA000, s7  }
0x38c: {  	s24 =	sand.u32 $0xFC00, s24  }
0x38d: {  	s24 =	sadd.s32 s24, s25  }
0x38e: {  	s24 =	sshrl.u32 s24, $0x3  }
0x38f: {  	s25 =	simm.s32 $0x9B00;
	s24 =	sadd.s32 s1, s24  }
0x390: {  	[tilespmem:s25], [sflag:$0x2] =	stream.linear.gather [hbm4b:s24+s3], $0x400, $0x38;
	[tilespmem:$0x14380] =	vst v63  }
0x391: {  	s24 =	spop (v2sf)  }
0x392: {  	(v2sf) =	vpush v2, $0x9;
	s7 =	sshrl.u32 s24, $0xD  }
0x393: {  	s24 =	sshll.u32 s24, $0x3;
	s25 =	smul.u32 $0xA000, s7  }
0x394: {  	s24 =	sand.u32 $0xFC00, s24  }
0x395: {  	s24 =	sadd.s32 s24, s25  }
0x396: {  	s24 =	sshrl.u32 s24, $0x3  }
0x397: {  	s25 =	simm.s32 $0x9F00;
	s24 =	sadd.s32 s1, s24  }
0x398: {  	[tilespmem:s25], [sflag:$0x2] =	stream.linear.gather [hbm4b:s24+s3], $0x400, $0x38;
	[tilespmem:$0x14380] =	vst v63  }
0x399: {  	s24 =	spop (v2sf)  }
0x39a: {  	(v2sf) =	vpush v2, $0xA;
	s7 =	sshrl.u32 s24, $0xD  }
0x39b: {  	s24 =	sshll.u32 s24, $0x3;
	s25 =	smul.u32 $0xA000, s7  }
0x39c: {  	s24 =	sand.u32 $0xFC00, s24  }
0x39d: {  	s24 =	sadd.s32 s24, s25  }
0x39e: {  	s24 =	sshrl.u32 s24, $0x3  }
0x39f: {  	s25 =	simm.s32 $0xA300;
	s24 =	sadd.s32 s1, s24  }
0x3a0: {  	[tilespmem:s25], [sflag:$0x2] =	stream.linear.gather [hbm4b:s24+s3], $0x400, $0x38;
	[tilespmem:$0x14380] =	vst v63  }
0x3a1: {  	s24 =	spop (v2sf)  }
0x3a2: {  	(v2sf) =	vpush v2, $0xB;
	s7 =	sshrl.u32 s24, $0xD  }
0x3a3: {  	s24 =	sshll.u32 s24, $0x3;
	s25 =	smul.u32 $0xA000, s7  }
0x3a4: {  	s24 =	sand.u32 $0xFC00, s24  }
0x3a5: {  	s24 =	sadd.s32 s24, s25  }
0x3a6: {  	s24 =	sshrl.u32 s24, $0x3  }
0x3a7: {  	s25 =	simm.s32 $0xA700;
	s24 =	sadd.s32 s1, s24  }
0x3a8: {  	[tilespmem:s25], [sflag:$0x2] =	stream.linear.gather [hbm4b:s24+s3], $0x400, $0x38;
	[tilespmem:$0x14380] =	vst v63  }
0x3a9: {  	s24 =	spop (v2sf)  }
0x3aa: {  	(v2sf) =	vpush v2, $0xC;
	s7 =	sshrl.u32 s24, $0xD  }
0x3ab: {  	s24 =	sshll.u32 s24, $0x3;
	s25 =	smul.u32 $0xA000, s7  }
0x3ac: {  	s24 =	sand.u32 $0xFC00, s24  }
0x3ad: {  	s24 =	sadd.s32 s24, s25  }
0x3ae: {  	s24 =	sshrl.u32 s24, $0x3  }
0x3af: {  	s25 =	simm.s32 $0xAB00;
	s24 =	sadd.s32 s1, s24  }
0x3b0: {  	[tilespmem:s25], [sflag:$0x2] =	stream.linear.gather [hbm4b:s24+s3], $0x400, $0x38;
	[tilespmem:$0x14380] =	vst v63  }
0x3b1: {  	s24 =	spop (v2sf)  }
0x3b2: {  	(v2sf) =	vpush v2, $0xD;
	s7 =	sshrl.u32 s24, $0xD  }
0x3b3: {  	s24 =	sshll.u32 s24, $0x3;
	s25 =	smul.u32 $0xA000, s7  }
0x3b4: {  	s24 =	sand.u32 $0xFC00, s24  }
0x3b5: {  	s24 =	sadd.s32 s24, s25  }
0x3b6: {  	s24 =	sshrl.u32 s24, $0x3  }
0x3b7: {  	s25 =	simm.s32 $0xAF00;
	s24 =	sadd.s32 s1, s24  }
0x3b8: {  	[tilespmem:s25], [sflag:$0x2] =	stream.linear.gather [hbm4b:s24+s3], $0x400, $0x38;
	[tilespmem:$0x14380] =	vst v63  }
0x3b9: {  	s24 =	spop (v2sf)  }
0x3ba: {  	(v2sf) =	vpush v2, $0xE;
	s7 =	sshrl.u32 s24, $0xD  }
0x3bb: {  	s24 =	sshll.u32 s24, $0x3;
	s25 =	smul.u32 $0xA000, s7  }
0x3bc: {  	s24 =	sand.u32 $0xFC00, s24  }
0x3bd: {  	s24 =	sadd.s32 s24, s25  }
0x3be: {  	s24 =	sshrl.u32 s24, $0x3  }
0x3bf: {  	s25 =	simm.s32 $0xB300;
	s24 =	sadd.s32 s1, s24  }
0x3c0: {  	[tilespmem:s25], [sflag:$0x2] =	stream.linear.gather [hbm4b:s24+s3], $0x400, $0x38;
	[tilespmem:$0x14380] =	vst v63  }
0x3c1: {  	s24 =	spop (v2sf)  }
0x3c2: {  	(v2sf) =	vpush v2, $0xF;
	s7 =	sshrl.u32 s24, $0xD  }
0x3c3: {  	s24 =	sshll.u32 s24, $0x3;
	s25 =	smul.u32 $0xA000, s7  }
0x3c4: {  	s24 =	sand.u32 $0xFC00, s24  }
0x3c5: {  	s24 =	sadd.s32 s24, s25  }
0x3c6: {  	s24 =	sshrl.u32 s24, $0x3  }
0x3c7: {  	s25 =	simm.s32 $0xB700;
	s24 =	sadd.s32 s1, s24  }
0x3c8: {  	[tilespmem:s25], [sflag:$0x2] =	stream.linear.gather [hbm4b:s24+s3], $0x400, $0x38;
	[tilespmem:$0x14380] =	vst v63  }
0x3c9: {  	s24 =	spop (v2sf)  }
0x3ca: {  	s7 =	sshrl.u32 s24, $0xD  }
0x3cb: {  	s24 =	sshll.u32 s24, $0x3;
	s25 =	smul.u32 $0xA000, s7  }
0x3cc: {  	s24 =	sand.u32 $0xFC00, s24  }
0x3cd: {  	s24 =	sadd.s32 s24, s25  }
0x3ce: {  	s24 =	sshrl.u32 s24, $0x3  }
0x3cf: {  	s25 =	simm.s32 $0xBB00;
	s24 =	sadd.s32 s1, s24  }
0x3d0: {  	[tilespmem:s25], [sflag:$0x2] =	stream.linear.gather [hbm4b:s24+s3], $0x400, $0x38;
	[tilespmem:$0x14380] =	vst v63  }
0x3d1: {  	s24 =	spop (v2sf)  }
0x3d2: {  	s7 =	sshrl.u32 s24, $0xD  }
0x3d3: {  	s24 =	sshll.u32 s24, $0x3;
	s25 =	smul.u32 $0xA000, s7  }
0x3d4: {  	s24 =	sand.u32 $0xFC00, s24  }
0x3d5: {  	s24 =	sadd.s32 s24, s25  }
0x3d6: {  	s24 =	sshrl.u32 s24, $0x3  }
0x3d7: {  	s25 =	simm.s32 $0xBF00;
	s24 =	sadd.s32 s1, s24  }
0x3d8: {  	[tilespmem:s25], [sflag:$0x2] =	stream.linear.gather [hbm4b:s24+s3], $0x400, $0x38;
	[tilespmem:$0x14380] =	vst v63  }
0x3d9: {  	v2 =	vld [tilespmem:$0x170];
	_ =	sdelay $0x4  }
0x3da: {  	(v2sf) =	vpush v2, $0x0;
	_ =	sdelay $0x7  }
0x3db: {  	(v2sf) =	vpush v2, $0x1;
	_ =	sdelay $0x5  }
0x3dc: {  	(v2sf) =	vpush v2, $0x2  }
0x3dd: {  	s24 =	spop (v2sf)  }
0x3de: {  	s7 =	sshrl.u32 s24, $0xD  }
0x3df: {  	s24 =	sshll.u32 s24, $0x3;
	s25 =	smul.u32 $0xA000, s7  }
0x3e0: {  	s24 =	sand.u32 $0xFC00, s24  }
0x3e1: {  	s24 =	sadd.s32 s24, s25  }
0x3e2: {  	s24 =	sshrl.u32 s24, $0x3  }
0x3e3: {  	s25 =	simm.s32 $0xC300;
	s24 =	sadd.s32 s1, s24  }
0x3e4: {  	[tilespmem:s25], [sflag:$0x2] =	stream.linear.gather [hbm4b:s24+s3], $0x400, $0x38;
	[tilespmem:$0x14380] =	vst v63  }
0x3e5: {  	(v2sf) =	vpush v2, $0x3;
	s24 =	spop (v2sf)  }
0x3e6: {  	s7 =	sshrl.u32 s24, $0xD  }
0x3e7: {  	s24 =	sshll.u32 s24, $0x3;
	s25 =	smul.u32 $0xA000, s7  }
0x3e8: {  	s24 =	sand.u32 $0xFC00, s24  }
0x3e9: {  	s24 =	sadd.s32 s24, s25  }
0x3ea: {  	s24 =	sshrl.u32 s24, $0x3  }
0x3eb: {  	(v2sf) =	vpush v2, $0x4;
	s7 =	simm.s32 $0xC700;
	s25 =	spop (v2sf);
	s24 =	sadd.s32 s1, s24  }
0x3ec: {  	[tilespmem:s7], [sflag:$0x2] =	stream.linear.gather [hbm4b:s24+s3], $0x400, $0x38;
	[tilespmem:$0x14380] =	vst v63  }
0x3ed: {  	s7 =	sshrl.u32 s25, $0xD  }
0x3ee: {  	s25 =	sshll.u32 s25, $0x3;
	s24 =	smul.u32 $0xA000, s7  }
0x3ef: {  	s25 =	sand.u32 $0xFC00, s25  }
0x3f0: {  	s24 =	sadd.s32 s25, s24  }
0x3f1: {  	s24 =	sshrl.u32 s24, $0x3  }
0x3f2: {  	s25 =	simm.s32 $0xCB00;
	s24 =	sadd.s32 s1, s24  }
0x3f3: {  	[tilespmem:s25], [sflag:$0x2] =	stream.linear.gather [hbm4b:s24+s3], $0x400, $0x38;
	[tilespmem:$0x14380] =	vst v63  }
0x3f4: {  	s24 =	spop (v2sf);
	(v2sf) =	vpush v2, $0x5  }
0x3f5: {  	s7 =	sshrl.u32 s24, $0xD  }
0x3f6: {  	s24 =	sshll.u32 s24, $0x3;
	s25 =	smul.u32 $0xA000, s7  }
0x3f7: {  	s24 =	sand.u32 $0xFC00, s24  }
0x3f8: {  	s24 =	sadd.s32 s24, s25  }
0x3f9: {  	s24 =	sshrl.u32 s24, $0x3  }
0x3fa: {  	s7 =	simm.s32 $0xCF00;
	s25 =	spop (v2sf);
	(v2sf) =	vpush v2, $0x6;
	s24 =	sadd.s32 s1, s24  }
0x3fb: {  	[tilespmem:s7], [sflag:$0x2] =	stream.linear.gather [hbm4b:s24+s3], $0x400, $0x38;
	[tilespmem:$0x14380] =	vst v63  }
0x3fc: {  	s7 =	sshrl.u32 s25, $0xD  }
0x3fd: {  	s25 =	sshll.u32 s25, $0x3;
	s24 =	smul.u32 $0xA000, s7  }
0x3fe: {  	s25 =	sand.u32 $0xFC00, s25  }
0x3ff: {  	s24 =	sadd.s32 s25, s24  }
0x400: {  	s24 =	sshrl.u32 s24, $0x3  }
0x401: {  	s25 =	simm.s32 $0xD300;
	s24 =	sadd.s32 s1, s24  }
0x402: {  	[tilespmem:s25], [sflag:$0x2] =	stream.linear.gather [hbm4b:s24+s3], $0x400, $0x38;
	[tilespmem:$0x14380] =	vst v63  }
0x403: {  	s24 =	spop (v2sf);
	(v2sf) =	vpush v2, $0x7  }
0x404: {  	s7 =	sshrl.u32 s24, $0xD  }
0x405: {  	s24 =	sshll.u32 s24, $0x3;
	s25 =	smul.u32 $0xA000, s7  }
0x406: {  	s24 =	sand.u32 $0xFC00, s24  }
0x407: {  	s24 =	sadd.s32 s24, s25  }
0x408: {  	s24 =	sshrl.u32 s24, $0x3  }
0x409: {  	s7 =	simm.s32 $0xD700;
	s25 =	spop (v2sf);
	(v2sf) =	vpush v2, $0x8;
	s24 =	sadd.s32 s1, s24  }
0x40a: {  	[tilespmem:s7], [sflag:$0x2] =	stream.linear.gather [hbm4b:s24+s3], $0x400, $0x38;
	[tilespmem:$0x14380] =	vst v63  }
0x40b: {  	s7 =	sshrl.u32 s25, $0xD  }
0x40c: {  	s25 =	sshll.u32 s25, $0x3;
	s24 =	smul.u32 $0xA000, s7  }
0x40d: {  	s25 =	sand.u32 $0xFC00, s25  }
0x40e: {  	s24 =	sadd.s32 s25, s24  }
0x40f: {  	s24 =	sshrl.u32 s24, $0x3  }
0x410: {  	s25 =	simm.s32 $0xDB00;
	s24 =	sadd.s32 s1, s24  }
0x411: {  	[tilespmem:s25], [sflag:$0x2] =	stream.linear.gather [hbm4b:s24+s3], $0x400, $0x38;
	[tilespmem:$0x14380] =	vst v63  }
0x412: {  	s24 =	spop (v2sf);
	(v2sf) =	vpush v2, $0x9  }
0x413: {  	s7 =	sshrl.u32 s24, $0xD  }
0x414: {  	s24 =	sshll.u32 s24, $0x3;
	s25 =	smul.u32 $0xA000, s7  }
0x415: {  	s24 =	sand.u32 $0xFC00, s24  }
0x416: {  	s24 =	sadd.s32 s24, s25  }
0x417: {  	s24 =	sshrl.u32 s24, $0x3  }
0x418: {  	s7 =	simm.s32 $0xDF00;
	s25 =	spop (v2sf);
	(v2sf) =	vpush v2, $0xA;
	s24 =	sadd.s32 s1, s24  }
0x419: {  	[tilespmem:s7], [sflag:$0x2] =	stream.linear.gather [hbm4b:s24+s3], $0x400, $0x38;
	[tilespmem:$0x14380] =	vst v63  }
0x41a: {  	s7 =	sshrl.u32 s25, $0xD  }
0x41b: {  	s25 =	sshll.u32 s25, $0x3;
	s24 =	smul.u32 $0xA000, s7  }
0x41c: {  	s25 =	sand.u32 $0xFC00, s25  }
0x41d: {  	s24 =	sadd.s32 s25, s24  }
0x41e: {  	s24 =	sshrl.u32 s24, $0x3  }
0x41f: {  	s25 =	simm.s32 $0xE300;
	s24 =	sadd.s32 s1, s24  }
0x420: {  	[tilespmem:s25], [sflag:$0x2] =	stream.linear.gather [hbm4b:s24+s3], $0x400, $0x38;
	[tilespmem:$0x14380] =	vst v63  }
0x421: {  	s24 =	spop (v2sf);
	(v2sf) =	vpush v2, $0xB  }
0x422: {  	s7 =	sshrl.u32 s24, $0xD  }
0x423: {  	s24 =	sshll.u32 s24, $0x3;
	s25 =	smul.u32 $0xA000, s7  }
0x424: {  	s24 =	sand.u32 $0xFC00, s24  }
0x425: {  	s24 =	sadd.s32 s24, s25  }
0x426: {  	s24 =	sshrl.u32 s24, $0x3  }
0x427: {  	s7 =	simm.s32 $0xE700;
	s25 =	spop (v2sf);
	(v2sf) =	vpush v2, $0xC;
	s24 =	sadd.s32 s1, s24  }
0x428: {  	[tilespmem:s7], [sflag:$0x2] =	stream.linear.gather [hbm4b:s24+s3], $0x400, $0x38;
	[tilespmem:$0x14380] =	vst v63  }
0x429: {  	s7 =	sshrl.u32 s25, $0xD  }
0x42a: {  	s25 =	sshll.u32 s25, $0x3;
	s24 =	smul.u32 $0xA000, s7  }
0x42b: {  	s25 =	sand.u32 $0xFC00, s25  }
0x42c: {  	s24 =	sadd.s32 s25, s24  }
0x42d: {  	s24 =	sshrl.u32 s24, $0x3  }
0x42e: {  	s25 =	simm.s32 $0xEB00;
	s24 =	sadd.s32 s1, s24  }
0x42f: {  	[tilespmem:s25], [sflag:$0x2] =	stream.linear.gather [hbm4b:s24+s3], $0x400, $0x38;
	[tilespmem:$0x14380] =	vst v63  }
0x430: {  	s24 =	spop (v2sf);
	(v2sf) =	vpush v2, $0xD  }
0x431: {  	s7 =	sshrl.u32 s24, $0xD  }
0x432: {  	s24 =	sshll.u32 s24, $0x3;
	s25 =	smul.u32 $0xA000, s7  }
0x433: {  	s24 =	sand.u32 $0xFC00, s24  }
0x434: {  	s24 =	sadd.s32 s24, s25  }
0x435: {  	s24 =	sshrl.u32 s24, $0x3  }
0x436: {  	s7 =	simm.s32 $0xEF00;
	s25 =	spop (v2sf);
	(v2sf) =	vpush v2, $0xE;
	s24 =	sadd.s32 s1, s24  }
0x437: {  	[tilespmem:s7], [sflag:$0x2] =	stream.linear.gather [hbm4b:s24+s3], $0x400, $0x38;
	[tilespmem:$0x14380] =	vst v63  }
0x438: {  	s7 =	sshrl.u32 s25, $0xD  }
0x439: {  	s25 =	sshll.u32 s25, $0x3;
	s24 =	smul.u32 $0xA000, s7  }
0x43a: {  	s25 =	sand.u32 $0xFC00, s25  }
0x43b: {  	s24 =	sadd.s32 s25, s24  }
0x43c: {  	s24 =	sshrl.u32 s24, $0x3  }
0x43d: {  	s25 =	simm.s32 $0xF300;
	s24 =	sadd.s32 s1, s24  }
0x43e: {  	[tilespmem:s25], [sflag:$0x2] =	stream.linear.gather [hbm4b:s24+s3], $0x400, $0x38;
	[tilespmem:$0x14380] =	vst v63  }
0x43f: {  	s24 =	spop (v2sf);
	(v2sf) =	vpush v2, $0xF  }
0x440: {  	s7 =	sshrl.u32 s24, $0xD  }
0x441: {  	s24 =	sshll.u32 s24, $0x3;
	s25 =	smul.u32 $0xA000, s7  }
0x442: {  	s24 =	sand.u32 $0xFC00, s24  }
0x443: {  	s24 =	sadd.s32 s24, s25  }
0x444: {  	s24 =	sshrl.u32 s24, $0x3  }
0x445: {  	s7 =	simm.s32 $0xF700;
	s25 =	spop (v2sf);
	s24 =	sadd.s32 s1, s24  }
0x446: {  	[tilespmem:s7], [sflag:$0x2] =	stream.linear.gather [hbm4b:s24+s3], $0x400, $0x38;
	[tilespmem:$0x14380] =	vst v63  }
0x447: {  	s7 =	sshrl.u32 s25, $0xD  }
0x448: {  	s25 =	sshll.u32 s25, $0x3;
	s24 =	smul.u32 $0xA000, s7  }
0x449: {  	s25 =	sand.u32 $0xFC00, s25  }
0x44a: {  	s24 =	sadd.s32 s25, s24  }
0x44b: {  	s24 =	sshrl.u32 s24, $0x3  }
0x44c: {  	s25 =	simm.s32 $0xFB00;
	s24 =	sadd.s32 s1, s24  }
0x44d: {  	[tilespmem:s25], [sflag:$0x2] =	stream.linear.gather [hbm4b:s24+s3], $0x400, $0x38;
	[tilespmem:$0x14380] =	vst v63  }
0x44e: {  	s24 =	spop (v2sf)  }
0x44f: {  	s7 =	sshrl.u32 s24, $0xD  }
0x450: {  	s24 =	sshll.u32 s24, $0x3;
	s25 =	smul.u32 $0xA000, s7  }
0x451: {  	s24 =	sand.u32 $0xFC00, s24  }
0x452: {  	s24 =	sadd.s32 s24, s25  }
0x453: {  	s24 =	sshrl.u32 s24, $0x3  }
0x454: {  	s25 =	simm.s32 $0xFF00;
	s24 =	sadd.s32 s1, s24  }
0x455: {  	[tilespmem:s25], [sflag:$0x2] =	stream.linear.gather [hbm4b:s24+s3], $0x400, $0x38;
	[tilespmem:$0x14380] =	vst v63  }
0x456: {  	_ =	swait.ge [sflag:s0], $0x8000  }
0x457: {  	[sflag:s0] =	ssyncset.done $0x0  }
0x458: {  	[sflag:s0] =	ssyncadd.s32 $0xFFFF8000  }
0x459: {  	v2 =	vld [tilespmem:$0x240]  }
0x45a: {  	v3 =	vld [tilespmem:$0x2C0];
	_ =	sdelay $0x4  }
0x45b: {  	v59 =	vld [tilespmem:$0x250];
	v58 =	vand.u32 $0xFFFFFF80, v3;
	v2 =	vshll.u32 v2, $0x7  }
0x45c: {  	v60 =	vld [tilespmem:$0x2D0];
	v3 =	vand.u32 $0x7F, v3;
	v2 =	vadd.s32 v58, v2  }
0x45d: {  	v2 =	vor.u32 v3, v2  }
0x45e: {  	v2 =	vadd.s32 v0, v2;
	_ =	sdelay $0x2  }
0x45f: {  	v5 =	vshll.u32 v59, $0x7;
	v3 =	vand.u32 $0xFFFFFF80, v60  }
0x460: {  	v4 =	vand.u32 $0x7F, v60;
	v3 =	vadd.s32 v3, v5  }
0x461: {  	v3 =	vor.u32 v4, v3;
	v2 =	vld.idx.msk [tilespmem:v2+s14+$0x0], $0xffff  }
0x462: {  	v3 =	vadd.s32 v1, v3;
	_ =	sdelay $0x3  }
0x463: {  	[tilespmem:$0x10340] =	vst v2  }
0x464: {  	v2 =	vld.idx.msk [tilespmem:v3+s14+$0x0], $0xffff;
	_ =	sdelay $0x4  }
0x465: {  	[tilespmem:$0x10350] =	vst v2  }
0x466: {  	_ =	swait.ge [sflag:s6], $0x8000  }
0x467: {  	[sflag:s6] =	ssyncset.done $0x0  }
0x468: {  	[sflag:s6] =	ssyncadd.s32 $0xFFFF8000  }
0x469: {  	v2 =	vld [tilespmem:$0x260]  }
0x46a: {  	v3 =	vld [tilespmem:$0x2E0];
	_ =	sdelay $0x4  }
0x46b: {  	v62 =	vld [tilespmem:$0x270];
	v61 =	vand.u32 $0xFFFFFF80, v3;
	v2 =	vshll.u32 v2, $0x7  }
0x46c: {  	v63 =	vld [tilespmem:$0x2F0];
	v3 =	vand.u32 $0x7F, v3;
	v2 =	vadd.s32 v61, v2  }
0x46d: {  	v2 =	vor.u32 v3, v2  }
0x46e: {  	v2 =	vadd.s32 v0, v2;
	_ =	sdelay $0x2  }
0x46f: {  	v5 =	vshll.u32 v62, $0x7;
	v3 =	vand.u32 $0xFFFFFF80, v63  }
0x470: {  	v4 =	vand.u32 $0x7F, v63;
	v3 =	vadd.s32 v3, v5  }
0x471: {  	v3 =	vor.u32 v4, v3;
	v2 =	vld.idx.msk [tilespmem:v2+s2+$0x0], $0xffff  }
0x472: {  	v3 =	vadd.s32 v1, v3;
	_ =	sdelay $0x3  }
0x473: {  	[tilespmem:$0x10360] =	vst v2  }
0x474: {  	v2 =	vld.idx.msk [tilespmem:v3+s2+$0x0], $0xffff;
	_ =	sdelay $0x3  }
0x475: {  	s25 =	rddreg [dreg:$0x9]  }
0x476: {  	s0 =	rddreg [dreg:$0xb];
	[tilespmem:$0x10370] =	vst v2  }
0x477: {  	[hbm4b:s25+s3] =	stream.linear.scatter [tilespmem:s0], [sflag:$0x4], $0x80, $0x38;
	[tilespmem:$0x14380] =	vst v63  }
0x478: {  	_ =	swait.ge [sflag:s5], $0x80  }
0x479: {  	[sflag:s5] =	ssyncset.done $0x0  }
0x47a: {  	s6 =	simm.s32 $0x3;
	[sflag:s5] =	ssyncadd.s32 $0xFFFFFF80  }
0x47b: {  	_ =	swait.ge [sflag:s6], $0x4000  }
0x47c: {  	p0 =	sne.s32 s4, $0x1;
	s25 =	simm.s32 $0x10380;
	[sflag:s6] =	ssyncset.done $0x0  }
.Ltmp0:
0x47d: {  	s7 =	rddreg [dreg:$0xa];
	[sflag:s6] =	ssyncadd.s32 $0xFFFFC000;
	(pc) =	sbr.rel @p0 .LBB2_1-.Ltmp0, $4  }
0x47e: {  	[hbm4b:s7+s3] =	stream.linear.scatter [tilespmem:s25], [sflag:$0x4], $0x4000, $0x38;
	[tilespmem:$0x14380] =	vst v63  }
0x47f: {  	_ =	swait.ge [sflag:s5], $0x4000  }
0x480: {  	[sflag:s5] =	ssyncset.done $0x0  }
0x481: {  	s4 =	sadd.s32 $0xFFFFFFFF, s4;
	[sflag:s5] =	ssyncadd.s32 $0xFFFFC000  }
0x482: {  	_ =	sfence.sel $0x180000  }
0x483: {  	[bflag:$0x0] =	sbarrier.arrive $0xFFFF  }
0x484: {  	_ =	strace $0x90000047  }
0x485: {  	s0 =	stileid.u32;
	[bflag:$0x2] =	sbarrier.arrive $0xFFFF  }
0x486: {  	p0 =	sne.s32 s0, $0x0;
	s0 =	rddreg [dreg:$0x5]  }
0x487: {  	s0 =	sadd.s32 @!p0 $0x100000, s0  }
0x488: {  	[sflag:s0] =	ssyncadd.tile.s32 @!p0 $0x1;
	_ =	shalt  }
.Lfunc_end2:
_tile_overlayer_lowered:
.L_overlay_start_2:
0x489: {  	(tag) =	ssettag $0x2  }
0x48a: {  	s0 =	rddreg [dreg:$0x0];
	s2 =	stileid.u32  }
0x48b: {  	s1 =	rddreg [dreg:$0x1];
	p0 =	sne.s32 s2, $0x0  }
0x48c: {  	s3 =	rddreg [dreg:$0x2];
	[bflag:$0x3] =	sbarrier.arrive $0xFFFF;
	s2 =	simm.s32 @!p0 $0x1C04  }
0x48d: {  	[timem:s3], [sflag:s2] =	dma.local @!p0 [hbm:s0], s1  }
0x48e: {  	s0 =	simm.s32 @!p0 $0x4  }
0x48f: {  	_ =	swait.ge @!p0 [sflag:s0], s1  }
0x490: {  	s1 =	ssub.s32 @!p0 $0x0, s1;
	[sflag:s0] =	ssyncset.done @!p0 $0x0  }
0x491: {  	[sflag:s0] =	ssyncadd.s32 @!p0 s1  }
0x492: {  	[bflag:$0x3] =	sbarrier.arrive $0xFFFF  }
0x493: {  	_ =	shalt  }

</sc_bundles>
